<compile_context>
chip_gen: v7x
topology: tpu7x:2x2x1
jax: 0.10.2.dev20260603
libtpu: 0.0.44.dev20260713+nightly
codegen_flags: <defaults>
</compile_context>

<pallas_src>
import functools

import jax
import jax.numpy as jnp
from jax import lax
from jax.experimental import pallas as pl
from jax.experimental.pallas import tpu as pltpu
from jax.experimental.pallas import tpu_sc as plsc

NTOK = 32768
KSEL = 8192
R = 256
C = 128
DIM = 64
NB = 8


NCHK = 8
CHK = NTOK // NCHK


def _score_body(W_ref, s_ref, x_ref, p_ref, y_ref, xp_ref, pt_ref):
    xb = x_ref[0]
    w = W_ref[...]
    s = jax.lax.dot_general(xb, w, (((1,), (1,)), ((), ())))
    y = (s[:, :1] + s_ref[0]) / s_ref[1]
    y_ref[0] = y.reshape(CHK // C, C)
    xp_ref[0, :, :DIM] = xb
    pt_ref[0] = p_ref[0].T


def _scores(x, pos, W, bias_norm):
    return pl.pallas_call(
        _score_body,
        grid=(NB, NCHK),
        in_specs=[
            pl.BlockSpec((C, DIM), lambda b, k: (0, 0)),
            pl.BlockSpec(memory_space=pltpu.SMEM),
            pl.BlockSpec((1, CHK, DIM), lambda b, k: (b, k, 0)),
            pl.BlockSpec((1, CHK, 3), lambda b, k: (b, k, 0)),
        ],
        out_specs=[
            pl.BlockSpec((1, CHK // C, C), lambda b, k: (b, k, 0)),
            pl.BlockSpec((1, CHK, C), lambda b, k: (b, k, 0)),
            pl.BlockSpec((1, 3, CHK), lambda b, k: (b, 0, k)),
        ],
        out_shape=[jax.ShapeDtypeStruct((NB, R, C), jnp.float32),
                   jax.ShapeDtypeStruct((NB, NTOK, C), jnp.float32),
                   jax.ShapeDtypeStruct((NB, 3, NTOK), jnp.float32)],
    )(W, bias_norm, x, pos)


def _xor_partner(A, dist, axis):
    n = A.shape[axis]
    lo = (jax.lax.broadcasted_iota(jnp.int32, A.shape, axis) & dist) == 0
    plus = pltpu.roll(A, n - dist, axis)
    minus = pltpu.roll(A, dist, axis)
    return jnp.where(lo, plus, minus)


def _sort_body(y_ref, ys_ref, is_ref):
    K = y_ref[0]
    ri = jax.lax.broadcasted_iota(jnp.int32, (R, C), 0)
    ci = jax.lax.broadcasted_iota(jnp.int32, (R, C), 1)
    I = ri * C + ci
    ivec = ci * R + ri

    def stage(K, I, p, j):
        if j < 8:
            axis, dist = 0, 1 << j
        else:
            axis, dist = 1, 1 << (j - 8)
        Pk = _xor_partner(K, dist, axis)
        Pi = _xor_partner(I, dist, axis)
        first = (K > Pk) | ((K == Pk) & (I < Pi))
        left = (ivec & (1 << j)) == 0
        desc = (ivec & (1 << p)) == 0
        take_self = first == (left == desc)
        return jnp.where(take_self, K, Pk), jnp.where(take_self, I, Pi)

    for p in range(1, 16):
        for j in reversed(range(p)):
            K, I = stage(K, I, p, j)

    ys_ref[0] = K
    is_ref[0] = I


def _sortk(y2d):
    return pl.pallas_call(
        _sort_body,
        grid=(NB,),
        in_specs=[pl.BlockSpec((1, R, C), lambda b: (b, 0, 0))],
        out_specs=[pl.BlockSpec((1, R, C), lambda b: (b, 0, 0))] * 2,
        out_shape=[jax.ShapeDtypeStruct((NB, R, C), jnp.float32),
                   jax.ShapeDtypeStruct((NB, R, C), jnp.int32)],
    )(y2d)


def _make_gather():
    mesh = plsc.VectorSubcoreMesh(core_axis_name="c", subcore_axis_name="s")
    nchunk = (NB * KSEL) // (32 * C)
    npos = (NB * KSEL * 3) // (32 * C)

    @functools.partial(
        pl.kernel, mesh=mesh,
        out_type=(jax.ShapeDtypeStruct((NB * KSEL, C), jnp.float32),
                  jax.ShapeDtypeStruct(((NB * KSEL * 3) // C, C), jnp.float32)),
        scratch_types=[
            pltpu.VMEM((nchunk, C), jnp.int32),
            pltpu.VMEM((npos, C), jnp.int32),
            pltpu.VMEM((C, C), jnp.float32),
            pltpu.VMEM((C, C), jnp.float32),
            pltpu.VMEM((npos, C), jnp.float32),
            pltpu.SemaphoreType.DMA,
            pltpu.SemaphoreType.DMA,
        ],
    )
    def gather(gx_hbm, pidx_hbm, x2_hbm, pos1_hbm, xsel_hbm, psel_hbm,
               idx_v, pidx_v, xa, xb2, pall, semx, semp):
        wid = lax.axis_index("s") * 2 + lax.axis_index("c")
        pltpu.sync_copy(gx_hbm.at[pl.ds(wid * nchunk, nchunk)], idx_v)
        pltpu.sync_copy(pidx_hbm.at[pl.ds(wid * npos, npos)], pidx_v)

        def fire(t, xbuf):
            pltpu.async_copy(x2_hbm.at[idx_v.at[t]], xbuf, semx)
            for j in range(3):
                pltpu.async_copy(
                    pos1_hbm.at[pidx_v.at[3 * t + j]], pall.at[3 * t + j], semp)

        def drain_store(t, xbuf):
            pltpu.make_async_copy(x2_hbm.at[idx_v.at[t]], xbuf, semx).wait()
            for j in range(3):
                pltpu.make_async_copy(
                    pos1_hbm.at[pidx_v.at[3 * t + j]], pall.at[3 * t + j],
                    semp).wait()
            pltpu.sync_copy(xbuf, xsel_hbm.at[pl.ds((wid * nchunk + t) * C, C)])

        fire(0, xa)

        def pair(i, _):
            t0 = 2 * i
            fire(t0 + 1, xb2)
            drain_store(t0, xa)

            @pl.when(t0 + 2 < nchunk)
            def _():
                fire(t0 + 2, xa)

            drain_store(t0 + 1, xb2)
            return 0

        lax.fori_loop(0, nchunk // 2, pair, 0)
        pltpu.sync_copy(pall, psel_hbm.at[pl.ds(wid * npos, npos)])

    return gather


def _scale_body(y_ref, xs_ref, o_ref):
    y = y_ref[0]
    sig = 1.0 / (1.0 + jnp.exp(-y))
    o_ref[0] = xs_ref[0][:, :DIM] * sig


def _scale(x_sel, y_sel):
    return pl.pallas_call(
        _scale_body,
        grid=(NB,),
        in_specs=[pl.BlockSpec((1, KSEL, 1), lambda b: (b, 0, 0)),
                  pl.BlockSpec((1, KSEL, C), lambda b: (b, 0, 0))],
        out_specs=pl.BlockSpec((1, KSEL, DIM), lambda b: (b, 0, 0)),
        out_shape=jax.ShapeDtypeStruct((NB, KSEL, DIM), jnp.float32),
    )(y_sel, x_sel)


def kernel(pos, x, W, b):
    bias_norm = jnp.stack([b[0], jnp.linalg.norm(W)])
    Wp = jnp.zeros((C, DIM), jnp.float32).at[0].set(W[0])
    y2d, xp, pos_t = _scores(x, pos, Wp, bias_norm)
    ys, isrt = _sortk(y2d)
    ncol = KSEL // R
    top_idx = jnp.transpose(isrt[:, :, :ncol], (0, 2, 1)).reshape(NB, KSEL)
    y_sel = jnp.transpose(ys[:, :, :ncol], (0, 2, 1)).reshape(NB, KSEL)

    gidx = (top_idx + (jnp.arange(NB, dtype=jnp.int32) * NTOK)[:, None])
    gx = gidx.reshape((NB * KSEL) // C, C)
    pidx = (jnp.arange(3, dtype=jnp.int32)[:, None, None] * NTOK
            + top_idx[None] + (jnp.arange(NB, dtype=jnp.int32) * 3 * NTOK)[None, :, None])
    pidx = pidx.reshape((NB * KSEL * 3) // C, C)
    x2 = xp.reshape(NB * NTOK, C)
    pos1 = pos_t.reshape(NB * NTOK * 3)
    x_sel, psel1 = _make_gather()(gx, pidx, x2, pos1)

    pos_sel = jnp.transpose(psel1.reshape(3, NB, KSEL), (1, 2, 0))
    x_out = _scale(x_sel.reshape(NB, KSEL, C), y_sel[:, :, None])
    return (top_idx, pos_sel, x_out)

# --- scband reference (transcript-rebuilt; emitter-appended) ---
"""Pipeline reference for scband-gpool-1580547966979 (READ-ONLY COPY).

The authoritative reference and input builder live on the scoring server;
editing this copy changes nothing except your own understanding.
"""

import jax, jax.numpy as jnp
import numpy as np

K = 8192

def setup_inputs(seed: int = 0) -> dict:
    key = jax.random.key(seed)
    k1, k2, k3, k4 = jax.random.split(key, 4)
    pos = jax.random.normal(k1, (8, 32768, 3), dtype=jnp.float32)
    x = jax.random.normal(k2, (8, 32768, 64), dtype=jnp.float32)
    # Linear p: weight [1, dim], bias [1] (torch default init scale)
    bound = 1.0 / np.sqrt(64)
    W = jax.random.uniform(k3, (1, 64), minval=-bound, maxval=bound, dtype=jnp.float32)
    b = jax.random.uniform(k4, (1,), minval=-bound, maxval=bound, dtype=jnp.float32)
    return {"pos": pos, "x": x, "W": W, "b": b}

def reference(pos, x, W, b):
    batchsize = x.shape[0]
    k = K
    # y = (p(x) / ||W||_F).squeeze(-1)
    y = (jnp.einsum('bnd,od->bno', x, W) + b) / jnp.linalg.norm(W)
    y = y.squeeze(-1)
    # descending argsort, take top k
    top_idx = jnp.argsort(-y, axis=1)[:, :k]
    y_sel = jnp.take_along_axis(y, top_idx, axis=1)
    y_sel = jax.nn.sigmoid(y_sel)
    pos_sel = jnp.take_along_axis(pos, top_idx[:, :, None], axis=1)
    x_sel = jnp.take_along_axis(x, top_idx[:, :, None], axis=1)
    x_out = x_sel * y_sel[:, :, None]
    return (top_idx, pos_sel, x_out)

if __name__ == "__main__":
    import jax
    _d = setup_inputs()
    print(jax.jit(kernel)(*tuple(_d.values())))

</pallas_src>

<mosaic_0001>
#map = affine_map<(d0, d1) -> (0, 0)>
#map1 = affine_map<(d0, d1) -> (0)>
module attributes {stable_mosaic.version = 14 : i64} {
  func.func @gather(%arg0: i32, %arg1: i32, %arg2: memref<512x128xi32, #tpu.memory_space<hbm>>, %arg3: memref<1536x128xi32, #tpu.memory_space<hbm>>, %arg4: memref<262144x128xf32, #tpu.memory_space<hbm>>, %arg5: memref<786432xf32, #tpu.memory_space<hbm>>, %arg6: memref<65536x128xf32, #tpu.memory_space<hbm>>, %arg7: memref<1536x128xf32, #tpu.memory_space<hbm>>, %arg8: memref<16x128xi32, #tpu.memory_space<vmem>>, %arg9: memref<48x128xi32, #tpu.memory_space<vmem>>, %arg10: memref<128x128xf32, #tpu.memory_space<vmem>>, %arg11: memref<128x128xf32, #tpu.memory_space<vmem>>, %arg12: memref<48x128xf32, #tpu.memory_space<vmem>>, %arg13: memref<!tpu.dma_semaphore, #tpu.memory_space<semaphore_mem>>, %arg14: memref<!tpu.dma_semaphore, #tpu.memory_space<semaphore_mem>>) attributes {dimension_semantics = [#tpu.dimension_semantics<core_parallel>, #tpu.dimension_semantics<subcore_parallel>], iteration_bounds = array<i64: 2, 16>, scalar_prefetch = 0 : i64, scratch_operands = 7 : i64, tpu.core_type = #tpu.core_type<sc_vector_subcore>, window_params = [{transform_indices = #map}, {transform_indices = #map}, {transform_indices = #map}, {transform_indices = #map1}, {transform_indices = #map}, {transform_indices = #map}]} {
    %mul3A = arith.constant 2 : i32
    %mul3A_0 = arith.muli %arg1, %mul3A : i32
    %add3A = arith.addi %mul3A_0, %arg0 : i32
    %mul3A_1 = arith.constant 16 : i32
    %mul3A_2 = arith.muli %add3A, %mul3A_1 : i32
    "tpu.region"() ({
      %run_scoped3A = tpu.sem_alloc : memref<!tpu.dma_semaphore, #tpu.memory_space<semaphore_mem>>
      %dma_start3A_49 = arith.constant 0 : i32
      %dma_start3A_50 = tpu.memref_slice %arg2[%mul3A_2, %dma_start3A_49] : memref<512x128xi32, #tpu.memory_space<hbm>> -> memref<16x128xi32, #tpu.memory_space<hbm>>
      %dma_start3A_51 = arith.constant 0 : i32
      %dma_start3A_52 = tpu.memref_slice %arg2[%mul3A_2, %dma_start3A_51] : memref<512x128xi32, #tpu.memory_space<hbm>> -> memref<16x128xi32, #tpu.memory_space<hbm>>
      tpu.enqueue_dma source(%dma_start3A_52 : memref<16x128xi32, #tpu.memory_space<hbm>>) target(%arg8 : memref<16x128xi32, #tpu.memory_space<vmem>>) target_semaphore(%run_scoped3A : memref<!tpu.dma_semaphore, #tpu.memory_space<semaphore_mem>>)
      %dma_wait3A = arith.constant 0 : i32
      %dma_wait3A_53 = tpu.memref_slice %arg2[%mul3A_2, %dma_wait3A] : memref<512x128xi32, #tpu.memory_space<hbm>> -> memref<16x128xi32, #tpu.memory_space<hbm>>
      %dma_wait3A_54 = arith.constant 0 : i32
      %dma_wait3A_55 = tpu.memref_slice %arg2[%mul3A_2, %dma_wait3A_54] : memref<512x128xi32, #tpu.memory_space<hbm>> -> memref<16x128xi32, #tpu.memory_space<hbm>>
      tpu.wait_dma2 semaphore(%run_scoped3A : memref<!tpu.dma_semaphore, #tpu.memory_space<semaphore_mem>>) src(%dma_wait3A_55 : memref<16x128xi32, #tpu.memory_space<hbm>>) dst(%arg8 : memref<16x128xi32, #tpu.memory_space<vmem>>)
      tpu.yield
    }) : () -> ()
    %mul3A_3 = arith.constant 48 : i32
    %mul3A_4 = arith.muli %add3A, %mul3A_3 : i32
    "tpu.region"() ({
      %run_scoped3A = tpu.sem_alloc : memref<!tpu.dma_semaphore, #tpu.memory_space<semaphore_mem>>
      %dma_start3A_49 = arith.constant 0 : i32
      %dma_start3A_50 = tpu.memref_slice %arg3[%mul3A_4, %dma_start3A_49] : memref<1536x128xi32, #tpu.memory_space<hbm>> -> memref<48x128xi32, #tpu.memory_space<hbm>>
      %dma_start3A_51 = arith.constant 0 : i32
      %dma_start3A_52 = tpu.memref_slice %arg3[%mul3A_4, %dma_start3A_51] : memref<1536x128xi32, #tpu.memory_space<hbm>> -> memref<48x128xi32, #tpu.memory_space<hbm>>
      tpu.enqueue_dma source(%dma_start3A_52 : memref<48x128xi32, #tpu.memory_space<hbm>>) target(%arg9 : memref<48x128xi32, #tpu.memory_space<vmem>>) target_semaphore(%run_scoped3A : memref<!tpu.dma_semaphore, #tpu.memory_space<semaphore_mem>>)
      %dma_wait3A = arith.constant 0 : i32
      %dma_wait3A_53 = tpu.memref_slice %arg3[%mul3A_4, %dma_wait3A] : memref<1536x128xi32, #tpu.memory_space<hbm>> -> memref<48x128xi32, #tpu.memory_space<hbm>>
      %dma_wait3A_54 = arith.constant 0 : i32
      %dma_wait3A_55 = tpu.memref_slice %arg3[%mul3A_4, %dma_wait3A_54] : memref<1536x128xi32, #tpu.memory_space<hbm>> -> memref<48x128xi32, #tpu.memory_space<hbm>>
      tpu.wait_dma2 semaphore(%run_scoped3A : memref<!tpu.dma_semaphore, #tpu.memory_space<semaphore_mem>>) src(%dma_wait3A_55 : memref<48x128xi32, #tpu.memory_space<hbm>>) dst(%arg9 : memref<48x128xi32, #tpu.memory_space<vmem>>)
      tpu.yield
    }) : () -> ()
    %dma_start3A = arith.constant 0 : i32
    %dma_start3A_5 = arith.constant 0 : i32
    %dma_start3A_6 = tpu.memref_slice %arg8[%dma_start3A, %dma_start3A_5] : memref<16x128xi32, #tpu.memory_space<vmem>> -> memref<1x128xi32, #tpu.memory_space<vmem>>
    %dma_start3A_7 = tpu.memref_squeeze %dma_start3A_6 : memref<1x128xi32, #tpu.memory_space<vmem>> -> memref<128xi32, #tpu.memory_space<vmem>>
    %dma_start3A_8 = arith.constant 0 : i32
    %dma_start3A_9 = arith.constant 0 : i32
    %dma_start3A_10 = tpu.memref_slice %arg4[%dma_start3A_8, %dma_start3A_9] : memref<262144x128xf32, #tpu.memory_space<hbm>> -> memref<262144x128xf32, #tpu.memory_space<hbm>>
    tpu.enqueue_indirect_dma source(%dma_start3A_10 : memref<262144x128xf32, #tpu.memory_space<hbm>>) target(%arg10 : memref<128x128xf32, #tpu.memory_space<vmem>>) offsets(%dma_start3A_7 : memref<128xi32, #tpu.memory_space<vmem>>) semaphore(%arg13 : memref<!tpu.dma_semaphore, #tpu.memory_space<semaphore_mem>>)
    %dma_start3A_11 = arith.constant 0 : i32
    %dma_start3A_12 = arith.constant 0 : i32
    %dma_start3A_13 = arith.constant 0 : i32
    %dma_start3A_14 = tpu.memref_slice %arg12[%dma_start3A_12, %dma_start3A_13] : memref<48x128xf32, #tpu.memory_space<vmem>> -> memref<1x128xf32, #tpu.memory_space<vmem>>
    %dma_start3A_15 = tpu.memref_squeeze %dma_start3A_14 : memref<1x128xf32, #tpu.memory_space<vmem>> -> memref<128xf32, #tpu.memory_space<vmem>>
    %dma_start3A_16 = arith.constant 0 : i32
    %dma_start3A_17 = tpu.memref_slice %arg9[%dma_start3A_11, %dma_start3A_16] : memref<48x128xi32, #tpu.memory_space<vmem>> -> memref<1x128xi32, #tpu.memory_space<vmem>>
    %dma_start3A_18 = tpu.memref_squeeze %dma_start3A_17 : memref<1x128xi32, #tpu.memory_space<vmem>> -> memref<128xi32, #tpu.memory_space<vmem>>
    %dma_start3A_19 = arith.constant 0 : i32
    %dma_start3A_20 = tpu.memref_slice %arg5[%dma_start3A_19] : memref<786432xf32, #tpu.memory_space<hbm>> -> memref<786432xf32, #tpu.memory_space<hbm>>
    tpu.enqueue_indirect_dma source(%dma_start3A_20 : memref<786432xf32, #tpu.memory_space<hbm>>) target(%dma_start3A_15 : memref<128xf32, #tpu.memory_space<vmem>>) offsets(%dma_start3A_18 : memref<128xi32, #tpu.memory_space<vmem>>) semaphore(%arg14 : memref<!tpu.dma_semaphore, #tpu.memory_space<semaphore_mem>>)
    %dma_start3A_21 = arith.constant 1 : i32
    %dma_start3A_22 = arith.constant 1 : i32
    %dma_start3A_23 = arith.constant 0 : i32
    %dma_start3A_24 = tpu.memref_slice %arg12[%dma_start3A_22, %dma_start3A_23] : memref<48x128xf32, #tpu.memory_space<vmem>> -> memref<1x128xf32, #tpu.memory_space<vmem>>
    %dma_start3A_25 = tpu.memref_squeeze %dma_start3A_24 : memref<1x128xf32, #tpu.memory_space<vmem>> -> memref<128xf32, #tpu.memory_space<vmem>>
    %dma_start3A_26 = arith.constant 0 : i32
    %dma_start3A_27 = tpu.memref_slice %arg9[%dma_start3A_21, %dma_start3A_26] : memref<48x128xi32, #tpu.memory_space<vmem>> -> memref<1x128xi32, #tpu.memory_space<vmem>>
    %dma_start3A_28 = tpu.memref_squeeze %dma_start3A_27 : memref<1x128xi32, #tpu.memory_space<vmem>> -> memref<128xi32, #tpu.memory_space<vmem>>
    %dma_start3A_29 = arith.constant 0 : i32
    %dma_start3A_30 = tpu.memref_slice %arg5[%dma_start3A_29] : memref<786432xf32, #tpu.memory_space<hbm>> -> memref<786432xf32, #tpu.memory_space<hbm>>
    tpu.enqueue_indirect_dma source(%dma_start3A_30 : memref<786432xf32, #tpu.memory_space<hbm>>) target(%dma_start3A_25 : memref<128xf32, #tpu.memory_space<vmem>>) offsets(%dma_start3A_28 : memref<128xi32, #tpu.memory_space<vmem>>) semaphore(%arg14 : memref<!tpu.dma_semaphore, #tpu.memory_space<semaphore_mem>>)
    %dma_start3A_31 = arith.constant 2 : i32
    %dma_start3A_32 = arith.constant 2 : i32
    %dma_start3A_33 = arith.constant 0 : i32
    %dma_start3A_34 = tpu.memref_slice %arg12[%dma_start3A_32, %dma_start3A_33] : memref<48x128xf32, #tpu.memory_space<vmem>> -> memref<1x128xf32, #tpu.memory_space<vmem>>
    %dma_start3A_35 = tpu.memref_squeeze %dma_start3A_34 : memref<1x128xf32, #tpu.memory_space<vmem>> -> memref<128xf32, #tpu.memory_space<vmem>>
    %dma_start3A_36 = arith.constant 0 : i32
    %dma_start3A_37 = tpu.memref_slice %arg9[%dma_start3A_31, %dma_start3A_36] : memref<48x128xi32, #tpu.memory_space<vmem>> -> memref<1x128xi32, #tpu.memory_space<vmem>>
    %dma_start3A_38 = tpu.memref_squeeze %dma_start3A_37 : memref<1x128xi32, #tpu.memory_space<vmem>> -> memref<128xi32, #tpu.memory_space<vmem>>
    %dma_start3A_39 = arith.constant 0 : i32
    %dma_start3A_40 = tpu.memref_slice %arg5[%dma_start3A_39] : memref<786432xf32, #tpu.memory_space<hbm>> -> memref<786432xf32, #tpu.memory_space<hbm>>
    tpu.enqueue_indirect_dma source(%dma_start3A_40 : memref<786432xf32, #tpu.memory_space<hbm>>) target(%dma_start3A_35 : memref<128xf32, #tpu.memory_space<vmem>>) offsets(%dma_start3A_38 : memref<128xi32, #tpu.memory_space<vmem>>) semaphore(%arg14 : memref<!tpu.dma_semaphore, #tpu.memory_space<semaphore_mem>>)
    %scan3A = arith.constant 0 : i32
    %scan3A_41 = arith.constant 0 : i32
    %scan3A_42 = arith.constant 8 : i32
    %scan3A_43 = arith.addi %scan3A_41, %scan3A_42 : i32
    %scan3A_44 = arith.constant 1 : i32
    %scan3A_45 = scf.for %scan3A_49 = %scan3A_41 to %scan3A_43 step %scan3A_44 iter_args(%scan3A_50 = %scan3A) -> (i32)  : i32 {
      %mul3A_51 = arith.constant 2 : i32
      %mul3A_52 = arith.muli %mul3A_51, %scan3A_49 : i32
      %add3A_53 = arith.constant 1 : i32
      %add3A_54 = arith.addi %mul3A_52, %add3A_53 : i32
      %dma_start3A_55 = arith.constant 0 : i32
      %dma_start3A_56 = tpu.memref_slice %arg8[%add3A_54, %dma_start3A_55] : memref<16x128xi32, #tpu.memory_space<vmem>> -> memref<1x128xi32, #tpu.memory_space<vmem>>
      %dma_start3A_57 = tpu.memref_squeeze %dma_start3A_56 : memref<1x128xi32, #tpu.memory_space<vmem>> -> memref<128xi32, #tpu.memory_space<vmem>>
      %dma_start3A_58 = arith.constant 0 : i32
      %dma_start3A_59 = arith.constant 0 : i32
      %dma_start3A_60 = tpu.memref_slice %arg4[%dma_start3A_58, %dma_start3A_59] : memref<262144x128xf32, #tpu.memory_space<hbm>> -> memref<262144x128xf32, #tpu.memory_space<hbm>>
      tpu.enqueue_indirect_dma source(%dma_start3A_60 : memref<262144x128xf32, #tpu.memory_space<hbm>>) target(%arg11 : memref<128x128xf32, #tpu.memory_space<vmem>>) offsets(%dma_start3A_57 : memref<128xi32, #tpu.memory_space<vmem>>) semaphore(%arg13 : memref<!tpu.dma_semaphore, #tpu.memory_space<semaphore_mem>>)
      %mul3A_61 = arith.constant 3 : i32
      %mul3A_62 = arith.muli %mul3A_61, %add3A_54 : i32
      %add3A_63 = arith.constant 0 : i32
      %add3A_64 = arith.addi %mul3A_62, %add3A_63 : i32
      %mul3A_65 = arith.constant 3 : i32
      %mul3A_66 = arith.muli %mul3A_65, %add3A_54 : i32
      %add3A_67 = arith.constant 0 : i32
      %add3A_68 = arith.addi %mul3A_66, %add3A_67 : i32
      %dma_start3A_69 = arith.constant 0 : i32
      %dma_start3A_70 = tpu.memref_slice %arg12[%add3A_68, %dma_start3A_69] : memref<48x128xf32, #tpu.memory_space<vmem>> -> memref<1x128xf32, #tpu.memory_space<vmem>>
      %dma_start3A_71 = tpu.memref_squeeze %dma_start3A_70 : memref<1x128xf32, #tpu.memory_space<vmem>> -> memref<128xf32, #tpu.memory_space<vmem>>
      %dma_start3A_72 = arith.constant 0 : i32
      %dma_start3A_73 = tpu.memref_slice %arg9[%add3A_64, %dma_start3A_72] : memref<48x128xi32, #tpu.memory_space<vmem>> -> memref<1x128xi32, #tpu.memory_space<vmem>>
      %dma_start3A_74 = tpu.memref_squeeze %dma_start3A_73 : memref<1x128xi32, #tpu.memory_space<vmem>> -> memref<128xi32, #tpu.memory_space<vmem>>
      %dma_start3A_75 = arith.constant 0 : i32
      %dma_start3A_76 = tpu.memref_slice %arg5[%dma_start3A_75] : memref<786432xf32, #tpu.memory_space<hbm>> -> memref<786432xf32, #tpu.memory_space<hbm>>
      tpu.enqueue_indirect_dma source(%dma_start3A_76 : memref<786432xf32, #tpu.memory_space<hbm>>) target(%dma_start3A_71 : memref<128xf32, #tpu.memory_space<vmem>>) offsets(%dma_start3A_74 : memref<128xi32, #tpu.memory_space<vmem>>) semaphore(%arg14 : memref<!tpu.dma_semaphore, #tpu.memory_space<semaphore_mem>>)
      %mul3A_77 = arith.constant 3 : i32
      %mul3A_78 = arith.muli %mul3A_77, %add3A_54 : i32
      %add3A_79 = arith.constant 1 : i32
      %add3A_80 = arith.addi %mul3A_78, %add3A_79 : i32
      %mul3A_81 = arith.constant 3 : i32
      %mul3A_82 = arith.muli %mul3A_81, %add3A_54 : i32
      %add3A_83 = arith.constant 1 : i32
      %add3A_84 = arith.addi %mul3A_82, %add3A_83 : i32
      %dma_start3A_85 = arith.constant 0 : i32
      %dma_start3A_86 = tpu.memref_slice %arg12[%add3A_84, %dma_start3A_85] : memref<48x128xf32, #tpu.memory_space<vmem>> -> memref<1x128xf32, #tpu.memory_space<vmem>>
      %dma_start3A_87 = tpu.memref_squeeze %dma_start3A_86 : memref<1x128xf32, #tpu.memory_space<vmem>> -> memref<128xf32, #tpu.memory_space<vmem>>
      %dma_start3A_88 = arith.constant 0 : i32
      %dma_start3A_89 = tpu.memref_slice %arg9[%add3A_80, %dma_start3A_88] : memref<48x128xi32, #tpu.memory_space<vmem>> -> memref<1x128xi32, #tpu.memory_space<vmem>>
      %dma_start3A_90 = tpu.memref_squeeze %dma_start3A_89 : memref<1x128xi32, #tpu.memory_space<vmem>> -> memref<128xi32, #tpu.memory_space<vmem>>
      %dma_start3A_91 = arith.constant 0 : i32
      %dma_start3A_92 = tpu.memref_slice %arg5[%dma_start3A_91] : memref<786432xf32, #tpu.memory_space<hbm>> -> memref<786432xf32, #tpu.memory_space<hbm>>
      tpu.enqueue_indirect_dma source(%dma_start3A_92 : memref<786432xf32, #tpu.memory_space<hbm>>) target(%dma_start3A_87 : memref<128xf32, #tpu.memory_space<vmem>>) offsets(%dma_start3A_90 : memref<128xi32, #tpu.memory_space<vmem>>) semaphore(%arg14 : memref<!tpu.dma_semaphore, #tpu.memory_space<semaphore_mem>>)
      %mul3A_93 = arith.constant 3 : i32
      %mul3A_94 = arith.muli %mul3A_93, %add3A_54 : i32
      %add3A_95 = arith.constant 2 : i32
      %add3A_96 = arith.addi %mul3A_94, %add3A_95 : i32
      %mul3A_97 = arith.constant 3 : i32
      %mul3A_98 = arith.muli %mul3A_97, %add3A_54 : i32
      %add3A_99 = arith.constant 2 : i32
      %add3A_100 = arith.addi %mul3A_98, %add3A_99 : i32
      %dma_start3A_101 = arith.constant 0 : i32
      %dma_start3A_102 = tpu.memref_slice %arg12[%add3A_100, %dma_start3A_101] : memref<48x128xf32, #tpu.memory_space<vmem>> -> memref<1x128xf32, #tpu.memory_space<vmem>>
      %dma_start3A_103 = tpu.memref_squeeze %dma_start3A_102 : memref<1x128xf32, #tpu.memory_space<vmem>> -> memref<128xf32, #tpu.memory_space<vmem>>
      %dma_start3A_104 = arith.constant 0 : i32
      %dma_start3A_105 = tpu.memref_slice %arg9[%add3A_96, %dma_start3A_104] : memref<48x128xi32, #tpu.memory_space<vmem>> -> memref<1x128xi32, #tpu.memory_space<vmem>>
      %dma_start3A_106 = tpu.memref_squeeze %dma_start3A_105 : memref<1x128xi32, #tpu.memory_space<vmem>> -> memref<128xi32, #tpu.memory_space<vmem>>
      %dma_start3A_107 = arith.constant 0 : i32
      %dma_start3A_108 = tpu.memref_slice %arg5[%dma_start3A_107] : memref<786432xf32, #tpu.memory_space<hbm>> -> memref<786432xf32, #tpu.memory_space<hbm>>
      tpu.enqueue_indirect_dma source(%dma_start3A_108 : memref<786432xf32, #tpu.memory_space<hbm>>) target(%dma_start3A_103 : memref<128xf32, #tpu.memory_space<vmem>>) offsets(%dma_start3A_106 : memref<128xi32, #tpu.memory_space<vmem>>) semaphore(%arg14 : memref<!tpu.dma_semaphore, #tpu.memory_space<semaphore_mem>>)
      %dma_wait3A = arith.constant 0 : i32
      %dma_wait3A_109 = tpu.memref_slice %arg8[%mul3A_52, %dma_wait3A] : memref<16x128xi32, #tpu.memory_space<vmem>> -> memref<1x128xi32, #tpu.memory_space<vmem>>
      %dma_wait3A_110 = tpu.memref_squeeze %dma_wait3A_109 : memref<1x128xi32, #tpu.memory_space<vmem>> -> memref<128xi32, #tpu.memory_space<vmem>>
      %dma_wait3A_111 = arith.constant 0 : i32
      %dma_wait3A_112 = arith.constant 0 : i32
      %dma_wait3A_113 = tpu.memref_slice %arg4[%dma_wait3A_111, %dma_wait3A_112] : memref<262144x128xf32, #tpu.memory_space<hbm>> -> memref<262144x128xf32, #tpu.memory_space<hbm>>
      tpu.wait_indirect_dma semaphore(%arg13 : memref<!tpu.dma_semaphore, #tpu.memory_space<semaphore_mem>>) src(%dma_wait3A_113 : memref<262144x128xf32, #tpu.memory_space<hbm>>) dst(%arg10 : memref<128x128xf32, #tpu.memory_space<vmem>>)
      %mul3A_114 = arith.constant 3 : i32
      %mul3A_115 = arith.muli %mul3A_114, %mul3A_52 : i32
      %add3A_116 = arith.constant 0 : i32
      %add3A_117 = arith.addi %mul3A_115, %add3A_116 : i32
      %mul3A_118 = arith.constant 3 : i32
      %mul3A_119 = arith.muli %mul3A_118, %mul3A_52 : i32
      %add3A_120 = arith.constant 0 : i32
      %add3A_121 = arith.addi %mul3A_119, %add3A_120 : i32
      %dma_wait3A_122 = arith.constant 0 : i32
      %dma_wait3A_123 = tpu.memref_slice %arg12[%add3A_121, %dma_wait3A_122] : memref<48x128xf32, #tpu.memory_space<vmem>> -> memref<1x128xf32, #tpu.memory_space<vmem>>
      %dma_wait3A_124 = tpu.memref_squeeze %dma_wait3A_123 : memref<1x128xf32, #tpu.memory_space<vmem>> -> memref<128xf32, #tpu.memory_space<vmem>>
      %dma_wait3A_125 = arith.constant 0 : i32
      %dma_wait3A_126 = tpu.memref_slice %arg9[%add3A_117, %dma_wait3A_125] : memref<48x128xi32, #tpu.memory_space<vmem>> -> memref<1x128xi32, #tpu.memory_space<vmem>>
      %dma_wait3A_127 = tpu.memref_squeeze %dma_wait3A_126 : memref<1x128xi32, #tpu.memory_space<vmem>> -> memref<128xi32, #tpu.memory_space<vmem>>
      %dma_wait3A_128 = arith.constant 0 : i32
      %dma_wait3A_129 = tpu.memref_slice %arg5[%dma_wait3A_128] : memref<786432xf32, #tpu.memory_space<hbm>> -> memref<786432xf32, #tpu.memory_space<hbm>>
      tpu.wait_indirect_dma semaphore(%arg14 : memref<!tpu.dma_semaphore, #tpu.memory_space<semaphore_mem>>) src(%dma_wait3A_129 : memref<786432xf32, #tpu.memory_space<hbm>>) dst(%dma_wait3A_124 : memref<128xf32, #tpu.memory_space<vmem>>)
      %mul3A_130 = arith.constant 3 : i32
      %mul3A_131 = arith.muli %mul3A_130, %mul3A_52 : i32
      %add3A_132 = arith.constant 1 : i32
      %add3A_133 = arith.addi %mul3A_131, %add3A_132 : i32
      %mul3A_134 = arith.constant 3 : i32
      %mul3A_135 = arith.muli %mul3A_134, %mul3A_52 : i32
      %add3A_136 = arith.constant 1 : i32
      %add3A_137 = arith.addi %mul3A_135, %add3A_136 : i32
      %dma_wait3A_138 = arith.constant 0 : i32
      %dma_wait3A_139 = tpu.memref_slice %arg12[%add3A_137, %dma_wait3A_138] : memref<48x128xf32, #tpu.memory_space<vmem>> -> memref<1x128xf32, #tpu.memory_space<vmem>>
      %dma_wait3A_140 = tpu.memref_squeeze %dma_wait3A_139 : memref<1x128xf32, #tpu.memory_space<vmem>> -> memref<128xf32, #tpu.memory_space<vmem>>
      %dma_wait3A_141 = arith.constant 0 : i32
      %dma_wait3A_142 = tpu.memref_slice %arg9[%add3A_133, %dma_wait3A_141] : memref<48x128xi32, #tpu.memory_space<vmem>> -> memref<1x128xi32, #tpu.memory_space<vmem>>
      %dma_wait3A_143 = tpu.memref_squeeze %dma_wait3A_142 : memref<1x128xi32, #tpu.memory_space<vmem>> -> memref<128xi32, #tpu.memory_space<vmem>>
      %dma_wait3A_144 = arith.constant 0 : i32
      %dma_wait3A_145 = tpu.memref_slice %arg5[%dma_wait3A_144] : memref<786432xf32, #tpu.memory_space<hbm>> -> memref<786432xf32, #tpu.memory_space<hbm>>
      tpu.wait_indirect_dma semaphore(%arg14 : memref<!tpu.dma_semaphore, #tpu.memory_space<semaphore_mem>>) src(%dma_wait3A_145 : memref<786432xf32, #tpu.memory_space<hbm>>) dst(%dma_wait3A_140 : memref<128xf32, #tpu.memory_space<vmem>>)
      %mul3A_146 = arith.constant 3 : i32
      %mul3A_147 = arith.muli %mul3A_146, %mul3A_52 : i32
      %add3A_148 = arith.constant 2 : i32
      %add3A_149 = arith.addi %mul3A_147, %add3A_148 : i32
      %mul3A_150 = arith.constant 3 : i32
      %mul3A_151 = arith.muli %mul3A_150, %mul3A_52 : i32
      %add3A_152 = arith.constant 2 : i32
      %add3A_153 = arith.addi %mul3A_151, %add3A_152 : i32
      %dma_wait3A_154 = arith.constant 0 : i32
      %dma_wait3A_155 = tpu.memref_slice %arg12[%add3A_153, %dma_wait3A_154] : memref<48x128xf32, #tpu.memory_space<vmem>> -> memref<1x128xf32, #tpu.memory_space<vmem>>
      %dma_wait3A_156 = tpu.memref_squeeze %dma_wait3A_155 : memref<1x128xf32, #tpu.memory_space<vmem>> -> memref<128xf32, #tpu.memory_space<vmem>>
      %dma_wait3A_157 = arith.constant 0 : i32
      %dma_wait3A_158 = tpu.memref_slice %arg9[%add3A_149, %dma_wait3A_157] : memref<48x128xi32, #tpu.memory_space<vmem>> -> memref<1x128xi32, #tpu.memory_space<vmem>>
      %dma_wait3A_159 = tpu.memref_squeeze %dma_wait3A_158 : memref<1x128xi32, #tpu.memory_space<vmem>> -> memref<128xi32, #tpu.memory_space<vmem>>
      %dma_wait3A_160 = arith.constant 0 : i32
      %dma_wait3A_161 = tpu.memref_slice %arg5[%dma_wait3A_160] : memref<786432xf32, #tpu.memory_space<hbm>> -> memref<786432xf32, #tpu.memory_space<hbm>>
      tpu.wait_indirect_dma semaphore(%arg14 : memref<!tpu.dma_semaphore, #tpu.memory_space<semaphore_mem>>) src(%dma_wait3A_161 : memref<786432xf32, #tpu.memory_space<hbm>>) dst(%dma_wait3A_156 : memref<128xf32, #tpu.memory_space<vmem>>)
      %mul3A_162 = arith.constant 16 : i32
      %mul3A_163 = arith.muli %add3A, %mul3A_162 : i32
      %add3A_164 = arith.addi %mul3A_163, %mul3A_52 : i32
      %mul3A_165 = arith.constant 128 : i32
      %mul3A_166 = arith.muli %add3A_164, %mul3A_165 : i32
      "tpu.region"() ({
        %run_scoped3A = tpu.sem_alloc : memref<!tpu.dma_semaphore, #tpu.memory_space<semaphore_mem>>
        %dma_start3A_233 = arith.constant 0 : i32
        %dma_start3A_234 = tpu.memref_slice %arg6[%mul3A_166, %dma_start3A_233] : memref<65536x128xf32, #tpu.memory_space<hbm>> -> memref<128x128xf32, #tpu.memory_space<hbm>>
        %dma_start3A_235 = arith.constant 0 : i32
        %dma_start3A_236 = tpu.memref_slice %arg6[%mul3A_166, %dma_start3A_235] : memref<65536x128xf32, #tpu.memory_space<hbm>> -> memref<128x128xf32, #tpu.memory_space<hbm>>
        tpu.enqueue_dma source(%arg10 : memref<128x128xf32, #tpu.memory_space<vmem>>) target(%dma_start3A_236 : memref<128x128xf32, #tpu.memory_space<hbm>>) target_semaphore(%run_scoped3A : memref<!tpu.dma_semaphore, #tpu.memory_space<semaphore_mem>>)
        %dma_wait3A_237 = arith.constant 0 : i32
        %dma_wait3A_238 = tpu.memref_slice %arg6[%mul3A_166, %dma_wait3A_237] : memref<65536x128xf32, #tpu.memory_space<hbm>> -> memref<128x128xf32, #tpu.memory_space<hbm>>
        %dma_wait3A_239 = arith.constant 0 : i32
        %dma_wait3A_240 = tpu.memref_slice %arg6[%mul3A_166, %dma_wait3A_239] : memref<65536x128xf32, #tpu.memory_space<hbm>> -> memref<128x128xf32, #tpu.memory_space<hbm>>
        tpu.wait_dma2 semaphore(%run_scoped3A : memref<!tpu.dma_semaphore, #tpu.memory_space<semaphore_mem>>) src(%arg10 : memref<128x128xf32, #tpu.memory_space<vmem>>) dst(%dma_wait3A_240 : memref<128x128xf32, #tpu.memory_space<hbm>>)
        tpu.yield
      }) : () -> ()
      %add3A_167 = arith.constant 2 : i32
      %add3A_168 = arith.addi %mul3A_52, %add3A_167 : i32
      %lt3A = arith.constant 16 : i32
      %lt3A_169 = arith.cmpi slt, %add3A_168, %lt3A : i32
      %convert_element_type3A = arith.extui %lt3A_169 : i1 to i32
      %cond3A = arith.constant 0 : i32
      %cond3A_170 = arith.cmpi ne, %convert_element_type3A, %cond3A : i32
      scf.if %cond3A_170 {
        %add3A_233 = arith.constant 2 : i32
        %add3A_234 = arith.addi %mul3A_52, %add3A_233 : i32
        %dma_start3A_235 = arith.constant 0 : i32
        %dma_start3A_236 = tpu.memref_slice %arg8[%add3A_234, %dma_start3A_235] : memref<16x128xi32, #tpu.memory_space<vmem>> -> memref<1x128xi32, #tpu.memory_space<vmem>>
        %dma_start3A_237 = tpu.memref_squeeze %dma_start3A_236 : memref<1x128xi32, #tpu.memory_space<vmem>> -> memref<128xi32, #tpu.memory_space<vmem>>
        %dma_start3A_238 = arith.constant 0 : i32
        %dma_start3A_239 = arith.constant 0 : i32
        %dma_start3A_240 = tpu.memref_slice %arg4[%dma_start3A_238, %dma_start3A_239] : memref<262144x128xf32, #tpu.memory_space<hbm>> -> memref<262144x128xf32, #tpu.memory_space<hbm>>
        tpu.enqueue_indirect_dma source(%dma_start3A_240 : memref<262144x128xf32, #tpu.memory_space<hbm>>) target(%arg10 : memref<128x128xf32, #tpu.memory_space<vmem>>) offsets(%dma_start3A_237 : memref<128xi32, #tpu.memory_space<vmem>>) semaphore(%arg13 : memref<!tpu.dma_semaphore, #tpu.memory_space<semaphore_mem>>)
        %mul3A_241 = arith.constant 3 : i32
        %mul3A_242 = arith.muli %mul3A_241, %add3A_234 : i32
        %add3A_243 = arith.constant 0 : i32
        %add3A_244 = arith.addi %mul3A_242, %add3A_243 : i32
        %mul3A_245 = arith.constant 3 : i32
        %mul3A_246 = arith.muli %mul3A_245, %add3A_234 : i32
        %add3A_247 = arith.constant 0 : i32
        %add3A_248 = arith.addi %mul3A_246, %add3A_247 : i32
        %dma_start3A_249 = arith.constant 0 : i32
        %dma_start3A_250 = tpu.memref_slice %arg12[%add3A_248, %dma_start3A_249] : memref<48x128xf32, #tpu.memory_space<vmem>> -> memref<1x128xf32, #tpu.memory_space<vmem>>
        %dma_start3A_251 = tpu.memref_squeeze %dma_start3A_250 : memref<1x128xf32, #tpu.memory_space<vmem>> -> memref<128xf32, #tpu.memory_space<vmem>>
        %dma_start3A_252 = arith.constant 0 : i32
        %dma_start3A_253 = tpu.memref_slice %arg9[%add3A_244, %dma_start3A_252] : memref<48x128xi32, #tpu.memory_space<vmem>> -> memref<1x128xi32, #tpu.memory_space<vmem>>
        %dma_start3A_254 = tpu.memref_squeeze %dma_start3A_253 : memref<1x128xi32, #tpu.memory_space<vmem>> -> memref<128xi32, #tpu.memory_space<vmem>>
        %dma_start3A_255 = arith.constant 0 : i32
        %dma_start3A_256 = tpu.memref_slice %arg5[%dma_start3A_255] : memref<786432xf32, #tpu.memory_space<hbm>> -> memref<786432xf32, #tpu.memory_space<hbm>>
        tpu.enqueue_indirect_dma source(%dma_start3A_256 : memref<786432xf32, #tpu.memory_space<hbm>>) target(%dma_start3A_251 : memref<128xf32, #tpu.memory_space<vmem>>) offsets(%dma_start3A_254 : memref<128xi32, #tpu.memory_space<vmem>>) semaphore(%arg14 : memref<!tpu.dma_semaphore, #tpu.memory_space<semaphore_mem>>)
        %mul3A_257 = arith.constant 3 : i32
        %mul3A_258 = arith.muli %mul3A_257, %add3A_234 : i32
        %add3A_259 = arith.constant 1 : i32
        %add3A_260 = arith.addi %mul3A_258, %add3A_259 : i32
        %mul3A_261 = arith.constant 3 : i32
        %mul3A_262 = arith.muli %mul3A_261, %add3A_234 : i32
        %add3A_263 = arith.constant 1 : i32
        %add3A_264 = arith.addi %mul3A_262, %add3A_263 : i32
        %dma_start3A_265 = arith.constant 0 : i32
        %dma_start3A_266 = tpu.memref_slice %arg12[%add3A_264, %dma_start3A_265] : memref<48x128xf32, #tpu.memory_space<vmem>> -> memref<1x128xf32, #tpu.memory_space<vmem>>
        %dma_start3A_267 = tpu.memref_squeeze %dma_start3A_266 : memref<1x128xf32, #tpu.memory_space<vmem>> -> memref<128xf32, #tpu.memory_space<vmem>>
        %dma_start3A_268 = arith.constant 0 : i32
        %dma_start3A_269 = tpu.memref_slice %arg9[%add3A_260, %dma_start3A_268] : memref<48x128xi32, #tpu.memory_space<vmem>> -> memref<1x128xi32, #tpu.memory_space<vmem>>
        %dma_start3A_270 = tpu.memref_squeeze %dma_start3A_269 : memref<1x128xi32, #tpu.memory_space<vmem>> -> memref<128xi32, #tpu.memory_space<vmem>>
        %dma_start3A_271 = arith.constant 0 : i32
        %dma_start3A_272 = tpu.memref_slice %arg5[%dma_start3A_271] : memref<786432xf32, #tpu.memory_space<hbm>> -> memref<786432xf32, #tpu.memory_space<hbm>>
        tpu.enqueue_indirect_dma source(%dma_start3A_272 : memref<786432xf32, #tpu.memory_space<hbm>>) target(%dma_start3A_267 : memref<128xf32, #tpu.memory_space<vmem>>) offsets(%dma_start3A_270 : memref<128xi32, #tpu.memory_space<vmem>>) semaphore(%arg14 : memref<!tpu.dma_semaphore, #tpu.memory_space<semaphore_mem>>)
        %mul3A_273 = arith.constant 3 : i32
        %mul3A_274 = arith.muli %mul3A_273, %add3A_234 : i32
        %add3A_275 = arith.constant 2 : i32
        %add3A_276 = arith.addi %mul3A_274, %add3A_275 : i32
        %mul3A_277 = arith.constant 3 : i32
        %mul3A_278 = arith.muli %mul3A_277, %add3A_234 : i32
        %add3A_279 = arith.constant 2 : i32
        %add3A_280 = arith.addi %mul3A_278, %add3A_279 : i32
        %dma_start3A_281 = arith.constant 0 : i32
        %dma_start3A_282 = tpu.memref_slice %arg12[%add3A_280, %dma_start3A_281] : memref<48x128xf32, #tpu.memory_space<vmem>> -> memref<1x128xf32, #tpu.memory_space<vmem>>
        %dma_start3A_283 = tpu.memref_squeeze %dma_start3A_282 : memref<1x128xf32, #tpu.memory_space<vmem>> -> memref<128xf32, #tpu.memory_space<vmem>>
        %dma_start3A_284 = arith.constant 0 : i32
        %dma_start3A_285 = tpu.memref_slice %arg9[%add3A_276, %dma_start3A_284] : memref<48x128xi32, #tpu.memory_space<vmem>> -> memref<1x128xi32, #tpu.memory_space<vmem>>
        %dma_start3A_286 = tpu.memref_squeeze %dma_start3A_285 : memref<1x128xi32, #tpu.memory_space<vmem>> -> memref<128xi32, #tpu.memory_space<vmem>>
        %dma_start3A_287 = arith.constant 0 : i32
        %dma_start3A_288 = tpu.memref_slice %arg5[%dma_start3A_287] : memref<786432xf32, #tpu.memory_space<hbm>> -> memref<786432xf32, #tpu.memory_space<hbm>>
        tpu.enqueue_indirect_dma source(%dma_start3A_288 : memref<786432xf32, #tpu.memory_space<hbm>>) target(%dma_start3A_283 : memref<128xf32, #tpu.memory_space<vmem>>) offsets(%dma_start3A_286 : memref<128xi32, #tpu.memory_space<vmem>>) semaphore(%arg14 : memref<!tpu.dma_semaphore, #tpu.memory_space<semaphore_mem>>)
      } else {
      }
      %add3A_171 = arith.constant 1 : i32
      %add3A_172 = arith.addi %mul3A_52, %add3A_171 : i32
      %dma_wait3A_173 = arith.constant 0 : i32
      %dma_wait3A_174 = tpu.memref_slice %arg8[%add3A_172, %dma_wait3A_173] : memref<16x128xi32, #tpu.memory_space<vmem>> -> memref<1x128xi32, #tpu.memory_space<vmem>>
      %dma_wait3A_175 = tpu.memref_squeeze %dma_wait3A_174 : memref<1x128xi32, #tpu.memory_space<vmem>> -> memref<128xi32, #tpu.memory_space<vmem>>
      %dma_wait3A_176 = arith.constant 0 : i32
      %dma_wait3A_177 = arith.constant 0 : i32
      %dma_wait3A_178 = tpu.memref_slice %arg4[%dma_wait3A_176, %dma_wait3A_177] : memref<262144x128xf32, #tpu.memory_space<hbm>> -> memref<262144x128xf32, #tpu.memory_space<hbm>>
      tpu.wait_indirect_dma semaphore(%arg13 : memref<!tpu.dma_semaphore, #tpu.memory_space<semaphore_mem>>) src(%dma_wait3A_178 : memref<262144x128xf32, #tpu.memory_space<hbm>>) dst(%arg11 : memref<128x128xf32, #tpu.memory_space<vmem>>)
      %mul3A_179 = arith.constant 3 : i32
      %mul3A_180 = arith.muli %mul3A_179, %add3A_172 : i32
      %add3A_181 = arith.constant 0 : i32
      %add3A_182 = arith.addi %mul3A_180, %add3A_181 : i32
      %mul3A_183 = arith.constant 3 : i32
      %mul3A_184 = arith.muli %mul3A_183, %add3A_172 : i32
      %add3A_185 = arith.constant 0 : i32
      %add3A_186 = arith.addi %mul3A_184, %add3A_185 : i32
      %dma_wait3A_187 = arith.constant 0 : i32
      %dma_wait3A_188 = tpu.memref_slice %arg12[%add3A_186, %dma_wait3A_187] : memref<48x128xf32, #tpu.memory_space<vmem>> -> memref<1x128xf32, #tpu.memory_space<vmem>>
      %dma_wait3A_189 = tpu.memref_squeeze %dma_wait3A_188 : memref<1x128xf32, #tpu.memory_space<vmem>> -> memref<128xf32, #tpu.memory_space<vmem>>
      %dma_wait3A_190 = arith.constant 0 : i32
      %dma_wait3A_191 = tpu.memref_slice %arg9[%add3A_182, %dma_wait3A_190] : memref<48x128xi32, #tpu.memory_space<vmem>> -> memref<1x128xi32, #tpu.memory_space<vmem>>
      %dma_wait3A_192 = tpu.memref_squeeze %dma_wait3A_191 : memref<1x128xi32, #tpu.memory_space<vmem>> -> memref<128xi32, #tpu.memory_space<vmem>>
      %dma_wait3A_193 = arith.constant 0 : i32
      %dma_wait3A_194 = tpu.memref_slice %arg5[%dma_wait3A_193] : memref<786432xf32, #tpu.memory_space<hbm>> -> memref<786432xf32, #tpu.memory_space<hbm>>
      tpu.wait_indirect_dma semaphore(%arg14 : memref<!tpu.dma_semaphore, #tpu.memory_space<semaphore_mem>>) src(%dma_wait3A_194 : memref<786432xf32, #tpu.memory_space<hbm>>) dst(%dma_wait3A_189 : memref<128xf32, #tpu.memory_space<vmem>>)
      %mul3A_195 = arith.constant 3 : i32
      %mul3A_196 = arith.muli %mul3A_195, %add3A_172 : i32
      %add3A_197 = arith.constant 1 : i32
      %add3A_198 = arith.addi %mul3A_196, %add3A_197 : i32
      %mul3A_199 = arith.constant 3 : i32
      %mul3A_200 = arith.muli %mul3A_199, %add3A_172 : i32
      %add3A_201 = arith.constant 1 : i32
      %add3A_202 = arith.addi %mul3A_200, %add3A_201 : i32
      %dma_wait3A_203 = arith.constant 0 : i32
      %dma_wait3A_204 = tpu.memref_slice %arg12[%add3A_202, %dma_wait3A_203] : memref<48x128xf32, #tpu.memory_space<vmem>> -> memref<1x128xf32, #tpu.memory_space<vmem>>
      %dma_wait3A_205 = tpu.memref_squeeze %dma_wait3A_204 : memref<1x128xf32, #tpu.memory_space<vmem>> -> memref<128xf32, #tpu.memory_space<vmem>>
      %dma_wait3A_206 = arith.constant 0 : i32
      %dma_wait3A_207 = tpu.memref_slice %arg9[%add3A_198, %dma_wait3A_206] : memref<48x128xi32, #tpu.memory_space<vmem>> -> memref<1x128xi32, #tpu.memory_space<vmem>>
      %dma_wait3A_208 = tpu.memref_squeeze %dma_wait3A_207 : memref<1x128xi32, #tpu.memory_space<vmem>> -> memref<128xi32, #tpu.memory_space<vmem>>
      %dma_wait3A_209 = arith.constant 0 : i32
      %dma_wait3A_210 = tpu.memref_slice %arg5[%dma_wait3A_209] : memref<786432xf32, #tpu.memory_space<hbm>> -> memref<786432xf32, #tpu.memory_space<hbm>>
      tpu.wait_indirect_dma semaphore(%arg14 : memref<!tpu.dma_semaphore, #tpu.memory_space<semaphore_mem>>) src(%dma_wait3A_210 : memref<786432xf32, #tpu.memory_space<hbm>>) dst(%dma_wait3A_205 : memref<128xf32, #tpu.memory_space<vmem>>)
      %mul3A_211 = arith.constant 3 : i32
      %mul3A_212 = arith.muli %mul3A_211, %add3A_172 : i32
      %add3A_213 = arith.constant 2 : i32
      %add3A_214 = arith.addi %mul3A_212, %add3A_213 : i32
      %mul3A_215 = arith.constant 3 : i32
      %mul3A_216 = arith.muli %mul3A_215, %add3A_172 : i32
      %add3A_217 = arith.constant 2 : i32
      %add3A_218 = arith.addi %mul3A_216, %add3A_217 : i32
      %dma_wait3A_219 = arith.constant 0 : i32
      %dma_wait3A_220 = tpu.memref_slice %arg12[%add3A_218, %dma_wait3A_219] : memref<48x128xf32, #tpu.memory_space<vmem>> -> memref<1x128xf32, #tpu.memory_space<vmem>>
      %dma_wait3A_221 = tpu.memref_squeeze %dma_wait3A_220 : memref<1x128xf32, #tpu.memory_space<vmem>> -> memref<128xf32, #tpu.memory_space<vmem>>
      %dma_wait3A_222 = arith.constant 0 : i32
      %dma_wait3A_223 = tpu.memref_slice %arg9[%add3A_214, %dma_wait3A_222] : memref<48x128xi32, #tpu.memory_space<vmem>> -> memref<1x128xi32, #tpu.memory_space<vmem>>
      %dma_wait3A_224 = tpu.memref_squeeze %dma_wait3A_223 : memref<1x128xi32, #tpu.memory_space<vmem>> -> memref<128xi32, #tpu.memory_space<vmem>>
      %dma_wait3A_225 = arith.constant 0 : i32
      %dma_wait3A_226 = tpu.memref_slice %arg5[%dma_wait3A_225] : memref<786432xf32, #tpu.memory_space<hbm>> -> memref<786432xf32, #tpu.memory_space<hbm>>
      tpu.wait_indirect_dma semaphore(%arg14 : memref<!tpu.dma_semaphore, #tpu.memory_space<semaphore_mem>>) src(%dma_wait3A_226 : memref<786432xf32, #tpu.memory_space<hbm>>) dst(%dma_wait3A_221 : memref<128xf32, #tpu.memory_space<vmem>>)
      %mul3A_227 = arith.constant 16 : i32
      %mul3A_228 = arith.muli %add3A, %mul3A_227 : i32
      %add3A_229 = arith.addi %mul3A_228, %add3A_172 : i32
      %mul3A_230 = arith.constant 128 : i32
      %mul3A_231 = arith.muli %add3A_229, %mul3A_230 : i32
      "tpu.region"() ({
        %run_scoped3A = tpu.sem_alloc : memref<!tpu.dma_semaphore, #tpu.memory_space<semaphore_mem>>
        %dma_start3A_233 = arith.constant 0 : i32
        %dma_start3A_234 = tpu.memref_slice %arg6[%mul3A_231, %dma_start3A_233] : memref<65536x128xf32, #tpu.memory_space<hbm>> -> memref<128x128xf32, #tpu.memory_space<hbm>>
        %dma_start3A_235 = arith.constant 0 : i32
        %dma_start3A_236 = tpu.memref_slice %arg6[%mul3A_231, %dma_start3A_235] : memref<65536x128xf32, #tpu.memory_space<hbm>> -> memref<128x128xf32, #tpu.memory_space<hbm>>
        tpu.enqueue_dma source(%arg11 : memref<128x128xf32, #tpu.memory_space<vmem>>) target(%dma_start3A_236 : memref<128x128xf32, #tpu.memory_space<hbm>>) target_semaphore(%run_scoped3A : memref<!tpu.dma_semaphore, #tpu.memory_space<semaphore_mem>>)
        %dma_wait3A_237 = arith.constant 0 : i32
        %dma_wait3A_238 = tpu.memref_slice %arg6[%mul3A_231, %dma_wait3A_237] : memref<65536x128xf32, #tpu.memory_space<hbm>> -> memref<128x128xf32, #tpu.memory_space<hbm>>
        %dma_wait3A_239 = arith.constant 0 : i32
        %dma_wait3A_240 = tpu.memref_slice %arg6[%mul3A_231, %dma_wait3A_239] : memref<65536x128xf32, #tpu.memory_space<hbm>> -> memref<128x128xf32, #tpu.memory_space<hbm>>
        tpu.wait_dma2 semaphore(%run_scoped3A : memref<!tpu.dma_semaphore, #tpu.memory_space<semaphore_mem>>) src(%arg11 : memref<128x128xf32, #tpu.memory_space<vmem>>) dst(%dma_wait3A_240 : memref<128x128xf32, #tpu.memory_space<hbm>>)
        tpu.yield
      }) : () -> ()
      %scan3A_232 = arith.constant 0 : i32
      scf.yield %scan3A_232 : i32
    }
    %scan3A_46 = arith.constant 8 : i32
    %mul3A_47 = arith.constant 48 : i32
    %mul3A_48 = arith.muli %add3A, %mul3A_47 : i32
    "tpu.region"() ({
      %run_scoped3A = tpu.sem_alloc : memref<!tpu.dma_semaphore, #tpu.memory_space<semaphore_mem>>
      %dma_start3A_49 = arith.constant 0 : i32
      %dma_start3A_50 = tpu.memref_slice %arg7[%mul3A_48, %dma_start3A_49] : memref<1536x128xf32, #tpu.memory_space<hbm>> -> memref<48x128xf32, #tpu.memory_space<hbm>>
      %dma_start3A_51 = arith.constant 0 : i32
      %dma_start3A_52 = tpu.memref_slice %arg7[%mul3A_48, %dma_start3A_51] : memref<1536x128xf32, #tpu.memory_space<hbm>> -> memref<48x128xf32, #tpu.memory_space<hbm>>
      tpu.enqueue_dma source(%arg12 : memref<48x128xf32, #tpu.memory_space<vmem>>) target(%dma_start3A_52 : memref<48x128xf32, #tpu.memory_space<hbm>>) target_semaphore(%run_scoped3A : memref<!tpu.dma_semaphore, #tpu.memory_space<semaphore_mem>>)
      %dma_wait3A = arith.constant 0 : i32
      %dma_wait3A_53 = tpu.memref_slice %arg7[%mul3A_48, %dma_wait3A] : memref<1536x128xf32, #tpu.memory_space<hbm>> -> memref<48x128xf32, #tpu.memory_space<hbm>>
      %dma_wait3A_54 = arith.constant 0 : i32
      %dma_wait3A_55 = tpu.memref_slice %arg7[%mul3A_48, %dma_wait3A_54] : memref<1536x128xf32, #tpu.memory_space<hbm>> -> memref<48x128xf32, #tpu.memory_space<hbm>>
      tpu.wait_dma2 semaphore(%run_scoped3A : memref<!tpu.dma_semaphore, #tpu.memory_space<semaphore_mem>>) src(%arg12 : memref<48x128xf32, #tpu.memory_space<vmem>>) dst(%dma_wait3A_55 : memref<48x128xf32, #tpu.memory_space<hbm>>)
      tpu.yield
    }) : () -> ()
    return
  }
}

module attributes {stable_mosaic.version = 14 : i64} {
  func.func @_score_body(%arg0: i32, %arg1: i32, %arg2: memref<128x64xf32, #tpu.memory_space<vmem>>, %arg3: memref<2xf32, #tpu.memory_space<smem>>, %arg4: memref<1x4096x64xf32, #tpu.memory_space<vmem>>, %arg5: memref<1x4096x3xf32, #tpu.memory_space<vmem>>, %arg6: memref<1x32x128xf32, #tpu.memory_space<vmem>>, %arg7: memref<1x4096x128xf32, #tpu.memory_space<vmem>>, %arg8: memref<1x3x4096xf32, #tpu.memory_space<vmem>>) attributes {dimension_semantics = [#tpu.dimension_semantics<arbitrary>, #tpu.dimension_semantics<arbitrary>], iteration_bounds = array<i64: 8, 8>, scalar_prefetch = 0 : i64, scratch_operands = 0 : i64, tpu.core_type = #tpu.core_type<tc>, window_params = [{pipeline_mode = #tpu.pipeline_mode<synchronous>, transform_indices = @transform_0, window_bounds = array<i64: 128, 64>}, {transform_indices = @transform_1, window_bounds = array<i64: 2>}, {transform_indices = @transform_2, window_bounds = array<i64: 1, 4096, 64>}, {transform_indices = @transform_3, window_bounds = array<i64: 1, 4096, 3>}, {transform_indices = @transform_4, window_bounds = array<i64: 1, 32, 128>}, {transform_indices = @transform_5, window_bounds = array<i64: 1, 4096, 128>}, {transform_indices = @transform_6, window_bounds = array<i64: 1, 3, 4096>}]} {
    %get3A = arith.constant 0 : index
    %get3A_0 = arith.constant 0 : index
    %get3A_1 = arith.constant 0 : index
    %get3A_2 = vector.load %arg4[%get3A, %get3A_0, %get3A_1] : memref<1x4096x64xf32, #tpu.memory_space<vmem>>, vector<1x4096x64xf32>
    %get3A_3 = vector.shape_cast %get3A_2 : vector<1x4096x64xf32> to vector<4096x64xf32>
    %get3A_4 = arith.constant 0 : index
    %get3A_5 = arith.constant 0 : index
    %get3A_6 = vector.load %arg2[%get3A_4, %get3A_5] : memref<128x64xf32, #tpu.memory_space<vmem>>, vector<128x64xf32>
    %dot_general3A = arith.constant dense<0.000000e+00> : vector<4096x128xf32>
    %dot_general3A_7 = tpu.matmul %get3A_3, %get3A_6, %dot_general3A {dimension_numbers = #tpu.dot_dimension_numbers<[1], [1], [0], [0], [0, 0, 1, 0], [], []>, transpose_lhs_hint = false} : vector<4096x64xf32>, vector<128x64xf32>, vector<4096x128xf32> -> vector<4096x128xf32>
    %slice3A = vector.extract_strided_slice %dot_general3A_7 {offsets = [0, 0], sizes = [4096, 1], strides = [1, 1]} : vector<4096x128xf32> to vector<4096x1xf32>
    %get3A_8 = arith.constant 0 : index
    %get3A_9 = memref.load %arg3[%get3A_8] : memref<2xf32, #tpu.memory_space<smem>>
    %add3A = vector.broadcast %get3A_9 : f32 to vector<4096x1xf32>
    %add3A_10 = arith.addf %slice3A, %add3A : vector<4096x1xf32>
    %get3A_11 = arith.constant 1 : index
    %get3A_12 = memref.load %arg3[%get3A_11] : memref<2xf32, #tpu.memory_space<smem>>
    %div3A = vector.broadcast %get3A_12 : f32 to vector<4096x1xf32>
    %div3A_13 = arith.divf %add3A_10, %div3A : vector<4096x1xf32>
    %reshape3A = vector.shape_cast %div3A_13 : vector<4096x1xf32> to vector<32x128xf32>
    %swap3A = arith.constant 0 : index
    %swap3A_14 = arith.constant 0 : index
    %swap3A_15 = arith.constant 0 : index
    %swap3A_16 = vector.load %arg6[%swap3A, %swap3A_14, %swap3A_15] : memref<1x32x128xf32, #tpu.memory_space<vmem>>, vector<1x32x128xf32>
    %swap3A_17 = vector.shape_cast %swap3A_16 : vector<1x32x128xf32> to vector<32x128xf32>
    %swap3A_18 = vector.shape_cast %reshape3A : vector<32x128xf32> to vector<1x32x128xf32>
    tpu.vector_store %arg6[%swap3A, %swap3A_14, %swap3A_15], %swap3A_18 {strides = array<i32>} : memref<1x32x128xf32, #tpu.memory_space<vmem>>, vector<1x32x128xf32>,
    %swap3A_19 = arith.constant 0 : index
    %swap3A_20 = arith.constant 0 : index
    %swap3A_21 = arith.constant 0 : index
    %swap3A_22 = vector.load %arg7[%swap3A_19, %swap3A_20, %swap3A_21] : memref<1x4096x128xf32, #tpu.memory_space<vmem>>, vector<1x4096x64xf32>
    %swap3A_23 = vector.shape_cast %swap3A_22 : vector<1x4096x64xf32> to vector<4096x64xf32>
    %swap3A_24 = vector.shape_cast %get3A_3 : vector<4096x64xf32> to vector<1x4096x64xf32>
    tpu.vector_store %arg7[%swap3A_19, %swap3A_20, %swap3A_21], %swap3A_24 {strides = array<i32>} : memref<1x4096x128xf32, #tpu.memory_space<vmem>>, vector<1x4096x64xf32>,
    %get3A_25 = arith.constant 0 : index
    %get3A_26 = arith.constant 0 : index
    %get3A_27 = arith.constant 0 : index
    %get3A_28 = vector.load %arg5[%get3A_25, %get3A_26, %get3A_27] : memref<1x4096x3xf32, #tpu.memory_space<vmem>>, vector<1x4096x3xf32>
    %get3A_29 = vector.shape_cast %get3A_28 : vector<1x4096x3xf32> to vector<4096x3xf32>
    %transpose3A = tpu.transpose %get3A_29, [1, 0] : vector<4096x3xf32> -> vector<3x4096xf32>
    %swap3A_30 = arith.constant 0 : index
    %swap3A_31 = arith.constant 0 : index
    %swap3A_32 = arith.constant 0 : index
    %swap3A_33 = vector.load %arg8[%swap3A_30, %swap3A_31, %swap3A_32] : memref<1x3x4096xf32, #tpu.memory_space<vmem>>, vector<1x3x4096xf32>
    %swap3A_34 = vector.shape_cast %swap3A_33 : vector<1x3x4096xf32> to vector<3x4096xf32>
    %swap3A_35 = vector.shape_cast %transpose3A : vector<3x4096xf32> to vector<1x3x4096xf32>
    tpu.vector_store %arg8[%swap3A_30, %swap3A_31, %swap3A_32], %swap3A_35 {strides = array<i32>} : memref<1x3x4096xf32, #tpu.memory_space<vmem>>, vector<1x3x4096xf32>,
    return
  }
  func.func @transform_0(%arg0: i32, %arg1: i32) -> (i32, i32) {
    %c0_i32 = arith.constant 0 : i32
    %c0_i32_0 = arith.constant 0 : i32
    %c0_i32_1 = arith.constant 0 : i32
    return %c0_i32, %c0_i32_0 : i32, i32
  }
  func.func @transform_1(%arg0: i32, %arg1: i32) -> i32 {
    %c0_i32 = arith.constant 0 : i32
    %c0_i32_0 = arith.constant 0 : i32
    return %c0_i32 : i32
  }
  func.func @transform_2(%arg0: i32, %arg1: i32) -> (i32, i32, i32) {
    %c0_i32 = arith.constant 0 : i32
    %c0_i32_0 = arith.constant 0 : i32
    return %arg0, %arg1, %c0_i32 : i32, i32, i32
  }
  func.func @transform_3(%arg0: i32, %arg1: i32) -> (i32, i32, i32) {
    %c0_i32 = arith.constant 0 : i32
    %c0_i32_0 = arith.constant 0 : i32
    return %arg0, %arg1, %c0_i32 : i32, i32, i32
  }
  func.func @transform_4(%arg0: i32, %arg1: i32) -> (i32, i32, i32) {
    %c0_i32 = arith.constant 0 : i32
    %c0_i32_0 = arith.constant 0 : i32
    return %arg0, %arg1, %c0_i32 : i32, i32, i32
  }
  func.func @transform_5(%arg0: i32, %arg1: i32) -> (i32, i32, i32) {
    %c0_i32 = arith.constant 0 : i32
    %c0_i32_0 = arith.constant 0 : i32
    return %arg0, %arg1, %c0_i32 : i32, i32, i32
  }
  func.func @transform_6(%arg0: i32, %arg1: i32) -> (i32, i32, i32) {
    %c0_i32 = arith.constant 0 : i32
    %c0_i32_0 = arith.constant 0 : i32
    return %arg0, %c0_i32, %arg1 : i32, i32, i32
  }
}

module attributes {stable_mosaic.version = 14 : i64} {
  func.func @_sort_body(%arg0: i32, %arg1: memref<1x256x128xf32, #tpu.memory_space<vmem>>, %arg2: memref<1x256x128xf32, #tpu.memory_space<vmem>>, %arg3: memref<1x256x128xi32, #tpu.memory_space<vmem>>) attributes {dimension_semantics = [#tpu.dimension_semantics<arbitrary>], iteration_bounds = array<i64: 8>, scalar_prefetch = 0 : i64, scratch_operands = 0 : i64, tpu.core_type = #tpu.core_type<tc>, window_params = [{transform_indices = @transform_0, window_bounds = array<i64: 1, 256, 128>}, {transform_indices = @transform_1, window_bounds = array<i64: 1, 256, 128>}, {transform_indices = @transform_2, window_bounds = array<i64: 1, 256, 128>}]} {
    %get3A = arith.constant 0 : index
    %get3A_0 = arith.constant 0 : index
    %get3A_1 = arith.constant 0 : index
    %get3A_2 = vector.load %arg1[%get3A, %get3A_0, %get3A_1] : memref<1x256x128xf32, #tpu.memory_space<vmem>>, vector<1x256x128xf32>
    %get3A_3 = vector.shape_cast %get3A_2 : vector<1x256x128xf32> to vector<256x128xf32>
    %iota3A = tpu.iota {dimensions = array<i32: 0>} : vector<256x128xi32>
    %iota3A_4 = tpu.iota {dimensions = array<i32: 1>} : vector<256x128xi32>
    %mul3A = arith.constant 128 : i32
    %mul3A_5 = vector.broadcast %mul3A : i32 to vector<256x128xi32>
    %mul3A_6 = arith.muli %iota3A, %mul3A_5 : vector<256x128xi32>
    %add3A = arith.addi %mul3A_6, %iota3A_4 : vector<256x128xi32>
    %mul3A_7 = arith.constant 256 : i32
    %mul3A_8 = vector.broadcast %mul3A_7 : i32 to vector<256x128xi32>
    %mul3A_9 = arith.muli %iota3A_4, %mul3A_8 : vector<256x128xi32>
    %add3A_10 = arith.addi %mul3A_9, %iota3A : vector<256x128xi32>
    %iota3A_11 = tpu.iota {dimensions = array<i32: 0>} : vector<256x128xi32>
    %and3A = arith.constant 1 : i32
    %and3A_12 = vector.broadcast %and3A : i32 to vector<256x128xi32>
    %and3A_13 = arith.andi %iota3A_11, %and3A_12 : vector<256x128xi32>
    %eq3A = arith.constant 0 : i32
    %eq3A_14 = vector.broadcast %eq3A : i32 to vector<256x128xi32>
    %eq3A_15 = arith.cmpi eq, %and3A_13, %eq3A_14 : vector<256x128xi32>
    %roll3A = arith.constant 255 : i32
    %roll3A_16 = tpu.dynamic_rotate %get3A_3 by %roll3A dim 0 : vector<256x128xf32>, i32 -> vector<256x128xf32>
    %roll3A_17 = arith.constant 1 : i32
    %roll3A_18 = tpu.dynamic_rotate %get3A_3 by %roll3A_17 dim 0 : vector<256x128xf32>, i32 -> vector<256x128xf32>
    %select_n3A = arith.select %eq3A_15, %roll3A_16, %roll3A_18 : vector<256x128xi1>, vector<256x128xf32>
    %iota3A_19 = tpu.iota {dimensions = array<i32: 0>} : vector<256x128xi32>
    %and3A_20 = arith.constant 1 : i32
    %and3A_21 = vector.broadcast %and3A_20 : i32 to vector<256x128xi32>
    %and3A_22 = arith.andi %iota3A_19, %and3A_21 : vector<256x128xi32>
    %eq3A_23 = arith.constant 0 : i32
    %eq3A_24 = vector.broadcast %eq3A_23 : i32 to vector<256x128xi32>
    %eq3A_25 = arith.cmpi eq, %and3A_22, %eq3A_24 : vector<256x128xi32>
    %roll3A_26 = arith.constant 255 : i32
    %roll3A_27 = tpu.dynamic_rotate %add3A by %roll3A_26 dim 0 : vector<256x128xi32>, i32 -> vector<256x128xi32>
    %roll3A_28 = arith.constant 1 : i32
    %roll3A_29 = tpu.dynamic_rotate %add3A by %roll3A_28 dim 0 : vector<256x128xi32>, i32 -> vector<256x128xi32>
    %select_n3A_30 = arith.select %eq3A_25, %roll3A_27, %roll3A_29 : vector<256x128xi1>, vector<256x128xi32>
    %gt3A = arith.cmpf ogt, %get3A_3, %select_n3A : vector<256x128xf32>
    %eq3A_31 = arith.cmpf oeq, %get3A_3, %select_n3A : vector<256x128xf32>
    %lt3A = arith.cmpi slt, %add3A, %select_n3A_30 : vector<256x128xi32>
    %and3A_32 = arith.andi %eq3A_31, %lt3A : vector<256x128xi1>
    %or3A = arith.ori %gt3A, %and3A_32 : vector<256x128xi1>
    %and3A_33 = arith.constant 1 : i32
    %and3A_34 = vector.broadcast %and3A_33 : i32 to vector<256x128xi32>
    %and3A_35 = arith.andi %add3A_10, %and3A_34 : vector<256x128xi32>
    %eq3A_36 = arith.constant 0 : i32
    %eq3A_37 = vector.broadcast %eq3A_36 : i32 to vector<256x128xi32>
    %eq3A_38 = arith.cmpi eq, %and3A_35, %eq3A_37 : vector<256x128xi32>
    %and3A_39 = arith.constant 2 : i32
    %and3A_40 = vector.broadcast %and3A_39 : i32 to vector<256x128xi32>
    %and3A_41 = arith.andi %add3A_10, %and3A_40 : vector<256x128xi32>
    %eq3A_42 = arith.constant 0 : i32
    %eq3A_43 = vector.broadcast %eq3A_42 : i32 to vector<256x128xi32>
    %eq3A_44 = arith.cmpi eq, %and3A_41, %eq3A_43 : vector<256x128xi32>
    %eq3A_45 = arith.xori %eq3A_38, %eq3A_44 : vector<256x128xi1>
    %eq3A_46 = arith.constant dense<true> : vector<256x128xi1>
    %eq3A_47 = arith.xori %eq3A_45, %eq3A_46 : vector<256x128xi1>
    %eq3A_48 = arith.xori %or3A, %eq3A_47 : vector<256x128xi1>
    %eq3A_49 = arith.constant dense<true> : vector<256x128xi1>
    %eq3A_50 = arith.xori %eq3A_48, %eq3A_49 : vector<256x128xi1>
    %select_n3A_51 = arith.select %eq3A_50, %get3A_3, %select_n3A : vector<256x128xi1>, vector<256x128xf32>
    %select_n3A_52 = arith.select %eq3A_50, %add3A, %select_n3A_30 : vector<256x128xi1>, vector<256x128xi32>
    %iota3A_53 = tpu.iota {dimensions = array<i32: 0>} : vector<256x128xi32>
    %and3A_54 = arith.constant 2 : i32
    %and3A_55 = vector.broadcast %and3A_54 : i32 to vector<256x128xi32>
    %and3A_56 = arith.andi %iota3A_53, %and3A_55 : vector<256x128xi32>
    %eq3A_57 = arith.constant 0 : i32
    %eq3A_58 = vector.broadcast %eq3A_57 : i32 to vector<256x128xi32>
    %eq3A_59 = arith.cmpi eq, %and3A_56, %eq3A_58 : vector<256x128xi32>
    %roll3A_60 = arith.constant 254 : i32
    %roll3A_61 = tpu.dynamic_rotate %select_n3A_51 by %roll3A_60 dim 0 : vector<256x128xf32>, i32 -> vector<256x128xf32>
    %roll3A_62 = arith.constant 2 : i32
    %roll3A_63 = tpu.dynamic_rotate %select_n3A_51 by %roll3A_62 dim 0 : vector<256x128xf32>, i32 -> vector<256x128xf32>
    %select_n3A_64 = arith.select %eq3A_59, %roll3A_61, %roll3A_63 : vector<256x128xi1>, vector<256x128xf32>
    %iota3A_65 = tpu.iota {dimensions = array<i32: 0>} : vector<256x128xi32>
    %and3A_66 = arith.constant 2 : i32
    %and3A_67 = vector.broadcast %and3A_66 : i32 to vector<256x128xi32>
    %and3A_68 = arith.andi %iota3A_65, %and3A_67 : vector<256x128xi32>
    %eq3A_69 = arith.constant 0 : i32
    %eq3A_70 = vector.broadcast %eq3A_69 : i32 to vector<256x128xi32>
    %eq3A_71 = arith.cmpi eq, %and3A_68, %eq3A_70 : vector<256x128xi32>
    %roll3A_72 = arith.constant 254 : i32
    %roll3A_73 = tpu.dynamic_rotate %select_n3A_52 by %roll3A_72 dim 0 : vector<256x128xi32>, i32 -> vector<256x128xi32>
    %roll3A_74 = arith.constant 2 : i32
    %roll3A_75 = tpu.dynamic_rotate %select_n3A_52 by %roll3A_74 dim 0 : vector<256x128xi32>, i32 -> vector<256x128xi32>
    %select_n3A_76 = arith.select %eq3A_71, %roll3A_73, %roll3A_75 : vector<256x128xi1>, vector<256x128xi32>
    %gt3A_77 = arith.cmpf ogt, %select_n3A_51, %select_n3A_64 : vector<256x128xf32>
    %eq3A_78 = arith.cmpf oeq, %select_n3A_51, %select_n3A_64 : vector<256x128xf32>
    %lt3A_79 = arith.cmpi slt, %select_n3A_52, %select_n3A_76 : vector<256x128xi32>
    %and3A_80 = arith.andi %eq3A_78, %lt3A_79 : vector<256x128xi1>
    %or3A_81 = arith.ori %gt3A_77, %and3A_80 : vector<256x128xi1>
    %and3A_82 = arith.constant 2 : i32
    %and3A_83 = vector.broadcast %and3A_82 : i32 to vector<256x128xi32>
    %and3A_84 = arith.andi %add3A_10, %and3A_83 : vector<256x128xi32>
    %eq3A_85 = arith.constant 0 : i32
    %eq3A_86 = vector.broadcast %eq3A_85 : i32 to vector<256x128xi32>
    %eq3A_87 = arith.cmpi eq, %and3A_84, %eq3A_86 : vector<256x128xi32>
    %and3A_88 = arith.constant 4 : i32
    %and3A_89 = vector.broadcast %and3A_88 : i32 to vector<256x128xi32>
    %and3A_90 = arith.andi %add3A_10, %and3A_89 : vector<256x128xi32>
    %eq3A_91 = arith.constant 0 : i32
    %eq3A_92 = vector.broadcast %eq3A_91 : i32 to vector<256x128xi32>
    %eq3A_93 = arith.cmpi eq, %and3A_90, %eq3A_92 : vector<256x128xi32>
    %eq3A_94 = arith.xori %eq3A_87, %eq3A_93 : vector<256x128xi1>
    %eq3A_95 = arith.constant dense<true> : vector<256x128xi1>
    %eq3A_96 = arith.xori %eq3A_94, %eq3A_95 : vector<256x128xi1>
    %eq3A_97 = arith.xori %or3A_81, %eq3A_96 : vector<256x128xi1>
    %eq3A_98 = arith.constant dense<true> : vector<256x128xi1>
    %eq3A_99 = arith.xori %eq3A_97, %eq3A_98 : vector<256x128xi1>
    %select_n3A_100 = arith.select %eq3A_99, %select_n3A_51, %select_n3A_64 : vector<256x128xi1>, vector<256x128xf32>
    %select_n3A_101 = arith.select %eq3A_99, %select_n3A_52, %select_n3A_76 : vector<256x128xi1>, vector<256x128xi32>
    %iota3A_102 = tpu.iota {dimensions = array<i32: 0>} : vector<256x128xi32>
    %and3A_103 = arith.constant 1 : i32
    %and3A_104 = vector.broadcast %and3A_103 : i32 to vector<256x128xi32>
    %and3A_105 = arith.andi %iota3A_102, %and3A_104 : vector<256x128xi32>
    %eq3A_106 = arith.constant 0 : i32
    %eq3A_107 = vector.broadcast %eq3A_106 : i32 to vector<256x128xi32>
    %eq3A_108 = arith.cmpi eq, %and3A_105, %eq3A_107 : vector<256x128xi32>
    %roll3A_109 = arith.constant 255 : i32
    %roll3A_110 = tpu.dynamic_rotate %select_n3A_100 by %roll3A_109 dim 0 : vector<256x128xf32>, i32 -> vector<256x128xf32>
    %roll3A_111 = arith.constant 1 : i32
    %roll3A_112 = tpu.dynamic_rotate %select_n3A_100 by %roll3A_111 dim 0 : vector<256x128xf32>, i32 -> vector<256x128xf32>
    %select_n3A_113 = arith.select %eq3A_108, %roll3A_110, %roll3A_112 : vector<256x128xi1>, vector<256x128xf32>
    %iota3A_114 = tpu.iota {dimensions = array<i32: 0>} : vector<256x128xi32>
    %and3A_115 = arith.constant 1 : i32
    %and3A_116 = vector.broadcast %and3A_115 : i32 to vector<256x128xi32>
    %and3A_117 = arith.andi %iota3A_114, %and3A_116 : vector<256x128xi32>
    %eq3A_118 = arith.constant 0 : i32
    %eq3A_119 = vector.broadcast %eq3A_118 : i32 to vector<256x128xi32>
    %eq3A_120 = arith.cmpi eq, %and3A_117, %eq3A_119 : vector<256x128xi32>
    %roll3A_121 = arith.constant 255 : i32
    %roll3A_122 = tpu.dynamic_rotate %select_n3A_101 by %roll3A_121 dim 0 : vector<256x128xi32>, i32 -> vector<256x128xi32>
    %roll3A_123 = arith.constant 1 : i32
    %roll3A_124 = tpu.dynamic_rotate %select_n3A_101 by %roll3A_123 dim 0 : vector<256x128xi32>, i32 -> vector<256x128xi32>
    %select_n3A_125 = arith.select %eq3A_120, %roll3A_122, %roll3A_124 : vector<256x128xi1>, vector<256x128xi32>
    %gt3A_126 = arith.cmpf ogt, %select_n3A_100, %select_n3A_113 : vector<256x128xf32>
    %eq3A_127 = arith.cmpf oeq, %select_n3A_100, %select_n3A_113 : vector<256x128xf32>
    %lt3A_128 = arith.cmpi slt, %select_n3A_101, %select_n3A_125 : vector<256x128xi32>
    %and3A_129 = arith.andi %eq3A_127, %lt3A_128 : vector<256x128xi1>
    %or3A_130 = arith.ori %gt3A_126, %and3A_129 : vector<256x128xi1>
    %and3A_131 = arith.constant 1 : i32
    %and3A_132 = vector.broadcast %and3A_131 : i32 to vector<256x128xi32>
    %and3A_133 = arith.andi %add3A_10, %and3A_132 : vector<256x128xi32>
    %eq3A_134 = arith.constant 0 : i32
    %eq3A_135 = vector.broadcast %eq3A_134 : i32 to vector<256x128xi32>
    %eq3A_136 = arith.cmpi eq, %and3A_133, %eq3A_135 : vector<256x128xi32>
    %and3A_137 = arith.constant 4 : i32
    %and3A_138 = vector.broadcast %and3A_137 : i32 to vector<256x128xi32>
    %and3A_139 = arith.andi %add3A_10, %and3A_138 : vector<256x128xi32>
    %eq3A_140 = arith.constant 0 : i32
    %eq3A_141 = vector.broadcast %eq3A_140 : i32 to vector<256x128xi32>
    %eq3A_142 = arith.cmpi eq, %and3A_139, %eq3A_141 : vector<256x128xi32>
    %eq3A_143 = arith.xori %eq3A_136, %eq3A_142 : vector<256x128xi1>
    %eq3A_144 = arith.constant dense<true> : vector<256x128xi1>
    %eq3A_145 = arith.xori %eq3A_143, %eq3A_144 : vector<256x128xi1>
    %eq3A_146 = arith.xori %or3A_130, %eq3A_145 : vector<256x128xi1>
    %eq3A_147 = arith.constant dense<true> : vector<256x128xi1>
    %eq3A_148 = arith.xori %eq3A_146, %eq3A_147 : vector<256x128xi1>
    %select_n3A_149 = arith.select %eq3A_148, %select_n3A_100, %select_n3A_113 : vector<256x128xi1>, vector<256x128xf32>
    %select_n3A_150 = arith.select %eq3A_148, %select_n3A_101, %select_n3A_125 : vector<256x128xi1>, vector<256x128xi32>
    %iota3A_151 = tpu.iota {dimensions = array<i32: 0>} : vector<256x128xi32>
    %and3A_152 = arith.constant 4 : i32
    %and3A_153 = vector.broadcast %and3A_152 : i32 to vector<256x128xi32>
    %and3A_154 = arith.andi %iota3A_151, %and3A_153 : vector<256x128xi32>
    %eq3A_155 = arith.constant 0 : i32
    %eq3A_156 = vector.broadcast %eq3A_155 : i32 to vector<256x128xi32>
    %eq3A_157 = arith.cmpi eq, %and3A_154, %eq3A_156 : vector<256x128xi32>
    %roll3A_158 = arith.constant 252 : i32
    %roll3A_159 = tpu.dynamic_rotate %select_n3A_149 by %roll3A_158 dim 0 : vector<256x128xf32>, i32 -> vector<256x128xf32>
    %roll3A_160 = arith.constant 4 : i32
    %roll3A_161 = tpu.dynamic_rotate %select_n3A_149 by %roll3A_160 dim 0 : vector<256x128xf32>, i32 -> vector<256x128xf32>
    %select_n3A_162 = arith.select %eq3A_157, %roll3A_159, %roll3A_161 : vector<256x128xi1>, vector<256x128xf32>
    %iota3A_163 = tpu.iota {dimensions = array<i32: 0>} : vector<256x128xi32>
    %and3A_164 = arith.constant 4 : i32
    %and3A_165 = vector.broadcast %and3A_164 : i32 to vector<256x128xi32>
    %and3A_166 = arith.andi %iota3A_163, %and3A_165 : vector<256x128xi32>
    %eq3A_167 = arith.constant 0 : i32
    %eq3A_168 = vector.broadcast %eq3A_167 : i32 to vector<256x128xi32>
    %eq3A_169 = arith.cmpi eq, %and3A_166, %eq3A_168 : vector<256x128xi32>
    %roll3A_170 = arith.constant 252 : i32
    %roll3A_171 = tpu.dynamic_rotate %select_n3A_150 by %roll3A_170 dim 0 : vector<256x128xi32>, i32 -> vector<256x128xi32>
    %roll3A_172 = arith.constant 4 : i32
    %roll3A_173 = tpu.dynamic_rotate %select_n3A_150 by %roll3A_172 dim 0 : vector<256x128xi32>, i32 -> vector<256x128xi32>
    %select_n3A_174 = arith.select %eq3A_169, %roll3A_171, %roll3A_173 : vector<256x128xi1>, vector<256x128xi32>
    %gt3A_175 = arith.cmpf ogt, %select_n3A_149, %select_n3A_162 : vector<256x128xf32>
    %eq3A_176 = arith.cmpf oeq, %select_n3A_149, %select_n3A_162 : vector<256x128xf32>
    %lt3A_177 = arith.cmpi slt, %select_n3A_150, %select_n3A_174 : vector<256x128xi32>
    %and3A_178 = arith.andi %eq3A_176, %lt3A_177 : vector<256x128xi1>
    %or3A_179 = arith.ori %gt3A_175, %and3A_178 : vector<256x128xi1>
    %and3A_180 = arith.constant 4 : i32
    %and3A_181 = vector.broadcast %and3A_180 : i32 to vector<256x128xi32>
    %and3A_182 = arith.andi %add3A_10, %and3A_181 : vector<256x128xi32>
    %eq3A_183 = arith.constant 0 : i32
    %eq3A_184 = vector.broadcast %eq3A_183 : i32 to vector<256x128xi32>
    %eq3A_185 = arith.cmpi eq, %and3A_182, %eq3A_184 : vector<256x128xi32>
    %and3A_186 = arith.constant 8 : i32
    %and3A_187 = vector.broadcast %and3A_186 : i32 to vector<256x128xi32>
    %and3A_188 = arith.andi %add3A_10, %and3A_187 : vector<256x128xi32>
    %eq3A_189 = arith.constant 0 : i32
    %eq3A_190 = vector.broadcast %eq3A_189 : i32 to vector<256x128xi32>
    %eq3A_191 = arith.cmpi eq, %and3A_188, %eq3A_190 : vector<256x128xi32>
    %eq3A_192 = arith.xori %eq3A_185, %eq3A_191 : vector<256x128xi1>
    %eq3A_193 = arith.constant dense<true> : vector<256x128xi1>
    %eq3A_194 = arith.xori %eq3A_192, %eq3A_193 : vector<256x128xi1>
    %eq3A_195 = arith.xori %or3A_179, %eq3A_194 : vector<256x128xi1>
    %eq3A_196 = arith.constant dense<true> : vector<256x128xi1>
    %eq3A_197 = arith.xori %eq3A_195, %eq3A_196 : vector<256x128xi1>
    %select_n3A_198 = arith.select %eq3A_197, %select_n3A_149, %select_n3A_162 : vector<256x128xi1>, vector<256x128xf32>
    %select_n3A_199 = arith.select %eq3A_197, %select_n3A_150, %select_n3A_174 : vector<256x128xi1>, vector<256x128xi32>
    %iota3A_200 = tpu.iota {dimensions = array<i32: 0>} : vector<256x128xi32>
    %and3A_201 = arith.constant 2 : i32
    %and3A_202 = vector.broadcast %and3A_201 : i32 to vector<256x128xi32>
    %and3A_203 = arith.andi %iota3A_200, %and3A_202 : vector<256x128xi32>
    %eq3A_204 = arith.constant 0 : i32
    %eq3A_205 = vector.broadcast %eq3A_204 : i32 to vector<256x128xi32>
    %eq3A_206 = arith.cmpi eq, %and3A_203, %eq3A_205 : vector<256x128xi32>
    %roll3A_207 = arith.constant 254 : i32
    %roll3A_208 = tpu.dynamic_rotate %select_n3A_198 by %roll3A_207 dim 0 : vector<256x128xf32>, i32 -> vector<256x128xf32>
    %roll3A_209 = arith.constant 2 : i32
    %roll3A_210 = tpu.dynamic_rotate %select_n3A_198 by %roll3A_209 dim 0 : vector<256x128xf32>, i32 -> vector<256x128xf32>
    %select_n3A_211 = arith.select %eq3A_206, %roll3A_208, %roll3A_210 : vector<256x128xi1>, vector<256x128xf32>
    %iota3A_212 = tpu.iota {dimensions = array<i32: 0>} : vector<256x128xi32>
    %and3A_213 = arith.constant 2 : i32
    %and3A_214 = vector.broadcast %and3A_213 : i32 to vector<256x128xi32>
    %and3A_215 = arith.andi %iota3A_212, %and3A_214 : vector<256x128xi32>
    %eq3A_216 = arith.constant 0 : i32
    %eq3A_217 = vector.broadcast %eq3A_216 : i32 to vector<256x128xi32>
    %eq3A_218 = arith.cmpi eq, %and3A_215, %eq3A_217 : vector<256x128xi32>
    %roll3A_219 = arith.constant 254 : i32
    %roll3A_220 = tpu.dynamic_rotate %select_n3A_199 by %roll3A_219 dim 0 : vector<256x128xi32>, i32 -> vector<256x128xi32>
    %roll3A_221 = arith.constant 2 : i32
    %roll3A_222 = tpu.dynamic_rotate %select_n3A_199 by %roll3A_221 dim 0 : vector<256x128xi32>, i32 -> vector<256x128xi32>
    %select_n3A_223 = arith.select %eq3A_218, %roll3A_220, %roll3A_222 : vector<256x128xi1>, vector<256x128xi32>
    %gt3A_224 = arith.cmpf ogt, %select_n3A_198, %select_n3A_211 : vector<256x128xf32>
    %eq3A_225 = arith.cmpf oeq, %select_n3A_198, %select_n3A_211 : vector<256x128xf32>
    %lt3A_226 = arith.cmpi slt, %select_n3A_199, %select_n3A_223 : vector<256x128xi32>
    %and3A_227 = arith.andi %eq3A_225, %lt3A_226 : vector<256x128xi1>
    %or3A_228 = arith.ori %gt3A_224, %and3A_227 : vector<256x128xi1>
    %and3A_229 = arith.constant 2 : i32
    %and3A_230 = vector.broadcast %and3A_229 : i32 to vector<256x128xi32>
    %and3A_231 = arith.andi %add3A_10, %and3A_230 : vector<256x128xi32>
    %eq3A_232 = arith.constant 0 : i32
    %eq3A_233 = vector.broadcast %eq3A_232 : i32 to vector<256x128xi32>
    %eq3A_234 = arith.cmpi eq, %and3A_231, %eq3A_233 : vector<256x128xi32>
    %and3A_235 = arith.constant 8 : i32
    %and3A_236 = vector.broadcast %and3A_235 : i32 to vector<256x128xi32>
    %and3A_237 = arith.andi %add3A_10, %and3A_236 : vector<256x128xi32>
    %eq3A_238 = arith.constant 0 : i32
    %eq3A_239 = vector.broadcast %eq3A_238 : i32 to vector<256x128xi32>
    %eq3A_240 = arith.cmpi eq, %and3A_237, %eq3A_239 : vector<256x128xi32>
    %eq3A_241 = arith.xori %eq3A_234, %eq3A_240 : vector<256x128xi1>
    %eq3A_242 = arith.constant dense<true> : vector<256x128xi1>
    %eq3A_243 = arith.xori %eq3A_241, %eq3A_242 : vector<256x128xi1>
    %eq3A_244 = arith.xori %or3A_228, %eq3A_243 : vector<256x128xi1>
    %eq3A_245 = arith.constant dense<true> : vector<256x128xi1>
    %eq3A_246 = arith.xori %eq3A_244, %eq3A_245 : vector<256x128xi1>
    %select_n3A_247 = arith.select %eq3A_246, %select_n3A_198, %select_n3A_211 : vector<256x128xi1>, vector<256x128xf32>
    %select_n3A_248 = arith.select %eq3A_246, %select_n3A_199, %select_n3A_223 : vector<256x128xi1>, vector<256x128xi32>
    %iota3A_249 = tpu.iota {dimensions = array<i32: 0>} : vector<256x128xi32>
    %and3A_250 = arith.constant 1 : i32
    %and3A_251 = vector.broadcast %and3A_250 : i32 to vector<256x128xi32>
    %and3A_252 = arith.andi %iota3A_249, %and3A_251 : vector<256x128xi32>
    %eq3A_253 = arith.constant 0 : i32
    %eq3A_254 = vector.broadcast %eq3A_253 : i32 to vector<256x128xi32>
    %eq3A_255 = arith.cmpi eq, %and3A_252, %eq3A_254 : vector<256x128xi32>
    %roll3A_256 = arith.constant 255 : i32
    %roll3A_257 = tpu.dynamic_rotate %select_n3A_247 by %roll3A_256 dim 0 : vector<256x128xf32>, i32 -> vector<256x128xf32>
    %roll3A_258 = arith.constant 1 : i32
    %roll3A_259 = tpu.dynamic_rotate %select_n3A_247 by %roll3A_258 dim 0 : vector<256x128xf32>, i32 -> vector<256x128xf32>
    %select_n3A_260 = arith.select %eq3A_255, %roll3A_257, %roll3A_259 : vector<256x128xi1>, vector<256x128xf32>
    %iota3A_261 = tpu.iota {dimensions = array<i32: 0>} : vector<256x128xi32>
    %and3A_262 = arith.constant 1 : i32
    %and3A_263 = vector.broadcast %and3A_262 : i32 to vector<256x128xi32>
    %and3A_264 = arith.andi %iota3A_261, %and3A_263 : vector<256x128xi32>
    %eq3A_265 = arith.constant 0 : i32
    %eq3A_266 = vector.broadcast %eq3A_265 : i32 to vector<256x128xi32>
    %eq3A_267 = arith.cmpi eq, %and3A_264, %eq3A_266 : vector<256x128xi32>
    %roll3A_268 = arith.constant 255 : i32
    %roll3A_269 = tpu.dynamic_rotate %select_n3A_248 by %roll3A_268 dim 0 : vector<256x128xi32>, i32 -> vector<256x128xi32>
    %roll3A_270 = arith.constant 1 : i32
    %roll3A_271 = tpu.dynamic_rotate %select_n3A_248 by %roll3A_270 dim 0 : vector<256x128xi32>, i32 -> vector<256x128xi32>
    %select_n3A_272 = arith.select %eq3A_267, %roll3A_269, %roll3A_271 : vector<256x128xi1>, vector<256x128xi32>
    %gt3A_273 = arith.cmpf ogt, %select_n3A_247, %select_n3A_260 : vector<256x128xf32>
    %eq3A_274 = arith.cmpf oeq, %select_n3A_247, %select_n3A_260 : vector<256x128xf32>
    %lt3A_275 = arith.cmpi slt, %select_n3A_248, %select_n3A_272 : vector<256x128xi32>
    %and3A_276 = arith.andi %eq3A_274, %lt3A_275 : vector<256x128xi1>
    %or3A_277 = arith.ori %gt3A_273, %and3A_276 : vector<256x128xi1>
    %and3A_278 = arith.constant 1 : i32
    %and3A_279 = vector.broadcast %and3A_278 : i32 to vector<256x128xi32>
    %and3A_280 = arith.andi %add3A_10, %and3A_279 : vector<256x128xi32>
    %eq3A_281 = arith.constant 0 : i32
    %eq3A_282 = vector.broadcast %eq3A_281 : i32 to vector<256x128xi32>
    %eq3A_283 = arith.cmpi eq, %and3A_280, %eq3A_282 : vector<256x128xi32>
    %and3A_284 = arith.constant 8 : i32
    %and3A_285 = vector.broadcast %and3A_284 : i32 to vector<256x128xi32>
    %and3A_286 = arith.andi %add3A_10, %and3A_285 : vector<256x128xi32>
    %eq3A_287 = arith.constant 0 : i32
    %eq3A_288 = vector.broadcast %eq3A_287 : i32 to vector<256x128xi32>
    %eq3A_289 = arith.cmpi eq, %and3A_286, %eq3A_288 : vector<256x128xi32>
    %eq3A_290 = arith.xori %eq3A_283, %eq3A_289 : vector<256x128xi1>
    %eq3A_291 = arith.constant dense<true> : vector<256x128xi1>
    %eq3A_292 = arith.xori %eq3A_290, %eq3A_291 : vector<256x128xi1>
    %eq3A_293 = arith.xori %or3A_277, %eq3A_292 : vector<256x128xi1>
    %eq3A_294 = arith.constant dense<true> : vector<256x128xi1>
    %eq3A_295 = arith.xori %eq3A_293, %eq3A_294 : vector<256x128xi1>
    %select_n3A_296 = arith.select %eq3A_295, %select_n3A_247, %select_n3A_260 : vector<256x128xi1>, vector<256x128xf32>
    %select_n3A_297 = arith.select %eq3A_295, %select_n3A_248, %select_n3A_272 : vector<256x128xi1>, vector<256x128xi32>
    %iota3A_298 = tpu.iota {dimensions = array<i32: 0>} : vector<256x128xi32>
    %and3A_299 = arith.constant 8 : i32
    %and3A_300 = vector.broadcast %and3A_299 : i32 to vector<256x128xi32>
    %and3A_301 = arith.andi %iota3A_298, %and3A_300 : vector<256x128xi32>
    %eq3A_302 = arith.constant 0 : i32
    %eq3A_303 = vector.broadcast %eq3A_302 : i32 to vector<256x128xi32>
    %eq3A_304 = arith.cmpi eq, %and3A_301, %eq3A_303 : vector<256x128xi32>
    %roll3A_305 = arith.constant 248 : i32
    %roll3A_306 = tpu.dynamic_rotate %select_n3A_296 by %roll3A_305 dim 0 : vector<256x128xf32>, i32 -> vector<256x128xf32>
    %roll3A_307 = arith.constant 8 : i32
    %roll3A_308 = tpu.dynamic_rotate %select_n3A_296 by %roll3A_307 dim 0 : vector<256x128xf32>, i32 -> vector<256x128xf32>
    %select_n3A_309 = arith.select %eq3A_304, %roll3A_306, %roll3A_308 : vector<256x128xi1>, vector<256x128xf32>
    %iota3A_310 = tpu.iota {dimensions = array<i32: 0>} : vector<256x128xi32>
    %and3A_311 = arith.constant 8 : i32
    %and3A_312 = vector.broadcast %and3A_311 : i32 to vector<256x128xi32>
    %and3A_313 = arith.andi %iota3A_310, %and3A_312 : vector<256x128xi32>
    %eq3A_314 = arith.constant 0 : i32
    %eq3A_315 = vector.broadcast %eq3A_314 : i32 to vector<256x128xi32>
    %eq3A_316 = arith.cmpi eq, %and3A_313, %eq3A_315 : vector<256x128xi32>
    %roll3A_317 = arith.constant 248 : i32
    %roll3A_318 = tpu.dynamic_rotate %select_n3A_297 by %roll3A_317 dim 0 : vector<256x128xi32>, i32 -> vector<256x128xi32>
    %roll3A_319 = arith.constant 8 : i32
    %roll3A_320 = tpu.dynamic_rotate %select_n3A_297 by %roll3A_319 dim 0 : vector<256x128xi32>, i32 -> vector<256x128xi32>
    %select_n3A_321 = arith.select %eq3A_316, %roll3A_318, %roll3A_320 : vector<256x128xi1>, vector<256x128xi32>
    %gt3A_322 = arith.cmpf ogt, %select_n3A_296, %select_n3A_309 : vector<256x128xf32>
    %eq3A_323 = arith.cmpf oeq, %select_n3A_296, %select_n3A_309 : vector<256x128xf32>
    %lt3A_324 = arith.cmpi slt, %select_n3A_297, %select_n3A_321 : vector<256x128xi32>
    %and3A_325 = arith.andi %eq3A_323, %lt3A_324 : vector<256x128xi1>
    %or3A_326 = arith.ori %gt3A_322, %and3A_325 : vector<256x128xi1>
    %and3A_327 = arith.constant 8 : i32
    %and3A_328 = vector.broadcast %and3A_327 : i32 to vector<256x128xi32>
    %and3A_329 = arith.andi %add3A_10, %and3A_328 : vector<256x128xi32>
    %eq3A_330 = arith.constant 0 : i32
    %eq3A_331 = vector.broadcast %eq3A_330 : i32 to vector<256x128xi32>
    %eq3A_332 = arith.cmpi eq, %and3A_329, %eq3A_331 : vector<256x128xi32>
    %and3A_333 = arith.constant 16 : i32
    %and3A_334 = vector.broadcast %and3A_333 : i32 to vector<256x128xi32>
    %and3A_335 = arith.andi %add3A_10, %and3A_334 : vector<256x128xi32>
    %eq3A_336 = arith.constant 0 : i32
    %eq3A_337 = vector.broadcast %eq3A_336 : i32 to vector<256x128xi32>
    %eq3A_338 = arith.cmpi eq, %and3A_335, %eq3A_337 : vector<256x128xi32>
    %eq3A_339 = arith.xori %eq3A_332, %eq3A_338 : vector<256x128xi1>
    %eq3A_340 = arith.constant dense<true> : vector<256x128xi1>
    %eq3A_341 = arith.xori %eq3A_339, %eq3A_340 : vector<256x128xi1>
    %eq3A_342 = arith.xori %or3A_326, %eq3A_341 : vector<256x128xi1>
    %eq3A_343 = arith.constant dense<true> : vector<256x128xi1>
    %eq3A_344 = arith.xori %eq3A_342, %eq3A_343 : vector<256x128xi1>
    %select_n3A_345 = arith.select %eq3A_344, %select_n3A_296, %select_n3A_309 : vector<256x128xi1>, vector<256x128xf32>
    %select_n3A_346 = arith.select %eq3A_344, %select_n3A_297, %select_n3A_321 : vector<256x128xi1>, vector<256x128xi32>
    %iota3A_347 = tpu.iota {dimensions = array<i32: 0>} : vector<256x128xi32>
    %and3A_348 = arith.constant 4 : i32
    %and3A_349 = vector.broadcast %and3A_348 : i32 to vector<256x128xi32>
    %and3A_350 = arith.andi %iota3A_347, %and3A_349 : vector<256x128xi32>
    %eq3A_351 = arith.constant 0 : i32
    %eq3A_352 = vector.broadcast %eq3A_351 : i32 to vector<256x128xi32>
    %eq3A_353 = arith.cmpi eq, %and3A_350, %eq3A_352 : vector<256x128xi32>
    %roll3A_354 = arith.constant 252 : i32
    %roll3A_355 = tpu.dynamic_rotate %select_n3A_345 by %roll3A_354 dim 0 : vector<256x128xf32>, i32 -> vector<256x128xf32>
    %roll3A_356 = arith.constant 4 : i32
    %roll3A_357 = tpu.dynamic_rotate %select_n3A_345 by %roll3A_356 dim 0 : vector<256x128xf32>, i32 -> vector<256x128xf32>
    %select_n3A_358 = arith.select %eq3A_353, %roll3A_355, %roll3A_357 : vector<256x128xi1>, vector<256x128xf32>
    %iota3A_359 = tpu.iota {dimensions = array<i32: 0>} : vector<256x128xi32>
    %and3A_360 = arith.constant 4 : i32
    %and3A_361 = vector.broadcast %and3A_360 : i32 to vector<256x128xi32>
    %and3A_362 = arith.andi %iota3A_359, %and3A_361 : vector<256x128xi32>
    %eq3A_363 = arith.constant 0 : i32
    %eq3A_364 = vector.broadcast %eq3A_363 : i32 to vector<256x128xi32>
    %eq3A_365 = arith.cmpi eq, %and3A_362, %eq3A_364 : vector<256x128xi32>
    %roll3A_366 = arith.constant 252 : i32
    %roll3A_367 = tpu.dynamic_rotate %select_n3A_346 by %roll3A_366 dim 0 : vector<256x128xi32>, i32 -> vector<256x128xi32>
    %roll3A_368 = arith.constant 4 : i32
    %roll3A_369 = tpu.dynamic_rotate %select_n3A_346 by %roll3A_368 dim 0 : vector<256x128xi32>, i32 -> vector<256x128xi32>
    %select_n3A_370 = arith.select %eq3A_365, %roll3A_367, %roll3A_369 : vector<256x128xi1>, vector<256x128xi32>
    %gt3A_371 = arith.cmpf ogt, %select_n3A_345, %select_n3A_358 : vector<256x128xf32>
    %eq3A_372 = arith.cmpf oeq, %select_n3A_345, %select_n3A_358 : vector<256x128xf32>
    %lt3A_373 = arith.cmpi slt, %select_n3A_346, %select_n3A_370 : vector<256x128xi32>
    %and3A_374 = arith.andi %eq3A_372, %lt3A_373 : vector<256x128xi1>
    %or3A_375 = arith.ori %gt3A_371, %and3A_374 : vector<256x128xi1>
    %and3A_376 = arith.constant 4 : i32
    %and3A_377 = vector.broadcast %and3A_376 : i32 to vector<256x128xi32>
    %and3A_378 = arith.andi %add3A_10, %and3A_377 : vector<256x128xi32>
    %eq3A_379 = arith.constant 0 : i32
    %eq3A_380 = vector.broadcast %eq3A_379 : i32 to vector<256x128xi32>
    %eq3A_381 = arith.cmpi eq, %and3A_378, %eq3A_380 : vector<256x128xi32>
    %and3A_382 = arith.constant 16 : i32
    %and3A_383 = vector.broadcast %and3A_382 : i32 to vector<256x128xi32>
    %and3A_384 = arith.andi %add3A_10, %and3A_383 : vector<256x128xi32>
    %eq3A_385 = arith.constant 0 : i32
    %eq3A_386 = vector.broadcast %eq3A_385 : i32 to vector<256x128xi32>
    %eq3A_387 = arith.cmpi eq, %and3A_384, %eq3A_386 : vector<256x128xi32>
    %eq3A_388 = arith.xori %eq3A_381, %eq3A_387 : vector<256x128xi1>
    %eq3A_389 = arith.constant dense<true> : vector<256x128xi1>
    %eq3A_390 = arith.xori %eq3A_388, %eq3A_389 : vector<256x128xi1>
    %eq3A_391 = arith.xori %or3A_375, %eq3A_390 : vector<256x128xi1>
    %eq3A_392 = arith.constant dense<true> : vector<256x128xi1>
    %eq3A_393 = arith.xori %eq3A_391, %eq3A_392 : vector<256x128xi1>
    %select_n3A_394 = arith.select %eq3A_393, %select_n3A_345, %select_n3A_358 : vector<256x128xi1>, vector<256x128xf32>
    %select_n3A_395 = arith.select %eq3A_393, %select_n3A_346, %select_n3A_370 : vector<256x128xi1>, vector<256x128xi32>
    %iota3A_396 = tpu.iota {dimensions = array<i32: 0>} : vector<256x128xi32>
    %and3A_397 = arith.constant 2 : i32
    %and3A_398 = vector.broadcast %and3A_397 : i32 to vector<256x128xi32>
    %and3A_399 = arith.andi %iota3A_396, %and3A_398 : vector<256x128xi32>
    %eq3A_400 = arith.constant 0 : i32
    %eq3A_401 = vector.broadcast %eq3A_400 : i32 to vector<256x128xi32>
    %eq3A_402 = arith.cmpi eq, %and3A_399, %eq3A_401 : vector<256x128xi32>
    %roll3A_403 = arith.constant 254 : i32
    %roll3A_404 = tpu.dynamic_rotate %select_n3A_394 by %roll3A_403 dim 0 : vector<256x128xf32>, i32 -> vector<256x128xf32>
    %roll3A_405 = arith.constant 2 : i32
    %roll3A_406 = tpu.dynamic_rotate %select_n3A_394 by %roll3A_405 dim 0 : vector<256x128xf32>, i32 -> vector<256x128xf32>
    %select_n3A_407 = arith.select %eq3A_402, %roll3A_404, %roll3A_406 : vector<256x128xi1>, vector<256x128xf32>
    %iota3A_408 = tpu.iota {dimensions = array<i32: 0>} : vector<256x128xi32>
    %and3A_409 = arith.constant 2 : i32
    %and3A_410 = vector.broadcast %and3A_409 : i32 to vector<256x128xi32>
    %and3A_411 = arith.andi %iota3A_408, %and3A_410 : vector<256x128xi32>
    %eq3A_412 = arith.constant 0 : i32
    %eq3A_413 = vector.broadcast %eq3A_412 : i32 to vector<256x128xi32>
    %eq3A_414 = arith.cmpi eq, %and3A_411, %eq3A_413 : vector<256x128xi32>
    %roll3A_415 = arith.constant 254 : i32
    %roll3A_416 = tpu.dynamic_rotate %select_n3A_395 by %roll3A_415 dim 0 : vector<256x128xi32>, i32 -> vector<256x128xi32>
    %roll3A_417 = arith.constant 2 : i32
    %roll3A_418 = tpu.dynamic_rotate %select_n3A_395 by %roll3A_417 dim 0 : vector<256x128xi32>, i32 -> vector<256x128xi32>
    %select_n3A_419 = arith.select %eq3A_414, %roll3A_416, %roll3A_418 : vector<256x128xi1>, vector<256x128xi32>
    %gt3A_420 = arith.cmpf ogt, %select_n3A_394, %select_n3A_407 : vector<256x128xf32>
    %eq3A_421 = arith.cmpf oeq, %select_n3A_394, %select_n3A_407 : vector<256x128xf32>
    %lt3A_422 = arith.cmpi slt, %select_n3A_395, %select_n3A_419 : vector<256x128xi32>
    %and3A_423 = arith.andi %eq3A_421, %lt3A_422 : vector<256x128xi1>
    %or3A_424 = arith.ori %gt3A_420, %and3A_423 : vector<256x128xi1>
    %and3A_425 = arith.constant 2 : i32
    %and3A_426 = vector.broadcast %and3A_425 : i32 to vector<256x128xi32>
    %and3A_427 = arith.andi %add3A_10, %and3A_426 : vector<256x128xi32>
    %eq3A_428 = arith.constant 0 : i32
    %eq3A_429 = vector.broadcast %eq3A_428 : i32 to vector<256x128xi32>
    %eq3A_430 = arith.cmpi eq, %and3A_427, %eq3A_429 : vector<256x128xi32>
    %and3A_431 = arith.constant 16 : i32
    %and3A_432 = vector.broadcast %and3A_431 : i32 to vector<256x128xi32>
    %and3A_433 = arith.andi %add3A_10, %and3A_432 : vector<256x128xi32>
    %eq3A_434 = arith.constant 0 : i32
    %eq3A_435 = vector.broadcast %eq3A_434 : i32 to vector<256x128xi32>
    %eq3A_436 = arith.cmpi eq, %and3A_433, %eq3A_435 : vector<256x128xi32>
    %eq3A_437 = arith.xori %eq3A_430, %eq3A_436 : vector<256x128xi1>
    %eq3A_438 = arith.constant dense<true> : vector<256x128xi1>
    %eq3A_439 = arith.xori %eq3A_437, %eq3A_438 : vector<256x128xi1>
    %eq3A_440 = arith.xori %or3A_424, %eq3A_439 : vector<256x128xi1>
    %eq3A_441 = arith.constant dense<true> : vector<256x128xi1>
    %eq3A_442 = arith.xori %eq3A_440, %eq3A_441 : vector<256x128xi1>
    %select_n3A_443 = arith.select %eq3A_442, %select_n3A_394, %select_n3A_407 : vector<256x128xi1>, vector<256x128xf32>
    %select_n3A_444 = arith.select %eq3A_442, %select_n3A_395, %select_n3A_419 : vector<256x128xi1>, vector<256x128xi32>
    %iota3A_445 = tpu.iota {dimensions = array<i32: 0>} : vector<256x128xi32>
    %and3A_446 = arith.constant 1 : i32
    %and3A_447 = vector.broadcast %and3A_446 : i32 to vector<256x128xi32>
    %and3A_448 = arith.andi %iota3A_445, %and3A_447 : vector<256x128xi32>
    %eq3A_449 = arith.constant 0 : i32
    %eq3A_450 = vector.broadcast %eq3A_449 : i32 to vector<256x128xi32>
    %eq3A_451 = arith.cmpi eq, %and3A_448, %eq3A_450 : vector<256x128xi32>
    %roll3A_452 = arith.constant 255 : i32
    %roll3A_453 = tpu.dynamic_rotate %select_n3A_443 by %roll3A_452 dim 0 : vector<256x128xf32>, i32 -> vector<256x128xf32>
    %roll3A_454 = arith.constant 1 : i32
    %roll3A_455 = tpu.dynamic_rotate %select_n3A_443 by %roll3A_454 dim 0 : vector<256x128xf32>, i32 -> vector<256x128xf32>
    %select_n3A_456 = arith.select %eq3A_451, %roll3A_453, %roll3A_455 : vector<256x128xi1>, vector<256x128xf32>
    %iota3A_457 = tpu.iota {dimensions = array<i32: 0>} : vector<256x128xi32>
    %and3A_458 = arith.constant 1 : i32
    %and3A_459 = vector.broadcast %and3A_458 : i32 to vector<256x128xi32>
    %and3A_460 = arith.andi %iota3A_457, %and3A_459 : vector<256x128xi32>
    %eq3A_461 = arith.constant 0 : i32
    %eq3A_462 = vector.broadcast %eq3A_461 : i32 to vector<256x128xi32>
    %eq3A_463 = arith.cmpi eq, %and3A_460, %eq3A_462 : vector<256x128xi32>
    %roll3A_464 = arith.constant 255 : i32
    %roll3A_465 = tpu.dynamic_rotate %select_n3A_444 by %roll3A_464 dim 0 : vector<256x128xi32>, i32 -> vector<256x128xi32>
    %roll3A_466 = arith.constant 1 : i32
    %roll3A_467 = tpu.dynamic_rotate %select_n3A_444 by %roll3A_466 dim 0 : vector<256x128xi32>, i32 -> vector<256x128xi32>
    %select_n3A_468 = arith.select %eq3A_463, %roll3A_465, %roll3A_467 : vector<256x128xi1>, vector<256x128xi32>
    %gt3A_469 = arith.cmpf ogt, %select_n3A_443, %select_n3A_456 : vector<256x128xf32>
    %eq3A_470 = arith.cmpf oeq, %select_n3A_443, %select_n3A_456 : vector<256x128xf32>
    %lt3A_471 = arith.cmpi slt, %select_n3A_444, %select_n3A_468 : vector<256x128xi32>
    %and3A_472 = arith.andi %eq3A_470, %lt3A_471 : vector<256x128xi1>
    %or3A_473 = arith.ori %gt3A_469, %and3A_472 : vector<256x128xi1>
    %and3A_474 = arith.constant 1 : i32
    %and3A_475 = vector.broadcast %and3A_474 : i32 to vector<256x128xi32>
    %and3A_476 = arith.andi %add3A_10, %and3A_475 : vector<256x128xi32>
    %eq3A_477 = arith.constant 0 : i32
    %eq3A_478 = vector.broadcast %eq3A_477 : i32 to vector<256x128xi32>
    %eq3A_479 = arith.cmpi eq, %and3A_476, %eq3A_478 : vector<256x128xi32>
    %and3A_480 = arith.constant 16 : i32
    %and3A_481 = vector.broadcast %and3A_480 : i32 to vector<256x128xi32>
    %and3A_482 = arith.andi %add3A_10, %and3A_481 : vector<256x128xi32>
    %eq3A_483 = arith.constant 0 : i32
    %eq3A_484 = vector.broadcast %eq3A_483 : i32 to vector<256x128xi32>
    %eq3A_485 = arith.cmpi eq, %and3A_482, %eq3A_484 : vector<256x128xi32>
    %eq3A_486 = arith.xori %eq3A_479, %eq3A_485 : vector<256x128xi1>
    %eq3A_487 = arith.constant dense<true> : vector<256x128xi1>
    %eq3A_488 = arith.xori %eq3A_486, %eq3A_487 : vector<256x128xi1>
    %eq3A_489 = arith.xori %or3A_473, %eq3A_488 : vector<256x128xi1>
    %eq3A_490 = arith.constant dense<true> : vector<256x128xi1>
    %eq3A_491 = arith.xori %eq3A_489, %eq3A_490 : vector<256x128xi1>
    %select_n3A_492 = arith.select %eq3A_491, %select_n3A_443, %select_n3A_456 : vector<256x128xi1>, vector<256x128xf32>
    %select_n3A_493 = arith.select %eq3A_491, %select_n3A_444, %select_n3A_468 : vector<256x128xi1>, vector<256x128xi32>
    %iota3A_494 = tpu.iota {dimensions = array<i32: 0>} : vector<256x128xi32>
    %and3A_495 = arith.constant 16 : i32
    %and3A_496 = vector.broadcast %and3A_495 : i32 to vector<256x128xi32>
    %and3A_497 = arith.andi %iota3A_494, %and3A_496 : vector<256x128xi32>
    %eq3A_498 = arith.constant 0 : i32
    %eq3A_499 = vector.broadcast %eq3A_498 : i32 to vector<256x128xi32>
    %eq3A_500 = arith.cmpi eq, %and3A_497, %eq3A_499 : vector<256x128xi32>
    %roll3A_501 = arith.constant 240 : i32
    %roll3A_502 = tpu.dynamic_rotate %select_n3A_492 by %roll3A_501 dim 0 : vector<256x128xf32>, i32 -> vector<256x128xf32>
    %roll3A_503 = arith.constant 16 : i32
    %roll3A_504 = tpu.dynamic_rotate %select_n3A_492 by %roll3A_503 dim 0 : vector<256x128xf32>, i32 -> vector<256x128xf32>
    %select_n3A_505 = arith.select %eq3A_500, %roll3A_502, %roll3A_504 : vector<256x128xi1>, vector<256x128xf32>
    %iota3A_506 = tpu.iota {dimensions = array<i32: 0>} : vector<256x128xi32>
    %and3A_507 = arith.constant 16 : i32
    %and3A_508 = vector.broadcast %and3A_507 : i32 to vector<256x128xi32>
    %and3A_509 = arith.andi %iota3A_506, %and3A_508 : vector<256x128xi32>
    %eq3A_510 = arith.constant 0 : i32
    %eq3A_511 = vector.broadcast %eq3A_510 : i32 to vector<256x128xi32>
    %eq3A_512 = arith.cmpi eq, %and3A_509, %eq3A_511 : vector<256x128xi32>
    %roll3A_513 = arith.constant 240 : i32
    %roll3A_514 = tpu.dynamic_rotate %select_n3A_493 by %roll3A_513 dim 0 : vector<256x128xi32>, i32 -> vector<256x128xi32>
    %roll3A_515 = arith.constant 16 : i32
    %roll3A_516 = tpu.dynamic_rotate %select_n3A_493 by %roll3A_515 dim 0 : vector<256x128xi32>, i32 -> vector<256x128xi32>
    %select_n3A_517 = arith.select %eq3A_512, %roll3A_514, %roll3A_516 : vector<256x128xi1>, vector<256x128xi32>
    %gt3A_518 = arith.cmpf ogt, %select_n3A_492, %select_n3A_505 : vector<256x128xf32>
    %eq3A_519 = arith.cmpf oeq, %select_n3A_492, %select_n3A_505 : vector<256x128xf32>
    %lt3A_520 = arith.cmpi slt, %select_n3A_493, %select_n3A_517 : vector<256x128xi32>
    %and3A_521 = arith.andi %eq3A_519, %lt3A_520 : vector<256x128xi1>
    %or3A_522 = arith.ori %gt3A_518, %and3A_521 : vector<256x128xi1>
    %and3A_523 = arith.constant 16 : i32
    %and3A_524 = vector.broadcast %and3A_523 : i32 to vector<256x128xi32>
    %and3A_525 = arith.andi %add3A_10, %and3A_524 : vector<256x128xi32>
    %eq3A_526 = arith.constant 0 : i32
    %eq3A_527 = vector.broadcast %eq3A_526 : i32 to vector<256x128xi32>
    %eq3A_528 = arith.cmpi eq, %and3A_525, %eq3A_527 : vector<256x128xi32>
    %and3A_529 = arith.constant 32 : i32
    %and3A_530 = vector.broadcast %and3A_529 : i32 to vector<256x128xi32>
    %and3A_531 = arith.andi %add3A_10, %and3A_530 : vector<256x128xi32>
    %eq3A_532 = arith.constant 0 : i32
    %eq3A_533 = vector.broadcast %eq3A_532 : i32 to vector<256x128xi32>
    %eq3A_534 = arith.cmpi eq, %and3A_531, %eq3A_533 : vector<256x128xi32>
    %eq3A_535 = arith.xori %eq3A_528, %eq3A_534 : vector<256x128xi1>
    %eq3A_536 = arith.constant dense<true> : vector<256x128xi1>
    %eq3A_537 = arith.xori %eq3A_535, %eq3A_536 : vector<256x128xi1>
    %eq3A_538 = arith.xori %or3A_522, %eq3A_537 : vector<256x128xi1>
    %eq3A_539 = arith.constant dense<true> : vector<256x128xi1>
    %eq3A_540 = arith.xori %eq3A_538, %eq3A_539 : vector<256x128xi1>
    %select_n3A_541 = arith.select %eq3A_540, %select_n3A_492, %select_n3A_505 : vector<256x128xi1>, vector<256x128xf32>
    %select_n3A_542 = arith.select %eq3A_540, %select_n3A_493, %select_n3A_517 : vector<256x128xi1>, vector<256x128xi32>
    %iota3A_543 = tpu.iota {dimensions = array<i32: 0>} : vector<256x128xi32>
    %and3A_544 = arith.constant 8 : i32
    %and3A_545 = vector.broadcast %and3A_544 : i32 to vector<256x128xi32>
    %and3A_546 = arith.andi %iota3A_543, %and3A_545 : vector<256x128xi32>
    %eq3A_547 = arith.constant 0 : i32
    %eq3A_548 = vector.broadcast %eq3A_547 : i32 to vector<256x128xi32>
    %eq3A_549 = arith.cmpi eq, %and3A_546, %eq3A_548 : vector<256x128xi32>
    %roll3A_550 = arith.constant 248 : i32
    %roll3A_551 = tpu.dynamic_rotate %select_n3A_541 by %roll3A_550 dim 0 : vector<256x128xf32>, i32 -> vector<256x128xf32>
    %roll3A_552 = arith.constant 8 : i32
    %roll3A_553 = tpu.dynamic_rotate %select_n3A_541 by %roll3A_552 dim 0 : vector<256x128xf32>, i32 -> vector<256x128xf32>
    %select_n3A_554 = arith.select %eq3A_549, %roll3A_551, %roll3A_553 : vector<256x128xi1>, vector<256x128xf32>
    %iota3A_555 = tpu.iota {dimensions = array<i32: 0>} : vector<256x128xi32>
    %and3A_556 = arith.constant 8 : i32
    %and3A_557 = vector.broadcast %and3A_556 : i32 to vector<256x128xi32>
    %and3A_558 = arith.andi %iota3A_555, %and3A_557 : vector<256x128xi32>
    %eq3A_559 = arith.constant 0 : i32
    %eq3A_560 = vector.broadcast %eq3A_559 : i32 to vector<256x128xi32>
    %eq3A_561 = arith.cmpi eq, %and3A_558, %eq3A_560 : vector<256x128xi32>
    %roll3A_562 = arith.constant 248 : i32
    %roll3A_563 = tpu.dynamic_rotate %select_n3A_542 by %roll3A_562 dim 0 : vector<256x128xi32>, i32 -> vector<256x128xi32>
    %roll3A_564 = arith.constant 8 : i32
    %roll3A_565 = tpu.dynamic_rotate %select_n3A_542 by %roll3A_564 dim 0 : vector<256x128xi32>, i32 -> vector<256x128xi32>
    %select_n3A_566 = arith.select %eq3A_561, %roll3A_563, %roll3A_565 : vector<256x128xi1>, vector<256x128xi32>
    %gt3A_567 = arith.cmpf ogt, %select_n3A_541, %select_n3A_554 : vector<256x128xf32>
    %eq3A_568 = arith.cmpf oeq, %select_n3A_541, %select_n3A_554 : vector<256x128xf32>
    %lt3A_569 = arith.cmpi slt, %select_n3A_542, %select_n3A_566 : vector<256x128xi32>
    %and3A_570 = arith.andi %eq3A_568, %lt3A_569 : vector<256x128xi1>
    %or3A_571 = arith.ori %gt3A_567, %and3A_570 : vector<256x128xi1>
    %and3A_572 = arith.constant 8 : i32
    %and3A_573 = vector.broadcast %and3A_572 : i32 to vector<256x128xi32>
    %and3A_574 = arith.andi %add3A_10, %and3A_573 : vector<256x128xi32>
    %eq3A_575 = arith.constant 0 : i32
    %eq3A_576 = vector.broadcast %eq3A_575 : i32 to vector<256x128xi32>
    %eq3A_577 = arith.cmpi eq, %and3A_574, %eq3A_576 : vector<256x128xi32>
    %and3A_578 = arith.constant 32 : i32
    %and3A_579 = vector.broadcast %and3A_578 : i32 to vector<256x128xi32>
    %and3A_580 = arith.andi %add3A_10, %and3A_579 : vector<256x128xi32>
    %eq3A_581 = arith.constant 0 : i32
    %eq3A_582 = vector.broadcast %eq3A_581 : i32 to vector<256x128xi32>
    %eq3A_583 = arith.cmpi eq, %and3A_580, %eq3A_582 : vector<256x128xi32>
    %eq3A_584 = arith.xori %eq3A_577, %eq3A_583 : vector<256x128xi1>
    %eq3A_585 = arith.constant dense<true> : vector<256x128xi1>
    %eq3A_586 = arith.xori %eq3A_584, %eq3A_585 : vector<256x128xi1>
    %eq3A_587 = arith.xori %or3A_571, %eq3A_586 : vector<256x128xi1>
    %eq3A_588 = arith.constant dense<true> : vector<256x128xi1>
    %eq3A_589 = arith.xori %eq3A_587, %eq3A_588 : vector<256x128xi1>
    %select_n3A_590 = arith.select %eq3A_589, %select_n3A_541, %select_n3A_554 : vector<256x128xi1>, vector<256x128xf32>
    %select_n3A_591 = arith.select %eq3A_589, %select_n3A_542, %select_n3A_566 : vector<256x128xi1>, vector<256x128xi32>
    %iota3A_592 = tpu.iota {dimensions = array<i32: 0>} : vector<256x128xi32>
    %and3A_593 = arith.constant 4 : i32
    %and3A_594 = vector.broadcast %and3A_593 : i32 to vector<256x128xi32>
    %and3A_595 = arith.andi %iota3A_592, %and3A_594 : vector<256x128xi32>
    %eq3A_596 = arith.constant 0 : i32
    %eq3A_597 = vector.broadcast %eq3A_596 : i32 to vector<256x128xi32>
    %eq3A_598 = arith.cmpi eq, %and3A_595, %eq3A_597 : vector<256x128xi32>
    %roll3A_599 = arith.constant 252 : i32
    %roll3A_600 = tpu.dynamic_rotate %select_n3A_590 by %roll3A_599 dim 0 : vector<256x128xf32>, i32 -> vector<256x128xf32>
    %roll3A_601 = arith.constant 4 : i32
    %roll3A_602 = tpu.dynamic_rotate %select_n3A_590 by %roll3A_601 dim 0 : vector<256x128xf32>, i32 -> vector<256x128xf32>
    %select_n3A_603 = arith.select %eq3A_598, %roll3A_600, %roll3A_602 : vector<256x128xi1>, vector<256x128xf32>
    %iota3A_604 = tpu.iota {dimensions = array<i32: 0>} : vector<256x128xi32>
    %and3A_605 = arith.constant 4 : i32
    %and3A_606 = vector.broadcast %and3A_605 : i32 to vector<256x128xi32>
    %and3A_607 = arith.andi %iota3A_604, %and3A_606 : vector<256x128xi32>
    %eq3A_608 = arith.constant 0 : i32
    %eq3A_609 = vector.broadcast %eq3A_608 : i32 to vector<256x128xi32>
    %eq3A_610 = arith.cmpi eq, %and3A_607, %eq3A_609 : vector<256x128xi32>
    %roll3A_611 = arith.constant 252 : i32
    %roll3A_612 = tpu.dynamic_rotate %select_n3A_591 by %roll3A_611 dim 0 : vector<256x128xi32>, i32 -> vector<256x128xi32>
    %roll3A_613 = arith.constant 4 : i32
    %roll3A_614 = tpu.dynamic_rotate %select_n3A_591 by %roll3A_613 dim 0 : vector<256x128xi32>, i32 -> vector<256x128xi32>
    %select_n3A_615 = arith.select %eq3A_610, %roll3A_612, %roll3A_614 : vector<256x128xi1>, vector<256x128xi32>
    %gt3A_616 = arith.cmpf ogt, %select_n3A_590, %select_n3A_603 : vector<256x128xf32>
    %eq3A_617 = arith.cmpf oeq, %select_n3A_590, %select_n3A_603 : vector<256x128xf32>
    %lt3A_618 = arith.cmpi slt, %select_n3A_591, %select_n3A_615 : vector<256x128xi32>
    %and3A_619 = arith.andi %eq3A_617, %lt3A_618 : vector<256x128xi1>
    %or3A_620 = arith.ori %gt3A_616, %and3A_619 : vector<256x128xi1>
    %and3A_621 = arith.constant 4 : i32
    %and3A_622 = vector.broadcast %and3A_621 : i32 to vector<256x128xi32>
    %and3A_623 = arith.andi %add3A_10, %and3A_622 : vector<256x128xi32>
    %eq3A_624 = arith.constant 0 : i32
    %eq3A_625 = vector.broadcast %eq3A_624 : i32 to vector<256x128xi32>
    %eq3A_626 = arith.cmpi eq, %and3A_623, %eq3A_625 : vector<256x128xi32>
    %and3A_627 = arith.constant 32 : i32
    %and3A_628 = vector.broadcast %and3A_627 : i32 to vector<256x128xi32>
    %and3A_629 = arith.andi %add3A_10, %and3A_628 : vector<256x128xi32>
    %eq3A_630 = arith.constant 0 : i32
    %eq3A_631 = vector.broadcast %eq3A_630 : i32 to vector<256x128xi32>
    %eq3A_632 = arith.cmpi eq, %and3A_629, %eq3A_631 : vector<256x128xi32>
    %eq3A_633 = arith.xori %eq3A_626, %eq3A_632 : vector<256x128xi1>
    %eq3A_634 = arith.constant dense<true> : vector<256x128xi1>
    %eq3A_635 = arith.xori %eq3A_633, %eq3A_634 : vector<256x128xi1>
    %eq3A_636 = arith.xori %or3A_620, %eq3A_635 : vector<256x128xi1>
    %eq3A_637 = arith.constant dense<true> : vector<256x128xi1>
    %eq3A_638 = arith.xori %eq3A_636, %eq3A_637 : vector<256x128xi1>
    %select_n3A_639 = arith.select %eq3A_638, %select_n3A_590, %select_n3A_603 : vector<256x128xi1>, vector<256x128xf32>
    %select_n3A_640 = arith.select %eq3A_638, %select_n3A_591, %select_n3A_615 : vector<256x128xi1>, vector<256x128xi32>
    %iota3A_641 = tpu.iota {dimensions = array<i32: 0>} : vector<256x128xi32>
    %and3A_642 = arith.constant 2 : i32
    %and3A_643 = vector.broadcast %and3A_642 : i32 to vector<256x128xi32>
    %and3A_644 = arith.andi %iota3A_641, %and3A_643 : vector<256x128xi32>
    %eq3A_645 = arith.constant 0 : i32
    %eq3A_646 = vector.broadcast %eq3A_645 : i32 to vector<256x128xi32>
    %eq3A_647 = arith.cmpi eq, %and3A_644, %eq3A_646 : vector<256x128xi32>
    %roll3A_648 = arith.constant 254 : i32
    %roll3A_649 = tpu.dynamic_rotate %select_n3A_639 by %roll3A_648 dim 0 : vector<256x128xf32>, i32 -> vector<256x128xf32>
    %roll3A_650 = arith.constant 2 : i32
    %roll3A_651 = tpu.dynamic_rotate %select_n3A_639 by %roll3A_650 dim 0 : vector<256x128xf32>, i32 -> vector<256x128xf32>
    %select_n3A_652 = arith.select %eq3A_647, %roll3A_649, %roll3A_651 : vector<256x128xi1>, vector<256x128xf32>
    %iota3A_653 = tpu.iota {dimensions = array<i32: 0>} : vector<256x128xi32>
    %and3A_654 = arith.constant 2 : i32
    %and3A_655 = vector.broadcast %and3A_654 : i32 to vector<256x128xi32>
    %and3A_656 = arith.andi %iota3A_653, %and3A_655 : vector<256x128xi32>
    %eq3A_657 = arith.constant 0 : i32
    %eq3A_658 = vector.broadcast %eq3A_657 : i32 to vector<256x128xi32>
    %eq3A_659 = arith.cmpi eq, %and3A_656, %eq3A_658 : vector<256x128xi32>
    %roll3A_660 = arith.constant 254 : i32
    %roll3A_661 = tpu.dynamic_rotate %select_n3A_640 by %roll3A_660 dim 0 : vector<256x128xi32>, i32 -> vector<256x128xi32>
    %roll3A_662 = arith.constant 2 : i32
    %roll3A_663 = tpu.dynamic_rotate %select_n3A_640 by %roll3A_662 dim 0 : vector<256x128xi32>, i32 -> vector<256x128xi32>
    %select_n3A_664 = arith.select %eq3A_659, %roll3A_661, %roll3A_663 : vector<256x128xi1>, vector<256x128xi32>
    %gt3A_665 = arith.cmpf ogt, %select_n3A_639, %select_n3A_652 : vector<256x128xf32>
    %eq3A_666 = arith.cmpf oeq, %select_n3A_639, %select_n3A_652 : vector<256x128xf32>
    %lt3A_667 = arith.cmpi slt, %select_n3A_640, %select_n3A_664 : vector<256x128xi32>
    %and3A_668 = arith.andi %eq3A_666, %lt3A_667 : vector<256x128xi1>
    %or3A_669 = arith.ori %gt3A_665, %and3A_668 : vector<256x128xi1>
    %and3A_670 = arith.constant 2 : i32
    %and3A_671 = vector.broadcast %and3A_670 : i32 to vector<256x128xi32>
    %and3A_672 = arith.andi %add3A_10, %and3A_671 : vector<256x128xi32>
    %eq3A_673 = arith.constant 0 : i32
    %eq3A_674 = vector.broadcast %eq3A_673 : i32 to vector<256x128xi32>
    %eq3A_675 = arith.cmpi eq, %and3A_672, %eq3A_674 : vector<256x128xi32>
    %and3A_676 = arith.constant 32 : i32
    %and3A_677 = vector.broadcast %and3A_676 : i32 to vector<256x128xi32>
    %and3A_678 = arith.andi %add3A_10, %and3A_677 : vector<256x128xi32>
    %eq3A_679 = arith.constant 0 : i32
    %eq3A_680 = vector.broadcast %eq3A_679 : i32 to vector<256x128xi32>
    %eq3A_681 = arith.cmpi eq, %and3A_678, %eq3A_680 : vector<256x128xi32>
    %eq3A_682 = arith.xori %eq3A_675, %eq3A_681 : vector<256x128xi1>
    %eq3A_683 = arith.constant dense<true> : vector<256x128xi1>
    %eq3A_684 = arith.xori %eq3A_682, %eq3A_683 : vector<256x128xi1>
    %eq3A_685 = arith.xori %or3A_669, %eq3A_684 : vector<256x128xi1>
    %eq3A_686 = arith.constant dense<true> : vector<256x128xi1>
    %eq3A_687 = arith.xori %eq3A_685, %eq3A_686 : vector<256x128xi1>
    %select_n3A_688 = arith.select %eq3A_687, %select_n3A_639, %select_n3A_652 : vector<256x128xi1>, vector<256x128xf32>
    %select_n3A_689 = arith.select %eq3A_687, %select_n3A_640, %select_n3A_664 : vector<256x128xi1>, vector<256x128xi32>
    %iota3A_690 = tpu.iota {dimensions = array<i32: 0>} : vector<256x128xi32>
    %and3A_691 = arith.constant 1 : i32
    %and3A_692 = vector.broadcast %and3A_691 : i32 to vector<256x128xi32>
    %and3A_693 = arith.andi %iota3A_690, %and3A_692 : vector<256x128xi32>
    %eq3A_694 = arith.constant 0 : i32
    %eq3A_695 = vector.broadcast %eq3A_694 : i32 to vector<256x128xi32>
    %eq3A_696 = arith.cmpi eq, %and3A_693, %eq3A_695 : vector<256x128xi32>
    %roll3A_697 = arith.constant 255 : i32
    %roll3A_698 = tpu.dynamic_rotate %select_n3A_688 by %roll3A_697 dim 0 : vector<256x128xf32>, i32 -> vector<256x128xf32>
    %roll3A_699 = arith.constant 1 : i32
    %roll3A_700 = tpu.dynamic_rotate %select_n3A_688 by %roll3A_699 dim 0 : vector<256x128xf32>, i32 -> vector<256x128xf32>
    %select_n3A_701 = arith.select %eq3A_696, %roll3A_698, %roll3A_700 : vector<256x128xi1>, vector<256x128xf32>
    %iota3A_702 = tpu.iota {dimensions = array<i32: 0>} : vector<256x128xi32>
    %and3A_703 = arith.constant 1 : i32
    %and3A_704 = vector.broadcast %and3A_703 : i32 to vector<256x128xi32>
    %and3A_705 = arith.andi %iota3A_702, %and3A_704 : vector<256x128xi32>
    %eq3A_706 = arith.constant 0 : i32
    %eq3A_707 = vector.broadcast %eq3A_706 : i32 to vector<256x128xi32>
    %eq3A_708 = arith.cmpi eq, %and3A_705, %eq3A_707 : vector<256x128xi32>
    %roll3A_709 = arith.constant 255 : i32
    %roll3A_710 = tpu.dynamic_rotate %select_n3A_689 by %roll3A_709 dim 0 : vector<256x128xi32>, i32 -> vector<256x128xi32>
    %roll3A_711 = arith.constant 1 : i32
    %roll3A_712 = tpu.dynamic_rotate %select_n3A_689 by %roll3A_711 dim 0 : vector<256x128xi32>, i32 -> vector<256x128xi32>
    %select_n3A_713 = arith.select %eq3A_708, %roll3A_710, %roll3A_712 : vector<256x128xi1>, vector<256x128xi32>
    %gt3A_714 = arith.cmpf ogt, %select_n3A_688, %select_n3A_701 : vector<256x128xf32>
    %eq3A_715 = arith.cmpf oeq, %select_n3A_688, %select_n3A_701 : vector<256x128xf32>
    %lt3A_716 = arith.cmpi slt, %select_n3A_689, %select_n3A_713 : vector<256x128xi32>
    %and3A_717 = arith.andi %eq3A_715, %lt3A_716 : vector<256x128xi1>
    %or3A_718 = arith.ori %gt3A_714, %and3A_717 : vector<256x128xi1>
    %and3A_719 = arith.constant 1 : i32
    %and3A_720 = vector.broadcast %and3A_719 : i32 to vector<256x128xi32>
    %and3A_721 = arith.andi %add3A_10, %and3A_720 : vector<256x128xi32>
    %eq3A_722 = arith.constant 0 : i32
    %eq3A_723 = vector.broadcast %eq3A_722 : i32 to vector<256x128xi32>
    %eq3A_724 = arith.cmpi eq, %and3A_721, %eq3A_723 : vector<256x128xi32>
    %and3A_725 = arith.constant 32 : i32
    %and3A_726 = vector.broadcast %and3A_725 : i32 to vector<256x128xi32>
    %and3A_727 = arith.andi %add3A_10, %and3A_726 : vector<256x128xi32>
    %eq3A_728 = arith.constant 0 : i32
    %eq3A_729 = vector.broadcast %eq3A_728 : i32 to vector<256x128xi32>
    %eq3A_730 = arith.cmpi eq, %and3A_727, %eq3A_729 : vector<256x128xi32>
    %eq3A_731 = arith.xori %eq3A_724, %eq3A_730 : vector<256x128xi1>
    %eq3A_732 = arith.constant dense<true> : vector<256x128xi1>
    %eq3A_733 = arith.xori %eq3A_731, %eq3A_732 : vector<256x128xi1>
    %eq3A_734 = arith.xori %or3A_718, %eq3A_733 : vector<256x128xi1>
    %eq3A_735 = arith.constant dense<true> : vector<256x128xi1>
    %eq3A_736 = arith.xori %eq3A_734, %eq3A_735 : vector<256x128xi1>
    %select_n3A_737 = arith.select %eq3A_736, %select_n3A_688, %select_n3A_701 : vector<256x128xi1>, vector<256x128xf32>
    %select_n3A_738 = arith.select %eq3A_736, %select_n3A_689, %select_n3A_713 : vector<256x128xi1>, vector<256x128xi32>
    %iota3A_739 = tpu.iota {dimensions = array<i32: 0>} : vector<256x128xi32>
    %and3A_740 = arith.constant 32 : i32
    %and3A_741 = vector.broadcast %and3A_740 : i32 to vector<256x128xi32>
    %and3A_742 = arith.andi %iota3A_739, %and3A_741 : vector<256x128xi32>
    %eq3A_743 = arith.constant 0 : i32
    %eq3A_744 = vector.broadcast %eq3A_743 : i32 to vector<256x128xi32>
    %eq3A_745 = arith.cmpi eq, %and3A_742, %eq3A_744 : vector<256x128xi32>
    %roll3A_746 = arith.constant 224 : i32
    %roll3A_747 = tpu.dynamic_rotate %select_n3A_737 by %roll3A_746 dim 0 : vector<256x128xf32>, i32 -> vector<256x128xf32>
    %roll3A_748 = arith.constant 32 : i32
    %roll3A_749 = tpu.dynamic_rotate %select_n3A_737 by %roll3A_748 dim 0 : vector<256x128xf32>, i32 -> vector<256x128xf32>
    %select_n3A_750 = arith.select %eq3A_745, %roll3A_747, %roll3A_749 : vector<256x128xi1>, vector<256x128xf32>
    %iota3A_751 = tpu.iota {dimensions = array<i32: 0>} : vector<256x128xi32>
    %and3A_752 = arith.constant 32 : i32
    %and3A_753 = vector.broadcast %and3A_752 : i32 to vector<256x128xi32>
    %and3A_754 = arith.andi %iota3A_751, %and3A_753 : vector<256x128xi32>
    %eq3A_755 = arith.constant 0 : i32
    %eq3A_756 = vector.broadcast %eq3A_755 : i32 to vector<256x128xi32>
    %eq3A_757 = arith.cmpi eq, %and3A_754, %eq3A_756 : vector<256x128xi32>
    %roll3A_758 = arith.constant 224 : i32
    %roll3A_759 = tpu.dynamic_rotate %select_n3A_738 by %roll3A_758 dim 0 : vector<256x128xi32>, i32 -> vector<256x128xi32>
    %roll3A_760 = arith.constant 32 : i32
    %roll3A_761 = tpu.dynamic_rotate %select_n3A_738 by %roll3A_760 dim 0 : vector<256x128xi32>, i32 -> vector<256x128xi32>
    %select_n3A_762 = arith.select %eq3A_757, %roll3A_759, %roll3A_761 : vector<256x128xi1>, vector<256x128xi32>
    %gt3A_763 = arith.cmpf ogt, %select_n3A_737, %select_n3A_750 : vector<256x128xf32>
    %eq3A_764 = arith.cmpf oeq, %select_n3A_737, %select_n3A_750 : vector<256x128xf32>
    %lt3A_765 = arith.cmpi slt, %select_n3A_738, %select_n3A_762 : vector<256x128xi32>
    %and3A_766 = arith.andi %eq3A_764, %lt3A_765 : vector<256x128xi1>
    %or3A_767 = arith.ori %gt3A_763, %and3A_766 : vector<256x128xi1>
    %and3A_768 = arith.constant 32 : i32
    %and3A_769 = vector.broadcast %and3A_768 : i32 to vector<256x128xi32>
    %and3A_770 = arith.andi %add3A_10, %and3A_769 : vector<256x128xi32>
    %eq3A_771 = arith.constant 0 : i32
    %eq3A_772 = vector.broadcast %eq3A_771 : i32 to vector<256x128xi32>
    %eq3A_773 = arith.cmpi eq, %and3A_770, %eq3A_772 : vector<256x128xi32>
    %and3A_774 = arith.constant 64 : i32
    %and3A_775 = vector.broadcast %and3A_774 : i32 to vector<256x128xi32>
    %and3A_776 = arith.andi %add3A_10, %and3A_775 : vector<256x128xi32>
    %eq3A_777 = arith.constant 0 : i32
    %eq3A_778 = vector.broadcast %eq3A_777 : i32 to vector<256x128xi32>
    %eq3A_779 = arith.cmpi eq, %and3A_776, %eq3A_778 : vector<256x128xi32>
    %eq3A_780 = arith.xori %eq3A_773, %eq3A_779 : vector<256x128xi1>
    %eq3A_781 = arith.constant dense<true> : vector<256x128xi1>
    %eq3A_782 = arith.xori %eq3A_780, %eq3A_781 : vector<256x128xi1>
    %eq3A_783 = arith.xori %or3A_767, %eq3A_782 : vector<256x128xi1>
    %eq3A_784 = arith.constant dense<true> : vector<256x128xi1>
    %eq3A_785 = arith.xori %eq3A_783, %eq3A_784 : vector<256x128xi1>
    %select_n3A_786 = arith.select %eq3A_785, %select_n3A_737, %select_n3A_750 : vector<256x128xi1>, vector<256x128xf32>
    %select_n3A_787 = arith.select %eq3A_785, %select_n3A_738, %select_n3A_762 : vector<256x128xi1>, vector<256x128xi32>
    %iota3A_788 = tpu.iota {dimensions = array<i32: 0>} : vector<256x128xi32>
    %and3A_789 = arith.constant 16 : i32
    %and3A_790 = vector.broadcast %and3A_789 : i32 to vector<256x128xi32>
    %and3A_791 = arith.andi %iota3A_788, %and3A_790 : vector<256x128xi32>
    %eq3A_792 = arith.constant 0 : i32
    %eq3A_793 = vector.broadcast %eq3A_792 : i32 to vector<256x128xi32>
    %eq3A_794 = arith.cmpi eq, %and3A_791, %eq3A_793 : vector<256x128xi32>
    %roll3A_795 = arith.constant 240 : i32
    %roll3A_796 = tpu.dynamic_rotate %select_n3A_786 by %roll3A_795 dim 0 : vector<256x128xf32>, i32 -> vector<256x128xf32>
    %roll3A_797 = arith.constant 16 : i32
    %roll3A_798 = tpu.dynamic_rotate %select_n3A_786 by %roll3A_797 dim 0 : vector<256x128xf32>, i32 -> vector<256x128xf32>
    %select_n3A_799 = arith.select %eq3A_794, %roll3A_796, %roll3A_798 : vector<256x128xi1>, vector<256x128xf32>
    %iota3A_800 = tpu.iota {dimensions = array<i32: 0>} : vector<256x128xi32>
    %and3A_801 = arith.constant 16 : i32
    %and3A_802 = vector.broadcast %and3A_801 : i32 to vector<256x128xi32>
    %and3A_803 = arith.andi %iota3A_800, %and3A_802 : vector<256x128xi32>
    %eq3A_804 = arith.constant 0 : i32
    %eq3A_805 = vector.broadcast %eq3A_804 : i32 to vector<256x128xi32>
    %eq3A_806 = arith.cmpi eq, %and3A_803, %eq3A_805 : vector<256x128xi32>
    %roll3A_807 = arith.constant 240 : i32
    %roll3A_808 = tpu.dynamic_rotate %select_n3A_787 by %roll3A_807 dim 0 : vector<256x128xi32>, i32 -> vector<256x128xi32>
    %roll3A_809 = arith.constant 16 : i32
    %roll3A_810 = tpu.dynamic_rotate %select_n3A_787 by %roll3A_809 dim 0 : vector<256x128xi32>, i32 -> vector<256x128xi32>
    %select_n3A_811 = arith.select %eq3A_806, %roll3A_808, %roll3A_810 : vector<256x128xi1>, vector<256x128xi32>
    %gt3A_812 = arith.cmpf ogt, %select_n3A_786, %select_n3A_799 : vector<256x128xf32>
    %eq3A_813 = arith.cmpf oeq, %select_n3A_786, %select_n3A_799 : vector<256x128xf32>
    %lt3A_814 = arith.cmpi slt, %select_n3A_787, %select_n3A_811 : vector<256x128xi32>
    %and3A_815 = arith.andi %eq3A_813, %lt3A_814 : vector<256x128xi1>
    %or3A_816 = arith.ori %gt3A_812, %and3A_815 : vector<256x128xi1>
    %and3A_817 = arith.constant 16 : i32
    %and3A_818 = vector.broadcast %and3A_817 : i32 to vector<256x128xi32>
    %and3A_819 = arith.andi %add3A_10, %and3A_818 : vector<256x128xi32>
    %eq3A_820 = arith.constant 0 : i32
    %eq3A_821 = vector.broadcast %eq3A_820 : i32 to vector<256x128xi32>
    %eq3A_822 = arith.cmpi eq, %and3A_819, %eq3A_821 : vector<256x128xi32>
    %and3A_823 = arith.constant 64 : i32
    %and3A_824 = vector.broadcast %and3A_823 : i32 to vector<256x128xi32>
    %and3A_825 = arith.andi %add3A_10, %and3A_824 : vector<256x128xi32>
    %eq3A_826 = arith.constant 0 : i32
    %eq3A_827 = vector.broadcast %eq3A_826 : i32 to vector<256x128xi32>
    %eq3A_828 = arith.cmpi eq, %and3A_825, %eq3A_827 : vector<256x128xi32>
    %eq3A_829 = arith.xori %eq3A_822, %eq3A_828 : vector<256x128xi1>
    %eq3A_830 = arith.constant dense<true> : vector<256x128xi1>
    %eq3A_831 = arith.xori %eq3A_829, %eq3A_830 : vector<256x128xi1>
    %eq3A_832 = arith.xori %or3A_816, %eq3A_831 : vector<256x128xi1>
    %eq3A_833 = arith.constant dense<true> : vector<256x128xi1>
    %eq3A_834 = arith.xori %eq3A_832, %eq3A_833 : vector<256x128xi1>
    %select_n3A_835 = arith.select %eq3A_834, %select_n3A_786, %select_n3A_799 : vector<256x128xi1>, vector<256x128xf32>
    %select_n3A_836 = arith.select %eq3A_834, %select_n3A_787, %select_n3A_811 : vector<256x128xi1>, vector<256x128xi32>
    %iota3A_837 = tpu.iota {dimensions = array<i32: 0>} : vector<256x128xi32>
    %and3A_838 = arith.constant 8 : i32
    %and3A_839 = vector.broadcast %and3A_838 : i32 to vector<256x128xi32>
    %and3A_840 = arith.andi %iota3A_837, %and3A_839 : vector<256x128xi32>
    %eq3A_841 = arith.constant 0 : i32
    %eq3A_842 = vector.broadcast %eq3A_841 : i32 to vector<256x128xi32>
    %eq3A_843 = arith.cmpi eq, %and3A_840, %eq3A_842 : vector<256x128xi32>
    %roll3A_844 = arith.constant 248 : i32
    %roll3A_845 = tpu.dynamic_rotate %select_n3A_835 by %roll3A_844 dim 0 : vector<256x128xf32>, i32 -> vector<256x128xf32>
    %roll3A_846 = arith.constant 8 : i32
    %roll3A_847 = tpu.dynamic_rotate %select_n3A_835 by %roll3A_846 dim 0 : vector<256x128xf32>, i32 -> vector<256x128xf32>
    %select_n3A_848 = arith.select %eq3A_843, %roll3A_845, %roll3A_847 : vector<256x128xi1>, vector<256x128xf32>
    %iota3A_849 = tpu.iota {dimensions = array<i32: 0>} : vector<256x128xi32>
    %and3A_850 = arith.constant 8 : i32
    %and3A_851 = vector.broadcast %and3A_850 : i32 to vector<256x128xi32>
    %and3A_852 = arith.andi %iota3A_849, %and3A_851 : vector<256x128xi32>
    %eq3A_853 = arith.constant 0 : i32
    %eq3A_854 = vector.broadcast %eq3A_853 : i32 to vector<256x128xi32>
    %eq3A_855 = arith.cmpi eq, %and3A_852, %eq3A_854 : vector<256x128xi32>
    %roll3A_856 = arith.constant 248 : i32
    %roll3A_857 = tpu.dynamic_rotate %select_n3A_836 by %roll3A_856 dim 0 : vector<256x128xi32>, i32 -> vector<256x128xi32>
    %roll3A_858 = arith.constant 8 : i32
    %roll3A_859 = tpu.dynamic_rotate %select_n3A_836 by %roll3A_858 dim 0 : vector<256x128xi32>, i32 -> vector<256x128xi32>
    %select_n3A_860 = arith.select %eq3A_855, %roll3A_857, %roll3A_859 : vector<256x128xi1>, vector<256x128xi32>
    %gt3A_861 = arith.cmpf ogt, %select_n3A_835, %select_n3A_848 : vector<256x128xf32>
    %eq3A_862 = arith.cmpf oeq, %select_n3A_835, %select_n3A_848 : vector<256x128xf32>
    %lt3A_863 = arith.cmpi slt, %select_n3A_836, %select_n3A_860 : vector<256x128xi32>
    %and3A_864 = arith.andi %eq3A_862, %lt3A_863 : vector<256x128xi1>
    %or3A_865 = arith.ori %gt3A_861, %and3A_864 : vector<256x128xi1>
    %and3A_866 = arith.constant 8 : i32
    %and3A_867 = vector.broadcast %and3A_866 : i32 to vector<256x128xi32>
    %and3A_868 = arith.andi %add3A_10, %and3A_867 : vector<256x128xi32>
    %eq3A_869 = arith.constant 0 : i32
    %eq3A_870 = vector.broadcast %eq3A_869 : i32 to vector<256x128xi32>
    %eq3A_871 = arith.cmpi eq, %and3A_868, %eq3A_870 : vector<256x128xi32>
    %and3A_872 = arith.constant 64 : i32
    %and3A_873 = vector.broadcast %and3A_872 : i32 to vector<256x128xi32>
    %and3A_874 = arith.andi %add3A_10, %and3A_873 : vector<256x128xi32>
    %eq3A_875 = arith.constant 0 : i32
    %eq3A_876 = vector.broadcast %eq3A_875 : i32 to vector<256x128xi32>
    %eq3A_877 = arith.cmpi eq, %and3A_874, %eq3A_876 : vector<256x128xi32>
    %eq3A_878 = arith.xori %eq3A_871, %eq3A_877 : vector<256x128xi1>
    %eq3A_879 = arith.constant dense<true> : vector<256x128xi1>
    %eq3A_880 = arith.xori %eq3A_878, %eq3A_879 : vector<256x128xi1>
    %eq3A_881 = arith.xori %or3A_865, %eq3A_880 : vector<256x128xi1>
    %eq3A_882 = arith.constant dense<true> : vector<256x128xi1>
    %eq3A_883 = arith.xori %eq3A_881, %eq3A_882 : vector<256x128xi1>
    %select_n3A_884 = arith.select %eq3A_883, %select_n3A_835, %select_n3A_848 : vector<256x128xi1>, vector<256x128xf32>
    %select_n3A_885 = arith.select %eq3A_883, %select_n3A_836, %select_n3A_860 : vector<256x128xi1>, vector<256x128xi32>
    %iota3A_886 = tpu.iota {dimensions = array<i32: 0>} : vector<256x128xi32>
    %and3A_887 = arith.constant 4 : i32
    %and3A_888 = vector.broadcast %and3A_887 : i32 to vector<256x128xi32>
    %and3A_889 = arith.andi %iota3A_886, %and3A_888 : vector<256x128xi32>
    %eq3A_890 = arith.constant 0 : i32
    %eq3A_891 = vector.broadcast %eq3A_890 : i32 to vector<256x128xi32>
    %eq3A_892 = arith.cmpi eq, %and3A_889, %eq3A_891 : vector<256x128xi32>
    %roll3A_893 = arith.constant 252 : i32
    %roll3A_894 = tpu.dynamic_rotate %select_n3A_884 by %roll3A_893 dim 0 : vector<256x128xf32>, i32 -> vector<256x128xf32>
    %roll3A_895 = arith.constant 4 : i32
    %roll3A_896 = tpu.dynamic_rotate %select_n3A_884 by %roll3A_895 dim 0 : vector<256x128xf32>, i32 -> vector<256x128xf32>
    %select_n3A_897 = arith.select %eq3A_892, %roll3A_894, %roll3A_896 : vector<256x128xi1>, vector<256x128xf32>
    %iota3A_898 = tpu.iota {dimensions = array<i32: 0>} : vector<256x128xi32>
    %and3A_899 = arith.constant 4 : i32
    %and3A_900 = vector.broadcast %and3A_899 : i32 to vector<256x128xi32>
    %and3A_901 = arith.andi %iota3A_898, %and3A_900 : vector<256x128xi32>
    %eq3A_902 = arith.constant 0 : i32
    %eq3A_903 = vector.broadcast %eq3A_902 : i32 to vector<256x128xi32>
    %eq3A_904 = arith.cmpi eq, %and3A_901, %eq3A_903 : vector<256x128xi32>
    %roll3A_905 = arith.constant 252 : i32
    %roll3A_906 = tpu.dynamic_rotate %select_n3A_885 by %roll3A_905 dim 0 : vector<256x128xi32>, i32 -> vector<256x128xi32>
    %roll3A_907 = arith.constant 4 : i32
    %roll3A_908 = tpu.dynamic_rotate %select_n3A_885 by %roll3A_907 dim 0 : vector<256x128xi32>, i32 -> vector<256x128xi32>
    %select_n3A_909 = arith.select %eq3A_904, %roll3A_906, %roll3A_908 : vector<256x128xi1>, vector<256x128xi32>
    %gt3A_910 = arith.cmpf ogt, %select_n3A_884, %select_n3A_897 : vector<256x128xf32>
    %eq3A_911 = arith.cmpf oeq, %select_n3A_884, %select_n3A_897 : vector<256x128xf32>
    %lt3A_912 = arith.cmpi slt, %select_n3A_885, %select_n3A_909 : vector<256x128xi32>
    %and3A_913 = arith.andi %eq3A_911, %lt3A_912 : vector<256x128xi1>
    %or3A_914 = arith.ori %gt3A_910, %and3A_913 : vector<256x128xi1>
    %and3A_915 = arith.constant 4 : i32
    %and3A_916 = vector.broadcast %and3A_915 : i32 to vector<256x128xi32>
    %and3A_917 = arith.andi %add3A_10, %and3A_916 : vector<256x128xi32>
    %eq3A_918 = arith.constant 0 : i32
    %eq3A_919 = vector.broadcast %eq3A_918 : i32 to vector<256x128xi32>
    %eq3A_920 = arith.cmpi eq, %and3A_917, %eq3A_919 : vector<256x128xi32>
    %and3A_921 = arith.constant 64 : i32
    %and3A_922 = vector.broadcast %and3A_921 : i32 to vector<256x128xi32>
    %and3A_923 = arith.andi %add3A_10, %and3A_922 : vector<256x128xi32>
    %eq3A_924 = arith.constant 0 : i32
    %eq3A_925 = vector.broadcast %eq3A_924 : i32 to vector<256x128xi32>
    %eq3A_926 = arith.cmpi eq, %and3A_923, %eq3A_925 : vector<256x128xi32>
    %eq3A_927 = arith.xori %eq3A_920, %eq3A_926 : vector<256x128xi1>
    %eq3A_928 = arith.constant dense<true> : vector<256x128xi1>
    %eq3A_929 = arith.xori %eq3A_927, %eq3A_928 : vector<256x128xi1>
    %eq3A_930 = arith.xori %or3A_914, %eq3A_929 : vector<256x128xi1>
    %eq3A_931 = arith.constant dense<true> : vector<256x128xi1>
    %eq3A_932 = arith.xori %eq3A_930, %eq3A_931 : vector<256x128xi1>
    %select_n3A_933 = arith.select %eq3A_932, %select_n3A_884, %select_n3A_897 : vector<256x128xi1>, vector<256x128xf32>
    %select_n3A_934 = arith.select %eq3A_932, %select_n3A_885, %select_n3A_909 : vector<256x128xi1>, vector<256x128xi32>
    %iota3A_935 = tpu.iota {dimensions = array<i32: 0>} : vector<256x128xi32>
    %and3A_936 = arith.constant 2 : i32
    %and3A_937 = vector.broadcast %and3A_936 : i32 to vector<256x128xi32>
    %and3A_938 = arith.andi %iota3A_935, %and3A_937 : vector<256x128xi32>
    %eq3A_939 = arith.constant 0 : i32
    %eq3A_940 = vector.broadcast %eq3A_939 : i32 to vector<256x128xi32>
    %eq3A_941 = arith.cmpi eq, %and3A_938, %eq3A_940 : vector<256x128xi32>
    %roll3A_942 = arith.constant 254 : i32
    %roll3A_943 = tpu.dynamic_rotate %select_n3A_933 by %roll3A_942 dim 0 : vector<256x128xf32>, i32 -> vector<256x128xf32>
    %roll3A_944 = arith.constant 2 : i32
    %roll3A_945 = tpu.dynamic_rotate %select_n3A_933 by %roll3A_944 dim 0 : vector<256x128xf32>, i32 -> vector<256x128xf32>
    %select_n3A_946 = arith.select %eq3A_941, %roll3A_943, %roll3A_945 : vector<256x128xi1>, vector<256x128xf32>
    %iota3A_947 = tpu.iota {dimensions = array<i32: 0>} : vector<256x128xi32>
    %and3A_948 = arith.constant 2 : i32
    %and3A_949 = vector.broadcast %and3A_948 : i32 to vector<256x128xi32>
    %and3A_950 = arith.andi %iota3A_947, %and3A_949 : vector<256x128xi32>
    %eq3A_951 = arith.constant 0 : i32
    %eq3A_952 = vector.broadcast %eq3A_951 : i32 to vector<256x128xi32>
    %eq3A_953 = arith.cmpi eq, %and3A_950, %eq3A_952 : vector<256x128xi32>
    %roll3A_954 = arith.constant 254 : i32
    %roll3A_955 = tpu.dynamic_rotate %select_n3A_934 by %roll3A_954 dim 0 : vector<256x128xi32>, i32 -> vector<256x128xi32>
    %roll3A_956 = arith.constant 2 : i32
    %roll3A_957 = tpu.dynamic_rotate %select_n3A_934 by %roll3A_956 dim 0 : vector<256x128xi32>, i32 -> vector<256x128xi32>
    %select_n3A_958 = arith.select %eq3A_953, %roll3A_955, %roll3A_957 : vector<256x128xi1>, vector<256x128xi32>
    %gt3A_959 = arith.cmpf ogt, %select_n3A_933, %select_n3A_946 : vector<256x128xf32>
    %eq3A_960 = arith.cmpf oeq, %select_n3A_933, %select_n3A_946 : vector<256x128xf32>
    %lt3A_961 = arith.cmpi slt, %select_n3A_934, %select_n3A_958 : vector<256x128xi32>
    %and3A_962 = arith.andi %eq3A_960, %lt3A_961 : vector<256x128xi1>
    %or3A_963 = arith.ori %gt3A_959, %and3A_962 : vector<256x128xi1>
    %and3A_964 = arith.constant 2 : i32
    %and3A_965 = vector.broadcast %and3A_964 : i32 to vector<256x128xi32>
    %and3A_966 = arith.andi %add3A_10, %and3A_965 : vector<256x128xi32>
    %eq3A_967 = arith.constant 0 : i32
    %eq3A_968 = vector.broadcast %eq3A_967 : i32 to vector<256x128xi32>
    %eq3A_969 = arith.cmpi eq, %and3A_966, %eq3A_968 : vector<256x128xi32>
    %and3A_970 = arith.constant 64 : i32
    %and3A_971 = vector.broadcast %and3A_970 : i32 to vector<256x128xi32>
    %and3A_972 = arith.andi %add3A_10, %and3A_971 : vector<256x128xi32>
    %eq3A_973 = arith.constant 0 : i32
    %eq3A_974 = vector.broadcast %eq3A_973 : i32 to vector<256x128xi32>
    %eq3A_975 = arith.cmpi eq, %and3A_972, %eq3A_974 : vector<256x128xi32>
    %eq3A_976 = arith.xori %eq3A_969, %eq3A_975 : vector<256x128xi1>
    %eq3A_977 = arith.constant dense<true> : vector<256x128xi1>
    %eq3A_978 = arith.xori %eq3A_976, %eq3A_977 : vector<256x128xi1>
    %eq3A_979 = arith.xori %or3A_963, %eq3A_978 : vector<256x128xi1>
    %eq3A_980 = arith.constant dense<true> : vector<256x128xi1>
    %eq3A_981 = arith.xori %eq3A_979, %eq3A_980 : vector<256x128xi1>
    %select_n3A_982 = arith.select %eq3A_981, %select_n3A_933, %select_n3A_946 : vector<256x128xi1>, vector<256x128xf32>
    %select_n3A_983 = arith.select %eq3A_981, %select_n3A_934, %select_n3A_958 : vector<256x128xi1>, vector<256x128xi32>
    %iota3A_984 = tpu.iota {dimensions = array<i32: 0>} : vector<256x128xi32>
    %and3A_985 = arith.constant 1 : i32
    %and3A_986 = vector.broadcast %and3A_985 : i32 to vector<256x128xi32>
    %and3A_987 = arith.andi %iota3A_984, %and3A_986 : vector<256x128xi32>
    %eq3A_988 = arith.constant 0 : i32
    %eq3A_989 = vector.broadcast %eq3A_988 : i32 to vector<256x128xi32>
    %eq3A_990 = arith.cmpi eq, %and3A_987, %eq3A_989 : vector<256x128xi32>
    %roll3A_991 = arith.constant 255 : i32
    %roll3A_992 = tpu.dynamic_rotate %select_n3A_982 by %roll3A_991 dim 0 : vector<256x128xf32>, i32 -> vector<256x128xf32>
    %roll3A_993 = arith.constant 1 : i32
    %roll3A_994 = tpu.dynamic_rotate %select_n3A_982 by %roll3A_993 dim 0 : vector<256x128xf32>, i32 -> vector<256x128xf32>
    %select_n3A_995 = arith.select %eq3A_990, %roll3A_992, %roll3A_994 : vector<256x128xi1>, vector<256x128xf32>
    %iota3A_996 = tpu.iota {dimensions = array<i32: 0>} : vector<256x128xi32>
    %and3A_997 = arith.constant 1 : i32
    %and3A_998 = vector.broadcast %and3A_997 : i32 to vector<256x128xi32>
    %and3A_999 = arith.andi %iota3A_996, %and3A_998 : vector<256x128xi32>
    %eq3A_1000 = arith.constant 0 : i32
    %eq3A_1001 = vector.broadcast %eq3A_1000 : i32 to vector<256x128xi32>
    %eq3A_1002 = arith.cmpi eq, %and3A_999, %eq3A_1001 : vector<256x128xi32>
    %roll3A_1003 = arith.constant 255 : i32
    %roll3A_1004 = tpu.dynamic_rotate %select_n3A_983 by %roll3A_1003 dim 0 : vector<256x128xi32>, i32 -> vector<256x128xi32>
    %roll3A_1005 = arith.constant 1 : i32
    %roll3A_1006 = tpu.dynamic_rotate %select_n3A_983 by %roll3A_1005 dim 0 : vector<256x128xi32>, i32 -> vector<256x128xi32>
    %select_n3A_1007 = arith.select %eq3A_1002, %roll3A_1004, %roll3A_1006 : vector<256x128xi1>, vector<256x128xi32>
    %gt3A_1008 = arith.cmpf ogt, %select_n3A_982, %select_n3A_995 : vector<256x128xf32>
    %eq3A_1009 = arith.cmpf oeq, %select_n3A_982, %select_n3A_995 : vector<256x128xf32>
    %lt3A_1010 = arith.cmpi slt, %select_n3A_983, %select_n3A_1007 : vector<256x128xi32>
    %and3A_1011 = arith.andi %eq3A_1009, %lt3A_1010 : vector<256x128xi1>
    %or3A_1012 = arith.ori %gt3A_1008, %and3A_1011 : vector<256x128xi1>
    %and3A_1013 = arith.constant 1 : i32
    %and3A_1014 = vector.broadcast %and3A_1013 : i32 to vector<256x128xi32>
    %and3A_1015 = arith.andi %add3A_10, %and3A_1014 : vector<256x128xi32>
    %eq3A_1016 = arith.constant 0 : i32
    %eq3A_1017 = vector.broadcast %eq3A_1016 : i32 to vector<256x128xi32>
    %eq3A_1018 = arith.cmpi eq, %and3A_1015, %eq3A_1017 : vector<256x128xi32>
    %and3A_1019 = arith.constant 64 : i32
    %and3A_1020 = vector.broadcast %and3A_1019 : i32 to vector<256x128xi32>
    %and3A_1021 = arith.andi %add3A_10, %and3A_1020 : vector<256x128xi32>
    %eq3A_1022 = arith.constant 0 : i32
    %eq3A_1023 = vector.broadcast %eq3A_1022 : i32 to vector<256x128xi32>
    %eq3A_1024 = arith.cmpi eq, %and3A_1021, %eq3A_1023 : vector<256x128xi32>
    %eq3A_1025 = arith.xori %eq3A_1018, %eq3A_1024 : vector<256x128xi1>
    %eq3A_1026 = arith.constant dense<true> : vector<256x128xi1>
    %eq3A_1027 = arith.xori %eq3A_1025, %eq3A_1026 : vector<256x128xi1>
    %eq3A_1028 = arith.xori %or3A_1012, %eq3A_1027 : vector<256x128xi1>
    %eq3A_1029 = arith.constant dense<true> : vector<256x128xi1>
    %eq3A_1030 = arith.xori %eq3A_1028, %eq3A_1029 : vector<256x128xi1>
    %select_n3A_1031 = arith.select %eq3A_1030, %select_n3A_982, %select_n3A_995 : vector<256x128xi1>, vector<256x128xf32>
    %select_n3A_1032 = arith.select %eq3A_1030, %select_n3A_983, %select_n3A_1007 : vector<256x128xi1>, vector<256x128xi32>
    %iota3A_1033 = tpu.iota {dimensions = array<i32: 0>} : vector<256x128xi32>
    %and3A_1034 = arith.constant 64 : i32
    %and3A_1035 = vector.broadcast %and3A_1034 : i32 to vector<256x128xi32>
    %and3A_1036 = arith.andi %iota3A_1033, %and3A_1035 : vector<256x128xi32>
    %eq3A_1037 = arith.constant 0 : i32
    %eq3A_1038 = vector.broadcast %eq3A_1037 : i32 to vector<256x128xi32>
    %eq3A_1039 = arith.cmpi eq, %and3A_1036, %eq3A_1038 : vector<256x128xi32>
    %roll3A_1040 = arith.constant 192 : i32
    %roll3A_1041 = tpu.dynamic_rotate %select_n3A_1031 by %roll3A_1040 dim 0 : vector<256x128xf32>, i32 -> vector<256x128xf32>
    %roll3A_1042 = arith.constant 64 : i32
    %roll3A_1043 = tpu.dynamic_rotate %select_n3A_1031 by %roll3A_1042 dim 0 : vector<256x128xf32>, i32 -> vector<256x128xf32>
    %select_n3A_1044 = arith.select %eq3A_1039, %roll3A_1041, %roll3A_1043 : vector<256x128xi1>, vector<256x128xf32>
    %iota3A_1045 = tpu.iota {dimensions = array<i32: 0>} : vector<256x128xi32>
    %and3A_1046 = arith.constant 64 : i32
    %and3A_1047 = vector.broadcast %and3A_1046 : i32 to vector<256x128xi32>
    %and3A_1048 = arith.andi %iota3A_1045, %and3A_1047 : vector<256x128xi32>
    %eq3A_1049 = arith.constant 0 : i32
    %eq3A_1050 = vector.broadcast %eq3A_1049 : i32 to vector<256x128xi32>
    %eq3A_1051 = arith.cmpi eq, %and3A_1048, %eq3A_1050 : vector<256x128xi32>
    %roll3A_1052 = arith.constant 192 : i32
    %roll3A_1053 = tpu.dynamic_rotate %select_n3A_1032 by %roll3A_1052 dim 0 : vector<256x128xi32>, i32 -> vector<256x128xi32>
    %roll3A_1054 = arith.constant 64 : i32
    %roll3A_1055 = tpu.dynamic_rotate %select_n3A_1032 by %roll3A_1054 dim 0 : vector<256x128xi32>, i32 -> vector<256x128xi32>
    %select_n3A_1056 = arith.select %eq3A_1051, %roll3A_1053, %roll3A_1055 : vector<256x128xi1>, vector<256x128xi32>
    %gt3A_1057 = arith.cmpf ogt, %select_n3A_1031, %select_n3A_1044 : vector<256x128xf32>
    %eq3A_1058 = arith.cmpf oeq, %select_n3A_1031, %select_n3A_1044 : vector<256x128xf32>
    %lt3A_1059 = arith.cmpi slt, %select_n3A_1032, %select_n3A_1056 : vector<256x128xi32>
    %and3A_1060 = arith.andi %eq3A_1058, %lt3A_1059 : vector<256x128xi1>
    %or3A_1061 = arith.ori %gt3A_1057, %and3A_1060 : vector<256x128xi1>
    %and3A_1062 = arith.constant 64 : i32
    %and3A_1063 = vector.broadcast %and3A_1062 : i32 to vector<256x128xi32>
    %and3A_1064 = arith.andi %add3A_10, %and3A_1063 : vector<256x128xi32>
    %eq3A_1065 = arith.constant 0 : i32
    %eq3A_1066 = vector.broadcast %eq3A_1065 : i32 to vector<256x128xi32>
    %eq3A_1067 = arith.cmpi eq, %and3A_1064, %eq3A_1066 : vector<256x128xi32>
    %and3A_1068 = arith.constant 128 : i32
    %and3A_1069 = vector.broadcast %and3A_1068 : i32 to vector<256x128xi32>
    %and3A_1070 = arith.andi %add3A_10, %and3A_1069 : vector<256x128xi32>
    %eq3A_1071 = arith.constant 0 : i32
    %eq3A_1072 = vector.broadcast %eq3A_1071 : i32 to vector<256x128xi32>
    %eq3A_1073 = arith.cmpi eq, %and3A_1070, %eq3A_1072 : vector<256x128xi32>
    %eq3A_1074 = arith.xori %eq3A_1067, %eq3A_1073 : vector<256x128xi1>
    %eq3A_1075 = arith.constant dense<true> : vector<256x128xi1>
    %eq3A_1076 = arith.xori %eq3A_1074, %eq3A_1075 : vector<256x128xi1>
    %eq3A_1077 = arith.xori %or3A_1061, %eq3A_1076 : vector<256x128xi1>
    %eq3A_1078 = arith.constant dense<true> : vector<256x128xi1>
    %eq3A_1079 = arith.xori %eq3A_1077, %eq3A_1078 : vector<256x128xi1>
    %select_n3A_1080 = arith.select %eq3A_1079, %select_n3A_1031, %select_n3A_1044 : vector<256x128xi1>, vector<256x128xf32>
    %select_n3A_1081 = arith.select %eq3A_1079, %select_n3A_1032, %select_n3A_1056 : vector<256x128xi1>, vector<256x128xi32>
    %iota3A_1082 = tpu.iota {dimensions = array<i32: 0>} : vector<256x128xi32>
    %and3A_1083 = arith.constant 32 : i32
    %and3A_1084 = vector.broadcast %and3A_1083 : i32 to vector<256x128xi32>
    %and3A_1085 = arith.andi %iota3A_1082, %and3A_1084 : vector<256x128xi32>
    %eq3A_1086 = arith.constant 0 : i32
    %eq3A_1087 = vector.broadcast %eq3A_1086 : i32 to vector<256x128xi32>
    %eq3A_1088 = arith.cmpi eq, %and3A_1085, %eq3A_1087 : vector<256x128xi32>
    %roll3A_1089 = arith.constant 224 : i32
    %roll3A_1090 = tpu.dynamic_rotate %select_n3A_1080 by %roll3A_1089 dim 0 : vector<256x128xf32>, i32 -> vector<256x128xf32>
    %roll3A_1091 = arith.constant 32 : i32
    %roll3A_1092 = tpu.dynamic_rotate %select_n3A_1080 by %roll3A_1091 dim 0 : vector<256x128xf32>, i32 -> vector<256x128xf32>
    %select_n3A_1093 = arith.select %eq3A_1088, %roll3A_1090, %roll3A_1092 : vector<256x128xi1>, vector<256x128xf32>
    %iota3A_1094 = tpu.iota {dimensions = array<i32: 0>} : vector<256x128xi32>
    %and3A_1095 = arith.constant 32 : i32
    %and3A_1096 = vector.broadcast %and3A_1095 : i32 to vector<256x128xi32>
    %and3A_1097 = arith.andi %iota3A_1094, %and3A_1096 : vector<256x128xi32>
    %eq3A_1098 = arith.constant 0 : i32
    %eq3A_1099 = vector.broadcast %eq3A_1098 : i32 to vector<256x128xi32>
    %eq3A_1100 = arith.cmpi eq, %and3A_1097, %eq3A_1099 : vector<256x128xi32>
    %roll3A_1101 = arith.constant 224 : i32
    %roll3A_1102 = tpu.dynamic_rotate %select_n3A_1081 by %roll3A_1101 dim 0 : vector<256x128xi32>, i32 -> vector<256x128xi32>
    %roll3A_1103 = arith.constant 32 : i32
    %roll3A_1104 = tpu.dynamic_rotate %select_n3A_1081 by %roll3A_1103 dim 0 : vector<256x128xi32>, i32 -> vector<256x128xi32>
    %select_n3A_1105 = arith.select %eq3A_1100, %roll3A_1102, %roll3A_1104 : vector<256x128xi1>, vector<256x128xi32>
    %gt3A_1106 = arith.cmpf ogt, %select_n3A_1080, %select_n3A_1093 : vector<256x128xf32>
    %eq3A_1107 = arith.cmpf oeq, %select_n3A_1080, %select_n3A_1093 : vector<256x128xf32>
    %lt3A_1108 = arith.cmpi slt, %select_n3A_1081, %select_n3A_1105 : vector<256x128xi32>
    %and3A_1109 = arith.andi %eq3A_1107, %lt3A_1108 : vector<256x128xi1>
    %or3A_1110 = arith.ori %gt3A_1106, %and3A_1109 : vector<256x128xi1>
    %and3A_1111 = arith.constant 32 : i32
    %and3A_1112 = vector.broadcast %and3A_1111 : i32 to vector<256x128xi32>
    %and3A_1113 = arith.andi %add3A_10, %and3A_1112 : vector<256x128xi32>
    %eq3A_1114 = arith.constant 0 : i32
    %eq3A_1115 = vector.broadcast %eq3A_1114 : i32 to vector<256x128xi32>
    %eq3A_1116 = arith.cmpi eq, %and3A_1113, %eq3A_1115 : vector<256x128xi32>
    %and3A_1117 = arith.constant 128 : i32
    %and3A_1118 = vector.broadcast %and3A_1117 : i32 to vector<256x128xi32>
    %and3A_1119 = arith.andi %add3A_10, %and3A_1118 : vector<256x128xi32>
    %eq3A_1120 = arith.constant 0 : i32
    %eq3A_1121 = vector.broadcast %eq3A_1120 : i32 to vector<256x128xi32>
    %eq3A_1122 = arith.cmpi eq, %and3A_1119, %eq3A_1121 : vector<256x128xi32>
    %eq3A_1123 = arith.xori %eq3A_1116, %eq3A_1122 : vector<256x128xi1>
    %eq3A_1124 = arith.constant dense<true> : vector<256x128xi1>
    %eq3A_1125 = arith.xori %eq3A_1123, %eq3A_1124 : vector<256x128xi1>
    %eq3A_1126 = arith.xori %or3A_1110, %eq3A_1125 : vector<256x128xi1>
    %eq3A_1127 = arith.constant dense<true> : vector<256x128xi1>
    %eq3A_1128 = arith.xori %eq3A_1126, %eq3A_1127 : vector<256x128xi1>
    %select_n3A_1129 = arith.select %eq3A_1128, %select_n3A_1080, %select_n3A_1093 : vector<256x128xi1>, vector<256x128xf32>
    %select_n3A_1130 = arith.select %eq3A_1128, %select_n3A_1081, %select_n3A_1105 : vector<256x128xi1>, vector<256x128xi32>
    %iota3A_1131 = tpu.iota {dimensions = array<i32: 0>} : vector<256x128xi32>
    %and3A_1132 = arith.constant 16 : i32
    %and3A_1133 = vector.broadcast %and3A_1132 : i32 to vector<256x128xi32>
    %and3A_1134 = arith.andi %iota3A_1131, %and3A_1133 : vector<256x128xi32>
    %eq3A_1135 = arith.constant 0 : i32
    %eq3A_1136 = vector.broadcast %eq3A_1135 : i32 to vector<256x128xi32>
    %eq3A_1137 = arith.cmpi eq, %and3A_1134, %eq3A_1136 : vector<256x128xi32>
    %roll3A_1138 = arith.constant 240 : i32
    %roll3A_1139 = tpu.dynamic_rotate %select_n3A_1129 by %roll3A_1138 dim 0 : vector<256x128xf32>, i32 -> vector<256x128xf32>
    %roll3A_1140 = arith.constant 16 : i32
    %roll3A_1141 = tpu.dynamic_rotate %select_n3A_1129 by %roll3A_1140 dim 0 : vector<256x128xf32>, i32 -> vector<256x128xf32>
    %select_n3A_1142 = arith.select %eq3A_1137, %roll3A_1139, %roll3A_1141 : vector<256x128xi1>, vector<256x128xf32>
    %iota3A_1143 = tpu.iota {dimensions = array<i32: 0>} : vector<256x128xi32>
    %and3A_1144 = arith.constant 16 : i32
    %and3A_1145 = vector.broadcast %and3A_1144 : i32 to vector<256x128xi32>
    %and3A_1146 = arith.andi %iota3A_1143, %and3A_1145 : vector<256x128xi32>
    %eq3A_1147 = arith.constant 0 : i32
    %eq3A_1148 = vector.broadcast %eq3A_1147 : i32 to vector<256x128xi32>
    %eq3A_1149 = arith.cmpi eq, %and3A_1146, %eq3A_1148 : vector<256x128xi32>
    %roll3A_1150 = arith.constant 240 : i32
    %roll3A_1151 = tpu.dynamic_rotate %select_n3A_1130 by %roll3A_1150 dim 0 : vector<256x128xi32>, i32 -> vector<256x128xi32>
    %roll3A_1152 = arith.constant 16 : i32
    %roll3A_1153 = tpu.dynamic_rotate %select_n3A_1130 by %roll3A_1152 dim 0 : vector<256x128xi32>, i32 -> vector<256x128xi32>
    %select_n3A_1154 = arith.select %eq3A_1149, %roll3A_1151, %roll3A_1153 : vector<256x128xi1>, vector<256x128xi32>
    %gt3A_1155 = arith.cmpf ogt, %select_n3A_1129, %select_n3A_1142 : vector<256x128xf32>
    %eq3A_1156 = arith.cmpf oeq, %select_n3A_1129, %select_n3A_1142 : vector<256x128xf32>
    %lt3A_1157 = arith.cmpi slt, %select_n3A_1130, %select_n3A_1154 : vector<256x128xi32>
    %and3A_1158 = arith.andi %eq3A_1156, %lt3A_1157 : vector<256x128xi1>
    %or3A_1159 = arith.ori %gt3A_1155, %and3A_1158 : vector<256x128xi1>
    %and3A_1160 = arith.constant 16 : i32
    %and3A_1161 = vector.broadcast %and3A_1160 : i32 to vector<256x128xi32>
    %and3A_1162 = arith.andi %add3A_10, %and3A_1161 : vector<256x128xi32>
    %eq3A_1163 = arith.constant 0 : i32
    %eq3A_1164 = vector.broadcast %eq3A_1163 : i32 to vector<256x128xi32>
    %eq3A_1165 = arith.cmpi eq, %and3A_1162, %eq3A_1164 : vector<256x128xi32>
    %and3A_1166 = arith.constant 128 : i32
    %and3A_1167 = vector.broadcast %and3A_1166 : i32 to vector<256x128xi32>
    %and3A_1168 = arith.andi %add3A_10, %and3A_1167 : vector<256x128xi32>
    %eq3A_1169 = arith.constant 0 : i32
    %eq3A_1170 = vector.broadcast %eq3A_1169 : i32 to vector<256x128xi32>
    %eq3A_1171 = arith.cmpi eq, %and3A_1168, %eq3A_1170 : vector<256x128xi32>
    %eq3A_1172 = arith.xori %eq3A_1165, %eq3A_1171 : vector<256x128xi1>
    %eq3A_1173 = arith.constant dense<true> : vector<256x128xi1>
    %eq3A_1174 = arith.xori %eq3A_1172, %eq3A_1173 : vector<256x128xi1>
    %eq3A_1175 = arith.xori %or3A_1159, %eq3A_1174 : vector<256x128xi1>
    %eq3A_1176 = arith.constant dense<true> : vector<256x128xi1>
    %eq3A_1177 = arith.xori %eq3A_1175, %eq3A_1176 : vector<256x128xi1>
    %select_n3A_1178 = arith.select %eq3A_1177, %select_n3A_1129, %select_n3A_1142 : vector<256x128xi1>, vector<256x128xf32>
    %select_n3A_1179 = arith.select %eq3A_1177, %select_n3A_1130, %select_n3A_1154 : vector<256x128xi1>, vector<256x128xi32>
    %iota3A_1180 = tpu.iota {dimensions = array<i32: 0>} : vector<256x128xi32>
    %and3A_1181 = arith.constant 8 : i32
    %and3A_1182 = vector.broadcast %and3A_1181 : i32 to vector<256x128xi32>
    %and3A_1183 = arith.andi %iota3A_1180, %and3A_1182 : vector<256x128xi32>
    %eq3A_1184 = arith.constant 0 : i32
    %eq3A_1185 = vector.broadcast %eq3A_1184 : i32 to vector<256x128xi32>
    %eq3A_1186 = arith.cmpi eq, %and3A_1183, %eq3A_1185 : vector<256x128xi32>
    %roll3A_1187 = arith.constant 248 : i32
    %roll3A_1188 = tpu.dynamic_rotate %select_n3A_1178 by %roll3A_1187 dim 0 : vector<256x128xf32>, i32 -> vector<256x128xf32>
    %roll3A_1189 = arith.constant 8 : i32
    %roll3A_1190 = tpu.dynamic_rotate %select_n3A_1178 by %roll3A_1189 dim 0 : vector<256x128xf32>, i32 -> vector<256x128xf32>
    %select_n3A_1191 = arith.select %eq3A_1186, %roll3A_1188, %roll3A_1190 : vector<256x128xi1>, vector<256x128xf32>
    %iota3A_1192 = tpu.iota {dimensions = array<i32: 0>} : vector<256x128xi32>
    %and3A_1193 = arith.constant 8 : i32
    %and3A_1194 = vector.broadcast %and3A_1193 : i32 to vector<256x128xi32>
    %and3A_1195 = arith.andi %iota3A_1192, %and3A_1194 : vector<256x128xi32>
    %eq3A_1196 = arith.constant 0 : i32
    %eq3A_1197 = vector.broadcast %eq3A_1196 : i32 to vector<256x128xi32>
    %eq3A_1198 = arith.cmpi eq, %and3A_1195, %eq3A_1197 : vector<256x128xi32>
    %roll3A_1199 = arith.constant 248 : i32
    %roll3A_1200 = tpu.dynamic_rotate %select_n3A_1179 by %roll3A_1199 dim 0 : vector<256x128xi32>, i32 -> vector<256x128xi32>
    %roll3A_1201 = arith.constant 8 : i32
    %roll3A_1202 = tpu.dynamic_rotate %select_n3A_1179 by %roll3A_1201 dim 0 : vector<256x128xi32>, i32 -> vector<256x128xi32>
    %select_n3A_1203 = arith.select %eq3A_1198, %roll3A_1200, %roll3A_1202 : vector<256x128xi1>, vector<256x128xi32>
    %gt3A_1204 = arith.cmpf ogt, %select_n3A_1178, %select_n3A_1191 : vector<256x128xf32>
    %eq3A_1205 = arith.cmpf oeq, %select_n3A_1178, %select_n3A_1191 : vector<256x128xf32>
    %lt3A_1206 = arith.cmpi slt, %select_n3A_1179, %select_n3A_1203 : vector<256x128xi32>
    %and3A_1207 = arith.andi %eq3A_1205, %lt3A_1206 : vector<256x128xi1>
    %or3A_1208 = arith.ori %gt3A_1204, %and3A_1207 : vector<256x128xi1>
    %and3A_1209 = arith.constant 8 : i32
    %and3A_1210 = vector.broadcast %and3A_1209 : i32 to vector<256x128xi32>
    %and3A_1211 = arith.andi %add3A_10, %and3A_1210 : vector<256x128xi32>
    %eq3A_1212 = arith.constant 0 : i32
    %eq3A_1213 = vector.broadcast %eq3A_1212 : i32 to vector<256x128xi32>
    %eq3A_1214 = arith.cmpi eq, %and3A_1211, %eq3A_1213 : vector<256x128xi32>
    %and3A_1215 = arith.constant 128 : i32
    %and3A_1216 = vector.broadcast %and3A_1215 : i32 to vector<256x128xi32>
    %and3A_1217 = arith.andi %add3A_10, %and3A_1216 : vector<256x128xi32>
    %eq3A_1218 = arith.constant 0 : i32
    %eq3A_1219 = vector.broadcast %eq3A_1218 : i32 to vector<256x128xi32>
    %eq3A_1220 = arith.cmpi eq, %and3A_1217, %eq3A_1219 : vector<256x128xi32>
    %eq3A_1221 = arith.xori %eq3A_1214, %eq3A_1220 : vector<256x128xi1>
    %eq3A_1222 = arith.constant dense<true> : vector<256x128xi1>
    %eq3A_1223 = arith.xori %eq3A_1221, %eq3A_1222 : vector<256x128xi1>
    %eq3A_1224 = arith.xori %or3A_1208, %eq3A_1223 : vector<256x128xi1>
    %eq3A_1225 = arith.constant dense<true> : vector<256x128xi1>
    %eq3A_1226 = arith.xori %eq3A_1224, %eq3A_1225 : vector<256x128xi1>
    %select_n3A_1227 = arith.select %eq3A_1226, %select_n3A_1178, %select_n3A_1191 : vector<256x128xi1>, vector<256x128xf32>
    %select_n3A_1228 = arith.select %eq3A_1226, %select_n3A_1179, %select_n3A_1203 : vector<256x128xi1>, vector<256x128xi32>
    %iota3A_1229 = tpu.iota {dimensions = array<i32: 0>} : vector<256x128xi32>
    %and3A_1230 = arith.constant 4 : i32
    %and3A_1231 = vector.broadcast %and3A_1230 : i32 to vector<256x128xi32>
    %and3A_1232 = arith.andi %iota3A_1229, %and3A_1231 : vector<256x128xi32>
    %eq3A_1233 = arith.constant 0 : i32
    %eq3A_1234 = vector.broadcast %eq3A_1233 : i32 to vector<256x128xi32>
    %eq3A_1235 = arith.cmpi eq, %and3A_1232, %eq3A_1234 : vector<256x128xi32>
    %roll3A_1236 = arith.constant 252 : i32
    %roll3A_1237 = tpu.dynamic_rotate %select_n3A_1227 by %roll3A_1236 dim 0 : vector<256x128xf32>, i32 -> vector<256x128xf32>
    %roll3A_1238 = arith.constant 4 : i32
    %roll3A_1239 = tpu.dynamic_rotate %select_n3A_1227 by %roll3A_1238 dim 0 : vector<256x128xf32>, i32 -> vector<256x128xf32>
    %select_n3A_1240 = arith.select %eq3A_1235, %roll3A_1237, %roll3A_1239 : vector<256x128xi1>, vector<256x128xf32>
    %iota3A_1241 = tpu.iota {dimensions = array<i32: 0>} : vector<256x128xi32>
    %and3A_1242 = arith.constant 4 : i32
    %and3A_1243 = vector.broadcast %and3A_1242 : i32 to vector<256x128xi32>
    %and3A_1244 = arith.andi %iota3A_1241, %and3A_1243 : vector<256x128xi32>
    %eq3A_1245 = arith.constant 0 : i32
    %eq3A_1246 = vector.broadcast %eq3A_1245 : i32 to vector<256x128xi32>
    %eq3A_1247 = arith.cmpi eq, %and3A_1244, %eq3A_1246 : vector<256x128xi32>
    %roll3A_1248 = arith.constant 252 : i32
    %roll3A_1249 = tpu.dynamic_rotate %select_n3A_1228 by %roll3A_1248 dim 0 : vector<256x128xi32>, i32 -> vector<256x128xi32>
    %roll3A_1250 = arith.constant 4 : i32
    %roll3A_1251 = tpu.dynamic_rotate %select_n3A_1228 by %roll3A_1250 dim 0 : vector<256x128xi32>, i32 -> vector<256x128xi32>
    %select_n3A_1252 = arith.select %eq3A_1247, %roll3A_1249, %roll3A_1251 : vector<256x128xi1>, vector<256x128xi32>
    %gt3A_1253 = arith.cmpf ogt, %select_n3A_1227, %select_n3A_1240 : vector<256x128xf32>
    %eq3A_1254 = arith.cmpf oeq, %select_n3A_1227, %select_n3A_1240 : vector<256x128xf32>
    %lt3A_1255 = arith.cmpi slt, %select_n3A_1228, %select_n3A_1252 : vector<256x128xi32>
    %and3A_1256 = arith.andi %eq3A_1254, %lt3A_1255 : vector<256x128xi1>
    %or3A_1257 = arith.ori %gt3A_1253, %and3A_1256 : vector<256x128xi1>
    %and3A_1258 = arith.constant 4 : i32
    %and3A_1259 = vector.broadcast %and3A_1258 : i32 to vector<256x128xi32>
    %and3A_1260 = arith.andi %add3A_10, %and3A_1259 : vector<256x128xi32>
    %eq3A_1261 = arith.constant 0 : i32
    %eq3A_1262 = vector.broadcast %eq3A_1261 : i32 to vector<256x128xi32>
    %eq3A_1263 = arith.cmpi eq, %and3A_1260, %eq3A_1262 : vector<256x128xi32>
    %and3A_1264 = arith.constant 128 : i32
    %and3A_1265 = vector.broadcast %and3A_1264 : i32 to vector<256x128xi32>
    %and3A_1266 = arith.andi %add3A_10, %and3A_1265 : vector<256x128xi32>
    %eq3A_1267 = arith.constant 0 : i32
    %eq3A_1268 = vector.broadcast %eq3A_1267 : i32 to vector<256x128xi32>
    %eq3A_1269 = arith.cmpi eq, %and3A_1266, %eq3A_1268 : vector<256x128xi32>
    %eq3A_1270 = arith.xori %eq3A_1263, %eq3A_1269 : vector<256x128xi1>
    %eq3A_1271 = arith.constant dense<true> : vector<256x128xi1>
    %eq3A_1272 = arith.xori %eq3A_1270, %eq3A_1271 : vector<256x128xi1>
    %eq3A_1273 = arith.xori %or3A_1257, %eq3A_1272 : vector<256x128xi1>
    %eq3A_1274 = arith.constant dense<true> : vector<256x128xi1>
    %eq3A_1275 = arith.xori %eq3A_1273, %eq3A_1274 : vector<256x128xi1>
    %select_n3A_1276 = arith.select %eq3A_1275, %select_n3A_1227, %select_n3A_1240 : vector<256x128xi1>, vector<256x128xf32>
    %select_n3A_1277 = arith.select %eq3A_1275, %select_n3A_1228, %select_n3A_1252 : vector<256x128xi1>, vector<256x128xi32>
    %iota3A_1278 = tpu.iota {dimensions = array<i32: 0>} : vector<256x128xi32>
    %and3A_1279 = arith.constant 2 : i32
    %and3A_1280 = vector.broadcast %and3A_1279 : i32 to vector<256x128xi32>
    %and3A_1281 = arith.andi %iota3A_1278, %and3A_1280 : vector<256x128xi32>
    %eq3A_1282 = arith.constant 0 : i32
    %eq3A_1283 = vector.broadcast %eq3A_1282 : i32 to vector<256x128xi32>
    %eq3A_1284 = arith.cmpi eq, %and3A_1281, %eq3A_1283 : vector<256x128xi32>
    %roll3A_1285 = arith.constant 254 : i32
    %roll3A_1286 = tpu.dynamic_rotate %select_n3A_1276 by %roll3A_1285 dim 0 : vector<256x128xf32>, i32 -> vector<256x128xf32>
    %roll3A_1287 = arith.constant 2 : i32
    %roll3A_1288 = tpu.dynamic_rotate %select_n3A_1276 by %roll3A_1287 dim 0 : vector<256x128xf32>, i32 -> vector<256x128xf32>
    %select_n3A_1289 = arith.select %eq3A_1284, %roll3A_1286, %roll3A_1288 : vector<256x128xi1>, vector<256x128xf32>
    %iota3A_1290 = tpu.iota {dimensions = array<i32: 0>} : vector<256x128xi32>
    %and3A_1291 = arith.constant 2 : i32
    %and3A_1292 = vector.broadcast %and3A_1291 : i32 to vector<256x128xi32>
    %and3A_1293 = arith.andi %iota3A_1290, %and3A_1292 : vector<256x128xi32>
    %eq3A_1294 = arith.constant 0 : i32
    %eq3A_1295 = vector.broadcast %eq3A_1294 : i32 to vector<256x128xi32>
    %eq3A_1296 = arith.cmpi eq, %and3A_1293, %eq3A_1295 : vector<256x128xi32>
    %roll3A_1297 = arith.constant 254 : i32
    %roll3A_1298 = tpu.dynamic_rotate %select_n3A_1277 by %roll3A_1297 dim 0 : vector<256x128xi32>, i32 -> vector<256x128xi32>
    %roll3A_1299 = arith.constant 2 : i32
    %roll3A_1300 = tpu.dynamic_rotate %select_n3A_1277 by %roll3A_1299 dim 0 : vector<256x128xi32>, i32 -> vector<256x128xi32>
    %select_n3A_1301 = arith.select %eq3A_1296, %roll3A_1298, %roll3A_1300 : vector<256x128xi1>, vector<256x128xi32>
    %gt3A_1302 = arith.cmpf ogt, %select_n3A_1276, %select_n3A_1289 : vector<256x128xf32>
    %eq3A_1303 = arith.cmpf oeq, %select_n3A_1276, %select_n3A_1289 : vector<256x128xf32>
    %lt3A_1304 = arith.cmpi slt, %select_n3A_1277, %select_n3A_1301 : vector<256x128xi32>
    %and3A_1305 = arith.andi %eq3A_1303, %lt3A_1304 : vector<256x128xi1>
    %or3A_1306 = arith.ori %gt3A_1302, %and3A_1305 : vector<256x128xi1>
    %and3A_1307 = arith.constant 2 : i32
    %and3A_1308 = vector.broadcast %and3A_1307 : i32 to vector<256x128xi32>
    %and3A_1309 = arith.andi %add3A_10, %and3A_1308 : vector<256x128xi32>
    %eq3A_1310 = arith.constant 0 : i32
    %eq3A_1311 = vector.broadcast %eq3A_1310 : i32 to vector<256x128xi32>
    %eq3A_1312 = arith.cmpi eq, %and3A_1309, %eq3A_1311 : vector<256x128xi32>
    %and3A_1313 = arith.constant 128 : i32
    %and3A_1314 = vector.broadcast %and3A_1313 : i32 to vector<256x128xi32>
    %and3A_1315 = arith.andi %add3A_10, %and3A_1314 : vector<256x128xi32>
    %eq3A_1316 = arith.constant 0 : i32
    %eq3A_1317 = vector.broadcast %eq3A_1316 : i32 to vector<256x128xi32>
    %eq3A_1318 = arith.cmpi eq, %and3A_1315, %eq3A_1317 : vector<256x128xi32>
    %eq3A_1319 = arith.xori %eq3A_1312, %eq3A_1318 : vector<256x128xi1>
    %eq3A_1320 = arith.constant dense<true> : vector<256x128xi1>
    %eq3A_1321 = arith.xori %eq3A_1319, %eq3A_1320 : vector<256x128xi1>
    %eq3A_1322 = arith.xori %or3A_1306, %eq3A_1321 : vector<256x128xi1>
    %eq3A_1323 = arith.constant dense<true> : vector<256x128xi1>
    %eq3A_1324 = arith.xori %eq3A_1322, %eq3A_1323 : vector<256x128xi1>
    %select_n3A_1325 = arith.select %eq3A_1324, %select_n3A_1276, %select_n3A_1289 : vector<256x128xi1>, vector<256x128xf32>
    %select_n3A_1326 = arith.select %eq3A_1324, %select_n3A_1277, %select_n3A_1301 : vector<256x128xi1>, vector<256x128xi32>
    %iota3A_1327 = tpu.iota {dimensions = array<i32: 0>} : vector<256x128xi32>
    %and3A_1328 = arith.constant 1 : i32
    %and3A_1329 = vector.broadcast %and3A_1328 : i32 to vector<256x128xi32>
    %and3A_1330 = arith.andi %iota3A_1327, %and3A_1329 : vector<256x128xi32>
    %eq3A_1331 = arith.constant 0 : i32
    %eq3A_1332 = vector.broadcast %eq3A_1331 : i32 to vector<256x128xi32>
    %eq3A_1333 = arith.cmpi eq, %and3A_1330, %eq3A_1332 : vector<256x128xi32>
    %roll3A_1334 = arith.constant 255 : i32
    %roll3A_1335 = tpu.dynamic_rotate %select_n3A_1325 by %roll3A_1334 dim 0 : vector<256x128xf32>, i32 -> vector<256x128xf32>
    %roll3A_1336 = arith.constant 1 : i32
    %roll3A_1337 = tpu.dynamic_rotate %select_n3A_1325 by %roll3A_1336 dim 0 : vector<256x128xf32>, i32 -> vector<256x128xf32>
    %select_n3A_1338 = arith.select %eq3A_1333, %roll3A_1335, %roll3A_1337 : vector<256x128xi1>, vector<256x128xf32>
    %iota3A_1339 = tpu.iota {dimensions = array<i32: 0>} : vector<256x128xi32>
    %and3A_1340 = arith.constant 1 : i32
    %and3A_1341 = vector.broadcast %and3A_1340 : i32 to vector<256x128xi32>
    %and3A_1342 = arith.andi %iota3A_1339, %and3A_1341 : vector<256x128xi32>
    %eq3A_1343 = arith.constant 0 : i32
    %eq3A_1344 = vector.broadcast %eq3A_1343 : i32 to vector<256x128xi32>
    %eq3A_1345 = arith.cmpi eq, %and3A_1342, %eq3A_1344 : vector<256x128xi32>
    %roll3A_1346 = arith.constant 255 : i32
    %roll3A_1347 = tpu.dynamic_rotate %select_n3A_1326 by %roll3A_1346 dim 0 : vector<256x128xi32>, i32 -> vector<256x128xi32>
    %roll3A_1348 = arith.constant 1 : i32
    %roll3A_1349 = tpu.dynamic_rotate %select_n3A_1326 by %roll3A_1348 dim 0 : vector<256x128xi32>, i32 -> vector<256x128xi32>
    %select_n3A_1350 = arith.select %eq3A_1345, %roll3A_1347, %roll3A_1349 : vector<256x128xi1>, vector<256x128xi32>
    %gt3A_1351 = arith.cmpf ogt, %select_n3A_1325, %select_n3A_1338 : vector<256x128xf32>
    %eq3A_1352 = arith.cmpf oeq, %select_n3A_1325, %select_n3A_1338 : vector<256x128xf32>
    %lt3A_1353 = arith.cmpi slt, %select_n3A_1326, %select_n3A_1350 : vector<256x128xi32>
    %and3A_1354 = arith.andi %eq3A_1352, %lt3A_1353 : vector<256x128xi1>
    %or3A_1355 = arith.ori %gt3A_1351, %and3A_1354 : vector<256x128xi1>
    %and3A_1356 = arith.constant 1 : i32
    %and3A_1357 = vector.broadcast %and3A_1356 : i32 to vector<256x128xi32>
    %and3A_1358 = arith.andi %add3A_10, %and3A_1357 : vector<256x128xi32>
    %eq3A_1359 = arith.constant 0 : i32
    %eq3A_1360 = vector.broadcast %eq3A_1359 : i32 to vector<256x128xi32>
    %eq3A_1361 = arith.cmpi eq, %and3A_1358, %eq3A_1360 : vector<256x128xi32>
    %and3A_1362 = arith.constant 128 : i32
    %and3A_1363 = vector.broadcast %and3A_1362 : i32 to vector<256x128xi32>
    %and3A_1364 = arith.andi %add3A_10, %and3A_1363 : vector<256x128xi32>
    %eq3A_1365 = arith.constant 0 : i32
    %eq3A_1366 = vector.broadcast %eq3A_1365 : i32 to vector<256x128xi32>
    %eq3A_1367 = arith.cmpi eq, %and3A_1364, %eq3A_1366 : vector<256x128xi32>
    %eq3A_1368 = arith.xori %eq3A_1361, %eq3A_1367 : vector<256x128xi1>
    %eq3A_1369 = arith.constant dense<true> : vector<256x128xi1>
    %eq3A_1370 = arith.xori %eq3A_1368, %eq3A_1369 : vector<256x128xi1>
    %eq3A_1371 = arith.xori %or3A_1355, %eq3A_1370 : vector<256x128xi1>
    %eq3A_1372 = arith.constant dense<true> : vector<256x128xi1>
    %eq3A_1373 = arith.xori %eq3A_1371, %eq3A_1372 : vector<256x128xi1>
    %select_n3A_1374 = arith.select %eq3A_1373, %select_n3A_1325, %select_n3A_1338 : vector<256x128xi1>, vector<256x128xf32>
    %select_n3A_1375 = arith.select %eq3A_1373, %select_n3A_1326, %select_n3A_1350 : vector<256x128xi1>, vector<256x128xi32>
    %iota3A_1376 = tpu.iota {dimensions = array<i32: 0>} : vector<256x128xi32>
    %and3A_1377 = arith.constant 128 : i32
    %and3A_1378 = vector.broadcast %and3A_1377 : i32 to vector<256x128xi32>
    %and3A_1379 = arith.andi %iota3A_1376, %and3A_1378 : vector<256x128xi32>
    %eq3A_1380 = arith.constant 0 : i32
    %eq3A_1381 = vector.broadcast %eq3A_1380 : i32 to vector<256x128xi32>
    %eq3A_1382 = arith.cmpi eq, %and3A_1379, %eq3A_1381 : vector<256x128xi32>
    %roll3A_1383 = arith.constant 128 : i32
    %roll3A_1384 = tpu.dynamic_rotate %select_n3A_1374 by %roll3A_1383 dim 0 : vector<256x128xf32>, i32 -> vector<256x128xf32>
    %roll3A_1385 = arith.constant 128 : i32
    %roll3A_1386 = tpu.dynamic_rotate %select_n3A_1374 by %roll3A_1385 dim 0 : vector<256x128xf32>, i32 -> vector<256x128xf32>
    %select_n3A_1387 = arith.select %eq3A_1382, %roll3A_1384, %roll3A_1386 : vector<256x128xi1>, vector<256x128xf32>
    %iota3A_1388 = tpu.iota {dimensions = array<i32: 0>} : vector<256x128xi32>
    %and3A_1389 = arith.constant 128 : i32
    %and3A_1390 = vector.broadcast %and3A_1389 : i32 to vector<256x128xi32>
    %and3A_1391 = arith.andi %iota3A_1388, %and3A_1390 : vector<256x128xi32>
    %eq3A_1392 = arith.constant 0 : i32
    %eq3A_1393 = vector.broadcast %eq3A_1392 : i32 to vector<256x128xi32>
    %eq3A_1394 = arith.cmpi eq, %and3A_1391, %eq3A_1393 : vector<256x128xi32>
    %roll3A_1395 = arith.constant 128 : i32
    %roll3A_1396 = tpu.dynamic_rotate %select_n3A_1375 by %roll3A_1395 dim 0 : vector<256x128xi32>, i32 -> vector<256x128xi32>
    %roll3A_1397 = arith.constant 128 : i32
    %roll3A_1398 = tpu.dynamic_rotate %select_n3A_1375 by %roll3A_1397 dim 0 : vector<256x128xi32>, i32 -> vector<256x128xi32>
    %select_n3A_1399 = arith.select %eq3A_1394, %roll3A_1396, %roll3A_1398 : vector<256x128xi1>, vector<256x128xi32>
    %gt3A_1400 = arith.cmpf ogt, %select_n3A_1374, %select_n3A_1387 : vector<256x128xf32>
    %eq3A_1401 = arith.cmpf oeq, %select_n3A_1374, %select_n3A_1387 : vector<256x128xf32>
    %lt3A_1402 = arith.cmpi slt, %select_n3A_1375, %select_n3A_1399 : vector<256x128xi32>
    %and3A_1403 = arith.andi %eq3A_1401, %lt3A_1402 : vector<256x128xi1>
    %or3A_1404 = arith.ori %gt3A_1400, %and3A_1403 : vector<256x128xi1>
    %and3A_1405 = arith.constant 128 : i32
    %and3A_1406 = vector.broadcast %and3A_1405 : i32 to vector<256x128xi32>
    %and3A_1407 = arith.andi %add3A_10, %and3A_1406 : vector<256x128xi32>
    %eq3A_1408 = arith.constant 0 : i32
    %eq3A_1409 = vector.broadcast %eq3A_1408 : i32 to vector<256x128xi32>
    %eq3A_1410 = arith.cmpi eq, %and3A_1407, %eq3A_1409 : vector<256x128xi32>
    %and3A_1411 = arith.constant 256 : i32
    %and3A_1412 = vector.broadcast %and3A_1411 : i32 to vector<256x128xi32>
    %and3A_1413 = arith.andi %add3A_10, %and3A_1412 : vector<256x128xi32>
    %eq3A_1414 = arith.constant 0 : i32
    %eq3A_1415 = vector.broadcast %eq3A_1414 : i32 to vector<256x128xi32>
    %eq3A_1416 = arith.cmpi eq, %and3A_1413, %eq3A_1415 : vector<256x128xi32>
    %eq3A_1417 = arith.xori %eq3A_1410, %eq3A_1416 : vector<256x128xi1>
    %eq3A_1418 = arith.constant dense<true> : vector<256x128xi1>
    %eq3A_1419 = arith.xori %eq3A_1417, %eq3A_1418 : vector<256x128xi1>
    %eq3A_1420 = arith.xori %or3A_1404, %eq3A_1419 : vector<256x128xi1>
    %eq3A_1421 = arith.constant dense<true> : vector<256x128xi1>
    %eq3A_1422 = arith.xori %eq3A_1420, %eq3A_1421 : vector<256x128xi1>
    %select_n3A_1423 = arith.select %eq3A_1422, %select_n3A_1374, %select_n3A_1387 : vector<256x128xi1>, vector<256x128xf32>
    %select_n3A_1424 = arith.select %eq3A_1422, %select_n3A_1375, %select_n3A_1399 : vector<256x128xi1>, vector<256x128xi32>
    %iota3A_1425 = tpu.iota {dimensions = array<i32: 0>} : vector<256x128xi32>
    %and3A_1426 = arith.constant 64 : i32
    %and3A_1427 = vector.broadcast %and3A_1426 : i32 to vector<256x128xi32>
    %and3A_1428 = arith.andi %iota3A_1425, %and3A_1427 : vector<256x128xi32>
    %eq3A_1429 = arith.constant 0 : i32
    %eq3A_1430 = vector.broadcast %eq3A_1429 : i32 to vector<256x128xi32>
    %eq3A_1431 = arith.cmpi eq, %and3A_1428, %eq3A_1430 : vector<256x128xi32>
    %roll3A_1432 = arith.constant 192 : i32
    %roll3A_1433 = tpu.dynamic_rotate %select_n3A_1423 by %roll3A_1432 dim 0 : vector<256x128xf32>, i32 -> vector<256x128xf32>
    %roll3A_1434 = arith.constant 64 : i32
    %roll3A_1435 = tpu.dynamic_rotate %select_n3A_1423 by %roll3A_1434 dim 0 : vector<256x128xf32>, i32 -> vector<256x128xf32>
    %select_n3A_1436 = arith.select %eq3A_1431, %roll3A_1433, %roll3A_1435 : vector<256x128xi1>, vector<256x128xf32>
    %iota3A_1437 = tpu.iota {dimensions = array<i32: 0>} : vector<256x128xi32>
    %and3A_1438 = arith.constant 64 : i32
    %and3A_1439 = vector.broadcast %and3A_1438 : i32 to vector<256x128xi32>
    %and3A_1440 = arith.andi %iota3A_1437, %and3A_1439 : vector<256x128xi32>
    %eq3A_1441 = arith.constant 0 : i32
    %eq3A_1442 = vector.broadcast %eq3A_1441 : i32 to vector<256x128xi32>
    %eq3A_1443 = arith.cmpi eq, %and3A_1440, %eq3A_1442 : vector<256x128xi32>
    %roll3A_1444 = arith.constant 192 : i32
    %roll3A_1445 = tpu.dynamic_rotate %select_n3A_1424 by %roll3A_1444 dim 0 : vector<256x128xi32>, i32 -> vector<256x128xi32>
    %roll3A_1446 = arith.constant 64 : i32
    %roll3A_1447 = tpu.dynamic_rotate %select_n3A_1424 by %roll3A_1446 dim 0 : vector<256x128xi32>, i32 -> vector<256x128xi32>
    %select_n3A_1448 = arith.select %eq3A_1443, %roll3A_1445, %roll3A_1447 : vector<256x128xi1>, vector<256x128xi32>
    %gt3A_1449 = arith.cmpf ogt, %select_n3A_1423, %select_n3A_1436 : vector<256x128xf32>
    %eq3A_1450 = arith.cmpf oeq, %select_n3A_1423, %select_n3A_1436 : vector<256x128xf32>
    %lt3A_1451 = arith.cmpi slt, %select_n3A_1424, %select_n3A_1448 : vector<256x128xi32>
    %and3A_1452 = arith.andi %eq3A_1450, %lt3A_1451 : vector<256x128xi1>
    %or3A_1453 = arith.ori %gt3A_1449, %and3A_1452 : vector<256x128xi1>
    %and3A_1454 = arith.constant 64 : i32
    %and3A_1455 = vector.broadcast %and3A_1454 : i32 to vector<256x128xi32>
    %and3A_1456 = arith.andi %add3A_10, %and3A_1455 : vector<256x128xi32>
    %eq3A_1457 = arith.constant 0 : i32
    %eq3A_1458 = vector.broadcast %eq3A_1457 : i32 to vector<256x128xi32>
    %eq3A_1459 = arith.cmpi eq, %and3A_1456, %eq3A_1458 : vector<256x128xi32>
    %and3A_1460 = arith.constant 256 : i32
    %and3A_1461 = vector.broadcast %and3A_1460 : i32 to vector<256x128xi32>
    %and3A_1462 = arith.andi %add3A_10, %and3A_1461 : vector<256x128xi32>
    %eq3A_1463 = arith.constant 0 : i32
    %eq3A_1464 = vector.broadcast %eq3A_1463 : i32 to vector<256x128xi32>
    %eq3A_1465 = arith.cmpi eq, %and3A_1462, %eq3A_1464 : vector<256x128xi32>
    %eq3A_1466 = arith.xori %eq3A_1459, %eq3A_1465 : vector<256x128xi1>
    %eq3A_1467 = arith.constant dense<true> : vector<256x128xi1>
    %eq3A_1468 = arith.xori %eq3A_1466, %eq3A_1467 : vector<256x128xi1>
    %eq3A_1469 = arith.xori %or3A_1453, %eq3A_1468 : vector<256x128xi1>
    %eq3A_1470 = arith.constant dense<true> : vector<256x128xi1>
    %eq3A_1471 = arith.xori %eq3A_1469, %eq3A_1470 : vector<256x128xi1>
    %select_n3A_1472 = arith.select %eq3A_1471, %select_n3A_1423, %select_n3A_1436 : vector<256x128xi1>, vector<256x128xf32>
    %select_n3A_1473 = arith.select %eq3A_1471, %select_n3A_1424, %select_n3A_1448 : vector<256x128xi1>, vector<256x128xi32>
    %iota3A_1474 = tpu.iota {dimensions = array<i32: 0>} : vector<256x128xi32>
    %and3A_1475 = arith.constant 32 : i32
    %and3A_1476 = vector.broadcast %and3A_1475 : i32 to vector<256x128xi32>
    %and3A_1477 = arith.andi %iota3A_1474, %and3A_1476 : vector<256x128xi32>
    %eq3A_1478 = arith.constant 0 : i32
    %eq3A_1479 = vector.broadcast %eq3A_1478 : i32 to vector<256x128xi32>
    %eq3A_1480 = arith.cmpi eq, %and3A_1477, %eq3A_1479 : vector<256x128xi32>
    %roll3A_1481 = arith.constant 224 : i32
    %roll3A_1482 = tpu.dynamic_rotate %select_n3A_1472 by %roll3A_1481 dim 0 : vector<256x128xf32>, i32 -> vector<256x128xf32>
    %roll3A_1483 = arith.constant 32 : i32
    %roll3A_1484 = tpu.dynamic_rotate %select_n3A_1472 by %roll3A_1483 dim 0 : vector<256x128xf32>, i32 -> vector<256x128xf32>
    %select_n3A_1485 = arith.select %eq3A_1480, %roll3A_1482, %roll3A_1484 : vector<256x128xi1>, vector<256x128xf32>
    %iota3A_1486 = tpu.iota {dimensions = array<i32: 0>} : vector<256x128xi32>
    %and3A_1487 = arith.constant 32 : i32
    %and3A_1488 = vector.broadcast %and3A_1487 : i32 to vector<256x128xi32>
    %and3A_1489 = arith.andi %iota3A_1486, %and3A_1488 : vector<256x128xi32>
    %eq3A_1490 = arith.constant 0 : i32
    %eq3A_1491 = vector.broadcast %eq3A_1490 : i32 to vector<256x128xi32>
    %eq3A_1492 = arith.cmpi eq, %and3A_1489, %eq3A_1491 : vector<256x128xi32>
    %roll3A_1493 = arith.constant 224 : i32
    %roll3A_1494 = tpu.dynamic_rotate %select_n3A_1473 by %roll3A_1493 dim 0 : vector<256x128xi32>, i32 -> vector<256x128xi32>
    %roll3A_1495 = arith.constant 32 : i32
    %roll3A_1496 = tpu.dynamic_rotate %select_n3A_1473 by %roll3A_1495 dim 0 : vector<256x128xi32>, i32 -> vector<256x128xi32>
    %select_n3A_1497 = arith.select %eq3A_1492, %roll3A_1494, %roll3A_1496 : vector<256x128xi1>, vector<256x128xi32>
    %gt3A_1498 = arith.cmpf ogt, %select_n3A_1472, %select_n3A_1485 : vector<256x128xf32>
    %eq3A_1499 = arith.cmpf oeq, %select_n3A_1472, %select_n3A_1485 : vector<256x128xf32>
    %lt3A_1500 = arith.cmpi slt, %select_n3A_1473, %select_n3A_1497 : vector<256x128xi32>
    %and3A_1501 = arith.andi %eq3A_1499, %lt3A_1500 : vector<256x128xi1>
    %or3A_1502 = arith.ori %gt3A_1498, %and3A_1501 : vector<256x128xi1>
    %and3A_1503 = arith.constant 32 : i32
    %and3A_1504 = vector.broadcast %and3A_1503 : i32 to vector<256x128xi32>
    %and3A_1505 = arith.andi %add3A_10, %and3A_1504 : vector<256x128xi32>
    %eq3A_1506 = arith.constant 0 : i32
    %eq3A_1507 = vector.broadcast %eq3A_1506 : i32 to vector<256x128xi32>
    %eq3A_1508 = arith.cmpi eq, %and3A_1505, %eq3A_1507 : vector<256x128xi32>
    %and3A_1509 = arith.constant 256 : i32
    %and3A_1510 = vector.broadcast %and3A_1509 : i32 to vector<256x128xi32>
    %and3A_1511 = arith.andi %add3A_10, %and3A_1510 : vector<256x128xi32>
    %eq3A_1512 = arith.constant 0 : i32
    %eq3A_1513 = vector.broadcast %eq3A_1512 : i32 to vector<256x128xi32>
    %eq3A_1514 = arith.cmpi eq, %and3A_1511, %eq3A_1513 : vector<256x128xi32>
    %eq3A_1515 = arith.xori %eq3A_1508, %eq3A_1514 : vector<256x128xi1>
    %eq3A_1516 = arith.constant dense<true> : vector<256x128xi1>
    %eq3A_1517 = arith.xori %eq3A_1515, %eq3A_1516 : vector<256x128xi1>
    %eq3A_1518 = arith.xori %or3A_1502, %eq3A_1517 : vector<256x128xi1>
    %eq3A_1519 = arith.constant dense<true> : vector<256x128xi1>
    %eq3A_1520 = arith.xori %eq3A_1518, %eq3A_1519 : vector<256x128xi1>
    %select_n3A_1521 = arith.select %eq3A_1520, %select_n3A_1472, %select_n3A_1485 : vector<256x128xi1>, vector<256x128xf32>
    %select_n3A_1522 = arith.select %eq3A_1520, %select_n3A_1473, %select_n3A_1497 : vector<256x128xi1>, vector<256x128xi32>
    %iota3A_1523 = tpu.iota {dimensions = array<i32: 0>} : vector<256x128xi32>
    %and3A_1524 = arith.constant 16 : i32
    %and3A_1525 = vector.broadcast %and3A_1524 : i32 to vector<256x128xi32>
    %and3A_1526 = arith.andi %iota3A_1523, %and3A_1525 : vector<256x128xi32>
    %eq3A_1527 = arith.constant 0 : i32
    %eq3A_1528 = vector.broadcast %eq3A_1527 : i32 to vector<256x128xi32>
    %eq3A_1529 = arith.cmpi eq, %and3A_1526, %eq3A_1528 : vector<256x128xi32>
    %roll3A_1530 = arith.constant 240 : i32
    %roll3A_1531 = tpu.dynamic_rotate %select_n3A_1521 by %roll3A_1530 dim 0 : vector<256x128xf32>, i32 -> vector<256x128xf32>
    %roll3A_1532 = arith.constant 16 : i32
    %roll3A_1533 = tpu.dynamic_rotate %select_n3A_1521 by %roll3A_1532 dim 0 : vector<256x128xf32>, i32 -> vector<256x128xf32>
    %select_n3A_1534 = arith.select %eq3A_1529, %roll3A_1531, %roll3A_1533 : vector<256x128xi1>, vector<256x128xf32>
    %iota3A_1535 = tpu.iota {dimensions = array<i32: 0>} : vector<256x128xi32>
    %and3A_1536 = arith.constant 16 : i32
    %and3A_1537 = vector.broadcast %and3A_1536 : i32 to vector<256x128xi32>
    %and3A_1538 = arith.andi %iota3A_1535, %and3A_1537 : vector<256x128xi32>
    %eq3A_1539 = arith.constant 0 : i32
    %eq3A_1540 = vector.broadcast %eq3A_1539 : i32 to vector<256x128xi32>
    %eq3A_1541 = arith.cmpi eq, %and3A_1538, %eq3A_1540 : vector<256x128xi32>
    %roll3A_1542 = arith.constant 240 : i32
    %roll3A_1543 = tpu.dynamic_rotate %select_n3A_1522 by %roll3A_1542 dim 0 : vector<256x128xi32>, i32 -> vector<256x128xi32>
    %roll3A_1544 = arith.constant 16 : i32
    %roll3A_1545 = tpu.dynamic_rotate %select_n3A_1522 by %roll3A_1544 dim 0 : vector<256x128xi32>, i32 -> vector<256x128xi32>
    %select_n3A_1546 = arith.select %eq3A_1541, %roll3A_1543, %roll3A_1545 : vector<256x128xi1>, vector<256x128xi32>
    %gt3A_1547 = arith.cmpf ogt, %select_n3A_1521, %select_n3A_1534 : vector<256x128xf32>
    %eq3A_1548 = arith.cmpf oeq, %select_n3A_1521, %select_n3A_1534 : vector<256x128xf32>
    %lt3A_1549 = arith.cmpi slt, %select_n3A_1522, %select_n3A_1546 : vector<256x128xi32>
    %and3A_1550 = arith.andi %eq3A_1548, %lt3A_1549 : vector<256x128xi1>
    %or3A_1551 = arith.ori %gt3A_1547, %and3A_1550 : vector<256x128xi1>
    %and3A_1552 = arith.constant 16 : i32
    %and3A_1553 = vector.broadcast %and3A_1552 : i32 to vector<256x128xi32>
    %and3A_1554 = arith.andi %add3A_10, %and3A_1553 : vector<256x128xi32>
    %eq3A_1555 = arith.constant 0 : i32
    %eq3A_1556 = vector.broadcast %eq3A_1555 : i32 to vector<256x128xi32>
    %eq3A_1557 = arith.cmpi eq, %and3A_1554, %eq3A_1556 : vector<256x128xi32>
    %and3A_1558 = arith.constant 256 : i32
    %and3A_1559 = vector.broadcast %and3A_1558 : i32 to vector<256x128xi32>
    %and3A_1560 = arith.andi %add3A_10, %and3A_1559 : vector<256x128xi32>
    %eq3A_1561 = arith.constant 0 : i32
    %eq3A_1562 = vector.broadcast %eq3A_1561 : i32 to vector<256x128xi32>
    %eq3A_1563 = arith.cmpi eq, %and3A_1560, %eq3A_1562 : vector<256x128xi32>
    %eq3A_1564 = arith.xori %eq3A_1557, %eq3A_1563 : vector<256x128xi1>
    %eq3A_1565 = arith.constant dense<true> : vector<256x128xi1>
    %eq3A_1566 = arith.xori %eq3A_1564, %eq3A_1565 : vector<256x128xi1>
    %eq3A_1567 = arith.xori %or3A_1551, %eq3A_1566 : vector<256x128xi1>
    %eq3A_1568 = arith.constant dense<true> : vector<256x128xi1>
    %eq3A_1569 = arith.xori %eq3A_1567, %eq3A_1568 : vector<256x128xi1>
    %select_n3A_1570 = arith.select %eq3A_1569, %select_n3A_1521, %select_n3A_1534 : vector<256x128xi1>, vector<256x128xf32>
    %select_n3A_1571 = arith.select %eq3A_1569, %select_n3A_1522, %select_n3A_1546 : vector<256x128xi1>, vector<256x128xi32>
    %iota3A_1572 = tpu.iota {dimensions = array<i32: 0>} : vector<256x128xi32>
    %and3A_1573 = arith.constant 8 : i32
    %and3A_1574 = vector.broadcast %and3A_1573 : i32 to vector<256x128xi32>
    %and3A_1575 = arith.andi %iota3A_1572, %and3A_1574 : vector<256x128xi32>
    %eq3A_1576 = arith.constant 0 : i32
    %eq3A_1577 = vector.broadcast %eq3A_1576 : i32 to vector<256x128xi32>
    %eq3A_1578 = arith.cmpi eq, %and3A_1575, %eq3A_1577 : vector<256x128xi32>
    %roll3A_1579 = arith.constant 248 : i32
    %roll3A_1580 = tpu.dynamic_rotate %select_n3A_1570 by %roll3A_1579 dim 0 : vector<256x128xf32>, i32 -> vector<256x128xf32>
    %roll3A_1581 = arith.constant 8 : i32
    %roll3A_1582 = tpu.dynamic_rotate %select_n3A_1570 by %roll3A_1581 dim 0 : vector<256x128xf32>, i32 -> vector<256x128xf32>
    %select_n3A_1583 = arith.select %eq3A_1578, %roll3A_1580, %roll3A_1582 : vector<256x128xi1>, vector<256x128xf32>
    %iota3A_1584 = tpu.iota {dimensions = array<i32: 0>} : vector<256x128xi32>
    %and3A_1585 = arith.constant 8 : i32
    %and3A_1586 = vector.broadcast %and3A_1585 : i32 to vector<256x128xi32>
    %and3A_1587 = arith.andi %iota3A_1584, %and3A_1586 : vector<256x128xi32>
    %eq3A_1588 = arith.constant 0 : i32
    %eq3A_1589 = vector.broadcast %eq3A_1588 : i32 to vector<256x128xi32>
    %eq3A_1590 = arith.cmpi eq, %and3A_1587, %eq3A_1589 : vector<256x128xi32>
    %roll3A_1591 = arith.constant 248 : i32
    %roll3A_1592 = tpu.dynamic_rotate %select_n3A_1571 by %roll3A_1591 dim 0 : vector<256x128xi32>, i32 -> vector<256x128xi32>
    %roll3A_1593 = arith.constant 8 : i32
    %roll3A_1594 = tpu.dynamic_rotate %select_n3A_1571 by %roll3A_1593 dim 0 : vector<256x128xi32>, i32 -> vector<256x128xi32>
    %select_n3A_1595 = arith.select %eq3A_1590, %roll3A_1592, %roll3A_1594 : vector<256x128xi1>, vector<256x128xi32>
    %gt3A_1596 = arith.cmpf ogt, %select_n3A_1570, %select_n3A_1583 : vector<256x128xf32>
    %eq3A_1597 = arith.cmpf oeq, %select_n3A_1570, %select_n3A_1583 : vector<256x128xf32>
    %lt3A_1598 = arith.cmpi slt, %select_n3A_1571, %select_n3A_1595 : vector<256x128xi32>
    %and3A_1599 = arith.andi %eq3A_1597, %lt3A_1598 : vector<256x128xi1>
    %or3A_1600 = arith.ori %gt3A_1596, %and3A_1599 : vector<256x128xi1>
    %and3A_1601 = arith.constant 8 : i32
    %and3A_1602 = vector.broadcast %and3A_1601 : i32 to vector<256x128xi32>
    %and3A_1603 = arith.andi %add3A_10, %and3A_1602 : vector<256x128xi32>
    %eq3A_1604 = arith.constant 0 : i32
    %eq3A_1605 = vector.broadcast %eq3A_1604 : i32 to vector<256x128xi32>
    %eq3A_1606 = arith.cmpi eq, %and3A_1603, %eq3A_1605 : vector<256x128xi32>
    %and3A_1607 = arith.constant 256 : i32
    %and3A_1608 = vector.broadcast %and3A_1607 : i32 to vector<256x128xi32>
    %and3A_1609 = arith.andi %add3A_10, %and3A_1608 : vector<256x128xi32>
    %eq3A_1610 = arith.constant 0 : i32
    %eq3A_1611 = vector.broadcast %eq3A_1610 : i32 to vector<256x128xi32>
    %eq3A_1612 = arith.cmpi eq, %and3A_1609, %eq3A_1611 : vector<256x128xi32>
    %eq3A_1613 = arith.xori %eq3A_1606, %eq3A_1612 : vector<256x128xi1>
    %eq3A_1614 = arith.constant dense<true> : vector<256x128xi1>
    %eq3A_1615 = arith.xori %eq3A_1613, %eq3A_1614 : vector<256x128xi1>
    %eq3A_1616 = arith.xori %or3A_1600, %eq3A_1615 : vector<256x128xi1>
    %eq3A_1617 = arith.constant dense<true> : vector<256x128xi1>
    %eq3A_1618 = arith.xori %eq3A_1616, %eq3A_1617 : vector<256x128xi1>
    %select_n3A_1619 = arith.select %eq3A_1618, %select_n3A_1570, %select_n3A_1583 : vector<256x128xi1>, vector<256x128xf32>
    %select_n3A_1620 = arith.select %eq3A_1618, %select_n3A_1571, %select_n3A_1595 : vector<256x128xi1>, vector<256x128xi32>
    %iota3A_1621 = tpu.iota {dimensions = array<i32: 0>} : vector<256x128xi32>
    %and3A_1622 = arith.constant 4 : i32
    %and3A_1623 = vector.broadcast %and3A_1622 : i32 to vector<256x128xi32>
    %and3A_1624 = arith.andi %iota3A_1621, %and3A_1623 : vector<256x128xi32>
    %eq3A_1625 = arith.constant 0 : i32
    %eq3A_1626 = vector.broadcast %eq3A_1625 : i32 to vector<256x128xi32>
    %eq3A_1627 = arith.cmpi eq, %and3A_1624, %eq3A_1626 : vector<256x128xi32>
    %roll3A_1628 = arith.constant 252 : i32
    %roll3A_1629 = tpu.dynamic_rotate %select_n3A_1619 by %roll3A_1628 dim 0 : vector<256x128xf32>, i32 -> vector<256x128xf32>
    %roll3A_1630 = arith.constant 4 : i32
    %roll3A_1631 = tpu.dynamic_rotate %select_n3A_1619 by %roll3A_1630 dim 0 : vector<256x128xf32>, i32 -> vector<256x128xf32>
    %select_n3A_1632 = arith.select %eq3A_1627, %roll3A_1629, %roll3A_1631 : vector<256x128xi1>, vector<256x128xf32>
    %iota3A_1633 = tpu.iota {dimensions = array<i32: 0>} : vector<256x128xi32>
    %and3A_1634 = arith.constant 4 : i32
    %and3A_1635 = vector.broadcast %and3A_1634 : i32 to vector<256x128xi32>
    %and3A_1636 = arith.andi %iota3A_1633, %and3A_1635 : vector<256x128xi32>
    %eq3A_1637 = arith.constant 0 : i32
    %eq3A_1638 = vector.broadcast %eq3A_1637 : i32 to vector<256x128xi32>
    %eq3A_1639 = arith.cmpi eq, %and3A_1636, %eq3A_1638 : vector<256x128xi32>
    %roll3A_1640 = arith.constant 252 : i32
    %roll3A_1641 = tpu.dynamic_rotate %select_n3A_1620 by %roll3A_1640 dim 0 : vector<256x128xi32>, i32 -> vector<256x128xi32>
    %roll3A_1642 = arith.constant 4 : i32
    %roll3A_1643 = tpu.dynamic_rotate %select_n3A_1620 by %roll3A_1642 dim 0 : vector<256x128xi32>, i32 -> vector<256x128xi32>
    %select_n3A_1644 = arith.select %eq3A_1639, %roll3A_1641, %roll3A_1643 : vector<256x128xi1>, vector<256x128xi32>
    %gt3A_1645 = arith.cmpf ogt, %select_n3A_1619, %select_n3A_1632 : vector<256x128xf32>
    %eq3A_1646 = arith.cmpf oeq, %select_n3A_1619, %select_n3A_1632 : vector<256x128xf32>
    %lt3A_1647 = arith.cmpi slt, %select_n3A_1620, %select_n3A_1644 : vector<256x128xi32>
    %and3A_1648 = arith.andi %eq3A_1646, %lt3A_1647 : vector<256x128xi1>
    %or3A_1649 = arith.ori %gt3A_1645, %and3A_1648 : vector<256x128xi1>
    %and3A_1650 = arith.constant 4 : i32
    %and3A_1651 = vector.broadcast %and3A_1650 : i32 to vector<256x128xi32>
    %and3A_1652 = arith.andi %add3A_10, %and3A_1651 : vector<256x128xi32>
    %eq3A_1653 = arith.constant 0 : i32
    %eq3A_1654 = vector.broadcast %eq3A_1653 : i32 to vector<256x128xi32>
    %eq3A_1655 = arith.cmpi eq, %and3A_1652, %eq3A_1654 : vector<256x128xi32>
    %and3A_1656 = arith.constant 256 : i32
    %and3A_1657 = vector.broadcast %and3A_1656 : i32 to vector<256x128xi32>
    %and3A_1658 = arith.andi %add3A_10, %and3A_1657 : vector<256x128xi32>
    %eq3A_1659 = arith.constant 0 : i32
    %eq3A_1660 = vector.broadcast %eq3A_1659 : i32 to vector<256x128xi32>
    %eq3A_1661 = arith.cmpi eq, %and3A_1658, %eq3A_1660 : vector<256x128xi32>
    %eq3A_1662 = arith.xori %eq3A_1655, %eq3A_1661 : vector<256x128xi1>
    %eq3A_1663 = arith.constant dense<true> : vector<256x128xi1>
    %eq3A_1664 = arith.xori %eq3A_1662, %eq3A_1663 : vector<256x128xi1>
    %eq3A_1665 = arith.xori %or3A_1649, %eq3A_1664 : vector<256x128xi1>
    %eq3A_1666 = arith.constant dense<true> : vector<256x128xi1>
    %eq3A_1667 = arith.xori %eq3A_1665, %eq3A_1666 : vector<256x128xi1>
    %select_n3A_1668 = arith.select %eq3A_1667, %select_n3A_1619, %select_n3A_1632 : vector<256x128xi1>, vector<256x128xf32>
    %select_n3A_1669 = arith.select %eq3A_1667, %select_n3A_1620, %select_n3A_1644 : vector<256x128xi1>, vector<256x128xi32>
    %iota3A_1670 = tpu.iota {dimensions = array<i32: 0>} : vector<256x128xi32>
    %and3A_1671 = arith.constant 2 : i32
    %and3A_1672 = vector.broadcast %and3A_1671 : i32 to vector<256x128xi32>
    %and3A_1673 = arith.andi %iota3A_1670, %and3A_1672 : vector<256x128xi32>
    %eq3A_1674 = arith.constant 0 : i32
    %eq3A_1675 = vector.broadcast %eq3A_1674 : i32 to vector<256x128xi32>
    %eq3A_1676 = arith.cmpi eq, %and3A_1673, %eq3A_1675 : vector<256x128xi32>
    %roll3A_1677 = arith.constant 254 : i32
    %roll3A_1678 = tpu.dynamic_rotate %select_n3A_1668 by %roll3A_1677 dim 0 : vector<256x128xf32>, i32 -> vector<256x128xf32>
    %roll3A_1679 = arith.constant 2 : i32
    %roll3A_1680 = tpu.dynamic_rotate %select_n3A_1668 by %roll3A_1679 dim 0 : vector<256x128xf32>, i32 -> vector<256x128xf32>
    %select_n3A_1681 = arith.select %eq3A_1676, %roll3A_1678, %roll3A_1680 : vector<256x128xi1>, vector<256x128xf32>
    %iota3A_1682 = tpu.iota {dimensions = array<i32: 0>} : vector<256x128xi32>
    %and3A_1683 = arith.constant 2 : i32
    %and3A_1684 = vector.broadcast %and3A_1683 : i32 to vector<256x128xi32>
    %and3A_1685 = arith.andi %iota3A_1682, %and3A_1684 : vector<256x128xi32>
    %eq3A_1686 = arith.constant 0 : i32
    %eq3A_1687 = vector.broadcast %eq3A_1686 : i32 to vector<256x128xi32>
    %eq3A_1688 = arith.cmpi eq, %and3A_1685, %eq3A_1687 : vector<256x128xi32>
    %roll3A_1689 = arith.constant 254 : i32
    %roll3A_1690 = tpu.dynamic_rotate %select_n3A_1669 by %roll3A_1689 dim 0 : vector<256x128xi32>, i32 -> vector<256x128xi32>
    %roll3A_1691 = arith.constant 2 : i32
    %roll3A_1692 = tpu.dynamic_rotate %select_n3A_1669 by %roll3A_1691 dim 0 : vector<256x128xi32>, i32 -> vector<256x128xi32>
    %select_n3A_1693 = arith.select %eq3A_1688, %roll3A_1690, %roll3A_1692 : vector<256x128xi1>, vector<256x128xi32>
    %gt3A_1694 = arith.cmpf ogt, %select_n3A_1668, %select_n3A_1681 : vector<256x128xf32>
    %eq3A_1695 = arith.cmpf oeq, %select_n3A_1668, %select_n3A_1681 : vector<256x128xf32>
    %lt3A_1696 = arith.cmpi slt, %select_n3A_1669, %select_n3A_1693 : vector<256x128xi32>
    %and3A_1697 = arith.andi %eq3A_1695, %lt3A_1696 : vector<256x128xi1>
    %or3A_1698 = arith.ori %gt3A_1694, %and3A_1697 : vector<256x128xi1>
    %and3A_1699 = arith.constant 2 : i32
    %and3A_1700 = vector.broadcast %and3A_1699 : i32 to vector<256x128xi32>
    %and3A_1701 = arith.andi %add3A_10, %and3A_1700 : vector<256x128xi32>
    %eq3A_1702 = arith.constant 0 : i32
    %eq3A_1703 = vector.broadcast %eq3A_1702 : i32 to vector<256x128xi32>
    %eq3A_1704 = arith.cmpi eq, %and3A_1701, %eq3A_1703 : vector<256x128xi32>
    %and3A_1705 = arith.constant 256 : i32
    %and3A_1706 = vector.broadcast %and3A_1705 : i32 to vector<256x128xi32>
    %and3A_1707 = arith.andi %add3A_10, %and3A_1706 : vector<256x128xi32>
    %eq3A_1708 = arith.constant 0 : i32
    %eq3A_1709 = vector.broadcast %eq3A_1708 : i32 to vector<256x128xi32>
    %eq3A_1710 = arith.cmpi eq, %and3A_1707, %eq3A_1709 : vector<256x128xi32>
    %eq3A_1711 = arith.xori %eq3A_1704, %eq3A_1710 : vector<256x128xi1>
    %eq3A_1712 = arith.constant dense<true> : vector<256x128xi1>
    %eq3A_1713 = arith.xori %eq3A_1711, %eq3A_1712 : vector<256x128xi1>
    %eq3A_1714 = arith.xori %or3A_1698, %eq3A_1713 : vector<256x128xi1>
    %eq3A_1715 = arith.constant dense<true> : vector<256x128xi1>
    %eq3A_1716 = arith.xori %eq3A_1714, %eq3A_1715 : vector<256x128xi1>
    %select_n3A_1717 = arith.select %eq3A_1716, %select_n3A_1668, %select_n3A_1681 : vector<256x128xi1>, vector<256x128xf32>
    %select_n3A_1718 = arith.select %eq3A_1716, %select_n3A_1669, %select_n3A_1693 : vector<256x128xi1>, vector<256x128xi32>
    %iota3A_1719 = tpu.iota {dimensions = array<i32: 0>} : vector<256x128xi32>
    %and3A_1720 = arith.constant 1 : i32
    %and3A_1721 = vector.broadcast %and3A_1720 : i32 to vector<256x128xi32>
    %and3A_1722 = arith.andi %iota3A_1719, %and3A_1721 : vector<256x128xi32>
    %eq3A_1723 = arith.constant 0 : i32
    %eq3A_1724 = vector.broadcast %eq3A_1723 : i32 to vector<256x128xi32>
    %eq3A_1725 = arith.cmpi eq, %and3A_1722, %eq3A_1724 : vector<256x128xi32>
    %roll3A_1726 = arith.constant 255 : i32
    %roll3A_1727 = tpu.dynamic_rotate %select_n3A_1717 by %roll3A_1726 dim 0 : vector<256x128xf32>, i32 -> vector<256x128xf32>
    %roll3A_1728 = arith.constant 1 : i32
    %roll3A_1729 = tpu.dynamic_rotate %select_n3A_1717 by %roll3A_1728 dim 0 : vector<256x128xf32>, i32 -> vector<256x128xf32>
    %select_n3A_1730 = arith.select %eq3A_1725, %roll3A_1727, %roll3A_1729 : vector<256x128xi1>, vector<256x128xf32>
    %iota3A_1731 = tpu.iota {dimensions = array<i32: 0>} : vector<256x128xi32>
    %and3A_1732 = arith.constant 1 : i32
    %and3A_1733 = vector.broadcast %and3A_1732 : i32 to vector<256x128xi32>
    %and3A_1734 = arith.andi %iota3A_1731, %and3A_1733 : vector<256x128xi32>
    %eq3A_1735 = arith.constant 0 : i32
    %eq3A_1736 = vector.broadcast %eq3A_1735 : i32 to vector<256x128xi32>
    %eq3A_1737 = arith.cmpi eq, %and3A_1734, %eq3A_1736 : vector<256x128xi32>
    %roll3A_1738 = arith.constant 255 : i32
    %roll3A_1739 = tpu.dynamic_rotate %select_n3A_1718 by %roll3A_1738 dim 0 : vector<256x128xi32>, i32 -> vector<256x128xi32>
    %roll3A_1740 = arith.constant 1 : i32
    %roll3A_1741 = tpu.dynamic_rotate %select_n3A_1718 by %roll3A_1740 dim 0 : vector<256x128xi32>, i32 -> vector<256x128xi32>
    %select_n3A_1742 = arith.select %eq3A_1737, %roll3A_1739, %roll3A_1741 : vector<256x128xi1>, vector<256x128xi32>
    %gt3A_1743 = arith.cmpf ogt, %select_n3A_1717, %select_n3A_1730 : vector<256x128xf32>
    %eq3A_1744 = arith.cmpf oeq, %select_n3A_1717, %select_n3A_1730 : vector<256x128xf32>
    %lt3A_1745 = arith.cmpi slt, %select_n3A_1718, %select_n3A_1742 : vector<256x128xi32>
    %and3A_1746 = arith.andi %eq3A_1744, %lt3A_1745 : vector<256x128xi1>
    %or3A_1747 = arith.ori %gt3A_1743, %and3A_1746 : vector<256x128xi1>
    %and3A_1748 = arith.constant 1 : i32
    %and3A_1749 = vector.broadcast %and3A_1748 : i32 to vector<256x128xi32>
    %and3A_1750 = arith.andi %add3A_10, %and3A_1749 : vector<256x128xi32>
    %eq3A_1751 = arith.constant 0 : i32
    %eq3A_1752 = vector.broadcast %eq3A_1751 : i32 to vector<256x128xi32>
    %eq3A_1753 = arith.cmpi eq, %and3A_1750, %eq3A_1752 : vector<256x128xi32>
    %and3A_1754 = arith.constant 256 : i32
    %and3A_1755 = vector.broadcast %and3A_1754 : i32 to vector<256x128xi32>
    %and3A_1756 = arith.andi %add3A_10, %and3A_1755 : vector<256x128xi32>
    %eq3A_1757 = arith.constant 0 : i32
    %eq3A_1758 = vector.broadcast %eq3A_1757 : i32 to vector<256x128xi32>
    %eq3A_1759 = arith.cmpi eq, %and3A_1756, %eq3A_1758 : vector<256x128xi32>
    %eq3A_1760 = arith.xori %eq3A_1753, %eq3A_1759 : vector<256x128xi1>
    %eq3A_1761 = arith.constant dense<true> : vector<256x128xi1>
    %eq3A_1762 = arith.xori %eq3A_1760, %eq3A_1761 : vector<256x128xi1>
    %eq3A_1763 = arith.xori %or3A_1747, %eq3A_1762 : vector<256x128xi1>
    %eq3A_1764 = arith.constant dense<true> : vector<256x128xi1>
    %eq3A_1765 = arith.xori %eq3A_1763, %eq3A_1764 : vector<256x128xi1>
    %select_n3A_1766 = arith.select %eq3A_1765, %select_n3A_1717, %select_n3A_1730 : vector<256x128xi1>, vector<256x128xf32>
    %select_n3A_1767 = arith.select %eq3A_1765, %select_n3A_1718, %select_n3A_1742 : vector<256x128xi1>, vector<256x128xi32>
    %iota3A_1768 = tpu.iota {dimensions = array<i32: 1>} : vector<256x128xi32>
    %and3A_1769 = arith.constant 1 : i32
    %and3A_1770 = vector.broadcast %and3A_1769 : i32 to vector<256x128xi32>
    %and3A_1771 = arith.andi %iota3A_1768, %and3A_1770 : vector<256x128xi32>
    %eq3A_1772 = arith.constant 0 : i32
    %eq3A_1773 = vector.broadcast %eq3A_1772 : i32 to vector<256x128xi32>
    %eq3A_1774 = arith.cmpi eq, %and3A_1771, %eq3A_1773 : vector<256x128xi32>
    %roll3A_1775 = arith.constant 127 : i32
    %roll3A_1776 = tpu.dynamic_rotate %select_n3A_1766 by %roll3A_1775 dim 1 : vector<256x128xf32>, i32 -> vector<256x128xf32>
    %roll3A_1777 = arith.constant 1 : i32
    %roll3A_1778 = tpu.dynamic_rotate %select_n3A_1766 by %roll3A_1777 dim 1 : vector<256x128xf32>, i32 -> vector<256x128xf32>
    %select_n3A_1779 = arith.select %eq3A_1774, %roll3A_1776, %roll3A_1778 : vector<256x128xi1>, vector<256x128xf32>
    %iota3A_1780 = tpu.iota {dimensions = array<i32: 1>} : vector<256x128xi32>
    %and3A_1781 = arith.constant 1 : i32
    %and3A_1782 = vector.broadcast %and3A_1781 : i32 to vector<256x128xi32>
    %and3A_1783 = arith.andi %iota3A_1780, %and3A_1782 : vector<256x128xi32>
    %eq3A_1784 = arith.constant 0 : i32
    %eq3A_1785 = vector.broadcast %eq3A_1784 : i32 to vector<256x128xi32>
    %eq3A_1786 = arith.cmpi eq, %and3A_1783, %eq3A_1785 : vector<256x128xi32>
    %roll3A_1787 = arith.constant 127 : i32
    %roll3A_1788 = tpu.dynamic_rotate %select_n3A_1767 by %roll3A_1787 dim 1 : vector<256x128xi32>, i32 -> vector<256x128xi32>
    %roll3A_1789 = arith.constant 1 : i32
    %roll3A_1790 = tpu.dynamic_rotate %select_n3A_1767 by %roll3A_1789 dim 1 : vector<256x128xi32>, i32 -> vector<256x128xi32>
    %select_n3A_1791 = arith.select %eq3A_1786, %roll3A_1788, %roll3A_1790 : vector<256x128xi1>, vector<256x128xi32>
    %gt3A_1792 = arith.cmpf ogt, %select_n3A_1766, %select_n3A_1779 : vector<256x128xf32>
    %eq3A_1793 = arith.cmpf oeq, %select_n3A_1766, %select_n3A_1779 : vector<256x128xf32>
    %lt3A_1794 = arith.cmpi slt, %select_n3A_1767, %select_n3A_1791 : vector<256x128xi32>
    %and3A_1795 = arith.andi %eq3A_1793, %lt3A_1794 : vector<256x128xi1>
    %or3A_1796 = arith.ori %gt3A_1792, %and3A_1795 : vector<256x128xi1>
    %and3A_1797 = arith.constant 256 : i32
    %and3A_1798 = vector.broadcast %and3A_1797 : i32 to vector<256x128xi32>
    %and3A_1799 = arith.andi %add3A_10, %and3A_1798 : vector<256x128xi32>
    %eq3A_1800 = arith.constant 0 : i32
    %eq3A_1801 = vector.broadcast %eq3A_1800 : i32 to vector<256x128xi32>
    %eq3A_1802 = arith.cmpi eq, %and3A_1799, %eq3A_1801 : vector<256x128xi32>
    %and3A_1803 = arith.constant 512 : i32
    %and3A_1804 = vector.broadcast %and3A_1803 : i32 to vector<256x128xi32>
    %and3A_1805 = arith.andi %add3A_10, %and3A_1804 : vector<256x128xi32>
    %eq3A_1806 = arith.constant 0 : i32
    %eq3A_1807 = vector.broadcast %eq3A_1806 : i32 to vector<256x128xi32>
    %eq3A_1808 = arith.cmpi eq, %and3A_1805, %eq3A_1807 : vector<256x128xi32>
    %eq3A_1809 = arith.xori %eq3A_1802, %eq3A_1808 : vector<256x128xi1>
    %eq3A_1810 = arith.constant dense<true> : vector<256x128xi1>
    %eq3A_1811 = arith.xori %eq3A_1809, %eq3A_1810 : vector<256x128xi1>
    %eq3A_1812 = arith.xori %or3A_1796, %eq3A_1811 : vector<256x128xi1>
    %eq3A_1813 = arith.constant dense<true> : vector<256x128xi1>
    %eq3A_1814 = arith.xori %eq3A_1812, %eq3A_1813 : vector<256x128xi1>
    %select_n3A_1815 = arith.select %eq3A_1814, %select_n3A_1766, %select_n3A_1779 : vector<256x128xi1>, vector<256x128xf32>
    %select_n3A_1816 = arith.select %eq3A_1814, %select_n3A_1767, %select_n3A_1791 : vector<256x128xi1>, vector<256x128xi32>
    %iota3A_1817 = tpu.iota {dimensions = array<i32: 0>} : vector<256x128xi32>
    %and3A_1818 = arith.constant 128 : i32
    %and3A_1819 = vector.broadcast %and3A_1818 : i32 to vector<256x128xi32>
    %and3A_1820 = arith.andi %iota3A_1817, %and3A_1819 : vector<256x128xi32>
    %eq3A_1821 = arith.constant 0 : i32
    %eq3A_1822 = vector.broadcast %eq3A_1821 : i32 to vector<256x128xi32>
    %eq3A_1823 = arith.cmpi eq, %and3A_1820, %eq3A_1822 : vector<256x128xi32>
    %roll3A_1824 = arith.constant 128 : i32
    %roll3A_1825 = tpu.dynamic_rotate %select_n3A_1815 by %roll3A_1824 dim 0 : vector<256x128xf32>, i32 -> vector<256x128xf32>
    %roll3A_1826 = arith.constant 128 : i32
    %roll3A_1827 = tpu.dynamic_rotate %select_n3A_1815 by %roll3A_1826 dim 0 : vector<256x128xf32>, i32 -> vector<256x128xf32>
    %select_n3A_1828 = arith.select %eq3A_1823, %roll3A_1825, %roll3A_1827 : vector<256x128xi1>, vector<256x128xf32>
    %iota3A_1829 = tpu.iota {dimensions = array<i32: 0>} : vector<256x128xi32>
    %and3A_1830 = arith.constant 128 : i32
    %and3A_1831 = vector.broadcast %and3A_1830 : i32 to vector<256x128xi32>
    %and3A_1832 = arith.andi %iota3A_1829, %and3A_1831 : vector<256x128xi32>
    %eq3A_1833 = arith.constant 0 : i32
    %eq3A_1834 = vector.broadcast %eq3A_1833 : i32 to vector<256x128xi32>
    %eq3A_1835 = arith.cmpi eq, %and3A_1832, %eq3A_1834 : vector<256x128xi32>
    %roll3A_1836 = arith.constant 128 : i32
    %roll3A_1837 = tpu.dynamic_rotate %select_n3A_1816 by %roll3A_1836 dim 0 : vector<256x128xi32>, i32 -> vector<256x128xi32>
    %roll3A_1838 = arith.constant 128 : i32
    %roll3A_1839 = tpu.dynamic_rotate %select_n3A_1816 by %roll3A_1838 dim 0 : vector<256x128xi32>, i32 -> vector<256x128xi32>
    %select_n3A_1840 = arith.select %eq3A_1835, %roll3A_1837, %roll3A_1839 : vector<256x128xi1>, vector<256x128xi32>
    %gt3A_1841 = arith.cmpf ogt, %select_n3A_1815, %select_n3A_1828 : vector<256x128xf32>
    %eq3A_1842 = arith.cmpf oeq, %select_n3A_1815, %select_n3A_1828 : vector<256x128xf32>
    %lt3A_1843 = arith.cmpi slt, %select_n3A_1816, %select_n3A_1840 : vector<256x128xi32>
    %and3A_1844 = arith.andi %eq3A_1842, %lt3A_1843 : vector<256x128xi1>
    %or3A_1845 = arith.ori %gt3A_1841, %and3A_1844 : vector<256x128xi1>
    %and3A_1846 = arith.constant 128 : i32
    %and3A_1847 = vector.broadcast %and3A_1846 : i32 to vector<256x128xi32>
    %and3A_1848 = arith.andi %add3A_10, %and3A_1847 : vector<256x128xi32>
    %eq3A_1849 = arith.constant 0 : i32
    %eq3A_1850 = vector.broadcast %eq3A_1849 : i32 to vector<256x128xi32>
    %eq3A_1851 = arith.cmpi eq, %and3A_1848, %eq3A_1850 : vector<256x128xi32>
    %and3A_1852 = arith.constant 512 : i32
    %and3A_1853 = vector.broadcast %and3A_1852 : i32 to vector<256x128xi32>
    %and3A_1854 = arith.andi %add3A_10, %and3A_1853 : vector<256x128xi32>
    %eq3A_1855 = arith.constant 0 : i32
    %eq3A_1856 = vector.broadcast %eq3A_1855 : i32 to vector<256x128xi32>
    %eq3A_1857 = arith.cmpi eq, %and3A_1854, %eq3A_1856 : vector<256x128xi32>
    %eq3A_1858 = arith.xori %eq3A_1851, %eq3A_1857 : vector<256x128xi1>
    %eq3A_1859 = arith.constant dense<true> : vector<256x128xi1>
    %eq3A_1860 = arith.xori %eq3A_1858, %eq3A_1859 : vector<256x128xi1>
    %eq3A_1861 = arith.xori %or3A_1845, %eq3A_1860 : vector<256x128xi1>
    %eq3A_1862 = arith.constant dense<true> : vector<256x128xi1>
    %eq3A_1863 = arith.xori %eq3A_1861, %eq3A_1862 : vector<256x128xi1>
    %select_n3A_1864 = arith.select %eq3A_1863, %select_n3A_1815, %select_n3A_1828 : vector<256x128xi1>, vector<256x128xf32>
    %select_n3A_1865 = arith.select %eq3A_1863, %select_n3A_1816, %select_n3A_1840 : vector<256x128xi1>, vector<256x128xi32>
    %iota3A_1866 = tpu.iota {dimensions = array<i32: 0>} : vector<256x128xi32>
    %and3A_1867 = arith.constant 64 : i32
    %and3A_1868 = vector.broadcast %and3A_1867 : i32 to vector<256x128xi32>
    %and3A_1869 = arith.andi %iota3A_1866, %and3A_1868 : vector<256x128xi32>
    %eq3A_1870 = arith.constant 0 : i32
    %eq3A_1871 = vector.broadcast %eq3A_1870 : i32 to vector<256x128xi32>
    %eq3A_1872 = arith.cmpi eq, %and3A_1869, %eq3A_1871 : vector<256x128xi32>
    %roll3A_1873 = arith.constant 192 : i32
    %roll3A_1874 = tpu.dynamic_rotate %select_n3A_1864 by %roll3A_1873 dim 0 : vector<256x128xf32>, i32 -> vector<256x128xf32>
    %roll3A_1875 = arith.constant 64 : i32
    %roll3A_1876 = tpu.dynamic_rotate %select_n3A_1864 by %roll3A_1875 dim 0 : vector<256x128xf32>, i32 -> vector<256x128xf32>
    %select_n3A_1877 = arith.select %eq3A_1872, %roll3A_1874, %roll3A_1876 : vector<256x128xi1>, vector<256x128xf32>
    %iota3A_1878 = tpu.iota {dimensions = array<i32: 0>} : vector<256x128xi32>
    %and3A_1879 = arith.constant 64 : i32
    %and3A_1880 = vector.broadcast %and3A_1879 : i32 to vector<256x128xi32>
    %and3A_1881 = arith.andi %iota3A_1878, %and3A_1880 : vector<256x128xi32>
    %eq3A_1882 = arith.constant 0 : i32
    %eq3A_1883 = vector.broadcast %eq3A_1882 : i32 to vector<256x128xi32>
    %eq3A_1884 = arith.cmpi eq, %and3A_1881, %eq3A_1883 : vector<256x128xi32>
    %roll3A_1885 = arith.constant 192 : i32
    %roll3A_1886 = tpu.dynamic_rotate %select_n3A_1865 by %roll3A_1885 dim 0 : vector<256x128xi32>, i32 -> vector<256x128xi32>
    %roll3A_1887 = arith.constant 64 : i32
    %roll3A_1888 = tpu.dynamic_rotate %select_n3A_1865 by %roll3A_1887 dim 0 : vector<256x128xi32>, i32 -> vector<256x128xi32>
    %select_n3A_1889 = arith.select %eq3A_1884, %roll3A_1886, %roll3A_1888 : vector<256x128xi1>, vector<256x128xi32>
    %gt3A_1890 = arith.cmpf ogt, %select_n3A_1864, %select_n3A_1877 : vector<256x128xf32>
    %eq3A_1891 = arith.cmpf oeq, %select_n3A_1864, %select_n3A_1877 : vector<256x128xf32>
    %lt3A_1892 = arith.cmpi slt, %select_n3A_1865, %select_n3A_1889 : vector<256x128xi32>
    %and3A_1893 = arith.andi %eq3A_1891, %lt3A_1892 : vector<256x128xi1>
    %or3A_1894 = arith.ori %gt3A_1890, %and3A_1893 : vector<256x128xi1>
    %and3A_1895 = arith.constant 64 : i32
    %and3A_1896 = vector.broadcast %and3A_1895 : i32 to vector<256x128xi32>
    %and3A_1897 = arith.andi %add3A_10, %and3A_1896 : vector<256x128xi32>
    %eq3A_1898 = arith.constant 0 : i32
    %eq3A_1899 = vector.broadcast %eq3A_1898 : i32 to vector<256x128xi32>
    %eq3A_1900 = arith.cmpi eq, %and3A_1897, %eq3A_1899 : vector<256x128xi32>
    %and3A_1901 = arith.constant 512 : i32
    %and3A_1902 = vector.broadcast %and3A_1901 : i32 to vector<256x128xi32>
    %and3A_1903 = arith.andi %add3A_10, %and3A_1902 : vector<256x128xi32>
    %eq3A_1904 = arith.constant 0 : i32
    %eq3A_1905 = vector.broadcast %eq3A_1904 : i32 to vector<256x128xi32>
    %eq3A_1906 = arith.cmpi eq, %and3A_1903, %eq3A_1905 : vector<256x128xi32>
    %eq3A_1907 = arith.xori %eq3A_1900, %eq3A_1906 : vector<256x128xi1>
    %eq3A_1908 = arith.constant dense<true> : vector<256x128xi1>
    %eq3A_1909 = arith.xori %eq3A_1907, %eq3A_1908 : vector<256x128xi1>
    %eq3A_1910 = arith.xori %or3A_1894, %eq3A_1909 : vector<256x128xi1>
    %eq3A_1911 = arith.constant dense<true> : vector<256x128xi1>
    %eq3A_1912 = arith.xori %eq3A_1910, %eq3A_1911 : vector<256x128xi1>
    %select_n3A_1913 = arith.select %eq3A_1912, %select_n3A_1864, %select_n3A_1877 : vector<256x128xi1>, vector<256x128xf32>
    %select_n3A_1914 = arith.select %eq3A_1912, %select_n3A_1865, %select_n3A_1889 : vector<256x128xi1>, vector<256x128xi32>
    %iota3A_1915 = tpu.iota {dimensions = array<i32: 0>} : vector<256x128xi32>
    %and3A_1916 = arith.constant 32 : i32
    %and3A_1917 = vector.broadcast %and3A_1916 : i32 to vector<256x128xi32>
    %and3A_1918 = arith.andi %iota3A_1915, %and3A_1917 : vector<256x128xi32>
    %eq3A_1919 = arith.constant 0 : i32
    %eq3A_1920 = vector.broadcast %eq3A_1919 : i32 to vector<256x128xi32>
    %eq3A_1921 = arith.cmpi eq, %and3A_1918, %eq3A_1920 : vector<256x128xi32>
    %roll3A_1922 = arith.constant 224 : i32
    %roll3A_1923 = tpu.dynamic_rotate %select_n3A_1913 by %roll3A_1922 dim 0 : vector<256x128xf32>, i32 -> vector<256x128xf32>
    %roll3A_1924 = arith.constant 32 : i32
    %roll3A_1925 = tpu.dynamic_rotate %select_n3A_1913 by %roll3A_1924 dim 0 : vector<256x128xf32>, i32 -> vector<256x128xf32>
    %select_n3A_1926 = arith.select %eq3A_1921, %roll3A_1923, %roll3A_1925 : vector<256x128xi1>, vector<256x128xf32>
    %iota3A_1927 = tpu.iota {dimensions = array<i32: 0>} : vector<256x128xi32>
    %and3A_1928 = arith.constant 32 : i32
    %and3A_1929 = vector.broadcast %and3A_1928 : i32 to vector<256x128xi32>
    %and3A_1930 = arith.andi %iota3A_1927, %and3A_1929 : vector<256x128xi32>
    %eq3A_1931 = arith.constant 0 : i32
    %eq3A_1932 = vector.broadcast %eq3A_1931 : i32 to vector<256x128xi32>
    %eq3A_1933 = arith.cmpi eq, %and3A_1930, %eq3A_1932 : vector<256x128xi32>
    %roll3A_1934 = arith.constant 224 : i32
    %roll3A_1935 = tpu.dynamic_rotate %select_n3A_1914 by %roll3A_1934 dim 0 : vector<256x128xi32>, i32 -> vector<256x128xi32>
    %roll3A_1936 = arith.constant 32 : i32
    %roll3A_1937 = tpu.dynamic_rotate %select_n3A_1914 by %roll3A_1936 dim 0 : vector<256x128xi32>, i32 -> vector<256x128xi32>
    %select_n3A_1938 = arith.select %eq3A_1933, %roll3A_1935, %roll3A_1937 : vector<256x128xi1>, vector<256x128xi32>
    %gt3A_1939 = arith.cmpf ogt, %select_n3A_1913, %select_n3A_1926 : vector<256x128xf32>
    %eq3A_1940 = arith.cmpf oeq, %select_n3A_1913, %select_n3A_1926 : vector<256x128xf32>
    %lt3A_1941 = arith.cmpi slt, %select_n3A_1914, %select_n3A_1938 : vector<256x128xi32>
    %and3A_1942 = arith.andi %eq3A_1940, %lt3A_1941 : vector<256x128xi1>
    %or3A_1943 = arith.ori %gt3A_1939, %and3A_1942 : vector<256x128xi1>
    %and3A_1944 = arith.constant 32 : i32
    %and3A_1945 = vector.broadcast %and3A_1944 : i32 to vector<256x128xi32>
    %and3A_1946 = arith.andi %add3A_10, %and3A_1945 : vector<256x128xi32>
    %eq3A_1947 = arith.constant 0 : i32
    %eq3A_1948 = vector.broadcast %eq3A_1947 : i32 to vector<256x128xi32>
    %eq3A_1949 = arith.cmpi eq, %and3A_1946, %eq3A_1948 : vector<256x128xi32>
    %and3A_1950 = arith.constant 512 : i32
    %and3A_1951 = vector.broadcast %and3A_1950 : i32 to vector<256x128xi32>
    %and3A_1952 = arith.andi %add3A_10, %and3A_1951 : vector<256x128xi32>
    %eq3A_1953 = arith.constant 0 : i32
    %eq3A_1954 = vector.broadcast %eq3A_1953 : i32 to vector<256x128xi32>
    %eq3A_1955 = arith.cmpi eq, %and3A_1952, %eq3A_1954 : vector<256x128xi32>
    %eq3A_1956 = arith.xori %eq3A_1949, %eq3A_1955 : vector<256x128xi1>
    %eq3A_1957 = arith.constant dense<true> : vector<256x128xi1>
    %eq3A_1958 = arith.xori %eq3A_1956, %eq3A_1957 : vector<256x128xi1>
    %eq3A_1959 = arith.xori %or3A_1943, %eq3A_1958 : vector<256x128xi1>
    %eq3A_1960 = arith.constant dense<true> : vector<256x128xi1>
    %eq3A_1961 = arith.xori %eq3A_1959, %eq3A_1960 : vector<256x128xi1>
    %select_n3A_1962 = arith.select %eq3A_1961, %select_n3A_1913, %select_n3A_1926 : vector<256x128xi1>, vector<256x128xf32>
    %select_n3A_1963 = arith.select %eq3A_1961, %select_n3A_1914, %select_n3A_1938 : vector<256x128xi1>, vector<256x128xi32>
    %iota3A_1964 = tpu.iota {dimensions = array<i32: 0>} : vector<256x128xi32>
    %and3A_1965 = arith.constant 16 : i32
    %and3A_1966 = vector.broadcast %and3A_1965 : i32 to vector<256x128xi32>
    %and3A_1967 = arith.andi %iota3A_1964, %and3A_1966 : vector<256x128xi32>
    %eq3A_1968 = arith.constant 0 : i32
    %eq3A_1969 = vector.broadcast %eq3A_1968 : i32 to vector<256x128xi32>
    %eq3A_1970 = arith.cmpi eq, %and3A_1967, %eq3A_1969 : vector<256x128xi32>
    %roll3A_1971 = arith.constant 240 : i32
    %roll3A_1972 = tpu.dynamic_rotate %select_n3A_1962 by %roll3A_1971 dim 0 : vector<256x128xf32>, i32 -> vector<256x128xf32>
    %roll3A_1973 = arith.constant 16 : i32
    %roll3A_1974 = tpu.dynamic_rotate %select_n3A_1962 by %roll3A_1973 dim 0 : vector<256x128xf32>, i32 -> vector<256x128xf32>
    %select_n3A_1975 = arith.select %eq3A_1970, %roll3A_1972, %roll3A_1974 : vector<256x128xi1>, vector<256x128xf32>
    %iota3A_1976 = tpu.iota {dimensions = array<i32: 0>} : vector<256x128xi32>
    %and3A_1977 = arith.constant 16 : i32
    %and3A_1978 = vector.broadcast %and3A_1977 : i32 to vector<256x128xi32>
    %and3A_1979 = arith.andi %iota3A_1976, %and3A_1978 : vector<256x128xi32>
    %eq3A_1980 = arith.constant 0 : i32
    %eq3A_1981 = vector.broadcast %eq3A_1980 : i32 to vector<256x128xi32>
    %eq3A_1982 = arith.cmpi eq, %and3A_1979, %eq3A_1981 : vector<256x128xi32>
    %roll3A_1983 = arith.constant 240 : i32
    %roll3A_1984 = tpu.dynamic_rotate %select_n3A_1963 by %roll3A_1983 dim 0 : vector<256x128xi32>, i32 -> vector<256x128xi32>
    %roll3A_1985 = arith.constant 16 : i32
    %roll3A_1986 = tpu.dynamic_rotate %select_n3A_1963 by %roll3A_1985 dim 0 : vector<256x128xi32>, i32 -> vector<256x128xi32>
    %select_n3A_1987 = arith.select %eq3A_1982, %roll3A_1984, %roll3A_1986 : vector<256x128xi1>, vector<256x128xi32>
    %gt3A_1988 = arith.cmpf ogt, %select_n3A_1962, %select_n3A_1975 : vector<256x128xf32>
    %eq3A_1989 = arith.cmpf oeq, %select_n3A_1962, %select_n3A_1975 : vector<256x128xf32>
    %lt3A_1990 = arith.cmpi slt, %select_n3A_1963, %select_n3A_1987 : vector<256x128xi32>
    %and3A_1991 = arith.andi %eq3A_1989, %lt3A_1990 : vector<256x128xi1>
    %or3A_1992 = arith.ori %gt3A_1988, %and3A_1991 : vector<256x128xi1>
    %and3A_1993 = arith.constant 16 : i32
    %and3A_1994 = vector.broadcast %and3A_1993 : i32 to vector<256x128xi32>
    %and3A_1995 = arith.andi %add3A_10, %and3A_1994 : vector<256x128xi32>
    %eq3A_1996 = arith.constant 0 : i32
    %eq3A_1997 = vector.broadcast %eq3A_1996 : i32 to vector<256x128xi32>
    %eq3A_1998 = arith.cmpi eq, %and3A_1995, %eq3A_1997 : vector<256x128xi32>
    %and3A_1999 = arith.constant 512 : i32
    %and3A_2000 = vector.broadcast %and3A_1999 : i32 to vector<256x128xi32>
    %and3A_2001 = arith.andi %add3A_10, %and3A_2000 : vector<256x128xi32>
    %eq3A_2002 = arith.constant 0 : i32
    %eq3A_2003 = vector.broadcast %eq3A_2002 : i32 to vector<256x128xi32>
    %eq3A_2004 = arith.cmpi eq, %and3A_2001, %eq3A_2003 : vector<256x128xi32>
    %eq3A_2005 = arith.xori %eq3A_1998, %eq3A_2004 : vector<256x128xi1>
    %eq3A_2006 = arith.constant dense<true> : vector<256x128xi1>
    %eq3A_2007 = arith.xori %eq3A_2005, %eq3A_2006 : vector<256x128xi1>
    %eq3A_2008 = arith.xori %or3A_1992, %eq3A_2007 : vector<256x128xi1>
    %eq3A_2009 = arith.constant dense<true> : vector<256x128xi1>
    %eq3A_2010 = arith.xori %eq3A_2008, %eq3A_2009 : vector<256x128xi1>
    %select_n3A_2011 = arith.select %eq3A_2010, %select_n3A_1962, %select_n3A_1975 : vector<256x128xi1>, vector<256x128xf32>
    %select_n3A_2012 = arith.select %eq3A_2010, %select_n3A_1963, %select_n3A_1987 : vector<256x128xi1>, vector<256x128xi32>
    %iota3A_2013 = tpu.iota {dimensions = array<i32: 0>} : vector<256x128xi32>
    %and3A_2014 = arith.constant 8 : i32
    %and3A_2015 = vector.broadcast %and3A_2014 : i32 to vector<256x128xi32>
    %and3A_2016 = arith.andi %iota3A_2013, %and3A_2015 : vector<256x128xi32>
    %eq3A_2017 = arith.constant 0 : i32
    %eq3A_2018 = vector.broadcast %eq3A_2017 : i32 to vector<256x128xi32>
    %eq3A_2019 = arith.cmpi eq, %and3A_2016, %eq3A_2018 : vector<256x128xi32>
    %roll3A_2020 = arith.constant 248 : i32
    %roll3A_2021 = tpu.dynamic_rotate %select_n3A_2011 by %roll3A_2020 dim 0 : vector<256x128xf32>, i32 -> vector<256x128xf32>
    %roll3A_2022 = arith.constant 8 : i32
    %roll3A_2023 = tpu.dynamic_rotate %select_n3A_2011 by %roll3A_2022 dim 0 : vector<256x128xf32>, i32 -> vector<256x128xf32>
    %select_n3A_2024 = arith.select %eq3A_2019, %roll3A_2021, %roll3A_2023 : vector<256x128xi1>, vector<256x128xf32>
    %iota3A_2025 = tpu.iota {dimensions = array<i32: 0>} : vector<256x128xi32>
    %and3A_2026 = arith.constant 8 : i32
    %and3A_2027 = vector.broadcast %and3A_2026 : i32 to vector<256x128xi32>
    %and3A_2028 = arith.andi %iota3A_2025, %and3A_2027 : vector<256x128xi32>
    %eq3A_2029 = arith.constant 0 : i32
    %eq3A_2030 = vector.broadcast %eq3A_2029 : i32 to vector<256x128xi32>
    %eq3A_2031 = arith.cmpi eq, %and3A_2028, %eq3A_2030 : vector<256x128xi32>
    %roll3A_2032 = arith.constant 248 : i32
    %roll3A_2033 = tpu.dynamic_rotate %select_n3A_2012 by %roll3A_2032 dim 0 : vector<256x128xi32>, i32 -> vector<256x128xi32>
    %roll3A_2034 = arith.constant 8 : i32
    %roll3A_2035 = tpu.dynamic_rotate %select_n3A_2012 by %roll3A_2034 dim 0 : vector<256x128xi32>, i32 -> vector<256x128xi32>
    %select_n3A_2036 = arith.select %eq3A_2031, %roll3A_2033, %roll3A_2035 : vector<256x128xi1>, vector<256x128xi32>
    %gt3A_2037 = arith.cmpf ogt, %select_n3A_2011, %select_n3A_2024 : vector<256x128xf32>
    %eq3A_2038 = arith.cmpf oeq, %select_n3A_2011, %select_n3A_2024 : vector<256x128xf32>
    %lt3A_2039 = arith.cmpi slt, %select_n3A_2012, %select_n3A_2036 : vector<256x128xi32>
    %and3A_2040 = arith.andi %eq3A_2038, %lt3A_2039 : vector<256x128xi1>
    %or3A_2041 = arith.ori %gt3A_2037, %and3A_2040 : vector<256x128xi1>
    %and3A_2042 = arith.constant 8 : i32
    %and3A_2043 = vector.broadcast %and3A_2042 : i32 to vector<256x128xi32>
    %and3A_2044 = arith.andi %add3A_10, %and3A_2043 : vector<256x128xi32>
    %eq3A_2045 = arith.constant 0 : i32
    %eq3A_2046 = vector.broadcast %eq3A_2045 : i32 to vector<256x128xi32>
    %eq3A_2047 = arith.cmpi eq, %and3A_2044, %eq3A_2046 : vector<256x128xi32>
    %and3A_2048 = arith.constant 512 : i32
    %and3A_2049 = vector.broadcast %and3A_2048 : i32 to vector<256x128xi32>
    %and3A_2050 = arith.andi %add3A_10, %and3A_2049 : vector<256x128xi32>
    %eq3A_2051 = arith.constant 0 : i32
    %eq3A_2052 = vector.broadcast %eq3A_2051 : i32 to vector<256x128xi32>
    %eq3A_2053 = arith.cmpi eq, %and3A_2050, %eq3A_2052 : vector<256x128xi32>
    %eq3A_2054 = arith.xori %eq3A_2047, %eq3A_2053 : vector<256x128xi1>
    %eq3A_2055 = arith.constant dense<true> : vector<256x128xi1>
    %eq3A_2056 = arith.xori %eq3A_2054, %eq3A_2055 : vector<256x128xi1>
    %eq3A_2057 = arith.xori %or3A_2041, %eq3A_2056 : vector<256x128xi1>
    %eq3A_2058 = arith.constant dense<true> : vector<256x128xi1>
    %eq3A_2059 = arith.xori %eq3A_2057, %eq3A_2058 : vector<256x128xi1>
    %select_n3A_2060 = arith.select %eq3A_2059, %select_n3A_2011, %select_n3A_2024 : vector<256x128xi1>, vector<256x128xf32>
    %select_n3A_2061 = arith.select %eq3A_2059, %select_n3A_2012, %select_n3A_2036 : vector<256x128xi1>, vector<256x128xi32>
    %iota3A_2062 = tpu.iota {dimensions = array<i32: 0>} : vector<256x128xi32>
    %and3A_2063 = arith.constant 4 : i32
    %and3A_2064 = vector.broadcast %and3A_2063 : i32 to vector<256x128xi32>
    %and3A_2065 = arith.andi %iota3A_2062, %and3A_2064 : vector<256x128xi32>
    %eq3A_2066 = arith.constant 0 : i32
    %eq3A_2067 = vector.broadcast %eq3A_2066 : i32 to vector<256x128xi32>
    %eq3A_2068 = arith.cmpi eq, %and3A_2065, %eq3A_2067 : vector<256x128xi32>
    %roll3A_2069 = arith.constant 252 : i32
    %roll3A_2070 = tpu.dynamic_rotate %select_n3A_2060 by %roll3A_2069 dim 0 : vector<256x128xf32>, i32 -> vector<256x128xf32>
    %roll3A_2071 = arith.constant 4 : i32
    %roll3A_2072 = tpu.dynamic_rotate %select_n3A_2060 by %roll3A_2071 dim 0 : vector<256x128xf32>, i32 -> vector<256x128xf32>
    %select_n3A_2073 = arith.select %eq3A_2068, %roll3A_2070, %roll3A_2072 : vector<256x128xi1>, vector<256x128xf32>
    %iota3A_2074 = tpu.iota {dimensions = array<i32: 0>} : vector<256x128xi32>
    %and3A_2075 = arith.constant 4 : i32
    %and3A_2076 = vector.broadcast %and3A_2075 : i32 to vector<256x128xi32>
    %and3A_2077 = arith.andi %iota3A_2074, %and3A_2076 : vector<256x128xi32>
    %eq3A_2078 = arith.constant 0 : i32
    %eq3A_2079 = vector.broadcast %eq3A_2078 : i32 to vector<256x128xi32>
    %eq3A_2080 = arith.cmpi eq, %and3A_2077, %eq3A_2079 : vector<256x128xi32>
    %roll3A_2081 = arith.constant 252 : i32
    %roll3A_2082 = tpu.dynamic_rotate %select_n3A_2061 by %roll3A_2081 dim 0 : vector<256x128xi32>, i32 -> vector<256x128xi32>
    %roll3A_2083 = arith.constant 4 : i32
    %roll3A_2084 = tpu.dynamic_rotate %select_n3A_2061 by %roll3A_2083 dim 0 : vector<256x128xi32>, i32 -> vector<256x128xi32>
    %select_n3A_2085 = arith.select %eq3A_2080, %roll3A_2082, %roll3A_2084 : vector<256x128xi1>, vector<256x128xi32>
    %gt3A_2086 = arith.cmpf ogt, %select_n3A_2060, %select_n3A_2073 : vector<256x128xf32>
    %eq3A_2087 = arith.cmpf oeq, %select_n3A_2060, %select_n3A_2073 : vector<256x128xf32>
    %lt3A_2088 = arith.cmpi slt, %select_n3A_2061, %select_n3A_2085 : vector<256x128xi32>
    %and3A_2089 = arith.andi %eq3A_2087, %lt3A_2088 : vector<256x128xi1>
    %or3A_2090 = arith.ori %gt3A_2086, %and3A_2089 : vector<256x128xi1>
    %and3A_2091 = arith.constant 4 : i32
    %and3A_2092 = vector.broadcast %and3A_2091 : i32 to vector<256x128xi32>
    %and3A_2093 = arith.andi %add3A_10, %and3A_2092 : vector<256x128xi32>
    %eq3A_2094 = arith.constant 0 : i32
    %eq3A_2095 = vector.broadcast %eq3A_2094 : i32 to vector<256x128xi32>
    %eq3A_2096 = arith.cmpi eq, %and3A_2093, %eq3A_2095 : vector<256x128xi32>
    %and3A_2097 = arith.constant 512 : i32
    %and3A_2098 = vector.broadcast %and3A_2097 : i32 to vector<256x128xi32>
    %and3A_2099 = arith.andi %add3A_10, %and3A_2098 : vector<256x128xi32>
    %eq3A_2100 = arith.constant 0 : i32
    %eq3A_2101 = vector.broadcast %eq3A_2100 : i32 to vector<256x128xi32>
    %eq3A_2102 = arith.cmpi eq, %and3A_2099, %eq3A_2101 : vector<256x128xi32>
    %eq3A_2103 = arith.xori %eq3A_2096, %eq3A_2102 : vector<256x128xi1>
    %eq3A_2104 = arith.constant dense<true> : vector<256x128xi1>
    %eq3A_2105 = arith.xori %eq3A_2103, %eq3A_2104 : vector<256x128xi1>
    %eq3A_2106 = arith.xori %or3A_2090, %eq3A_2105 : vector<256x128xi1>
    %eq3A_2107 = arith.constant dense<true> : vector<256x128xi1>
    %eq3A_2108 = arith.xori %eq3A_2106, %eq3A_2107 : vector<256x128xi1>
    %select_n3A_2109 = arith.select %eq3A_2108, %select_n3A_2060, %select_n3A_2073 : vector<256x128xi1>, vector<256x128xf32>
    %select_n3A_2110 = arith.select %eq3A_2108, %select_n3A_2061, %select_n3A_2085 : vector<256x128xi1>, vector<256x128xi32>
    %iota3A_2111 = tpu.iota {dimensions = array<i32: 0>} : vector<256x128xi32>
    %and3A_2112 = arith.constant 2 : i32
    %and3A_2113 = vector.broadcast %and3A_2112 : i32 to vector<256x128xi32>
    %and3A_2114 = arith.andi %iota3A_2111, %and3A_2113 : vector<256x128xi32>
    %eq3A_2115 = arith.constant 0 : i32
    %eq3A_2116 = vector.broadcast %eq3A_2115 : i32 to vector<256x128xi32>
    %eq3A_2117 = arith.cmpi eq, %and3A_2114, %eq3A_2116 : vector<256x128xi32>
    %roll3A_2118 = arith.constant 254 : i32
    %roll3A_2119 = tpu.dynamic_rotate %select_n3A_2109 by %roll3A_2118 dim 0 : vector<256x128xf32>, i32 -> vector<256x128xf32>
    %roll3A_2120 = arith.constant 2 : i32
    %roll3A_2121 = tpu.dynamic_rotate %select_n3A_2109 by %roll3A_2120 dim 0 : vector<256x128xf32>, i32 -> vector<256x128xf32>
    %select_n3A_2122 = arith.select %eq3A_2117, %roll3A_2119, %roll3A_2121 : vector<256x128xi1>, vector<256x128xf32>
    %iota3A_2123 = tpu.iota {dimensions = array<i32: 0>} : vector<256x128xi32>
    %and3A_2124 = arith.constant 2 : i32
    %and3A_2125 = vector.broadcast %and3A_2124 : i32 to vector<256x128xi32>
    %and3A_2126 = arith.andi %iota3A_2123, %and3A_2125 : vector<256x128xi32>
    %eq3A_2127 = arith.constant 0 : i32
    %eq3A_2128 = vector.broadcast %eq3A_2127 : i32 to vector<256x128xi32>
    %eq3A_2129 = arith.cmpi eq, %and3A_2126, %eq3A_2128 : vector<256x128xi32>
    %roll3A_2130 = arith.constant 254 : i32
    %roll3A_2131 = tpu.dynamic_rotate %select_n3A_2110 by %roll3A_2130 dim 0 : vector<256x128xi32>, i32 -> vector<256x128xi32>
    %roll3A_2132 = arith.constant 2 : i32
    %roll3A_2133 = tpu.dynamic_rotate %select_n3A_2110 by %roll3A_2132 dim 0 : vector<256x128xi32>, i32 -> vector<256x128xi32>
    %select_n3A_2134 = arith.select %eq3A_2129, %roll3A_2131, %roll3A_2133 : vector<256x128xi1>, vector<256x128xi32>
    %gt3A_2135 = arith.cmpf ogt, %select_n3A_2109, %select_n3A_2122 : vector<256x128xf32>
    %eq3A_2136 = arith.cmpf oeq, %select_n3A_2109, %select_n3A_2122 : vector<256x128xf32>
    %lt3A_2137 = arith.cmpi slt, %select_n3A_2110, %select_n3A_2134 : vector<256x128xi32>
    %and3A_2138 = arith.andi %eq3A_2136, %lt3A_2137 : vector<256x128xi1>
    %or3A_2139 = arith.ori %gt3A_2135, %and3A_2138 : vector<256x128xi1>
    %and3A_2140 = arith.constant 2 : i32
    %and3A_2141 = vector.broadcast %and3A_2140 : i32 to vector<256x128xi32>
    %and3A_2142 = arith.andi %add3A_10, %and3A_2141 : vector<256x128xi32>
    %eq3A_2143 = arith.constant 0 : i32
    %eq3A_2144 = vector.broadcast %eq3A_2143 : i32 to vector<256x128xi32>
    %eq3A_2145 = arith.cmpi eq, %and3A_2142, %eq3A_2144 : vector<256x128xi32>
    %and3A_2146 = arith.constant 512 : i32
    %and3A_2147 = vector.broadcast %and3A_2146 : i32 to vector<256x128xi32>
    %and3A_2148 = arith.andi %add3A_10, %and3A_2147 : vector<256x128xi32>
    %eq3A_2149 = arith.constant 0 : i32
    %eq3A_2150 = vector.broadcast %eq3A_2149 : i32 to vector<256x128xi32>
    %eq3A_2151 = arith.cmpi eq, %and3A_2148, %eq3A_2150 : vector<256x128xi32>
    %eq3A_2152 = arith.xori %eq3A_2145, %eq3A_2151 : vector<256x128xi1>
    %eq3A_2153 = arith.constant dense<true> : vector<256x128xi1>
    %eq3A_2154 = arith.xori %eq3A_2152, %eq3A_2153 : vector<256x128xi1>
    %eq3A_2155 = arith.xori %or3A_2139, %eq3A_2154 : vector<256x128xi1>
    %eq3A_2156 = arith.constant dense<true> : vector<256x128xi1>
    %eq3A_2157 = arith.xori %eq3A_2155, %eq3A_2156 : vector<256x128xi1>
    %select_n3A_2158 = arith.select %eq3A_2157, %select_n3A_2109, %select_n3A_2122 : vector<256x128xi1>, vector<256x128xf32>
    %select_n3A_2159 = arith.select %eq3A_2157, %select_n3A_2110, %select_n3A_2134 : vector<256x128xi1>, vector<256x128xi32>
    %iota3A_2160 = tpu.iota {dimensions = array<i32: 0>} : vector<256x128xi32>
    %and3A_2161 = arith.constant 1 : i32
    %and3A_2162 = vector.broadcast %and3A_2161 : i32 to vector<256x128xi32>
    %and3A_2163 = arith.andi %iota3A_2160, %and3A_2162 : vector<256x128xi32>
    %eq3A_2164 = arith.constant 0 : i32
    %eq3A_2165 = vector.broadcast %eq3A_2164 : i32 to vector<256x128xi32>
    %eq3A_2166 = arith.cmpi eq, %and3A_2163, %eq3A_2165 : vector<256x128xi32>
    %roll3A_2167 = arith.constant 255 : i32
    %roll3A_2168 = tpu.dynamic_rotate %select_n3A_2158 by %roll3A_2167 dim 0 : vector<256x128xf32>, i32 -> vector<256x128xf32>
    %roll3A_2169 = arith.constant 1 : i32
    %roll3A_2170 = tpu.dynamic_rotate %select_n3A_2158 by %roll3A_2169 dim 0 : vector<256x128xf32>, i32 -> vector<256x128xf32>
    %select_n3A_2171 = arith.select %eq3A_2166, %roll3A_2168, %roll3A_2170 : vector<256x128xi1>, vector<256x128xf32>
    %iota3A_2172 = tpu.iota {dimensions = array<i32: 0>} : vector<256x128xi32>
    %and3A_2173 = arith.constant 1 : i32
    %and3A_2174 = vector.broadcast %and3A_2173 : i32 to vector<256x128xi32>
    %and3A_2175 = arith.andi %iota3A_2172, %and3A_2174 : vector<256x128xi32>
    %eq3A_2176 = arith.constant 0 : i32
    %eq3A_2177 = vector.broadcast %eq3A_2176 : i32 to vector<256x128xi32>
    %eq3A_2178 = arith.cmpi eq, %and3A_2175, %eq3A_2177 : vector<256x128xi32>
    %roll3A_2179 = arith.constant 255 : i32
    %roll3A_2180 = tpu.dynamic_rotate %select_n3A_2159 by %roll3A_2179 dim 0 : vector<256x128xi32>, i32 -> vector<256x128xi32>
    %roll3A_2181 = arith.constant 1 : i32
    %roll3A_2182 = tpu.dynamic_rotate %select_n3A_2159 by %roll3A_2181 dim 0 : vector<256x128xi32>, i32 -> vector<256x128xi32>
    %select_n3A_2183 = arith.select %eq3A_2178, %roll3A_2180, %roll3A_2182 : vector<256x128xi1>, vector<256x128xi32>
    %gt3A_2184 = arith.cmpf ogt, %select_n3A_2158, %select_n3A_2171 : vector<256x128xf32>
    %eq3A_2185 = arith.cmpf oeq, %select_n3A_2158, %select_n3A_2171 : vector<256x128xf32>
    %lt3A_2186 = arith.cmpi slt, %select_n3A_2159, %select_n3A_2183 : vector<256x128xi32>
    %and3A_2187 = arith.andi %eq3A_2185, %lt3A_2186 : vector<256x128xi1>
    %or3A_2188 = arith.ori %gt3A_2184, %and3A_2187 : vector<256x128xi1>
    %and3A_2189 = arith.constant 1 : i32
    %and3A_2190 = vector.broadcast %and3A_2189 : i32 to vector<256x128xi32>
    %and3A_2191 = arith.andi %add3A_10, %and3A_2190 : vector<256x128xi32>
    %eq3A_2192 = arith.constant 0 : i32
    %eq3A_2193 = vector.broadcast %eq3A_2192 : i32 to vector<256x128xi32>
    %eq3A_2194 = arith.cmpi eq, %and3A_2191, %eq3A_2193 : vector<256x128xi32>
    %and3A_2195 = arith.constant 512 : i32
    %and3A_2196 = vector.broadcast %and3A_2195 : i32 to vector<256x128xi32>
    %and3A_2197 = arith.andi %add3A_10, %and3A_2196 : vector<256x128xi32>
    %eq3A_2198 = arith.constant 0 : i32
    %eq3A_2199 = vector.broadcast %eq3A_2198 : i32 to vector<256x128xi32>
    %eq3A_2200 = arith.cmpi eq, %and3A_2197, %eq3A_2199 : vector<256x128xi32>
    %eq3A_2201 = arith.xori %eq3A_2194, %eq3A_2200 : vector<256x128xi1>
    %eq3A_2202 = arith.constant dense<true> : vector<256x128xi1>
    %eq3A_2203 = arith.xori %eq3A_2201, %eq3A_2202 : vector<256x128xi1>
    %eq3A_2204 = arith.xori %or3A_2188, %eq3A_2203 : vector<256x128xi1>
    %eq3A_2205 = arith.constant dense<true> : vector<256x128xi1>
    %eq3A_2206 = arith.xori %eq3A_2204, %eq3A_2205 : vector<256x128xi1>
    %select_n3A_2207 = arith.select %eq3A_2206, %select_n3A_2158, %select_n3A_2171 : vector<256x128xi1>, vector<256x128xf32>
    %select_n3A_2208 = arith.select %eq3A_2206, %select_n3A_2159, %select_n3A_2183 : vector<256x128xi1>, vector<256x128xi32>
    %iota3A_2209 = tpu.iota {dimensions = array<i32: 1>} : vector<256x128xi32>
    %and3A_2210 = arith.constant 2 : i32
    %and3A_2211 = vector.broadcast %and3A_2210 : i32 to vector<256x128xi32>
    %and3A_2212 = arith.andi %iota3A_2209, %and3A_2211 : vector<256x128xi32>
    %eq3A_2213 = arith.constant 0 : i32
    %eq3A_2214 = vector.broadcast %eq3A_2213 : i32 to vector<256x128xi32>
    %eq3A_2215 = arith.cmpi eq, %and3A_2212, %eq3A_2214 : vector<256x128xi32>
    %roll3A_2216 = arith.constant 126 : i32
    %roll3A_2217 = tpu.dynamic_rotate %select_n3A_2207 by %roll3A_2216 dim 1 : vector<256x128xf32>, i32 -> vector<256x128xf32>
    %roll3A_2218 = arith.constant 2 : i32
    %roll3A_2219 = tpu.dynamic_rotate %select_n3A_2207 by %roll3A_2218 dim 1 : vector<256x128xf32>, i32 -> vector<256x128xf32>
    %select_n3A_2220 = arith.select %eq3A_2215, %roll3A_2217, %roll3A_2219 : vector<256x128xi1>, vector<256x128xf32>
    %iota3A_2221 = tpu.iota {dimensions = array<i32: 1>} : vector<256x128xi32>
    %and3A_2222 = arith.constant 2 : i32
    %and3A_2223 = vector.broadcast %and3A_2222 : i32 to vector<256x128xi32>
    %and3A_2224 = arith.andi %iota3A_2221, %and3A_2223 : vector<256x128xi32>
    %eq3A_2225 = arith.constant 0 : i32
    %eq3A_2226 = vector.broadcast %eq3A_2225 : i32 to vector<256x128xi32>
    %eq3A_2227 = arith.cmpi eq, %and3A_2224, %eq3A_2226 : vector<256x128xi32>
    %roll3A_2228 = arith.constant 126 : i32
    %roll3A_2229 = tpu.dynamic_rotate %select_n3A_2208 by %roll3A_2228 dim 1 : vector<256x128xi32>, i32 -> vector<256x128xi32>
    %roll3A_2230 = arith.constant 2 : i32
    %roll3A_2231 = tpu.dynamic_rotate %select_n3A_2208 by %roll3A_2230 dim 1 : vector<256x128xi32>, i32 -> vector<256x128xi32>
    %select_n3A_2232 = arith.select %eq3A_2227, %roll3A_2229, %roll3A_2231 : vector<256x128xi1>, vector<256x128xi32>
    %gt3A_2233 = arith.cmpf ogt, %select_n3A_2207, %select_n3A_2220 : vector<256x128xf32>
    %eq3A_2234 = arith.cmpf oeq, %select_n3A_2207, %select_n3A_2220 : vector<256x128xf32>
    %lt3A_2235 = arith.cmpi slt, %select_n3A_2208, %select_n3A_2232 : vector<256x128xi32>
    %and3A_2236 = arith.andi %eq3A_2234, %lt3A_2235 : vector<256x128xi1>
    %or3A_2237 = arith.ori %gt3A_2233, %and3A_2236 : vector<256x128xi1>
    %and3A_2238 = arith.constant 512 : i32
    %and3A_2239 = vector.broadcast %and3A_2238 : i32 to vector<256x128xi32>
    %and3A_2240 = arith.andi %add3A_10, %and3A_2239 : vector<256x128xi32>
    %eq3A_2241 = arith.constant 0 : i32
    %eq3A_2242 = vector.broadcast %eq3A_2241 : i32 to vector<256x128xi32>
    %eq3A_2243 = arith.cmpi eq, %and3A_2240, %eq3A_2242 : vector<256x128xi32>
    %and3A_2244 = arith.constant 1024 : i32
    %and3A_2245 = vector.broadcast %and3A_2244 : i32 to vector<256x128xi32>
    %and3A_2246 = arith.andi %add3A_10, %and3A_2245 : vector<256x128xi32>
    %eq3A_2247 = arith.constant 0 : i32
    %eq3A_2248 = vector.broadcast %eq3A_2247 : i32 to vector<256x128xi32>
    %eq3A_2249 = arith.cmpi eq, %and3A_2246, %eq3A_2248 : vector<256x128xi32>
    %eq3A_2250 = arith.xori %eq3A_2243, %eq3A_2249 : vector<256x128xi1>
    %eq3A_2251 = arith.constant dense<true> : vector<256x128xi1>
    %eq3A_2252 = arith.xori %eq3A_2250, %eq3A_2251 : vector<256x128xi1>
    %eq3A_2253 = arith.xori %or3A_2237, %eq3A_2252 : vector<256x128xi1>
    %eq3A_2254 = arith.constant dense<true> : vector<256x128xi1>
    %eq3A_2255 = arith.xori %eq3A_2253, %eq3A_2254 : vector<256x128xi1>
    %select_n3A_2256 = arith.select %eq3A_2255, %select_n3A_2207, %select_n3A_2220 : vector<256x128xi1>, vector<256x128xf32>
    %select_n3A_2257 = arith.select %eq3A_2255, %select_n3A_2208, %select_n3A_2232 : vector<256x128xi1>, vector<256x128xi32>
    %iota3A_2258 = tpu.iota {dimensions = array<i32: 1>} : vector<256x128xi32>
    %and3A_2259 = arith.constant 1 : i32
    %and3A_2260 = vector.broadcast %and3A_2259 : i32 to vector<256x128xi32>
    %and3A_2261 = arith.andi %iota3A_2258, %and3A_2260 : vector<256x128xi32>
    %eq3A_2262 = arith.constant 0 : i32
    %eq3A_2263 = vector.broadcast %eq3A_2262 : i32 to vector<256x128xi32>
    %eq3A_2264 = arith.cmpi eq, %and3A_2261, %eq3A_2263 : vector<256x128xi32>
    %roll3A_2265 = arith.constant 127 : i32
    %roll3A_2266 = tpu.dynamic_rotate %select_n3A_2256 by %roll3A_2265 dim 1 : vector<256x128xf32>, i32 -> vector<256x128xf32>
    %roll3A_2267 = arith.constant 1 : i32
    %roll3A_2268 = tpu.dynamic_rotate %select_n3A_2256 by %roll3A_2267 dim 1 : vector<256x128xf32>, i32 -> vector<256x128xf32>
    %select_n3A_2269 = arith.select %eq3A_2264, %roll3A_2266, %roll3A_2268 : vector<256x128xi1>, vector<256x128xf32>
    %iota3A_2270 = tpu.iota {dimensions = array<i32: 1>} : vector<256x128xi32>
    %and3A_2271 = arith.constant 1 : i32
    %and3A_2272 = vector.broadcast %and3A_2271 : i32 to vector<256x128xi32>
    %and3A_2273 = arith.andi %iota3A_2270, %and3A_2272 : vector<256x128xi32>
    %eq3A_2274 = arith.constant 0 : i32
    %eq3A_2275 = vector.broadcast %eq3A_2274 : i32 to vector<256x128xi32>
    %eq3A_2276 = arith.cmpi eq, %and3A_2273, %eq3A_2275 : vector<256x128xi32>
    %roll3A_2277 = arith.constant 127 : i32
    %roll3A_2278 = tpu.dynamic_rotate %select_n3A_2257 by %roll3A_2277 dim 1 : vector<256x128xi32>, i32 -> vector<256x128xi32>
    %roll3A_2279 = arith.constant 1 : i32
    %roll3A_2280 = tpu.dynamic_rotate %select_n3A_2257 by %roll3A_2279 dim 1 : vector<256x128xi32>, i32 -> vector<256x128xi32>
    %select_n3A_2281 = arith.select %eq3A_2276, %roll3A_2278, %roll3A_2280 : vector<256x128xi1>, vector<256x128xi32>
    %gt3A_2282 = arith.cmpf ogt, %select_n3A_2256, %select_n3A_2269 : vector<256x128xf32>
    %eq3A_2283 = arith.cmpf oeq, %select_n3A_2256, %select_n3A_2269 : vector<256x128xf32>
    %lt3A_2284 = arith.cmpi slt, %select_n3A_2257, %select_n3A_2281 : vector<256x128xi32>
    %and3A_2285 = arith.andi %eq3A_2283, %lt3A_2284 : vector<256x128xi1>
    %or3A_2286 = arith.ori %gt3A_2282, %and3A_2285 : vector<256x128xi1>
    %and3A_2287 = arith.constant 256 : i32
    %and3A_2288 = vector.broadcast %and3A_2287 : i32 to vector<256x128xi32>
    %and3A_2289 = arith.andi %add3A_10, %and3A_2288 : vector<256x128xi32>
    %eq3A_2290 = arith.constant 0 : i32
    %eq3A_2291 = vector.broadcast %eq3A_2290 : i32 to vector<256x128xi32>
    %eq3A_2292 = arith.cmpi eq, %and3A_2289, %eq3A_2291 : vector<256x128xi32>
    %and3A_2293 = arith.constant 1024 : i32
    %and3A_2294 = vector.broadcast %and3A_2293 : i32 to vector<256x128xi32>
    %and3A_2295 = arith.andi %add3A_10, %and3A_2294 : vector<256x128xi32>
    %eq3A_2296 = arith.constant 0 : i32
    %eq3A_2297 = vector.broadcast %eq3A_2296 : i32 to vector<256x128xi32>
    %eq3A_2298 = arith.cmpi eq, %and3A_2295, %eq3A_2297 : vector<256x128xi32>
    %eq3A_2299 = arith.xori %eq3A_2292, %eq3A_2298 : vector<256x128xi1>
    %eq3A_2300 = arith.constant dense<true> : vector<256x128xi1>
    %eq3A_2301 = arith.xori %eq3A_2299, %eq3A_2300 : vector<256x128xi1>
    %eq3A_2302 = arith.xori %or3A_2286, %eq3A_2301 : vector<256x128xi1>
    %eq3A_2303 = arith.constant dense<true> : vector<256x128xi1>
    %eq3A_2304 = arith.xori %eq3A_2302, %eq3A_2303 : vector<256x128xi1>
    %select_n3A_2305 = arith.select %eq3A_2304, %select_n3A_2256, %select_n3A_2269 : vector<256x128xi1>, vector<256x128xf32>
    %select_n3A_2306 = arith.select %eq3A_2304, %select_n3A_2257, %select_n3A_2281 : vector<256x128xi1>, vector<256x128xi32>
    %iota3A_2307 = tpu.iota {dimensions = array<i32: 0>} : vector<256x128xi32>
    %and3A_2308 = arith.constant 128 : i32
    %and3A_2309 = vector.broadcast %and3A_2308 : i32 to vector<256x128xi32>
    %and3A_2310 = arith.andi %iota3A_2307, %and3A_2309 : vector<256x128xi32>
    %eq3A_2311 = arith.constant 0 : i32
    %eq3A_2312 = vector.broadcast %eq3A_2311 : i32 to vector<256x128xi32>
    %eq3A_2313 = arith.cmpi eq, %and3A_2310, %eq3A_2312 : vector<256x128xi32>
    %roll3A_2314 = arith.constant 128 : i32
    %roll3A_2315 = tpu.dynamic_rotate %select_n3A_2305 by %roll3A_2314 dim 0 : vector<256x128xf32>, i32 -> vector<256x128xf32>
    %roll3A_2316 = arith.constant 128 : i32
    %roll3A_2317 = tpu.dynamic_rotate %select_n3A_2305 by %roll3A_2316 dim 0 : vector<256x128xf32>, i32 -> vector<256x128xf32>
    %select_n3A_2318 = arith.select %eq3A_2313, %roll3A_2315, %roll3A_2317 : vector<256x128xi1>, vector<256x128xf32>
    %iota3A_2319 = tpu.iota {dimensions = array<i32: 0>} : vector<256x128xi32>
    %and3A_2320 = arith.constant 128 : i32
    %and3A_2321 = vector.broadcast %and3A_2320 : i32 to vector<256x128xi32>
    %and3A_2322 = arith.andi %iota3A_2319, %and3A_2321 : vector<256x128xi32>
    %eq3A_2323 = arith.constant 0 : i32
    %eq3A_2324 = vector.broadcast %eq3A_2323 : i32 to vector<256x128xi32>
    %eq3A_2325 = arith.cmpi eq, %and3A_2322, %eq3A_2324 : vector<256x128xi32>
    %roll3A_2326 = arith.constant 128 : i32
    %roll3A_2327 = tpu.dynamic_rotate %select_n3A_2306 by %roll3A_2326 dim 0 : vector<256x128xi32>, i32 -> vector<256x128xi32>
    %roll3A_2328 = arith.constant 128 : i32
    %roll3A_2329 = tpu.dynamic_rotate %select_n3A_2306 by %roll3A_2328 dim 0 : vector<256x128xi32>, i32 -> vector<256x128xi32>
    %select_n3A_2330 = arith.select %eq3A_2325, %roll3A_2327, %roll3A_2329 : vector<256x128xi1>, vector<256x128xi32>
    %gt3A_2331 = arith.cmpf ogt, %select_n3A_2305, %select_n3A_2318 : vector<256x128xf32>
    %eq3A_2332 = arith.cmpf oeq, %select_n3A_2305, %select_n3A_2318 : vector<256x128xf32>
    %lt3A_2333 = arith.cmpi slt, %select_n3A_2306, %select_n3A_2330 : vector<256x128xi32>
    %and3A_2334 = arith.andi %eq3A_2332, %lt3A_2333 : vector<256x128xi1>
    %or3A_2335 = arith.ori %gt3A_2331, %and3A_2334 : vector<256x128xi1>
    %and3A_2336 = arith.constant 128 : i32
    %and3A_2337 = vector.broadcast %and3A_2336 : i32 to vector<256x128xi32>
    %and3A_2338 = arith.andi %add3A_10, %and3A_2337 : vector<256x128xi32>
    %eq3A_2339 = arith.constant 0 : i32
    %eq3A_2340 = vector.broadcast %eq3A_2339 : i32 to vector<256x128xi32>
    %eq3A_2341 = arith.cmpi eq, %and3A_2338, %eq3A_2340 : vector<256x128xi32>
    %and3A_2342 = arith.constant 1024 : i32
    %and3A_2343 = vector.broadcast %and3A_2342 : i32 to vector<256x128xi32>
    %and3A_2344 = arith.andi %add3A_10, %and3A_2343 : vector<256x128xi32>
    %eq3A_2345 = arith.constant 0 : i32
    %eq3A_2346 = vector.broadcast %eq3A_2345 : i32 to vector<256x128xi32>
    %eq3A_2347 = arith.cmpi eq, %and3A_2344, %eq3A_2346 : vector<256x128xi32>
    %eq3A_2348 = arith.xori %eq3A_2341, %eq3A_2347 : vector<256x128xi1>
    %eq3A_2349 = arith.constant dense<true> : vector<256x128xi1>
    %eq3A_2350 = arith.xori %eq3A_2348, %eq3A_2349 : vector<256x128xi1>
    %eq3A_2351 = arith.xori %or3A_2335, %eq3A_2350 : vector<256x128xi1>
    %eq3A_2352 = arith.constant dense<true> : vector<256x128xi1>
    %eq3A_2353 = arith.xori %eq3A_2351, %eq3A_2352 : vector<256x128xi1>
    %select_n3A_2354 = arith.select %eq3A_2353, %select_n3A_2305, %select_n3A_2318 : vector<256x128xi1>, vector<256x128xf32>
    %select_n3A_2355 = arith.select %eq3A_2353, %select_n3A_2306, %select_n3A_2330 : vector<256x128xi1>, vector<256x128xi32>
    %iota3A_2356 = tpu.iota {dimensions = array<i32: 0>} : vector<256x128xi32>
    %and3A_2357 = arith.constant 64 : i32
    %and3A_2358 = vector.broadcast %and3A_2357 : i32 to vector<256x128xi32>
    %and3A_2359 = arith.andi %iota3A_2356, %and3A_2358 : vector<256x128xi32>
    %eq3A_2360 = arith.constant 0 : i32
    %eq3A_2361 = vector.broadcast %eq3A_2360 : i32 to vector<256x128xi32>
    %eq3A_2362 = arith.cmpi eq, %and3A_2359, %eq3A_2361 : vector<256x128xi32>
    %roll3A_2363 = arith.constant 192 : i32
    %roll3A_2364 = tpu.dynamic_rotate %select_n3A_2354 by %roll3A_2363 dim 0 : vector<256x128xf32>, i32 -> vector<256x128xf32>
    %roll3A_2365 = arith.constant 64 : i32
    %roll3A_2366 = tpu.dynamic_rotate %select_n3A_2354 by %roll3A_2365 dim 0 : vector<256x128xf32>, i32 -> vector<256x128xf32>
    %select_n3A_2367 = arith.select %eq3A_2362, %roll3A_2364, %roll3A_2366 : vector<256x128xi1>, vector<256x128xf32>
    %iota3A_2368 = tpu.iota {dimensions = array<i32: 0>} : vector<256x128xi32>
    %and3A_2369 = arith.constant 64 : i32
    %and3A_2370 = vector.broadcast %and3A_2369 : i32 to vector<256x128xi32>
    %and3A_2371 = arith.andi %iota3A_2368, %and3A_2370 : vector<256x128xi32>
    %eq3A_2372 = arith.constant 0 : i32
    %eq3A_2373 = vector.broadcast %eq3A_2372 : i32 to vector<256x128xi32>
    %eq3A_2374 = arith.cmpi eq, %and3A_2371, %eq3A_2373 : vector<256x128xi32>
    %roll3A_2375 = arith.constant 192 : i32
    %roll3A_2376 = tpu.dynamic_rotate %select_n3A_2355 by %roll3A_2375 dim 0 : vector<256x128xi32>, i32 -> vector<256x128xi32>
    %roll3A_2377 = arith.constant 64 : i32
    %roll3A_2378 = tpu.dynamic_rotate %select_n3A_2355 by %roll3A_2377 dim 0 : vector<256x128xi32>, i32 -> vector<256x128xi32>
    %select_n3A_2379 = arith.select %eq3A_2374, %roll3A_2376, %roll3A_2378 : vector<256x128xi1>, vector<256x128xi32>
    %gt3A_2380 = arith.cmpf ogt, %select_n3A_2354, %select_n3A_2367 : vector<256x128xf32>
    %eq3A_2381 = arith.cmpf oeq, %select_n3A_2354, %select_n3A_2367 : vector<256x128xf32>
    %lt3A_2382 = arith.cmpi slt, %select_n3A_2355, %select_n3A_2379 : vector<256x128xi32>
    %and3A_2383 = arith.andi %eq3A_2381, %lt3A_2382 : vector<256x128xi1>
    %or3A_2384 = arith.ori %gt3A_2380, %and3A_2383 : vector<256x128xi1>
    %and3A_2385 = arith.constant 64 : i32
    %and3A_2386 = vector.broadcast %and3A_2385 : i32 to vector<256x128xi32>
    %and3A_2387 = arith.andi %add3A_10, %and3A_2386 : vector<256x128xi32>
    %eq3A_2388 = arith.constant 0 : i32
    %eq3A_2389 = vector.broadcast %eq3A_2388 : i32 to vector<256x128xi32>
    %eq3A_2390 = arith.cmpi eq, %and3A_2387, %eq3A_2389 : vector<256x128xi32>
    %and3A_2391 = arith.constant 1024 : i32
    %and3A_2392 = vector.broadcast %and3A_2391 : i32 to vector<256x128xi32>
    %and3A_2393 = arith.andi %add3A_10, %and3A_2392 : vector<256x128xi32>
    %eq3A_2394 = arith.constant 0 : i32
    %eq3A_2395 = vector.broadcast %eq3A_2394 : i32 to vector<256x128xi32>
    %eq3A_2396 = arith.cmpi eq, %and3A_2393, %eq3A_2395 : vector<256x128xi32>
    %eq3A_2397 = arith.xori %eq3A_2390, %eq3A_2396 : vector<256x128xi1>
    %eq3A_2398 = arith.constant dense<true> : vector<256x128xi1>
    %eq3A_2399 = arith.xori %eq3A_2397, %eq3A_2398 : vector<256x128xi1>
    %eq3A_2400 = arith.xori %or3A_2384, %eq3A_2399 : vector<256x128xi1>
    %eq3A_2401 = arith.constant dense<true> : vector<256x128xi1>
    %eq3A_2402 = arith.xori %eq3A_2400, %eq3A_2401 : vector<256x128xi1>
    %select_n3A_2403 = arith.select %eq3A_2402, %select_n3A_2354, %select_n3A_2367 : vector<256x128xi1>, vector<256x128xf32>
    %select_n3A_2404 = arith.select %eq3A_2402, %select_n3A_2355, %select_n3A_2379 : vector<256x128xi1>, vector<256x128xi32>
    %iota3A_2405 = tpu.iota {dimensions = array<i32: 0>} : vector<256x128xi32>
    %and3A_2406 = arith.constant 32 : i32
    %and3A_2407 = vector.broadcast %and3A_2406 : i32 to vector<256x128xi32>
    %and3A_2408 = arith.andi %iota3A_2405, %and3A_2407 : vector<256x128xi32>
    %eq3A_2409 = arith.constant 0 : i32
    %eq3A_2410 = vector.broadcast %eq3A_2409 : i32 to vector<256x128xi32>
    %eq3A_2411 = arith.cmpi eq, %and3A_2408, %eq3A_2410 : vector<256x128xi32>
    %roll3A_2412 = arith.constant 224 : i32
    %roll3A_2413 = tpu.dynamic_rotate %select_n3A_2403 by %roll3A_2412 dim 0 : vector<256x128xf32>, i32 -> vector<256x128xf32>
    %roll3A_2414 = arith.constant 32 : i32
    %roll3A_2415 = tpu.dynamic_rotate %select_n3A_2403 by %roll3A_2414 dim 0 : vector<256x128xf32>, i32 -> vector<256x128xf32>
    %select_n3A_2416 = arith.select %eq3A_2411, %roll3A_2413, %roll3A_2415 : vector<256x128xi1>, vector<256x128xf32>
    %iota3A_2417 = tpu.iota {dimensions = array<i32: 0>} : vector<256x128xi32>
    %and3A_2418 = arith.constant 32 : i32
    %and3A_2419 = vector.broadcast %and3A_2418 : i32 to vector<256x128xi32>
    %and3A_2420 = arith.andi %iota3A_2417, %and3A_2419 : vector<256x128xi32>
    %eq3A_2421 = arith.constant 0 : i32
    %eq3A_2422 = vector.broadcast %eq3A_2421 : i32 to vector<256x128xi32>
    %eq3A_2423 = arith.cmpi eq, %and3A_2420, %eq3A_2422 : vector<256x128xi32>
    %roll3A_2424 = arith.constant 224 : i32
    %roll3A_2425 = tpu.dynamic_rotate %select_n3A_2404 by %roll3A_2424 dim 0 : vector<256x128xi32>, i32 -> vector<256x128xi32>
    %roll3A_2426 = arith.constant 32 : i32
    %roll3A_2427 = tpu.dynamic_rotate %select_n3A_2404 by %roll3A_2426 dim 0 : vector<256x128xi32>, i32 -> vector<256x128xi32>
    %select_n3A_2428 = arith.select %eq3A_2423, %roll3A_2425, %roll3A_2427 : vector<256x128xi1>, vector<256x128xi32>
    %gt3A_2429 = arith.cmpf ogt, %select_n3A_2403, %select_n3A_2416 : vector<256x128xf32>
    %eq3A_2430 = arith.cmpf oeq, %select_n3A_2403, %select_n3A_2416 : vector<256x128xf32>
    %lt3A_2431 = arith.cmpi slt, %select_n3A_2404, %select_n3A_2428 : vector<256x128xi32>
    %and3A_2432 = arith.andi %eq3A_2430, %lt3A_2431 : vector<256x128xi1>
    %or3A_2433 = arith.ori %gt3A_2429, %and3A_2432 : vector<256x128xi1>
    %and3A_2434 = arith.constant 32 : i32
    %and3A_2435 = vector.broadcast %and3A_2434 : i32 to vector<256x128xi32>
    %and3A_2436 = arith.andi %add3A_10, %and3A_2435 : vector<256x128xi32>
    %eq3A_2437 = arith.constant 0 : i32
    %eq3A_2438 = vector.broadcast %eq3A_2437 : i32 to vector<256x128xi32>
    %eq3A_2439 = arith.cmpi eq, %and3A_2436, %eq3A_2438 : vector<256x128xi32>
    %and3A_2440 = arith.constant 1024 : i32
    %and3A_2441 = vector.broadcast %and3A_2440 : i32 to vector<256x128xi32>
    %and3A_2442 = arith.andi %add3A_10, %and3A_2441 : vector<256x128xi32>
    %eq3A_2443 = arith.constant 0 : i32
    %eq3A_2444 = vector.broadcast %eq3A_2443 : i32 to vector<256x128xi32>
    %eq3A_2445 = arith.cmpi eq, %and3A_2442, %eq3A_2444 : vector<256x128xi32>
    %eq3A_2446 = arith.xori %eq3A_2439, %eq3A_2445 : vector<256x128xi1>
    %eq3A_2447 = arith.constant dense<true> : vector<256x128xi1>
    %eq3A_2448 = arith.xori %eq3A_2446, %eq3A_2447 : vector<256x128xi1>
    %eq3A_2449 = arith.xori %or3A_2433, %eq3A_2448 : vector<256x128xi1>
    %eq3A_2450 = arith.constant dense<true> : vector<256x128xi1>
    %eq3A_2451 = arith.xori %eq3A_2449, %eq3A_2450 : vector<256x128xi1>
    %select_n3A_2452 = arith.select %eq3A_2451, %select_n3A_2403, %select_n3A_2416 : vector<256x128xi1>, vector<256x128xf32>
    %select_n3A_2453 = arith.select %eq3A_2451, %select_n3A_2404, %select_n3A_2428 : vector<256x128xi1>, vector<256x128xi32>
    %iota3A_2454 = tpu.iota {dimensions = array<i32: 0>} : vector<256x128xi32>
    %and3A_2455 = arith.constant 16 : i32
    %and3A_2456 = vector.broadcast %and3A_2455 : i32 to vector<256x128xi32>
    %and3A_2457 = arith.andi %iota3A_2454, %and3A_2456 : vector<256x128xi32>
    %eq3A_2458 = arith.constant 0 : i32
    %eq3A_2459 = vector.broadcast %eq3A_2458 : i32 to vector<256x128xi32>
    %eq3A_2460 = arith.cmpi eq, %and3A_2457, %eq3A_2459 : vector<256x128xi32>
    %roll3A_2461 = arith.constant 240 : i32
    %roll3A_2462 = tpu.dynamic_rotate %select_n3A_2452 by %roll3A_2461 dim 0 : vector<256x128xf32>, i32 -> vector<256x128xf32>
    %roll3A_2463 = arith.constant 16 : i32
    %roll3A_2464 = tpu.dynamic_rotate %select_n3A_2452 by %roll3A_2463 dim 0 : vector<256x128xf32>, i32 -> vector<256x128xf32>
    %select_n3A_2465 = arith.select %eq3A_2460, %roll3A_2462, %roll3A_2464 : vector<256x128xi1>, vector<256x128xf32>
    %iota3A_2466 = tpu.iota {dimensions = array<i32: 0>} : vector<256x128xi32>
    %and3A_2467 = arith.constant 16 : i32
    %and3A_2468 = vector.broadcast %and3A_2467 : i32 to vector<256x128xi32>
    %and3A_2469 = arith.andi %iota3A_2466, %and3A_2468 : vector<256x128xi32>
    %eq3A_2470 = arith.constant 0 : i32
    %eq3A_2471 = vector.broadcast %eq3A_2470 : i32 to vector<256x128xi32>
    %eq3A_2472 = arith.cmpi eq, %and3A_2469, %eq3A_2471 : vector<256x128xi32>
    %roll3A_2473 = arith.constant 240 : i32
    %roll3A_2474 = tpu.dynamic_rotate %select_n3A_2453 by %roll3A_2473 dim 0 : vector<256x128xi32>, i32 -> vector<256x128xi32>
    %roll3A_2475 = arith.constant 16 : i32
    %roll3A_2476 = tpu.dynamic_rotate %select_n3A_2453 by %roll3A_2475 dim 0 : vector<256x128xi32>, i32 -> vector<256x128xi32>
    %select_n3A_2477 = arith.select %eq3A_2472, %roll3A_2474, %roll3A_2476 : vector<256x128xi1>, vector<256x128xi32>
    %gt3A_2478 = arith.cmpf ogt, %select_n3A_2452, %select_n3A_2465 : vector<256x128xf32>
    %eq3A_2479 = arith.cmpf oeq, %select_n3A_2452, %select_n3A_2465 : vector<256x128xf32>
    %lt3A_2480 = arith.cmpi slt, %select_n3A_2453, %select_n3A_2477 : vector<256x128xi32>
    %and3A_2481 = arith.andi %eq3A_2479, %lt3A_2480 : vector<256x128xi1>
    %or3A_2482 = arith.ori %gt3A_2478, %and3A_2481 : vector<256x128xi1>
    %and3A_2483 = arith.constant 16 : i32
    %and3A_2484 = vector.broadcast %and3A_2483 : i32 to vector<256x128xi32>
    %and3A_2485 = arith.andi %add3A_10, %and3A_2484 : vector<256x128xi32>
    %eq3A_2486 = arith.constant 0 : i32
    %eq3A_2487 = vector.broadcast %eq3A_2486 : i32 to vector<256x128xi32>
    %eq3A_2488 = arith.cmpi eq, %and3A_2485, %eq3A_2487 : vector<256x128xi32>
    %and3A_2489 = arith.constant 1024 : i32
    %and3A_2490 = vector.broadcast %and3A_2489 : i32 to vector<256x128xi32>
    %and3A_2491 = arith.andi %add3A_10, %and3A_2490 : vector<256x128xi32>
    %eq3A_2492 = arith.constant 0 : i32
    %eq3A_2493 = vector.broadcast %eq3A_2492 : i32 to vector<256x128xi32>
    %eq3A_2494 = arith.cmpi eq, %and3A_2491, %eq3A_2493 : vector<256x128xi32>
    %eq3A_2495 = arith.xori %eq3A_2488, %eq3A_2494 : vector<256x128xi1>
    %eq3A_2496 = arith.constant dense<true> : vector<256x128xi1>
    %eq3A_2497 = arith.xori %eq3A_2495, %eq3A_2496 : vector<256x128xi1>
    %eq3A_2498 = arith.xori %or3A_2482, %eq3A_2497 : vector<256x128xi1>
    %eq3A_2499 = arith.constant dense<true> : vector<256x128xi1>
    %eq3A_2500 = arith.xori %eq3A_2498, %eq3A_2499 : vector<256x128xi1>
    %select_n3A_2501 = arith.select %eq3A_2500, %select_n3A_2452, %select_n3A_2465 : vector<256x128xi1>, vector<256x128xf32>
    %select_n3A_2502 = arith.select %eq3A_2500, %select_n3A_2453, %select_n3A_2477 : vector<256x128xi1>, vector<256x128xi32>
    %iota3A_2503 = tpu.iota {dimensions = array<i32: 0>} : vector<256x128xi32>
    %and3A_2504 = arith.constant 8 : i32
    %and3A_2505 = vector.broadcast %and3A_2504 : i32 to vector<256x128xi32>
    %and3A_2506 = arith.andi %iota3A_2503, %and3A_2505 : vector<256x128xi32>
    %eq3A_2507 = arith.constant 0 : i32
    %eq3A_2508 = vector.broadcast %eq3A_2507 : i32 to vector<256x128xi32>
    %eq3A_2509 = arith.cmpi eq, %and3A_2506, %eq3A_2508 : vector<256x128xi32>
    %roll3A_2510 = arith.constant 248 : i32
    %roll3A_2511 = tpu.dynamic_rotate %select_n3A_2501 by %roll3A_2510 dim 0 : vector<256x128xf32>, i32 -> vector<256x128xf32>
    %roll3A_2512 = arith.constant 8 : i32
    %roll3A_2513 = tpu.dynamic_rotate %select_n3A_2501 by %roll3A_2512 dim 0 : vector<256x128xf32>, i32 -> vector<256x128xf32>
    %select_n3A_2514 = arith.select %eq3A_2509, %roll3A_2511, %roll3A_2513 : vector<256x128xi1>, vector<256x128xf32>
    %iota3A_2515 = tpu.iota {dimensions = array<i32: 0>} : vector<256x128xi32>
    %and3A_2516 = arith.constant 8 : i32
    %and3A_2517 = vector.broadcast %and3A_2516 : i32 to vector<256x128xi32>
    %and3A_2518 = arith.andi %iota3A_2515, %and3A_2517 : vector<256x128xi32>
    %eq3A_2519 = arith.constant 0 : i32
    %eq3A_2520 = vector.broadcast %eq3A_2519 : i32 to vector<256x128xi32>
    %eq3A_2521 = arith.cmpi eq, %and3A_2518, %eq3A_2520 : vector<256x128xi32>
    %roll3A_2522 = arith.constant 248 : i32
    %roll3A_2523 = tpu.dynamic_rotate %select_n3A_2502 by %roll3A_2522 dim 0 : vector<256x128xi32>, i32 -> vector<256x128xi32>
    %roll3A_2524 = arith.constant 8 : i32
    %roll3A_2525 = tpu.dynamic_rotate %select_n3A_2502 by %roll3A_2524 dim 0 : vector<256x128xi32>, i32 -> vector<256x128xi32>
    %select_n3A_2526 = arith.select %eq3A_2521, %roll3A_2523, %roll3A_2525 : vector<256x128xi1>, vector<256x128xi32>
    %gt3A_2527 = arith.cmpf ogt, %select_n3A_2501, %select_n3A_2514 : vector<256x128xf32>
    %eq3A_2528 = arith.cmpf oeq, %select_n3A_2501, %select_n3A_2514 : vector<256x128xf32>
    %lt3A_2529 = arith.cmpi slt, %select_n3A_2502, %select_n3A_2526 : vector<256x128xi32>
    %and3A_2530 = arith.andi %eq3A_2528, %lt3A_2529 : vector<256x128xi1>
    %or3A_2531 = arith.ori %gt3A_2527, %and3A_2530 : vector<256x128xi1>
    %and3A_2532 = arith.constant 8 : i32
    %and3A_2533 = vector.broadcast %and3A_2532 : i32 to vector<256x128xi32>
    %and3A_2534 = arith.andi %add3A_10, %and3A_2533 : vector<256x128xi32>
    %eq3A_2535 = arith.constant 0 : i32
    %eq3A_2536 = vector.broadcast %eq3A_2535 : i32 to vector<256x128xi32>
    %eq3A_2537 = arith.cmpi eq, %and3A_2534, %eq3A_2536 : vector<256x128xi32>
    %and3A_2538 = arith.constant 1024 : i32
    %and3A_2539 = vector.broadcast %and3A_2538 : i32 to vector<256x128xi32>
    %and3A_2540 = arith.andi %add3A_10, %and3A_2539 : vector<256x128xi32>
    %eq3A_2541 = arith.constant 0 : i32
    %eq3A_2542 = vector.broadcast %eq3A_2541 : i32 to vector<256x128xi32>
    %eq3A_2543 = arith.cmpi eq, %and3A_2540, %eq3A_2542 : vector<256x128xi32>
    %eq3A_2544 = arith.xori %eq3A_2537, %eq3A_2543 : vector<256x128xi1>
    %eq3A_2545 = arith.constant dense<true> : vector<256x128xi1>
    %eq3A_2546 = arith.xori %eq3A_2544, %eq3A_2545 : vector<256x128xi1>
    %eq3A_2547 = arith.xori %or3A_2531, %eq3A_2546 : vector<256x128xi1>
    %eq3A_2548 = arith.constant dense<true> : vector<256x128xi1>
    %eq3A_2549 = arith.xori %eq3A_2547, %eq3A_2548 : vector<256x128xi1>
    %select_n3A_2550 = arith.select %eq3A_2549, %select_n3A_2501, %select_n3A_2514 : vector<256x128xi1>, vector<256x128xf32>
    %select_n3A_2551 = arith.select %eq3A_2549, %select_n3A_2502, %select_n3A_2526 : vector<256x128xi1>, vector<256x128xi32>
    %iota3A_2552 = tpu.iota {dimensions = array<i32: 0>} : vector<256x128xi32>
    %and3A_2553 = arith.constant 4 : i32
    %and3A_2554 = vector.broadcast %and3A_2553 : i32 to vector<256x128xi32>
    %and3A_2555 = arith.andi %iota3A_2552, %and3A_2554 : vector<256x128xi32>
    %eq3A_2556 = arith.constant 0 : i32
    %eq3A_2557 = vector.broadcast %eq3A_2556 : i32 to vector<256x128xi32>
    %eq3A_2558 = arith.cmpi eq, %and3A_2555, %eq3A_2557 : vector<256x128xi32>
    %roll3A_2559 = arith.constant 252 : i32
    %roll3A_2560 = tpu.dynamic_rotate %select_n3A_2550 by %roll3A_2559 dim 0 : vector<256x128xf32>, i32 -> vector<256x128xf32>
    %roll3A_2561 = arith.constant 4 : i32
    %roll3A_2562 = tpu.dynamic_rotate %select_n3A_2550 by %roll3A_2561 dim 0 : vector<256x128xf32>, i32 -> vector<256x128xf32>
    %select_n3A_2563 = arith.select %eq3A_2558, %roll3A_2560, %roll3A_2562 : vector<256x128xi1>, vector<256x128xf32>
    %iota3A_2564 = tpu.iota {dimensions = array<i32: 0>} : vector<256x128xi32>
    %and3A_2565 = arith.constant 4 : i32
    %and3A_2566 = vector.broadcast %and3A_2565 : i32 to vector<256x128xi32>
    %and3A_2567 = arith.andi %iota3A_2564, %and3A_2566 : vector<256x128xi32>
    %eq3A_2568 = arith.constant 0 : i32
    %eq3A_2569 = vector.broadcast %eq3A_2568 : i32 to vector<256x128xi32>
    %eq3A_2570 = arith.cmpi eq, %and3A_2567, %eq3A_2569 : vector<256x128xi32>
    %roll3A_2571 = arith.constant 252 : i32
    %roll3A_2572 = tpu.dynamic_rotate %select_n3A_2551 by %roll3A_2571 dim 0 : vector<256x128xi32>, i32 -> vector<256x128xi32>
    %roll3A_2573 = arith.constant 4 : i32
    %roll3A_2574 = tpu.dynamic_rotate %select_n3A_2551 by %roll3A_2573 dim 0 : vector<256x128xi32>, i32 -> vector<256x128xi32>
    %select_n3A_2575 = arith.select %eq3A_2570, %roll3A_2572, %roll3A_2574 : vector<256x128xi1>, vector<256x128xi32>
    %gt3A_2576 = arith.cmpf ogt, %select_n3A_2550, %select_n3A_2563 : vector<256x128xf32>
    %eq3A_2577 = arith.cmpf oeq, %select_n3A_2550, %select_n3A_2563 : vector<256x128xf32>
    %lt3A_2578 = arith.cmpi slt, %select_n3A_2551, %select_n3A_2575 : vector<256x128xi32>
    %and3A_2579 = arith.andi %eq3A_2577, %lt3A_2578 : vector<256x128xi1>
    %or3A_2580 = arith.ori %gt3A_2576, %and3A_2579 : vector<256x128xi1>
    %and3A_2581 = arith.constant 4 : i32
    %and3A_2582 = vector.broadcast %and3A_2581 : i32 to vector<256x128xi32>
    %and3A_2583 = arith.andi %add3A_10, %and3A_2582 : vector<256x128xi32>
    %eq3A_2584 = arith.constant 0 : i32
    %eq3A_2585 = vector.broadcast %eq3A_2584 : i32 to vector<256x128xi32>
    %eq3A_2586 = arith.cmpi eq, %and3A_2583, %eq3A_2585 : vector<256x128xi32>
    %and3A_2587 = arith.constant 1024 : i32
    %and3A_2588 = vector.broadcast %and3A_2587 : i32 to vector<256x128xi32>
    %and3A_2589 = arith.andi %add3A_10, %and3A_2588 : vector<256x128xi32>
    %eq3A_2590 = arith.constant 0 : i32
    %eq3A_2591 = vector.broadcast %eq3A_2590 : i32 to vector<256x128xi32>
    %eq3A_2592 = arith.cmpi eq, %and3A_2589, %eq3A_2591 : vector<256x128xi32>
    %eq3A_2593 = arith.xori %eq3A_2586, %eq3A_2592 : vector<256x128xi1>
    %eq3A_2594 = arith.constant dense<true> : vector<256x128xi1>
    %eq3A_2595 = arith.xori %eq3A_2593, %eq3A_2594 : vector<256x128xi1>
    %eq3A_2596 = arith.xori %or3A_2580, %eq3A_2595 : vector<256x128xi1>
    %eq3A_2597 = arith.constant dense<true> : vector<256x128xi1>
    %eq3A_2598 = arith.xori %eq3A_2596, %eq3A_2597 : vector<256x128xi1>
    %select_n3A_2599 = arith.select %eq3A_2598, %select_n3A_2550, %select_n3A_2563 : vector<256x128xi1>, vector<256x128xf32>
    %select_n3A_2600 = arith.select %eq3A_2598, %select_n3A_2551, %select_n3A_2575 : vector<256x128xi1>, vector<256x128xi32>
    %iota3A_2601 = tpu.iota {dimensions = array<i32: 0>} : vector<256x128xi32>
    %and3A_2602 = arith.constant 2 : i32
    %and3A_2603 = vector.broadcast %and3A_2602 : i32 to vector<256x128xi32>
    %and3A_2604 = arith.andi %iota3A_2601, %and3A_2603 : vector<256x128xi32>
    %eq3A_2605 = arith.constant 0 : i32
    %eq3A_2606 = vector.broadcast %eq3A_2605 : i32 to vector<256x128xi32>
    %eq3A_2607 = arith.cmpi eq, %and3A_2604, %eq3A_2606 : vector<256x128xi32>
    %roll3A_2608 = arith.constant 254 : i32
    %roll3A_2609 = tpu.dynamic_rotate %select_n3A_2599 by %roll3A_2608 dim 0 : vector<256x128xf32>, i32 -> vector<256x128xf32>
    %roll3A_2610 = arith.constant 2 : i32
    %roll3A_2611 = tpu.dynamic_rotate %select_n3A_2599 by %roll3A_2610 dim 0 : vector<256x128xf32>, i32 -> vector<256x128xf32>
    %select_n3A_2612 = arith.select %eq3A_2607, %roll3A_2609, %roll3A_2611 : vector<256x128xi1>, vector<256x128xf32>
    %iota3A_2613 = tpu.iota {dimensions = array<i32: 0>} : vector<256x128xi32>
    %and3A_2614 = arith.constant 2 : i32
    %and3A_2615 = vector.broadcast %and3A_2614 : i32 to vector<256x128xi32>
    %and3A_2616 = arith.andi %iota3A_2613, %and3A_2615 : vector<256x128xi32>
    %eq3A_2617 = arith.constant 0 : i32
    %eq3A_2618 = vector.broadcast %eq3A_2617 : i32 to vector<256x128xi32>
    %eq3A_2619 = arith.cmpi eq, %and3A_2616, %eq3A_2618 : vector<256x128xi32>
    %roll3A_2620 = arith.constant 254 : i32
    %roll3A_2621 = tpu.dynamic_rotate %select_n3A_2600 by %roll3A_2620 dim 0 : vector<256x128xi32>, i32 -> vector<256x128xi32>
    %roll3A_2622 = arith.constant 2 : i32
    %roll3A_2623 = tpu.dynamic_rotate %select_n3A_2600 by %roll3A_2622 dim 0 : vector<256x128xi32>, i32 -> vector<256x128xi32>
    %select_n3A_2624 = arith.select %eq3A_2619, %roll3A_2621, %roll3A_2623 : vector<256x128xi1>, vector<256x128xi32>
    %gt3A_2625 = arith.cmpf ogt, %select_n3A_2599, %select_n3A_2612 : vector<256x128xf32>
    %eq3A_2626 = arith.cmpf oeq, %select_n3A_2599, %select_n3A_2612 : vector<256x128xf32>
    %lt3A_2627 = arith.cmpi slt, %select_n3A_2600, %select_n3A_2624 : vector<256x128xi32>
    %and3A_2628 = arith.andi %eq3A_2626, %lt3A_2627 : vector<256x128xi1>
    %or3A_2629 = arith.ori %gt3A_2625, %and3A_2628 : vector<256x128xi1>
    %and3A_2630 = arith.constant 2 : i32
    %and3A_2631 = vector.broadcast %and3A_2630 : i32 to vector<256x128xi32>
    %and3A_2632 = arith.andi %add3A_10, %and3A_2631 : vector<256x128xi32>
    %eq3A_2633 = arith.constant 0 : i32
    %eq3A_2634 = vector.broadcast %eq3A_2633 : i32 to vector<256x128xi32>
    %eq3A_2635 = arith.cmpi eq, %and3A_2632, %eq3A_2634 : vector<256x128xi32>
    %and3A_2636 = arith.constant 1024 : i32
    %and3A_2637 = vector.broadcast %and3A_2636 : i32 to vector<256x128xi32>
    %and3A_2638 = arith.andi %add3A_10, %and3A_2637 : vector<256x128xi32>
    %eq3A_2639 = arith.constant 0 : i32
    %eq3A_2640 = vector.broadcast %eq3A_2639 : i32 to vector<256x128xi32>
    %eq3A_2641 = arith.cmpi eq, %and3A_2638, %eq3A_2640 : vector<256x128xi32>
    %eq3A_2642 = arith.xori %eq3A_2635, %eq3A_2641 : vector<256x128xi1>
    %eq3A_2643 = arith.constant dense<true> : vector<256x128xi1>
    %eq3A_2644 = arith.xori %eq3A_2642, %eq3A_2643 : vector<256x128xi1>
    %eq3A_2645 = arith.xori %or3A_2629, %eq3A_2644 : vector<256x128xi1>
    %eq3A_2646 = arith.constant dense<true> : vector<256x128xi1>
    %eq3A_2647 = arith.xori %eq3A_2645, %eq3A_2646 : vector<256x128xi1>
    %select_n3A_2648 = arith.select %eq3A_2647, %select_n3A_2599, %select_n3A_2612 : vector<256x128xi1>, vector<256x128xf32>
    %select_n3A_2649 = arith.select %eq3A_2647, %select_n3A_2600, %select_n3A_2624 : vector<256x128xi1>, vector<256x128xi32>
    %iota3A_2650 = tpu.iota {dimensions = array<i32: 0>} : vector<256x128xi32>
    %and3A_2651 = arith.constant 1 : i32
    %and3A_2652 = vector.broadcast %and3A_2651 : i32 to vector<256x128xi32>
    %and3A_2653 = arith.andi %iota3A_2650, %and3A_2652 : vector<256x128xi32>
    %eq3A_2654 = arith.constant 0 : i32
    %eq3A_2655 = vector.broadcast %eq3A_2654 : i32 to vector<256x128xi32>
    %eq3A_2656 = arith.cmpi eq, %and3A_2653, %eq3A_2655 : vector<256x128xi32>
    %roll3A_2657 = arith.constant 255 : i32
    %roll3A_2658 = tpu.dynamic_rotate %select_n3A_2648 by %roll3A_2657 dim 0 : vector<256x128xf32>, i32 -> vector<256x128xf32>
    %roll3A_2659 = arith.constant 1 : i32
    %roll3A_2660 = tpu.dynamic_rotate %select_n3A_2648 by %roll3A_2659 dim 0 : vector<256x128xf32>, i32 -> vector<256x128xf32>
    %select_n3A_2661 = arith.select %eq3A_2656, %roll3A_2658, %roll3A_2660 : vector<256x128xi1>, vector<256x128xf32>
    %iota3A_2662 = tpu.iota {dimensions = array<i32: 0>} : vector<256x128xi32>
    %and3A_2663 = arith.constant 1 : i32
    %and3A_2664 = vector.broadcast %and3A_2663 : i32 to vector<256x128xi32>
    %and3A_2665 = arith.andi %iota3A_2662, %and3A_2664 : vector<256x128xi32>
    %eq3A_2666 = arith.constant 0 : i32
    %eq3A_2667 = vector.broadcast %eq3A_2666 : i32 to vector<256x128xi32>
    %eq3A_2668 = arith.cmpi eq, %and3A_2665, %eq3A_2667 : vector<256x128xi32>
    %roll3A_2669 = arith.constant 255 : i32
    %roll3A_2670 = tpu.dynamic_rotate %select_n3A_2649 by %roll3A_2669 dim 0 : vector<256x128xi32>, i32 -> vector<256x128xi32>
    %roll3A_2671 = arith.constant 1 : i32
    %roll3A_2672 = tpu.dynamic_rotate %select_n3A_2649 by %roll3A_2671 dim 0 : vector<256x128xi32>, i32 -> vector<256x128xi32>
    %select_n3A_2673 = arith.select %eq3A_2668, %roll3A_2670, %roll3A_2672 : vector<256x128xi1>, vector<256x128xi32>
    %gt3A_2674 = arith.cmpf ogt, %select_n3A_2648, %select_n3A_2661 : vector<256x128xf32>
    %eq3A_2675 = arith.cmpf oeq, %select_n3A_2648, %select_n3A_2661 : vector<256x128xf32>
    %lt3A_2676 = arith.cmpi slt, %select_n3A_2649, %select_n3A_2673 : vector<256x128xi32>
    %and3A_2677 = arith.andi %eq3A_2675, %lt3A_2676 : vector<256x128xi1>
    %or3A_2678 = arith.ori %gt3A_2674, %and3A_2677 : vector<256x128xi1>
    %and3A_2679 = arith.constant 1 : i32
    %and3A_2680 = vector.broadcast %and3A_2679 : i32 to vector<256x128xi32>
    %and3A_2681 = arith.andi %add3A_10, %and3A_2680 : vector<256x128xi32>
    %eq3A_2682 = arith.constant 0 : i32
    %eq3A_2683 = vector.broadcast %eq3A_2682 : i32 to vector<256x128xi32>
    %eq3A_2684 = arith.cmpi eq, %and3A_2681, %eq3A_2683 : vector<256x128xi32>
    %and3A_2685 = arith.constant 1024 : i32
    %and3A_2686 = vector.broadcast %and3A_2685 : i32 to vector<256x128xi32>
    %and3A_2687 = arith.andi %add3A_10, %and3A_2686 : vector<256x128xi32>
    %eq3A_2688 = arith.constant 0 : i32
    %eq3A_2689 = vector.broadcast %eq3A_2688 : i32 to vector<256x128xi32>
    %eq3A_2690 = arith.cmpi eq, %and3A_2687, %eq3A_2689 : vector<256x128xi32>
    %eq3A_2691 = arith.xori %eq3A_2684, %eq3A_2690 : vector<256x128xi1>
    %eq3A_2692 = arith.constant dense<true> : vector<256x128xi1>
    %eq3A_2693 = arith.xori %eq3A_2691, %eq3A_2692 : vector<256x128xi1>
    %eq3A_2694 = arith.xori %or3A_2678, %eq3A_2693 : vector<256x128xi1>
    %eq3A_2695 = arith.constant dense<true> : vector<256x128xi1>
    %eq3A_2696 = arith.xori %eq3A_2694, %eq3A_2695 : vector<256x128xi1>
    %select_n3A_2697 = arith.select %eq3A_2696, %select_n3A_2648, %select_n3A_2661 : vector<256x128xi1>, vector<256x128xf32>
    %select_n3A_2698 = arith.select %eq3A_2696, %select_n3A_2649, %select_n3A_2673 : vector<256x128xi1>, vector<256x128xi32>
    %iota3A_2699 = tpu.iota {dimensions = array<i32: 1>} : vector<256x128xi32>
    %and3A_2700 = arith.constant 4 : i32
    %and3A_2701 = vector.broadcast %and3A_2700 : i32 to vector<256x128xi32>
    %and3A_2702 = arith.andi %iota3A_2699, %and3A_2701 : vector<256x128xi32>
    %eq3A_2703 = arith.constant 0 : i32
    %eq3A_2704 = vector.broadcast %eq3A_2703 : i32 to vector<256x128xi32>
    %eq3A_2705 = arith.cmpi eq, %and3A_2702, %eq3A_2704 : vector<256x128xi32>
    %roll3A_2706 = arith.constant 124 : i32
    %roll3A_2707 = tpu.dynamic_rotate %select_n3A_2697 by %roll3A_2706 dim 1 : vector<256x128xf32>, i32 -> vector<256x128xf32>
    %roll3A_2708 = arith.constant 4 : i32
    %roll3A_2709 = tpu.dynamic_rotate %select_n3A_2697 by %roll3A_2708 dim 1 : vector<256x128xf32>, i32 -> vector<256x128xf32>
    %select_n3A_2710 = arith.select %eq3A_2705, %roll3A_2707, %roll3A_2709 : vector<256x128xi1>, vector<256x128xf32>
    %iota3A_2711 = tpu.iota {dimensions = array<i32: 1>} : vector<256x128xi32>
    %and3A_2712 = arith.constant 4 : i32
    %and3A_2713 = vector.broadcast %and3A_2712 : i32 to vector<256x128xi32>
    %and3A_2714 = arith.andi %iota3A_2711, %and3A_2713 : vector<256x128xi32>
    %eq3A_2715 = arith.constant 0 : i32
    %eq3A_2716 = vector.broadcast %eq3A_2715 : i32 to vector<256x128xi32>
    %eq3A_2717 = arith.cmpi eq, %and3A_2714, %eq3A_2716 : vector<256x128xi32>
    %roll3A_2718 = arith.constant 124 : i32
    %roll3A_2719 = tpu.dynamic_rotate %select_n3A_2698 by %roll3A_2718 dim 1 : vector<256x128xi32>, i32 -> vector<256x128xi32>
    %roll3A_2720 = arith.constant 4 : i32
    %roll3A_2721 = tpu.dynamic_rotate %select_n3A_2698 by %roll3A_2720 dim 1 : vector<256x128xi32>, i32 -> vector<256x128xi32>
    %select_n3A_2722 = arith.select %eq3A_2717, %roll3A_2719, %roll3A_2721 : vector<256x128xi1>, vector<256x128xi32>
    %gt3A_2723 = arith.cmpf ogt, %select_n3A_2697, %select_n3A_2710 : vector<256x128xf32>
    %eq3A_2724 = arith.cmpf oeq, %select_n3A_2697, %select_n3A_2710 : vector<256x128xf32>
    %lt3A_2725 = arith.cmpi slt, %select_n3A_2698, %select_n3A_2722 : vector<256x128xi32>
    %and3A_2726 = arith.andi %eq3A_2724, %lt3A_2725 : vector<256x128xi1>
    %or3A_2727 = arith.ori %gt3A_2723, %and3A_2726 : vector<256x128xi1>
    %and3A_2728 = arith.constant 1024 : i32
    %and3A_2729 = vector.broadcast %and3A_2728 : i32 to vector<256x128xi32>
    %and3A_2730 = arith.andi %add3A_10, %and3A_2729 : vector<256x128xi32>
    %eq3A_2731 = arith.constant 0 : i32
    %eq3A_2732 = vector.broadcast %eq3A_2731 : i32 to vector<256x128xi32>
    %eq3A_2733 = arith.cmpi eq, %and3A_2730, %eq3A_2732 : vector<256x128xi32>
    %and3A_2734 = arith.constant 2048 : i32
    %and3A_2735 = vector.broadcast %and3A_2734 : i32 to vector<256x128xi32>
    %and3A_2736 = arith.andi %add3A_10, %and3A_2735 : vector<256x128xi32>
    %eq3A_2737 = arith.constant 0 : i32
    %eq3A_2738 = vector.broadcast %eq3A_2737 : i32 to vector<256x128xi32>
    %eq3A_2739 = arith.cmpi eq, %and3A_2736, %eq3A_2738 : vector<256x128xi32>
    %eq3A_2740 = arith.xori %eq3A_2733, %eq3A_2739 : vector<256x128xi1>
    %eq3A_2741 = arith.constant dense<true> : vector<256x128xi1>
    %eq3A_2742 = arith.xori %eq3A_2740, %eq3A_2741 : vector<256x128xi1>
    %eq3A_2743 = arith.xori %or3A_2727, %eq3A_2742 : vector<256x128xi1>
    %eq3A_2744 = arith.constant dense<true> : vector<256x128xi1>
    %eq3A_2745 = arith.xori %eq3A_2743, %eq3A_2744 : vector<256x128xi1>
    %select_n3A_2746 = arith.select %eq3A_2745, %select_n3A_2697, %select_n3A_2710 : vector<256x128xi1>, vector<256x128xf32>
    %select_n3A_2747 = arith.select %eq3A_2745, %select_n3A_2698, %select_n3A_2722 : vector<256x128xi1>, vector<256x128xi32>
    %iota3A_2748 = tpu.iota {dimensions = array<i32: 1>} : vector<256x128xi32>
    %and3A_2749 = arith.constant 2 : i32
    %and3A_2750 = vector.broadcast %and3A_2749 : i32 to vector<256x128xi32>
    %and3A_2751 = arith.andi %iota3A_2748, %and3A_2750 : vector<256x128xi32>
    %eq3A_2752 = arith.constant 0 : i32
    %eq3A_2753 = vector.broadcast %eq3A_2752 : i32 to vector<256x128xi32>
    %eq3A_2754 = arith.cmpi eq, %and3A_2751, %eq3A_2753 : vector<256x128xi32>
    %roll3A_2755 = arith.constant 126 : i32
    %roll3A_2756 = tpu.dynamic_rotate %select_n3A_2746 by %roll3A_2755 dim 1 : vector<256x128xf32>, i32 -> vector<256x128xf32>
    %roll3A_2757 = arith.constant 2 : i32
    %roll3A_2758 = tpu.dynamic_rotate %select_n3A_2746 by %roll3A_2757 dim 1 : vector<256x128xf32>, i32 -> vector<256x128xf32>
    %select_n3A_2759 = arith.select %eq3A_2754, %roll3A_2756, %roll3A_2758 : vector<256x128xi1>, vector<256x128xf32>
    %iota3A_2760 = tpu.iota {dimensions = array<i32: 1>} : vector<256x128xi32>
    %and3A_2761 = arith.constant 2 : i32
    %and3A_2762 = vector.broadcast %and3A_2761 : i32 to vector<256x128xi32>
    %and3A_2763 = arith.andi %iota3A_2760, %and3A_2762 : vector<256x128xi32>
    %eq3A_2764 = arith.constant 0 : i32
    %eq3A_2765 = vector.broadcast %eq3A_2764 : i32 to vector<256x128xi32>
    %eq3A_2766 = arith.cmpi eq, %and3A_2763, %eq3A_2765 : vector<256x128xi32>
    %roll3A_2767 = arith.constant 126 : i32
    %roll3A_2768 = tpu.dynamic_rotate %select_n3A_2747 by %roll3A_2767 dim 1 : vector<256x128xi32>, i32 -> vector<256x128xi32>
    %roll3A_2769 = arith.constant 2 : i32
    %roll3A_2770 = tpu.dynamic_rotate %select_n3A_2747 by %roll3A_2769 dim 1 : vector<256x128xi32>, i32 -> vector<256x128xi32>
    %select_n3A_2771 = arith.select %eq3A_2766, %roll3A_2768, %roll3A_2770 : vector<256x128xi1>, vector<256x128xi32>
    %gt3A_2772 = arith.cmpf ogt, %select_n3A_2746, %select_n3A_2759 : vector<256x128xf32>
    %eq3A_2773 = arith.cmpf oeq, %select_n3A_2746, %select_n3A_2759 : vector<256x128xf32>
    %lt3A_2774 = arith.cmpi slt, %select_n3A_2747, %select_n3A_2771 : vector<256x128xi32>
    %and3A_2775 = arith.andi %eq3A_2773, %lt3A_2774 : vector<256x128xi1>
    %or3A_2776 = arith.ori %gt3A_2772, %and3A_2775 : vector<256x128xi1>
    %and3A_2777 = arith.constant 512 : i32
    %and3A_2778 = vector.broadcast %and3A_2777 : i32 to vector<256x128xi32>
    %and3A_2779 = arith.andi %add3A_10, %and3A_2778 : vector<256x128xi32>
    %eq3A_2780 = arith.constant 0 : i32
    %eq3A_2781 = vector.broadcast %eq3A_2780 : i32 to vector<256x128xi32>
    %eq3A_2782 = arith.cmpi eq, %and3A_2779, %eq3A_2781 : vector<256x128xi32>
    %and3A_2783 = arith.constant 2048 : i32
    %and3A_2784 = vector.broadcast %and3A_2783 : i32 to vector<256x128xi32>
    %and3A_2785 = arith.andi %add3A_10, %and3A_2784 : vector<256x128xi32>
    %eq3A_2786 = arith.constant 0 : i32
    %eq3A_2787 = vector.broadcast %eq3A_2786 : i32 to vector<256x128xi32>
    %eq3A_2788 = arith.cmpi eq, %and3A_2785, %eq3A_2787 : vector<256x128xi32>
    %eq3A_2789 = arith.xori %eq3A_2782, %eq3A_2788 : vector<256x128xi1>
    %eq3A_2790 = arith.constant dense<true> : vector<256x128xi1>
    %eq3A_2791 = arith.xori %eq3A_2789, %eq3A_2790 : vector<256x128xi1>
    %eq3A_2792 = arith.xori %or3A_2776, %eq3A_2791 : vector<256x128xi1>
    %eq3A_2793 = arith.constant dense<true> : vector<256x128xi1>
    %eq3A_2794 = arith.xori %eq3A_2792, %eq3A_2793 : vector<256x128xi1>
    %select_n3A_2795 = arith.select %eq3A_2794, %select_n3A_2746, %select_n3A_2759 : vector<256x128xi1>, vector<256x128xf32>
    %select_n3A_2796 = arith.select %eq3A_2794, %select_n3A_2747, %select_n3A_2771 : vector<256x128xi1>, vector<256x128xi32>
    %iota3A_2797 = tpu.iota {dimensions = array<i32: 1>} : vector<256x128xi32>
    %and3A_2798 = arith.constant 1 : i32
    %and3A_2799 = vector.broadcast %and3A_2798 : i32 to vector<256x128xi32>
    %and3A_2800 = arith.andi %iota3A_2797, %and3A_2799 : vector<256x128xi32>
    %eq3A_2801 = arith.constant 0 : i32
    %eq3A_2802 = vector.broadcast %eq3A_2801 : i32 to vector<256x128xi32>
    %eq3A_2803 = arith.cmpi eq, %and3A_2800, %eq3A_2802 : vector<256x128xi32>
    %roll3A_2804 = arith.constant 127 : i32
    %roll3A_2805 = tpu.dynamic_rotate %select_n3A_2795 by %roll3A_2804 dim 1 : vector<256x128xf32>, i32 -> vector<256x128xf32>
    %roll3A_2806 = arith.constant 1 : i32
    %roll3A_2807 = tpu.dynamic_rotate %select_n3A_2795 by %roll3A_2806 dim 1 : vector<256x128xf32>, i32 -> vector<256x128xf32>
    %select_n3A_2808 = arith.select %eq3A_2803, %roll3A_2805, %roll3A_2807 : vector<256x128xi1>, vector<256x128xf32>
    %iota3A_2809 = tpu.iota {dimensions = array<i32: 1>} : vector<256x128xi32>
    %and3A_2810 = arith.constant 1 : i32
    %and3A_2811 = vector.broadcast %and3A_2810 : i32 to vector<256x128xi32>
    %and3A_2812 = arith.andi %iota3A_2809, %and3A_2811 : vector<256x128xi32>
    %eq3A_2813 = arith.constant 0 : i32
    %eq3A_2814 = vector.broadcast %eq3A_2813 : i32 to vector<256x128xi32>
    %eq3A_2815 = arith.cmpi eq, %and3A_2812, %eq3A_2814 : vector<256x128xi32>
    %roll3A_2816 = arith.constant 127 : i32
    %roll3A_2817 = tpu.dynamic_rotate %select_n3A_2796 by %roll3A_2816 dim 1 : vector<256x128xi32>, i32 -> vector<256x128xi32>
    %roll3A_2818 = arith.constant 1 : i32
    %roll3A_2819 = tpu.dynamic_rotate %select_n3A_2796 by %roll3A_2818 dim 1 : vector<256x128xi32>, i32 -> vector<256x128xi32>
    %select_n3A_2820 = arith.select %eq3A_2815, %roll3A_2817, %roll3A_2819 : vector<256x128xi1>, vector<256x128xi32>
    %gt3A_2821 = arith.cmpf ogt, %select_n3A_2795, %select_n3A_2808 : vector<256x128xf32>
    %eq3A_2822 = arith.cmpf oeq, %select_n3A_2795, %select_n3A_2808 : vector<256x128xf32>
    %lt3A_2823 = arith.cmpi slt, %select_n3A_2796, %select_n3A_2820 : vector<256x128xi32>
    %and3A_2824 = arith.andi %eq3A_2822, %lt3A_2823 : vector<256x128xi1>
    %or3A_2825 = arith.ori %gt3A_2821, %and3A_2824 : vector<256x128xi1>
    %and3A_2826 = arith.constant 256 : i32
    %and3A_2827 = vector.broadcast %and3A_2826 : i32 to vector<256x128xi32>
    %and3A_2828 = arith.andi %add3A_10, %and3A_2827 : vector<256x128xi32>
    %eq3A_2829 = arith.constant 0 : i32
    %eq3A_2830 = vector.broadcast %eq3A_2829 : i32 to vector<256x128xi32>
    %eq3A_2831 = arith.cmpi eq, %and3A_2828, %eq3A_2830 : vector<256x128xi32>
    %and3A_2832 = arith.constant 2048 : i32
    %and3A_2833 = vector.broadcast %and3A_2832 : i32 to vector<256x128xi32>
    %and3A_2834 = arith.andi %add3A_10, %and3A_2833 : vector<256x128xi32>
    %eq3A_2835 = arith.constant 0 : i32
    %eq3A_2836 = vector.broadcast %eq3A_2835 : i32 to vector<256x128xi32>
    %eq3A_2837 = arith.cmpi eq, %and3A_2834, %eq3A_2836 : vector<256x128xi32>
    %eq3A_2838 = arith.xori %eq3A_2831, %eq3A_2837 : vector<256x128xi1>
    %eq3A_2839 = arith.constant dense<true> : vector<256x128xi1>
    %eq3A_2840 = arith.xori %eq3A_2838, %eq3A_2839 : vector<256x128xi1>
    %eq3A_2841 = arith.xori %or3A_2825, %eq3A_2840 : vector<256x128xi1>
    %eq3A_2842 = arith.constant dense<true> : vector<256x128xi1>
    %eq3A_2843 = arith.xori %eq3A_2841, %eq3A_2842 : vector<256x128xi1>
    %select_n3A_2844 = arith.select %eq3A_2843, %select_n3A_2795, %select_n3A_2808 : vector<256x128xi1>, vector<256x128xf32>
    %select_n3A_2845 = arith.select %eq3A_2843, %select_n3A_2796, %select_n3A_2820 : vector<256x128xi1>, vector<256x128xi32>
    %iota3A_2846 = tpu.iota {dimensions = array<i32: 0>} : vector<256x128xi32>
    %and3A_2847 = arith.constant 128 : i32
    %and3A_2848 = vector.broadcast %and3A_2847 : i32 to vector<256x128xi32>
    %and3A_2849 = arith.andi %iota3A_2846, %and3A_2848 : vector<256x128xi32>
    %eq3A_2850 = arith.constant 0 : i32
    %eq3A_2851 = vector.broadcast %eq3A_2850 : i32 to vector<256x128xi32>
    %eq3A_2852 = arith.cmpi eq, %and3A_2849, %eq3A_2851 : vector<256x128xi32>
    %roll3A_2853 = arith.constant 128 : i32
    %roll3A_2854 = tpu.dynamic_rotate %select_n3A_2844 by %roll3A_2853 dim 0 : vector<256x128xf32>, i32 -> vector<256x128xf32>
    %roll3A_2855 = arith.constant 128 : i32
    %roll3A_2856 = tpu.dynamic_rotate %select_n3A_2844 by %roll3A_2855 dim 0 : vector<256x128xf32>, i32 -> vector<256x128xf32>
    %select_n3A_2857 = arith.select %eq3A_2852, %roll3A_2854, %roll3A_2856 : vector<256x128xi1>, vector<256x128xf32>
    %iota3A_2858 = tpu.iota {dimensions = array<i32: 0>} : vector<256x128xi32>
    %and3A_2859 = arith.constant 128 : i32
    %and3A_2860 = vector.broadcast %and3A_2859 : i32 to vector<256x128xi32>
    %and3A_2861 = arith.andi %iota3A_2858, %and3A_2860 : vector<256x128xi32>
    %eq3A_2862 = arith.constant 0 : i32
    %eq3A_2863 = vector.broadcast %eq3A_2862 : i32 to vector<256x128xi32>
    %eq3A_2864 = arith.cmpi eq, %and3A_2861, %eq3A_2863 : vector<256x128xi32>
    %roll3A_2865 = arith.constant 128 : i32
    %roll3A_2866 = tpu.dynamic_rotate %select_n3A_2845 by %roll3A_2865 dim 0 : vector<256x128xi32>, i32 -> vector<256x128xi32>
    %roll3A_2867 = arith.constant 128 : i32
    %roll3A_2868 = tpu.dynamic_rotate %select_n3A_2845 by %roll3A_2867 dim 0 : vector<256x128xi32>, i32 -> vector<256x128xi32>
    %select_n3A_2869 = arith.select %eq3A_2864, %roll3A_2866, %roll3A_2868 : vector<256x128xi1>, vector<256x128xi32>
    %gt3A_2870 = arith.cmpf ogt, %select_n3A_2844, %select_n3A_2857 : vector<256x128xf32>
    %eq3A_2871 = arith.cmpf oeq, %select_n3A_2844, %select_n3A_2857 : vector<256x128xf32>
    %lt3A_2872 = arith.cmpi slt, %select_n3A_2845, %select_n3A_2869 : vector<256x128xi32>
    %and3A_2873 = arith.andi %eq3A_2871, %lt3A_2872 : vector<256x128xi1>
    %or3A_2874 = arith.ori %gt3A_2870, %and3A_2873 : vector<256x128xi1>
    %and3A_2875 = arith.constant 128 : i32
    %and3A_2876 = vector.broadcast %and3A_2875 : i32 to vector<256x128xi32>
    %and3A_2877 = arith.andi %add3A_10, %and3A_2876 : vector<256x128xi32>
    %eq3A_2878 = arith.constant 0 : i32
    %eq3A_2879 = vector.broadcast %eq3A_2878 : i32 to vector<256x128xi32>
    %eq3A_2880 = arith.cmpi eq, %and3A_2877, %eq3A_2879 : vector<256x128xi32>
    %and3A_2881 = arith.constant 2048 : i32
    %and3A_2882 = vector.broadcast %and3A_2881 : i32 to vector<256x128xi32>
    %and3A_2883 = arith.andi %add3A_10, %and3A_2882 : vector<256x128xi32>
    %eq3A_2884 = arith.constant 0 : i32
    %eq3A_2885 = vector.broadcast %eq3A_2884 : i32 to vector<256x128xi32>
    %eq3A_2886 = arith.cmpi eq, %and3A_2883, %eq3A_2885 : vector<256x128xi32>
    %eq3A_2887 = arith.xori %eq3A_2880, %eq3A_2886 : vector<256x128xi1>
    %eq3A_2888 = arith.constant dense<true> : vector<256x128xi1>
    %eq3A_2889 = arith.xori %eq3A_2887, %eq3A_2888 : vector<256x128xi1>
    %eq3A_2890 = arith.xori %or3A_2874, %eq3A_2889 : vector<256x128xi1>
    %eq3A_2891 = arith.constant dense<true> : vector<256x128xi1>
    %eq3A_2892 = arith.xori %eq3A_2890, %eq3A_2891 : vector<256x128xi1>
    %select_n3A_2893 = arith.select %eq3A_2892, %select_n3A_2844, %select_n3A_2857 : vector<256x128xi1>, vector<256x128xf32>
    %select_n3A_2894 = arith.select %eq3A_2892, %select_n3A_2845, %select_n3A_2869 : vector<256x128xi1>, vector<256x128xi32>
    %iota3A_2895 = tpu.iota {dimensions = array<i32: 0>} : vector<256x128xi32>
    %and3A_2896 = arith.constant 64 : i32
    %and3A_2897 = vector.broadcast %and3A_2896 : i32 to vector<256x128xi32>
    %and3A_2898 = arith.andi %iota3A_2895, %and3A_2897 : vector<256x128xi32>
    %eq3A_2899 = arith.constant 0 : i32
    %eq3A_2900 = vector.broadcast %eq3A_2899 : i32 to vector<256x128xi32>
    %eq3A_2901 = arith.cmpi eq, %and3A_2898, %eq3A_2900 : vector<256x128xi32>
    %roll3A_2902 = arith.constant 192 : i32
    %roll3A_2903 = tpu.dynamic_rotate %select_n3A_2893 by %roll3A_2902 dim 0 : vector<256x128xf32>, i32 -> vector<256x128xf32>
    %roll3A_2904 = arith.constant 64 : i32
    %roll3A_2905 = tpu.dynamic_rotate %select_n3A_2893 by %roll3A_2904 dim 0 : vector<256x128xf32>, i32 -> vector<256x128xf32>
    %select_n3A_2906 = arith.select %eq3A_2901, %roll3A_2903, %roll3A_2905 : vector<256x128xi1>, vector<256x128xf32>
    %iota3A_2907 = tpu.iota {dimensions = array<i32: 0>} : vector<256x128xi32>
    %and3A_2908 = arith.constant 64 : i32
    %and3A_2909 = vector.broadcast %and3A_2908 : i32 to vector<256x128xi32>
    %and3A_2910 = arith.andi %iota3A_2907, %and3A_2909 : vector<256x128xi32>
    %eq3A_2911 = arith.constant 0 : i32
    %eq3A_2912 = vector.broadcast %eq3A_2911 : i32 to vector<256x128xi32>
    %eq3A_2913 = arith.cmpi eq, %and3A_2910, %eq3A_2912 : vector<256x128xi32>
    %roll3A_2914 = arith.constant 192 : i32
    %roll3A_2915 = tpu.dynamic_rotate %select_n3A_2894 by %roll3A_2914 dim 0 : vector<256x128xi32>, i32 -> vector<256x128xi32>
    %roll3A_2916 = arith.constant 64 : i32
    %roll3A_2917 = tpu.dynamic_rotate %select_n3A_2894 by %roll3A_2916 dim 0 : vector<256x128xi32>, i32 -> vector<256x128xi32>
    %select_n3A_2918 = arith.select %eq3A_2913, %roll3A_2915, %roll3A_2917 : vector<256x128xi1>, vector<256x128xi32>
    %gt3A_2919 = arith.cmpf ogt, %select_n3A_2893, %select_n3A_2906 : vector<256x128xf32>
    %eq3A_2920 = arith.cmpf oeq, %select_n3A_2893, %select_n3A_2906 : vector<256x128xf32>
    %lt3A_2921 = arith.cmpi slt, %select_n3A_2894, %select_n3A_2918 : vector<256x128xi32>
    %and3A_2922 = arith.andi %eq3A_2920, %lt3A_2921 : vector<256x128xi1>
    %or3A_2923 = arith.ori %gt3A_2919, %and3A_2922 : vector<256x128xi1>
    %and3A_2924 = arith.constant 64 : i32
    %and3A_2925 = vector.broadcast %and3A_2924 : i32 to vector<256x128xi32>
    %and3A_2926 = arith.andi %add3A_10, %and3A_2925 : vector<256x128xi32>
    %eq3A_2927 = arith.constant 0 : i32
    %eq3A_2928 = vector.broadcast %eq3A_2927 : i32 to vector<256x128xi32>
    %eq3A_2929 = arith.cmpi eq, %and3A_2926, %eq3A_2928 : vector<256x128xi32>
    %and3A_2930 = arith.constant 2048 : i32
    %and3A_2931 = vector.broadcast %and3A_2930 : i32 to vector<256x128xi32>
    %and3A_2932 = arith.andi %add3A_10, %and3A_2931 : vector<256x128xi32>
    %eq3A_2933 = arith.constant 0 : i32
    %eq3A_2934 = vector.broadcast %eq3A_2933 : i32 to vector<256x128xi32>
    %eq3A_2935 = arith.cmpi eq, %and3A_2932, %eq3A_2934 : vector<256x128xi32>
    %eq3A_2936 = arith.xori %eq3A_2929, %eq3A_2935 : vector<256x128xi1>
    %eq3A_2937 = arith.constant dense<true> : vector<256x128xi1>
    %eq3A_2938 = arith.xori %eq3A_2936, %eq3A_2937 : vector<256x128xi1>
    %eq3A_2939 = arith.xori %or3A_2923, %eq3A_2938 : vector<256x128xi1>
    %eq3A_2940 = arith.constant dense<true> : vector<256x128xi1>
    %eq3A_2941 = arith.xori %eq3A_2939, %eq3A_2940 : vector<256x128xi1>
    %select_n3A_2942 = arith.select %eq3A_2941, %select_n3A_2893, %select_n3A_2906 : vector<256x128xi1>, vector<256x128xf32>
    %select_n3A_2943 = arith.select %eq3A_2941, %select_n3A_2894, %select_n3A_2918 : vector<256x128xi1>, vector<256x128xi32>
    %iota3A_2944 = tpu.iota {dimensions = array<i32: 0>} : vector<256x128xi32>
    %and3A_2945 = arith.constant 32 : i32
    %and3A_2946 = vector.broadcast %and3A_2945 : i32 to vector<256x128xi32>
    %and3A_2947 = arith.andi %iota3A_2944, %and3A_2946 : vector<256x128xi32>
    %eq3A_2948 = arith.constant 0 : i32
    %eq3A_2949 = vector.broadcast %eq3A_2948 : i32 to vector<256x128xi32>
    %eq3A_2950 = arith.cmpi eq, %and3A_2947, %eq3A_2949 : vector<256x128xi32>
    %roll3A_2951 = arith.constant 224 : i32
    %roll3A_2952 = tpu.dynamic_rotate %select_n3A_2942 by %roll3A_2951 dim 0 : vector<256x128xf32>, i32 -> vector<256x128xf32>
    %roll3A_2953 = arith.constant 32 : i32
    %roll3A_2954 = tpu.dynamic_rotate %select_n3A_2942 by %roll3A_2953 dim 0 : vector<256x128xf32>, i32 -> vector<256x128xf32>
    %select_n3A_2955 = arith.select %eq3A_2950, %roll3A_2952, %roll3A_2954 : vector<256x128xi1>, vector<256x128xf32>
    %iota3A_2956 = tpu.iota {dimensions = array<i32: 0>} : vector<256x128xi32>
    %and3A_2957 = arith.constant 32 : i32
    %and3A_2958 = vector.broadcast %and3A_2957 : i32 to vector<256x128xi32>
    %and3A_2959 = arith.andi %iota3A_2956, %and3A_2958 : vector<256x128xi32>
    %eq3A_2960 = arith.constant 0 : i32
    %eq3A_2961 = vector.broadcast %eq3A_2960 : i32 to vector<256x128xi32>
    %eq3A_2962 = arith.cmpi eq, %and3A_2959, %eq3A_2961 : vector<256x128xi32>
    %roll3A_2963 = arith.constant 224 : i32
    %roll3A_2964 = tpu.dynamic_rotate %select_n3A_2943 by %roll3A_2963 dim 0 : vector<256x128xi32>, i32 -> vector<256x128xi32>
    %roll3A_2965 = arith.constant 32 : i32
    %roll3A_2966 = tpu.dynamic_rotate %select_n3A_2943 by %roll3A_2965 dim 0 : vector<256x128xi32>, i32 -> vector<256x128xi32>
    %select_n3A_2967 = arith.select %eq3A_2962, %roll3A_2964, %roll3A_2966 : vector<256x128xi1>, vector<256x128xi32>
    %gt3A_2968 = arith.cmpf ogt, %select_n3A_2942, %select_n3A_2955 : vector<256x128xf32>
    %eq3A_2969 = arith.cmpf oeq, %select_n3A_2942, %select_n3A_2955 : vector<256x128xf32>
    %lt3A_2970 = arith.cmpi slt, %select_n3A_2943, %select_n3A_2967 : vector<256x128xi32>
    %and3A_2971 = arith.andi %eq3A_2969, %lt3A_2970 : vector<256x128xi1>
    %or3A_2972 = arith.ori %gt3A_2968, %and3A_2971 : vector<256x128xi1>
    %and3A_2973 = arith.constant 32 : i32
    %and3A_2974 = vector.broadcast %and3A_2973 : i32 to vector<256x128xi32>
    %and3A_2975 = arith.andi %add3A_10, %and3A_2974 : vector<256x128xi32>
    %eq3A_2976 = arith.constant 0 : i32
    %eq3A_2977 = vector.broadcast %eq3A_2976 : i32 to vector<256x128xi32>
    %eq3A_2978 = arith.cmpi eq, %and3A_2975, %eq3A_2977 : vector<256x128xi32>
    %and3A_2979 = arith.constant 2048 : i32
    %and3A_2980 = vector.broadcast %and3A_2979 : i32 to vector<256x128xi32>
    %and3A_2981 = arith.andi %add3A_10, %and3A_2980 : vector<256x128xi32>
    %eq3A_2982 = arith.constant 0 : i32
    %eq3A_2983 = vector.broadcast %eq3A_2982 : i32 to vector<256x128xi32>
    %eq3A_2984 = arith.cmpi eq, %and3A_2981, %eq3A_2983 : vector<256x128xi32>
    %eq3A_2985 = arith.xori %eq3A_2978, %eq3A_2984 : vector<256x128xi1>
    %eq3A_2986 = arith.constant dense<true> : vector<256x128xi1>
    %eq3A_2987 = arith.xori %eq3A_2985, %eq3A_2986 : vector<256x128xi1>
    %eq3A_2988 = arith.xori %or3A_2972, %eq3A_2987 : vector<256x128xi1>
    %eq3A_2989 = arith.constant dense<true> : vector<256x128xi1>
    %eq3A_2990 = arith.xori %eq3A_2988, %eq3A_2989 : vector<256x128xi1>
    %select_n3A_2991 = arith.select %eq3A_2990, %select_n3A_2942, %select_n3A_2955 : vector<256x128xi1>, vector<256x128xf32>
    %select_n3A_2992 = arith.select %eq3A_2990, %select_n3A_2943, %select_n3A_2967 : vector<256x128xi1>, vector<256x128xi32>
    %iota3A_2993 = tpu.iota {dimensions = array<i32: 0>} : vector<256x128xi32>
    %and3A_2994 = arith.constant 16 : i32
    %and3A_2995 = vector.broadcast %and3A_2994 : i32 to vector<256x128xi32>
    %and3A_2996 = arith.andi %iota3A_2993, %and3A_2995 : vector<256x128xi32>
    %eq3A_2997 = arith.constant 0 : i32
    %eq3A_2998 = vector.broadcast %eq3A_2997 : i32 to vector<256x128xi32>
    %eq3A_2999 = arith.cmpi eq, %and3A_2996, %eq3A_2998 : vector<256x128xi32>
    %roll3A_3000 = arith.constant 240 : i32
    %roll3A_3001 = tpu.dynamic_rotate %select_n3A_2991 by %roll3A_3000 dim 0 : vector<256x128xf32>, i32 -> vector<256x128xf32>
    %roll3A_3002 = arith.constant 16 : i32
    %roll3A_3003 = tpu.dynamic_rotate %select_n3A_2991 by %roll3A_3002 dim 0 : vector<256x128xf32>, i32 -> vector<256x128xf32>
    %select_n3A_3004 = arith.select %eq3A_2999, %roll3A_3001, %roll3A_3003 : vector<256x128xi1>, vector<256x128xf32>
    %iota3A_3005 = tpu.iota {dimensions = array<i32: 0>} : vector<256x128xi32>
    %and3A_3006 = arith.constant 16 : i32
    %and3A_3007 = vector.broadcast %and3A_3006 : i32 to vector<256x128xi32>
    %and3A_3008 = arith.andi %iota3A_3005, %and3A_3007 : vector<256x128xi32>
    %eq3A_3009 = arith.constant 0 : i32
    %eq3A_3010 = vector.broadcast %eq3A_3009 : i32 to vector<256x128xi32>
    %eq3A_3011 = arith.cmpi eq, %and3A_3008, %eq3A_3010 : vector<256x128xi32>
    %roll3A_3012 = arith.constant 240 : i32
    %roll3A_3013 = tpu.dynamic_rotate %select_n3A_2992 by %roll3A_3012 dim 0 : vector<256x128xi32>, i32 -> vector<256x128xi32>
    %roll3A_3014 = arith.constant 16 : i32
    %roll3A_3015 = tpu.dynamic_rotate %select_n3A_2992 by %roll3A_3014 dim 0 : vector<256x128xi32>, i32 -> vector<256x128xi32>
    %select_n3A_3016 = arith.select %eq3A_3011, %roll3A_3013, %roll3A_3015 : vector<256x128xi1>, vector<256x128xi32>
    %gt3A_3017 = arith.cmpf ogt, %select_n3A_2991, %select_n3A_3004 : vector<256x128xf32>
    %eq3A_3018 = arith.cmpf oeq, %select_n3A_2991, %select_n3A_3004 : vector<256x128xf32>
    %lt3A_3019 = arith.cmpi slt, %select_n3A_2992, %select_n3A_3016 : vector<256x128xi32>
    %and3A_3020 = arith.andi %eq3A_3018, %lt3A_3019 : vector<256x128xi1>
    %or3A_3021 = arith.ori %gt3A_3017, %and3A_3020 : vector<256x128xi1>
    %and3A_3022 = arith.constant 16 : i32
    %and3A_3023 = vector.broadcast %and3A_3022 : i32 to vector<256x128xi32>
    %and3A_3024 = arith.andi %add3A_10, %and3A_3023 : vector<256x128xi32>
    %eq3A_3025 = arith.constant 0 : i32
    %eq3A_3026 = vector.broadcast %eq3A_3025 : i32 to vector<256x128xi32>
    %eq3A_3027 = arith.cmpi eq, %and3A_3024, %eq3A_3026 : vector<256x128xi32>
    %and3A_3028 = arith.constant 2048 : i32
    %and3A_3029 = vector.broadcast %and3A_3028 : i32 to vector<256x128xi32>
    %and3A_3030 = arith.andi %add3A_10, %and3A_3029 : vector<256x128xi32>
    %eq3A_3031 = arith.constant 0 : i32
    %eq3A_3032 = vector.broadcast %eq3A_3031 : i32 to vector<256x128xi32>
    %eq3A_3033 = arith.cmpi eq, %and3A_3030, %eq3A_3032 : vector<256x128xi32>
    %eq3A_3034 = arith.xori %eq3A_3027, %eq3A_3033 : vector<256x128xi1>
    %eq3A_3035 = arith.constant dense<true> : vector<256x128xi1>
    %eq3A_3036 = arith.xori %eq3A_3034, %eq3A_3035 : vector<256x128xi1>
    %eq3A_3037 = arith.xori %or3A_3021, %eq3A_3036 : vector<256x128xi1>
    %eq3A_3038 = arith.constant dense<true> : vector<256x128xi1>
    %eq3A_3039 = arith.xori %eq3A_3037, %eq3A_3038 : vector<256x128xi1>
    %select_n3A_3040 = arith.select %eq3A_3039, %select_n3A_2991, %select_n3A_3004 : vector<256x128xi1>, vector<256x128xf32>
    %select_n3A_3041 = arith.select %eq3A_3039, %select_n3A_2992, %select_n3A_3016 : vector<256x128xi1>, vector<256x128xi32>
    %iota3A_3042 = tpu.iota {dimensions = array<i32: 0>} : vector<256x128xi32>
    %and3A_3043 = arith.constant 8 : i32
    %and3A_3044 = vector.broadcast %and3A_3043 : i32 to vector<256x128xi32>
    %and3A_3045 = arith.andi %iota3A_3042, %and3A_3044 : vector<256x128xi32>
    %eq3A_3046 = arith.constant 0 : i32
    %eq3A_3047 = vector.broadcast %eq3A_3046 : i32 to vector<256x128xi32>
    %eq3A_3048 = arith.cmpi eq, %and3A_3045, %eq3A_3047 : vector<256x128xi32>
    %roll3A_3049 = arith.constant 248 : i32
    %roll3A_3050 = tpu.dynamic_rotate %select_n3A_3040 by %roll3A_3049 dim 0 : vector<256x128xf32>, i32 -> vector<256x128xf32>
    %roll3A_3051 = arith.constant 8 : i32
    %roll3A_3052 = tpu.dynamic_rotate %select_n3A_3040 by %roll3A_3051 dim 0 : vector<256x128xf32>, i32 -> vector<256x128xf32>
    %select_n3A_3053 = arith.select %eq3A_3048, %roll3A_3050, %roll3A_3052 : vector<256x128xi1>, vector<256x128xf32>
    %iota3A_3054 = tpu.iota {dimensions = array<i32: 0>} : vector<256x128xi32>
    %and3A_3055 = arith.constant 8 : i32
    %and3A_3056 = vector.broadcast %and3A_3055 : i32 to vector<256x128xi32>
    %and3A_3057 = arith.andi %iota3A_3054, %and3A_3056 : vector<256x128xi32>
    %eq3A_3058 = arith.constant 0 : i32
    %eq3A_3059 = vector.broadcast %eq3A_3058 : i32 to vector<256x128xi32>
    %eq3A_3060 = arith.cmpi eq, %and3A_3057, %eq3A_3059 : vector<256x128xi32>
    %roll3A_3061 = arith.constant 248 : i32
    %roll3A_3062 = tpu.dynamic_rotate %select_n3A_3041 by %roll3A_3061 dim 0 : vector<256x128xi32>, i32 -> vector<256x128xi32>
    %roll3A_3063 = arith.constant 8 : i32
    %roll3A_3064 = tpu.dynamic_rotate %select_n3A_3041 by %roll3A_3063 dim 0 : vector<256x128xi32>, i32 -> vector<256x128xi32>
    %select_n3A_3065 = arith.select %eq3A_3060, %roll3A_3062, %roll3A_3064 : vector<256x128xi1>, vector<256x128xi32>
    %gt3A_3066 = arith.cmpf ogt, %select_n3A_3040, %select_n3A_3053 : vector<256x128xf32>
    %eq3A_3067 = arith.cmpf oeq, %select_n3A_3040, %select_n3A_3053 : vector<256x128xf32>
    %lt3A_3068 = arith.cmpi slt, %select_n3A_3041, %select_n3A_3065 : vector<256x128xi32>
    %and3A_3069 = arith.andi %eq3A_3067, %lt3A_3068 : vector<256x128xi1>
    %or3A_3070 = arith.ori %gt3A_3066, %and3A_3069 : vector<256x128xi1>
    %and3A_3071 = arith.constant 8 : i32
    %and3A_3072 = vector.broadcast %and3A_3071 : i32 to vector<256x128xi32>
    %and3A_3073 = arith.andi %add3A_10, %and3A_3072 : vector<256x128xi32>
    %eq3A_3074 = arith.constant 0 : i32
    %eq3A_3075 = vector.broadcast %eq3A_3074 : i32 to vector<256x128xi32>
    %eq3A_3076 = arith.cmpi eq, %and3A_3073, %eq3A_3075 : vector<256x128xi32>
    %and3A_3077 = arith.constant 2048 : i32
    %and3A_3078 = vector.broadcast %and3A_3077 : i32 to vector<256x128xi32>
    %and3A_3079 = arith.andi %add3A_10, %and3A_3078 : vector<256x128xi32>
    %eq3A_3080 = arith.constant 0 : i32
    %eq3A_3081 = vector.broadcast %eq3A_3080 : i32 to vector<256x128xi32>
    %eq3A_3082 = arith.cmpi eq, %and3A_3079, %eq3A_3081 : vector<256x128xi32>
    %eq3A_3083 = arith.xori %eq3A_3076, %eq3A_3082 : vector<256x128xi1>
    %eq3A_3084 = arith.constant dense<true> : vector<256x128xi1>
    %eq3A_3085 = arith.xori %eq3A_3083, %eq3A_3084 : vector<256x128xi1>
    %eq3A_3086 = arith.xori %or3A_3070, %eq3A_3085 : vector<256x128xi1>
    %eq3A_3087 = arith.constant dense<true> : vector<256x128xi1>
    %eq3A_3088 = arith.xori %eq3A_3086, %eq3A_3087 : vector<256x128xi1>
    %select_n3A_3089 = arith.select %eq3A_3088, %select_n3A_3040, %select_n3A_3053 : vector<256x128xi1>, vector<256x128xf32>
    %select_n3A_3090 = arith.select %eq3A_3088, %select_n3A_3041, %select_n3A_3065 : vector<256x128xi1>, vector<256x128xi32>
    %iota3A_3091 = tpu.iota {dimensions = array<i32: 0>} : vector<256x128xi32>
    %and3A_3092 = arith.constant 4 : i32
    %and3A_3093 = vector.broadcast %and3A_3092 : i32 to vector<256x128xi32>
    %and3A_3094 = arith.andi %iota3A_3091, %and3A_3093 : vector<256x128xi32>
    %eq3A_3095 = arith.constant 0 : i32
    %eq3A_3096 = vector.broadcast %eq3A_3095 : i32 to vector<256x128xi32>
    %eq3A_3097 = arith.cmpi eq, %and3A_3094, %eq3A_3096 : vector<256x128xi32>
    %roll3A_3098 = arith.constant 252 : i32
    %roll3A_3099 = tpu.dynamic_rotate %select_n3A_3089 by %roll3A_3098 dim 0 : vector<256x128xf32>, i32 -> vector<256x128xf32>
    %roll3A_3100 = arith.constant 4 : i32
    %roll3A_3101 = tpu.dynamic_rotate %select_n3A_3089 by %roll3A_3100 dim 0 : vector<256x128xf32>, i32 -> vector<256x128xf32>
    %select_n3A_3102 = arith.select %eq3A_3097, %roll3A_3099, %roll3A_3101 : vector<256x128xi1>, vector<256x128xf32>
    %iota3A_3103 = tpu.iota {dimensions = array<i32: 0>} : vector<256x128xi32>
    %and3A_3104 = arith.constant 4 : i32
    %and3A_3105 = vector.broadcast %and3A_3104 : i32 to vector<256x128xi32>
    %and3A_3106 = arith.andi %iota3A_3103, %and3A_3105 : vector<256x128xi32>
    %eq3A_3107 = arith.constant 0 : i32
    %eq3A_3108 = vector.broadcast %eq3A_3107 : i32 to vector<256x128xi32>
    %eq3A_3109 = arith.cmpi eq, %and3A_3106, %eq3A_3108 : vector<256x128xi32>
    %roll3A_3110 = arith.constant 252 : i32
    %roll3A_3111 = tpu.dynamic_rotate %select_n3A_3090 by %roll3A_3110 dim 0 : vector<256x128xi32>, i32 -> vector<256x128xi32>
    %roll3A_3112 = arith.constant 4 : i32
    %roll3A_3113 = tpu.dynamic_rotate %select_n3A_3090 by %roll3A_3112 dim 0 : vector<256x128xi32>, i32 -> vector<256x128xi32>
    %select_n3A_3114 = arith.select %eq3A_3109, %roll3A_3111, %roll3A_3113 : vector<256x128xi1>, vector<256x128xi32>
    %gt3A_3115 = arith.cmpf ogt, %select_n3A_3089, %select_n3A_3102 : vector<256x128xf32>
    %eq3A_3116 = arith.cmpf oeq, %select_n3A_3089, %select_n3A_3102 : vector<256x128xf32>
    %lt3A_3117 = arith.cmpi slt, %select_n3A_3090, %select_n3A_3114 : vector<256x128xi32>
    %and3A_3118 = arith.andi %eq3A_3116, %lt3A_3117 : vector<256x128xi1>
    %or3A_3119 = arith.ori %gt3A_3115, %and3A_3118 : vector<256x128xi1>
    %and3A_3120 = arith.constant 4 : i32
    %and3A_3121 = vector.broadcast %and3A_3120 : i32 to vector<256x128xi32>
    %and3A_3122 = arith.andi %add3A_10, %and3A_3121 : vector<256x128xi32>
    %eq3A_3123 = arith.constant 0 : i32
    %eq3A_3124 = vector.broadcast %eq3A_3123 : i32 to vector<256x128xi32>
    %eq3A_3125 = arith.cmpi eq, %and3A_3122, %eq3A_3124 : vector<256x128xi32>
    %and3A_3126 = arith.constant 2048 : i32
    %and3A_3127 = vector.broadcast %and3A_3126 : i32 to vector<256x128xi32>
    %and3A_3128 = arith.andi %add3A_10, %and3A_3127 : vector<256x128xi32>
    %eq3A_3129 = arith.constant 0 : i32
    %eq3A_3130 = vector.broadcast %eq3A_3129 : i32 to vector<256x128xi32>
    %eq3A_3131 = arith.cmpi eq, %and3A_3128, %eq3A_3130 : vector<256x128xi32>
    %eq3A_3132 = arith.xori %eq3A_3125, %eq3A_3131 : vector<256x128xi1>
    %eq3A_3133 = arith.constant dense<true> : vector<256x128xi1>
    %eq3A_3134 = arith.xori %eq3A_3132, %eq3A_3133 : vector<256x128xi1>
    %eq3A_3135 = arith.xori %or3A_3119, %eq3A_3134 : vector<256x128xi1>
    %eq3A_3136 = arith.constant dense<true> : vector<256x128xi1>
    %eq3A_3137 = arith.xori %eq3A_3135, %eq3A_3136 : vector<256x128xi1>
    %select_n3A_3138 = arith.select %eq3A_3137, %select_n3A_3089, %select_n3A_3102 : vector<256x128xi1>, vector<256x128xf32>
    %select_n3A_3139 = arith.select %eq3A_3137, %select_n3A_3090, %select_n3A_3114 : vector<256x128xi1>, vector<256x128xi32>
    %iota3A_3140 = tpu.iota {dimensions = array<i32: 0>} : vector<256x128xi32>
    %and3A_3141 = arith.constant 2 : i32
    %and3A_3142 = vector.broadcast %and3A_3141 : i32 to vector<256x128xi32>
    %and3A_3143 = arith.andi %iota3A_3140, %and3A_3142 : vector<256x128xi32>
    %eq3A_3144 = arith.constant 0 : i32
    %eq3A_3145 = vector.broadcast %eq3A_3144 : i32 to vector<256x128xi32>
    %eq3A_3146 = arith.cmpi eq, %and3A_3143, %eq3A_3145 : vector<256x128xi32>
    %roll3A_3147 = arith.constant 254 : i32
    %roll3A_3148 = tpu.dynamic_rotate %select_n3A_3138 by %roll3A_3147 dim 0 : vector<256x128xf32>, i32 -> vector<256x128xf32>
    %roll3A_3149 = arith.constant 2 : i32
    %roll3A_3150 = tpu.dynamic_rotate %select_n3A_3138 by %roll3A_3149 dim 0 : vector<256x128xf32>, i32 -> vector<256x128xf32>
    %select_n3A_3151 = arith.select %eq3A_3146, %roll3A_3148, %roll3A_3150 : vector<256x128xi1>, vector<256x128xf32>
    %iota3A_3152 = tpu.iota {dimensions = array<i32: 0>} : vector<256x128xi32>
    %and3A_3153 = arith.constant 2 : i32
    %and3A_3154 = vector.broadcast %and3A_3153 : i32 to vector<256x128xi32>
    %and3A_3155 = arith.andi %iota3A_3152, %and3A_3154 : vector<256x128xi32>
    %eq3A_3156 = arith.constant 0 : i32
    %eq3A_3157 = vector.broadcast %eq3A_3156 : i32 to vector<256x128xi32>
    %eq3A_3158 = arith.cmpi eq, %and3A_3155, %eq3A_3157 : vector<256x128xi32>
    %roll3A_3159 = arith.constant 254 : i32
    %roll3A_3160 = tpu.dynamic_rotate %select_n3A_3139 by %roll3A_3159 dim 0 : vector<256x128xi32>, i32 -> vector<256x128xi32>
    %roll3A_3161 = arith.constant 2 : i32
    %roll3A_3162 = tpu.dynamic_rotate %select_n3A_3139 by %roll3A_3161 dim 0 : vector<256x128xi32>, i32 -> vector<256x128xi32>
    %select_n3A_3163 = arith.select %eq3A_3158, %roll3A_3160, %roll3A_3162 : vector<256x128xi1>, vector<256x128xi32>
    %gt3A_3164 = arith.cmpf ogt, %select_n3A_3138, %select_n3A_3151 : vector<256x128xf32>
    %eq3A_3165 = arith.cmpf oeq, %select_n3A_3138, %select_n3A_3151 : vector<256x128xf32>
    %lt3A_3166 = arith.cmpi slt, %select_n3A_3139, %select_n3A_3163 : vector<256x128xi32>
    %and3A_3167 = arith.andi %eq3A_3165, %lt3A_3166 : vector<256x128xi1>
    %or3A_3168 = arith.ori %gt3A_3164, %and3A_3167 : vector<256x128xi1>
    %and3A_3169 = arith.constant 2 : i32
    %and3A_3170 = vector.broadcast %and3A_3169 : i32 to vector<256x128xi32>
    %and3A_3171 = arith.andi %add3A_10, %and3A_3170 : vector<256x128xi32>
    %eq3A_3172 = arith.constant 0 : i32
    %eq3A_3173 = vector.broadcast %eq3A_3172 : i32 to vector<256x128xi32>
    %eq3A_3174 = arith.cmpi eq, %and3A_3171, %eq3A_3173 : vector<256x128xi32>
    %and3A_3175 = arith.constant 2048 : i32
    %and3A_3176 = vector.broadcast %and3A_3175 : i32 to vector<256x128xi32>
    %and3A_3177 = arith.andi %add3A_10, %and3A_3176 : vector<256x128xi32>
    %eq3A_3178 = arith.constant 0 : i32
    %eq3A_3179 = vector.broadcast %eq3A_3178 : i32 to vector<256x128xi32>
    %eq3A_3180 = arith.cmpi eq, %and3A_3177, %eq3A_3179 : vector<256x128xi32>
    %eq3A_3181 = arith.xori %eq3A_3174, %eq3A_3180 : vector<256x128xi1>
    %eq3A_3182 = arith.constant dense<true> : vector<256x128xi1>
    %eq3A_3183 = arith.xori %eq3A_3181, %eq3A_3182 : vector<256x128xi1>
    %eq3A_3184 = arith.xori %or3A_3168, %eq3A_3183 : vector<256x128xi1>
    %eq3A_3185 = arith.constant dense<true> : vector<256x128xi1>
    %eq3A_3186 = arith.xori %eq3A_3184, %eq3A_3185 : vector<256x128xi1>
    %select_n3A_3187 = arith.select %eq3A_3186, %select_n3A_3138, %select_n3A_3151 : vector<256x128xi1>, vector<256x128xf32>
    %select_n3A_3188 = arith.select %eq3A_3186, %select_n3A_3139, %select_n3A_3163 : vector<256x128xi1>, vector<256x128xi32>
    %iota3A_3189 = tpu.iota {dimensions = array<i32: 0>} : vector<256x128xi32>
    %and3A_3190 = arith.constant 1 : i32
    %and3A_3191 = vector.broadcast %and3A_3190 : i32 to vector<256x128xi32>
    %and3A_3192 = arith.andi %iota3A_3189, %and3A_3191 : vector<256x128xi32>
    %eq3A_3193 = arith.constant 0 : i32
    %eq3A_3194 = vector.broadcast %eq3A_3193 : i32 to vector<256x128xi32>
    %eq3A_3195 = arith.cmpi eq, %and3A_3192, %eq3A_3194 : vector<256x128xi32>
    %roll3A_3196 = arith.constant 255 : i32
    %roll3A_3197 = tpu.dynamic_rotate %select_n3A_3187 by %roll3A_3196 dim 0 : vector<256x128xf32>, i32 -> vector<256x128xf32>
    %roll3A_3198 = arith.constant 1 : i32
    %roll3A_3199 = tpu.dynamic_rotate %select_n3A_3187 by %roll3A_3198 dim 0 : vector<256x128xf32>, i32 -> vector<256x128xf32>
    %select_n3A_3200 = arith.select %eq3A_3195, %roll3A_3197, %roll3A_3199 : vector<256x128xi1>, vector<256x128xf32>
    %iota3A_3201 = tpu.iota {dimensions = array<i32: 0>} : vector<256x128xi32>
    %and3A_3202 = arith.constant 1 : i32
    %and3A_3203 = vector.broadcast %and3A_3202 : i32 to vector<256x128xi32>
    %and3A_3204 = arith.andi %iota3A_3201, %and3A_3203 : vector<256x128xi32>
    %eq3A_3205 = arith.constant 0 : i32
    %eq3A_3206 = vector.broadcast %eq3A_3205 : i32 to vector<256x128xi32>
    %eq3A_3207 = arith.cmpi eq, %and3A_3204, %eq3A_3206 : vector<256x128xi32>
    %roll3A_3208 = arith.constant 255 : i32
    %roll3A_3209 = tpu.dynamic_rotate %select_n3A_3188 by %roll3A_3208 dim 0 : vector<256x128xi32>, i32 -> vector<256x128xi32>
    %roll3A_3210 = arith.constant 1 : i32
    %roll3A_3211 = tpu.dynamic_rotate %select_n3A_3188 by %roll3A_3210 dim 0 : vector<256x128xi32>, i32 -> vector<256x128xi32>
    %select_n3A_3212 = arith.select %eq3A_3207, %roll3A_3209, %roll3A_3211 : vector<256x128xi1>, vector<256x128xi32>
    %gt3A_3213 = arith.cmpf ogt, %select_n3A_3187, %select_n3A_3200 : vector<256x128xf32>
    %eq3A_3214 = arith.cmpf oeq, %select_n3A_3187, %select_n3A_3200 : vector<256x128xf32>
    %lt3A_3215 = arith.cmpi slt, %select_n3A_3188, %select_n3A_3212 : vector<256x128xi32>
    %and3A_3216 = arith.andi %eq3A_3214, %lt3A_3215 : vector<256x128xi1>
    %or3A_3217 = arith.ori %gt3A_3213, %and3A_3216 : vector<256x128xi1>
    %and3A_3218 = arith.constant 1 : i32
    %and3A_3219 = vector.broadcast %and3A_3218 : i32 to vector<256x128xi32>
    %and3A_3220 = arith.andi %add3A_10, %and3A_3219 : vector<256x128xi32>
    %eq3A_3221 = arith.constant 0 : i32
    %eq3A_3222 = vector.broadcast %eq3A_3221 : i32 to vector<256x128xi32>
    %eq3A_3223 = arith.cmpi eq, %and3A_3220, %eq3A_3222 : vector<256x128xi32>
    %and3A_3224 = arith.constant 2048 : i32
    %and3A_3225 = vector.broadcast %and3A_3224 : i32 to vector<256x128xi32>
    %and3A_3226 = arith.andi %add3A_10, %and3A_3225 : vector<256x128xi32>
    %eq3A_3227 = arith.constant 0 : i32
    %eq3A_3228 = vector.broadcast %eq3A_3227 : i32 to vector<256x128xi32>
    %eq3A_3229 = arith.cmpi eq, %and3A_3226, %eq3A_3228 : vector<256x128xi32>
    %eq3A_3230 = arith.xori %eq3A_3223, %eq3A_3229 : vector<256x128xi1>
    %eq3A_3231 = arith.constant dense<true> : vector<256x128xi1>
    %eq3A_3232 = arith.xori %eq3A_3230, %eq3A_3231 : vector<256x128xi1>
    %eq3A_3233 = arith.xori %or3A_3217, %eq3A_3232 : vector<256x128xi1>
    %eq3A_3234 = arith.constant dense<true> : vector<256x128xi1>
    %eq3A_3235 = arith.xori %eq3A_3233, %eq3A_3234 : vector<256x128xi1>
    %select_n3A_3236 = arith.select %eq3A_3235, %select_n3A_3187, %select_n3A_3200 : vector<256x128xi1>, vector<256x128xf32>
    %select_n3A_3237 = arith.select %eq3A_3235, %select_n3A_3188, %select_n3A_3212 : vector<256x128xi1>, vector<256x128xi32>
    %iota3A_3238 = tpu.iota {dimensions = array<i32: 1>} : vector<256x128xi32>
    %and3A_3239 = arith.constant 8 : i32
    %and3A_3240 = vector.broadcast %and3A_3239 : i32 to vector<256x128xi32>
    %and3A_3241 = arith.andi %iota3A_3238, %and3A_3240 : vector<256x128xi32>
    %eq3A_3242 = arith.constant 0 : i32
    %eq3A_3243 = vector.broadcast %eq3A_3242 : i32 to vector<256x128xi32>
    %eq3A_3244 = arith.cmpi eq, %and3A_3241, %eq3A_3243 : vector<256x128xi32>
    %roll3A_3245 = arith.constant 120 : i32
    %roll3A_3246 = tpu.dynamic_rotate %select_n3A_3236 by %roll3A_3245 dim 1 : vector<256x128xf32>, i32 -> vector<256x128xf32>
    %roll3A_3247 = arith.constant 8 : i32
    %roll3A_3248 = tpu.dynamic_rotate %select_n3A_3236 by %roll3A_3247 dim 1 : vector<256x128xf32>, i32 -> vector<256x128xf32>
    %select_n3A_3249 = arith.select %eq3A_3244, %roll3A_3246, %roll3A_3248 : vector<256x128xi1>, vector<256x128xf32>
    %iota3A_3250 = tpu.iota {dimensions = array<i32: 1>} : vector<256x128xi32>
    %and3A_3251 = arith.constant 8 : i32
    %and3A_3252 = vector.broadcast %and3A_3251 : i32 to vector<256x128xi32>
    %and3A_3253 = arith.andi %iota3A_3250, %and3A_3252 : vector<256x128xi32>
    %eq3A_3254 = arith.constant 0 : i32
    %eq3A_3255 = vector.broadcast %eq3A_3254 : i32 to vector<256x128xi32>
    %eq3A_3256 = arith.cmpi eq, %and3A_3253, %eq3A_3255 : vector<256x128xi32>
    %roll3A_3257 = arith.constant 120 : i32
    %roll3A_3258 = tpu.dynamic_rotate %select_n3A_3237 by %roll3A_3257 dim 1 : vector<256x128xi32>, i32 -> vector<256x128xi32>
    %roll3A_3259 = arith.constant 8 : i32
    %roll3A_3260 = tpu.dynamic_rotate %select_n3A_3237 by %roll3A_3259 dim 1 : vector<256x128xi32>, i32 -> vector<256x128xi32>
    %select_n3A_3261 = arith.select %eq3A_3256, %roll3A_3258, %roll3A_3260 : vector<256x128xi1>, vector<256x128xi32>
    %gt3A_3262 = arith.cmpf ogt, %select_n3A_3236, %select_n3A_3249 : vector<256x128xf32>
    %eq3A_3263 = arith.cmpf oeq, %select_n3A_3236, %select_n3A_3249 : vector<256x128xf32>
    %lt3A_3264 = arith.cmpi slt, %select_n3A_3237, %select_n3A_3261 : vector<256x128xi32>
    %and3A_3265 = arith.andi %eq3A_3263, %lt3A_3264 : vector<256x128xi1>
    %or3A_3266 = arith.ori %gt3A_3262, %and3A_3265 : vector<256x128xi1>
    %and3A_3267 = arith.constant 2048 : i32
    %and3A_3268 = vector.broadcast %and3A_3267 : i32 to vector<256x128xi32>
    %and3A_3269 = arith.andi %add3A_10, %and3A_3268 : vector<256x128xi32>
    %eq3A_3270 = arith.constant 0 : i32
    %eq3A_3271 = vector.broadcast %eq3A_3270 : i32 to vector<256x128xi32>
    %eq3A_3272 = arith.cmpi eq, %and3A_3269, %eq3A_3271 : vector<256x128xi32>
    %and3A_3273 = arith.constant 4096 : i32
    %and3A_3274 = vector.broadcast %and3A_3273 : i32 to vector<256x128xi32>
    %and3A_3275 = arith.andi %add3A_10, %and3A_3274 : vector<256x128xi32>
    %eq3A_3276 = arith.constant 0 : i32
    %eq3A_3277 = vector.broadcast %eq3A_3276 : i32 to vector<256x128xi32>
    %eq3A_3278 = arith.cmpi eq, %and3A_3275, %eq3A_3277 : vector<256x128xi32>
    %eq3A_3279 = arith.xori %eq3A_3272, %eq3A_3278 : vector<256x128xi1>
    %eq3A_3280 = arith.constant dense<true> : vector<256x128xi1>
    %eq3A_3281 = arith.xori %eq3A_3279, %eq3A_3280 : vector<256x128xi1>
    %eq3A_3282 = arith.xori %or3A_3266, %eq3A_3281 : vector<256x128xi1>
    %eq3A_3283 = arith.constant dense<true> : vector<256x128xi1>
    %eq3A_3284 = arith.xori %eq3A_3282, %eq3A_3283 : vector<256x128xi1>
    %select_n3A_3285 = arith.select %eq3A_3284, %select_n3A_3236, %select_n3A_3249 : vector<256x128xi1>, vector<256x128xf32>
    %select_n3A_3286 = arith.select %eq3A_3284, %select_n3A_3237, %select_n3A_3261 : vector<256x128xi1>, vector<256x128xi32>
    %iota3A_3287 = tpu.iota {dimensions = array<i32: 1>} : vector<256x128xi32>
    %and3A_3288 = arith.constant 4 : i32
    %and3A_3289 = vector.broadcast %and3A_3288 : i32 to vector<256x128xi32>
    %and3A_3290 = arith.andi %iota3A_3287, %and3A_3289 : vector<256x128xi32>
    %eq3A_3291 = arith.constant 0 : i32
    %eq3A_3292 = vector.broadcast %eq3A_3291 : i32 to vector<256x128xi32>
    %eq3A_3293 = arith.cmpi eq, %and3A_3290, %eq3A_3292 : vector<256x128xi32>
    %roll3A_3294 = arith.constant 124 : i32
    %roll3A_3295 = tpu.dynamic_rotate %select_n3A_3285 by %roll3A_3294 dim 1 : vector<256x128xf32>, i32 -> vector<256x128xf32>
    %roll3A_3296 = arith.constant 4 : i32
    %roll3A_3297 = tpu.dynamic_rotate %select_n3A_3285 by %roll3A_3296 dim 1 : vector<256x128xf32>, i32 -> vector<256x128xf32>
    %select_n3A_3298 = arith.select %eq3A_3293, %roll3A_3295, %roll3A_3297 : vector<256x128xi1>, vector<256x128xf32>
    %iota3A_3299 = tpu.iota {dimensions = array<i32: 1>} : vector<256x128xi32>
    %and3A_3300 = arith.constant 4 : i32
    %and3A_3301 = vector.broadcast %and3A_3300 : i32 to vector<256x128xi32>
    %and3A_3302 = arith.andi %iota3A_3299, %and3A_3301 : vector<256x128xi32>
    %eq3A_3303 = arith.constant 0 : i32
    %eq3A_3304 = vector.broadcast %eq3A_3303 : i32 to vector<256x128xi32>
    %eq3A_3305 = arith.cmpi eq, %and3A_3302, %eq3A_3304 : vector<256x128xi32>
    %roll3A_3306 = arith.constant 124 : i32
    %roll3A_3307 = tpu.dynamic_rotate %select_n3A_3286 by %roll3A_3306 dim 1 : vector<256x128xi32>, i32 -> vector<256x128xi32>
    %roll3A_3308 = arith.constant 4 : i32
    %roll3A_3309 = tpu.dynamic_rotate %select_n3A_3286 by %roll3A_3308 dim 1 : vector<256x128xi32>, i32 -> vector<256x128xi32>
    %select_n3A_3310 = arith.select %eq3A_3305, %roll3A_3307, %roll3A_3309 : vector<256x128xi1>, vector<256x128xi32>
    %gt3A_3311 = arith.cmpf ogt, %select_n3A_3285, %select_n3A_3298 : vector<256x128xf32>
    %eq3A_3312 = arith.cmpf oeq, %select_n3A_3285, %select_n3A_3298 : vector<256x128xf32>
    %lt3A_3313 = arith.cmpi slt, %select_n3A_3286, %select_n3A_3310 : vector<256x128xi32>
    %and3A_3314 = arith.andi %eq3A_3312, %lt3A_3313 : vector<256x128xi1>
    %or3A_3315 = arith.ori %gt3A_3311, %and3A_3314 : vector<256x128xi1>
    %and3A_3316 = arith.constant 1024 : i32
    %and3A_3317 = vector.broadcast %and3A_3316 : i32 to vector<256x128xi32>
    %and3A_3318 = arith.andi %add3A_10, %and3A_3317 : vector<256x128xi32>
    %eq3A_3319 = arith.constant 0 : i32
    %eq3A_3320 = vector.broadcast %eq3A_3319 : i32 to vector<256x128xi32>
    %eq3A_3321 = arith.cmpi eq, %and3A_3318, %eq3A_3320 : vector<256x128xi32>
    %and3A_3322 = arith.constant 4096 : i32
    %and3A_3323 = vector.broadcast %and3A_3322 : i32 to vector<256x128xi32>
    %and3A_3324 = arith.andi %add3A_10, %and3A_3323 : vector<256x128xi32>
    %eq3A_3325 = arith.constant 0 : i32
    %eq3A_3326 = vector.broadcast %eq3A_3325 : i32 to vector<256x128xi32>
    %eq3A_3327 = arith.cmpi eq, %and3A_3324, %eq3A_3326 : vector<256x128xi32>
    %eq3A_3328 = arith.xori %eq3A_3321, %eq3A_3327 : vector<256x128xi1>
    %eq3A_3329 = arith.constant dense<true> : vector<256x128xi1>
    %eq3A_3330 = arith.xori %eq3A_3328, %eq3A_3329 : vector<256x128xi1>
    %eq3A_3331 = arith.xori %or3A_3315, %eq3A_3330 : vector<256x128xi1>
    %eq3A_3332 = arith.constant dense<true> : vector<256x128xi1>
    %eq3A_3333 = arith.xori %eq3A_3331, %eq3A_3332 : vector<256x128xi1>
    %select_n3A_3334 = arith.select %eq3A_3333, %select_n3A_3285, %select_n3A_3298 : vector<256x128xi1>, vector<256x128xf32>
    %select_n3A_3335 = arith.select %eq3A_3333, %select_n3A_3286, %select_n3A_3310 : vector<256x128xi1>, vector<256x128xi32>
    %iota3A_3336 = tpu.iota {dimensions = array<i32: 1>} : vector<256x128xi32>
    %and3A_3337 = arith.constant 2 : i32
    %and3A_3338 = vector.broadcast %and3A_3337 : i32 to vector<256x128xi32>
    %and3A_3339 = arith.andi %iota3A_3336, %and3A_3338 : vector<256x128xi32>
    %eq3A_3340 = arith.constant 0 : i32
    %eq3A_3341 = vector.broadcast %eq3A_3340 : i32 to vector<256x128xi32>
    %eq3A_3342 = arith.cmpi eq, %and3A_3339, %eq3A_3341 : vector<256x128xi32>
    %roll3A_3343 = arith.constant 126 : i32
    %roll3A_3344 = tpu.dynamic_rotate %select_n3A_3334 by %roll3A_3343 dim 1 : vector<256x128xf32>, i32 -> vector<256x128xf32>
    %roll3A_3345 = arith.constant 2 : i32
    %roll3A_3346 = tpu.dynamic_rotate %select_n3A_3334 by %roll3A_3345 dim 1 : vector<256x128xf32>, i32 -> vector<256x128xf32>
    %select_n3A_3347 = arith.select %eq3A_3342, %roll3A_3344, %roll3A_3346 : vector<256x128xi1>, vector<256x128xf32>
    %iota3A_3348 = tpu.iota {dimensions = array<i32: 1>} : vector<256x128xi32>
    %and3A_3349 = arith.constant 2 : i32
    %and3A_3350 = vector.broadcast %and3A_3349 : i32 to vector<256x128xi32>
    %and3A_3351 = arith.andi %iota3A_3348, %and3A_3350 : vector<256x128xi32>
    %eq3A_3352 = arith.constant 0 : i32
    %eq3A_3353 = vector.broadcast %eq3A_3352 : i32 to vector<256x128xi32>
    %eq3A_3354 = arith.cmpi eq, %and3A_3351, %eq3A_3353 : vector<256x128xi32>
    %roll3A_3355 = arith.constant 126 : i32
    %roll3A_3356 = tpu.dynamic_rotate %select_n3A_3335 by %roll3A_3355 dim 1 : vector<256x128xi32>, i32 -> vector<256x128xi32>
    %roll3A_3357 = arith.constant 2 : i32
    %roll3A_3358 = tpu.dynamic_rotate %select_n3A_3335 by %roll3A_3357 dim 1 : vector<256x128xi32>, i32 -> vector<256x128xi32>
    %select_n3A_3359 = arith.select %eq3A_3354, %roll3A_3356, %roll3A_3358 : vector<256x128xi1>, vector<256x128xi32>
    %gt3A_3360 = arith.cmpf ogt, %select_n3A_3334, %select_n3A_3347 : vector<256x128xf32>
    %eq3A_3361 = arith.cmpf oeq, %select_n3A_3334, %select_n3A_3347 : vector<256x128xf32>
    %lt3A_3362 = arith.cmpi slt, %select_n3A_3335, %select_n3A_3359 : vector<256x128xi32>
    %and3A_3363 = arith.andi %eq3A_3361, %lt3A_3362 : vector<256x128xi1>
    %or3A_3364 = arith.ori %gt3A_3360, %and3A_3363 : vector<256x128xi1>
    %and3A_3365 = arith.constant 512 : i32
    %and3A_3366 = vector.broadcast %and3A_3365 : i32 to vector<256x128xi32>
    %and3A_3367 = arith.andi %add3A_10, %and3A_3366 : vector<256x128xi32>
    %eq3A_3368 = arith.constant 0 : i32
    %eq3A_3369 = vector.broadcast %eq3A_3368 : i32 to vector<256x128xi32>
    %eq3A_3370 = arith.cmpi eq, %and3A_3367, %eq3A_3369 : vector<256x128xi32>
    %and3A_3371 = arith.constant 4096 : i32
    %and3A_3372 = vector.broadcast %and3A_3371 : i32 to vector<256x128xi32>
    %and3A_3373 = arith.andi %add3A_10, %and3A_3372 : vector<256x128xi32>
    %eq3A_3374 = arith.constant 0 : i32
    %eq3A_3375 = vector.broadcast %eq3A_3374 : i32 to vector<256x128xi32>
    %eq3A_3376 = arith.cmpi eq, %and3A_3373, %eq3A_3375 : vector<256x128xi32>
    %eq3A_3377 = arith.xori %eq3A_3370, %eq3A_3376 : vector<256x128xi1>
    %eq3A_3378 = arith.constant dense<true> : vector<256x128xi1>
    %eq3A_3379 = arith.xori %eq3A_3377, %eq3A_3378 : vector<256x128xi1>
    %eq3A_3380 = arith.xori %or3A_3364, %eq3A_3379 : vector<256x128xi1>
    %eq3A_3381 = arith.constant dense<true> : vector<256x128xi1>
    %eq3A_3382 = arith.xori %eq3A_3380, %eq3A_3381 : vector<256x128xi1>
    %select_n3A_3383 = arith.select %eq3A_3382, %select_n3A_3334, %select_n3A_3347 : vector<256x128xi1>, vector<256x128xf32>
    %select_n3A_3384 = arith.select %eq3A_3382, %select_n3A_3335, %select_n3A_3359 : vector<256x128xi1>, vector<256x128xi32>
    %iota3A_3385 = tpu.iota {dimensions = array<i32: 1>} : vector<256x128xi32>
    %and3A_3386 = arith.constant 1 : i32
    %and3A_3387 = vector.broadcast %and3A_3386 : i32 to vector<256x128xi32>
    %and3A_3388 = arith.andi %iota3A_3385, %and3A_3387 : vector<256x128xi32>
    %eq3A_3389 = arith.constant 0 : i32
    %eq3A_3390 = vector.broadcast %eq3A_3389 : i32 to vector<256x128xi32>
    %eq3A_3391 = arith.cmpi eq, %and3A_3388, %eq3A_3390 : vector<256x128xi32>
    %roll3A_3392 = arith.constant 127 : i32
    %roll3A_3393 = tpu.dynamic_rotate %select_n3A_3383 by %roll3A_3392 dim 1 : vector<256x128xf32>, i32 -> vector<256x128xf32>
    %roll3A_3394 = arith.constant 1 : i32
    %roll3A_3395 = tpu.dynamic_rotate %select_n3A_3383 by %roll3A_3394 dim 1 : vector<256x128xf32>, i32 -> vector<256x128xf32>
    %select_n3A_3396 = arith.select %eq3A_3391, %roll3A_3393, %roll3A_3395 : vector<256x128xi1>, vector<256x128xf32>
    %iota3A_3397 = tpu.iota {dimensions = array<i32: 1>} : vector<256x128xi32>
    %and3A_3398 = arith.constant 1 : i32
    %and3A_3399 = vector.broadcast %and3A_3398 : i32 to vector<256x128xi32>
    %and3A_3400 = arith.andi %iota3A_3397, %and3A_3399 : vector<256x128xi32>
    %eq3A_3401 = arith.constant 0 : i32
    %eq3A_3402 = vector.broadcast %eq3A_3401 : i32 to vector<256x128xi32>
    %eq3A_3403 = arith.cmpi eq, %and3A_3400, %eq3A_3402 : vector<256x128xi32>
    %roll3A_3404 = arith.constant 127 : i32
    %roll3A_3405 = tpu.dynamic_rotate %select_n3A_3384 by %roll3A_3404 dim 1 : vector<256x128xi32>, i32 -> vector<256x128xi32>
    %roll3A_3406 = arith.constant 1 : i32
    %roll3A_3407 = tpu.dynamic_rotate %select_n3A_3384 by %roll3A_3406 dim 1 : vector<256x128xi32>, i32 -> vector<256x128xi32>
    %select_n3A_3408 = arith.select %eq3A_3403, %roll3A_3405, %roll3A_3407 : vector<256x128xi1>, vector<256x128xi32>
    %gt3A_3409 = arith.cmpf ogt, %select_n3A_3383, %select_n3A_3396 : vector<256x128xf32>
    %eq3A_3410 = arith.cmpf oeq, %select_n3A_3383, %select_n3A_3396 : vector<256x128xf32>
    %lt3A_3411 = arith.cmpi slt, %select_n3A_3384, %select_n3A_3408 : vector<256x128xi32>
    %and3A_3412 = arith.andi %eq3A_3410, %lt3A_3411 : vector<256x128xi1>
    %or3A_3413 = arith.ori %gt3A_3409, %and3A_3412 : vector<256x128xi1>
    %and3A_3414 = arith.constant 256 : i32
    %and3A_3415 = vector.broadcast %and3A_3414 : i32 to vector<256x128xi32>
    %and3A_3416 = arith.andi %add3A_10, %and3A_3415 : vector<256x128xi32>
    %eq3A_3417 = arith.constant 0 : i32
    %eq3A_3418 = vector.broadcast %eq3A_3417 : i32 to vector<256x128xi32>
    %eq3A_3419 = arith.cmpi eq, %and3A_3416, %eq3A_3418 : vector<256x128xi32>
    %and3A_3420 = arith.constant 4096 : i32
    %and3A_3421 = vector.broadcast %and3A_3420 : i32 to vector<256x128xi32>
    %and3A_3422 = arith.andi %add3A_10, %and3A_3421 : vector<256x128xi32>
    %eq3A_3423 = arith.constant 0 : i32
    %eq3A_3424 = vector.broadcast %eq3A_3423 : i32 to vector<256x128xi32>
    %eq3A_3425 = arith.cmpi eq, %and3A_3422, %eq3A_3424 : vector<256x128xi32>
    %eq3A_3426 = arith.xori %eq3A_3419, %eq3A_3425 : vector<256x128xi1>
    %eq3A_3427 = arith.constant dense<true> : vector<256x128xi1>
    %eq3A_3428 = arith.xori %eq3A_3426, %eq3A_3427 : vector<256x128xi1>
    %eq3A_3429 = arith.xori %or3A_3413, %eq3A_3428 : vector<256x128xi1>
    %eq3A_3430 = arith.constant dense<true> : vector<256x128xi1>
    %eq3A_3431 = arith.xori %eq3A_3429, %eq3A_3430 : vector<256x128xi1>
    %select_n3A_3432 = arith.select %eq3A_3431, %select_n3A_3383, %select_n3A_3396 : vector<256x128xi1>, vector<256x128xf32>
    %select_n3A_3433 = arith.select %eq3A_3431, %select_n3A_3384, %select_n3A_3408 : vector<256x128xi1>, vector<256x128xi32>
    %iota3A_3434 = tpu.iota {dimensions = array<i32: 0>} : vector<256x128xi32>
    %and3A_3435 = arith.constant 128 : i32
    %and3A_3436 = vector.broadcast %and3A_3435 : i32 to vector<256x128xi32>
    %and3A_3437 = arith.andi %iota3A_3434, %and3A_3436 : vector<256x128xi32>
    %eq3A_3438 = arith.constant 0 : i32
    %eq3A_3439 = vector.broadcast %eq3A_3438 : i32 to vector<256x128xi32>
    %eq3A_3440 = arith.cmpi eq, %and3A_3437, %eq3A_3439 : vector<256x128xi32>
    %roll3A_3441 = arith.constant 128 : i32
    %roll3A_3442 = tpu.dynamic_rotate %select_n3A_3432 by %roll3A_3441 dim 0 : vector<256x128xf32>, i32 -> vector<256x128xf32>
    %roll3A_3443 = arith.constant 128 : i32
    %roll3A_3444 = tpu.dynamic_rotate %select_n3A_3432 by %roll3A_3443 dim 0 : vector<256x128xf32>, i32 -> vector<256x128xf32>
    %select_n3A_3445 = arith.select %eq3A_3440, %roll3A_3442, %roll3A_3444 : vector<256x128xi1>, vector<256x128xf32>
    %iota3A_3446 = tpu.iota {dimensions = array<i32: 0>} : vector<256x128xi32>
    %and3A_3447 = arith.constant 128 : i32
    %and3A_3448 = vector.broadcast %and3A_3447 : i32 to vector<256x128xi32>
    %and3A_3449 = arith.andi %iota3A_3446, %and3A_3448 : vector<256x128xi32>
    %eq3A_3450 = arith.constant 0 : i32
    %eq3A_3451 = vector.broadcast %eq3A_3450 : i32 to vector<256x128xi32>
    %eq3A_3452 = arith.cmpi eq, %and3A_3449, %eq3A_3451 : vector<256x128xi32>
    %roll3A_3453 = arith.constant 128 : i32
    %roll3A_3454 = tpu.dynamic_rotate %select_n3A_3433 by %roll3A_3453 dim 0 : vector<256x128xi32>, i32 -> vector<256x128xi32>
    %roll3A_3455 = arith.constant 128 : i32
    %roll3A_3456 = tpu.dynamic_rotate %select_n3A_3433 by %roll3A_3455 dim 0 : vector<256x128xi32>, i32 -> vector<256x128xi32>
    %select_n3A_3457 = arith.select %eq3A_3452, %roll3A_3454, %roll3A_3456 : vector<256x128xi1>, vector<256x128xi32>
    %gt3A_3458 = arith.cmpf ogt, %select_n3A_3432, %select_n3A_3445 : vector<256x128xf32>
    %eq3A_3459 = arith.cmpf oeq, %select_n3A_3432, %select_n3A_3445 : vector<256x128xf32>
    %lt3A_3460 = arith.cmpi slt, %select_n3A_3433, %select_n3A_3457 : vector<256x128xi32>
    %and3A_3461 = arith.andi %eq3A_3459, %lt3A_3460 : vector<256x128xi1>
    %or3A_3462 = arith.ori %gt3A_3458, %and3A_3461 : vector<256x128xi1>
    %and3A_3463 = arith.constant 128 : i32
    %and3A_3464 = vector.broadcast %and3A_3463 : i32 to vector<256x128xi32>
    %and3A_3465 = arith.andi %add3A_10, %and3A_3464 : vector<256x128xi32>
    %eq3A_3466 = arith.constant 0 : i32
    %eq3A_3467 = vector.broadcast %eq3A_3466 : i32 to vector<256x128xi32>
    %eq3A_3468 = arith.cmpi eq, %and3A_3465, %eq3A_3467 : vector<256x128xi32>
    %and3A_3469 = arith.constant 4096 : i32
    %and3A_3470 = vector.broadcast %and3A_3469 : i32 to vector<256x128xi32>
    %and3A_3471 = arith.andi %add3A_10, %and3A_3470 : vector<256x128xi32>
    %eq3A_3472 = arith.constant 0 : i32
    %eq3A_3473 = vector.broadcast %eq3A_3472 : i32 to vector<256x128xi32>
    %eq3A_3474 = arith.cmpi eq, %and3A_3471, %eq3A_3473 : vector<256x128xi32>
    %eq3A_3475 = arith.xori %eq3A_3468, %eq3A_3474 : vector<256x128xi1>
    %eq3A_3476 = arith.constant dense<true> : vector<256x128xi1>
    %eq3A_3477 = arith.xori %eq3A_3475, %eq3A_3476 : vector<256x128xi1>
    %eq3A_3478 = arith.xori %or3A_3462, %eq3A_3477 : vector<256x128xi1>
    %eq3A_3479 = arith.constant dense<true> : vector<256x128xi1>
    %eq3A_3480 = arith.xori %eq3A_3478, %eq3A_3479 : vector<256x128xi1>
    %select_n3A_3481 = arith.select %eq3A_3480, %select_n3A_3432, %select_n3A_3445 : vector<256x128xi1>, vector<256x128xf32>
    %select_n3A_3482 = arith.select %eq3A_3480, %select_n3A_3433, %select_n3A_3457 : vector<256x128xi1>, vector<256x128xi32>
    %iota3A_3483 = tpu.iota {dimensions = array<i32: 0>} : vector<256x128xi32>
    %and3A_3484 = arith.constant 64 : i32
    %and3A_3485 = vector.broadcast %and3A_3484 : i32 to vector<256x128xi32>
    %and3A_3486 = arith.andi %iota3A_3483, %and3A_3485 : vector<256x128xi32>
    %eq3A_3487 = arith.constant 0 : i32
    %eq3A_3488 = vector.broadcast %eq3A_3487 : i32 to vector<256x128xi32>
    %eq3A_3489 = arith.cmpi eq, %and3A_3486, %eq3A_3488 : vector<256x128xi32>
    %roll3A_3490 = arith.constant 192 : i32
    %roll3A_3491 = tpu.dynamic_rotate %select_n3A_3481 by %roll3A_3490 dim 0 : vector<256x128xf32>, i32 -> vector<256x128xf32>
    %roll3A_3492 = arith.constant 64 : i32
    %roll3A_3493 = tpu.dynamic_rotate %select_n3A_3481 by %roll3A_3492 dim 0 : vector<256x128xf32>, i32 -> vector<256x128xf32>
    %select_n3A_3494 = arith.select %eq3A_3489, %roll3A_3491, %roll3A_3493 : vector<256x128xi1>, vector<256x128xf32>
    %iota3A_3495 = tpu.iota {dimensions = array<i32: 0>} : vector<256x128xi32>
    %and3A_3496 = arith.constant 64 : i32
    %and3A_3497 = vector.broadcast %and3A_3496 : i32 to vector<256x128xi32>
    %and3A_3498 = arith.andi %iota3A_3495, %and3A_3497 : vector<256x128xi32>
    %eq3A_3499 = arith.constant 0 : i32
    %eq3A_3500 = vector.broadcast %eq3A_3499 : i32 to vector<256x128xi32>
    %eq3A_3501 = arith.cmpi eq, %and3A_3498, %eq3A_3500 : vector<256x128xi32>
    %roll3A_3502 = arith.constant 192 : i32
    %roll3A_3503 = tpu.dynamic_rotate %select_n3A_3482 by %roll3A_3502 dim 0 : vector<256x128xi32>, i32 -> vector<256x128xi32>
    %roll3A_3504 = arith.constant 64 : i32
    %roll3A_3505 = tpu.dynamic_rotate %select_n3A_3482 by %roll3A_3504 dim 0 : vector<256x128xi32>, i32 -> vector<256x128xi32>
    %select_n3A_3506 = arith.select %eq3A_3501, %roll3A_3503, %roll3A_3505 : vector<256x128xi1>, vector<256x128xi32>
    %gt3A_3507 = arith.cmpf ogt, %select_n3A_3481, %select_n3A_3494 : vector<256x128xf32>
    %eq3A_3508 = arith.cmpf oeq, %select_n3A_3481, %select_n3A_3494 : vector<256x128xf32>
    %lt3A_3509 = arith.cmpi slt, %select_n3A_3482, %select_n3A_3506 : vector<256x128xi32>
    %and3A_3510 = arith.andi %eq3A_3508, %lt3A_3509 : vector<256x128xi1>
    %or3A_3511 = arith.ori %gt3A_3507, %and3A_3510 : vector<256x128xi1>
    %and3A_3512 = arith.constant 64 : i32
    %and3A_3513 = vector.broadcast %and3A_3512 : i32 to vector<256x128xi32>
    %and3A_3514 = arith.andi %add3A_10, %and3A_3513 : vector<256x128xi32>
    %eq3A_3515 = arith.constant 0 : i32
    %eq3A_3516 = vector.broadcast %eq3A_3515 : i32 to vector<256x128xi32>
    %eq3A_3517 = arith.cmpi eq, %and3A_3514, %eq3A_3516 : vector<256x128xi32>
    %and3A_3518 = arith.constant 4096 : i32
    %and3A_3519 = vector.broadcast %and3A_3518 : i32 to vector<256x128xi32>
    %and3A_3520 = arith.andi %add3A_10, %and3A_3519 : vector<256x128xi32>
    %eq3A_3521 = arith.constant 0 : i32
    %eq3A_3522 = vector.broadcast %eq3A_3521 : i32 to vector<256x128xi32>
    %eq3A_3523 = arith.cmpi eq, %and3A_3520, %eq3A_3522 : vector<256x128xi32>
    %eq3A_3524 = arith.xori %eq3A_3517, %eq3A_3523 : vector<256x128xi1>
    %eq3A_3525 = arith.constant dense<true> : vector<256x128xi1>
    %eq3A_3526 = arith.xori %eq3A_3524, %eq3A_3525 : vector<256x128xi1>
    %eq3A_3527 = arith.xori %or3A_3511, %eq3A_3526 : vector<256x128xi1>
    %eq3A_3528 = arith.constant dense<true> : vector<256x128xi1>
    %eq3A_3529 = arith.xori %eq3A_3527, %eq3A_3528 : vector<256x128xi1>
    %select_n3A_3530 = arith.select %eq3A_3529, %select_n3A_3481, %select_n3A_3494 : vector<256x128xi1>, vector<256x128xf32>
    %select_n3A_3531 = arith.select %eq3A_3529, %select_n3A_3482, %select_n3A_3506 : vector<256x128xi1>, vector<256x128xi32>
    %iota3A_3532 = tpu.iota {dimensions = array<i32: 0>} : vector<256x128xi32>
    %and3A_3533 = arith.constant 32 : i32
    %and3A_3534 = vector.broadcast %and3A_3533 : i32 to vector<256x128xi32>
    %and3A_3535 = arith.andi %iota3A_3532, %and3A_3534 : vector<256x128xi32>
    %eq3A_3536 = arith.constant 0 : i32
    %eq3A_3537 = vector.broadcast %eq3A_3536 : i32 to vector<256x128xi32>
    %eq3A_3538 = arith.cmpi eq, %and3A_3535, %eq3A_3537 : vector<256x128xi32>
    %roll3A_3539 = arith.constant 224 : i32
    %roll3A_3540 = tpu.dynamic_rotate %select_n3A_3530 by %roll3A_3539 dim 0 : vector<256x128xf32>, i32 -> vector<256x128xf32>
    %roll3A_3541 = arith.constant 32 : i32
    %roll3A_3542 = tpu.dynamic_rotate %select_n3A_3530 by %roll3A_3541 dim 0 : vector<256x128xf32>, i32 -> vector<256x128xf32>
    %select_n3A_3543 = arith.select %eq3A_3538, %roll3A_3540, %roll3A_3542 : vector<256x128xi1>, vector<256x128xf32>
    %iota3A_3544 = tpu.iota {dimensions = array<i32: 0>} : vector<256x128xi32>
    %and3A_3545 = arith.constant 32 : i32
    %and3A_3546 = vector.broadcast %and3A_3545 : i32 to vector<256x128xi32>
    %and3A_3547 = arith.andi %iota3A_3544, %and3A_3546 : vector<256x128xi32>
    %eq3A_3548 = arith.constant 0 : i32
    %eq3A_3549 = vector.broadcast %eq3A_3548 : i32 to vector<256x128xi32>
    %eq3A_3550 = arith.cmpi eq, %and3A_3547, %eq3A_3549 : vector<256x128xi32>
    %roll3A_3551 = arith.constant 224 : i32
    %roll3A_3552 = tpu.dynamic_rotate %select_n3A_3531 by %roll3A_3551 dim 0 : vector<256x128xi32>, i32 -> vector<256x128xi32>
    %roll3A_3553 = arith.constant 32 : i32
    %roll3A_3554 = tpu.dynamic_rotate %select_n3A_3531 by %roll3A_3553 dim 0 : vector<256x128xi32>, i32 -> vector<256x128xi32>
    %select_n3A_3555 = arith.select %eq3A_3550, %roll3A_3552, %roll3A_3554 : vector<256x128xi1>, vector<256x128xi32>
    %gt3A_3556 = arith.cmpf ogt, %select_n3A_3530, %select_n3A_3543 : vector<256x128xf32>
    %eq3A_3557 = arith.cmpf oeq, %select_n3A_3530, %select_n3A_3543 : vector<256x128xf32>
    %lt3A_3558 = arith.cmpi slt, %select_n3A_3531, %select_n3A_3555 : vector<256x128xi32>
    %and3A_3559 = arith.andi %eq3A_3557, %lt3A_3558 : vector<256x128xi1>
    %or3A_3560 = arith.ori %gt3A_3556, %and3A_3559 : vector<256x128xi1>
    %and3A_3561 = arith.constant 32 : i32
    %and3A_3562 = vector.broadcast %and3A_3561 : i32 to vector<256x128xi32>
    %and3A_3563 = arith.andi %add3A_10, %and3A_3562 : vector<256x128xi32>
    %eq3A_3564 = arith.constant 0 : i32
    %eq3A_3565 = vector.broadcast %eq3A_3564 : i32 to vector<256x128xi32>
    %eq3A_3566 = arith.cmpi eq, %and3A_3563, %eq3A_3565 : vector<256x128xi32>
    %and3A_3567 = arith.constant 4096 : i32
    %and3A_3568 = vector.broadcast %and3A_3567 : i32 to vector<256x128xi32>
    %and3A_3569 = arith.andi %add3A_10, %and3A_3568 : vector<256x128xi32>
    %eq3A_3570 = arith.constant 0 : i32
    %eq3A_3571 = vector.broadcast %eq3A_3570 : i32 to vector<256x128xi32>
    %eq3A_3572 = arith.cmpi eq, %and3A_3569, %eq3A_3571 : vector<256x128xi32>
    %eq3A_3573 = arith.xori %eq3A_3566, %eq3A_3572 : vector<256x128xi1>
    %eq3A_3574 = arith.constant dense<true> : vector<256x128xi1>
    %eq3A_3575 = arith.xori %eq3A_3573, %eq3A_3574 : vector<256x128xi1>
    %eq3A_3576 = arith.xori %or3A_3560, %eq3A_3575 : vector<256x128xi1>
    %eq3A_3577 = arith.constant dense<true> : vector<256x128xi1>
    %eq3A_3578 = arith.xori %eq3A_3576, %eq3A_3577 : vector<256x128xi1>
    %select_n3A_3579 = arith.select %eq3A_3578, %select_n3A_3530, %select_n3A_3543 : vector<256x128xi1>, vector<256x128xf32>
    %select_n3A_3580 = arith.select %eq3A_3578, %select_n3A_3531, %select_n3A_3555 : vector<256x128xi1>, vector<256x128xi32>
    %iota3A_3581 = tpu.iota {dimensions = array<i32: 0>} : vector<256x128xi32>
    %and3A_3582 = arith.constant 16 : i32
    %and3A_3583 = vector.broadcast %and3A_3582 : i32 to vector<256x128xi32>
    %and3A_3584 = arith.andi %iota3A_3581, %and3A_3583 : vector<256x128xi32>
    %eq3A_3585 = arith.constant 0 : i32
    %eq3A_3586 = vector.broadcast %eq3A_3585 : i32 to vector<256x128xi32>
    %eq3A_3587 = arith.cmpi eq, %and3A_3584, %eq3A_3586 : vector<256x128xi32>
    %roll3A_3588 = arith.constant 240 : i32
    %roll3A_3589 = tpu.dynamic_rotate %select_n3A_3579 by %roll3A_3588 dim 0 : vector<256x128xf32>, i32 -> vector<256x128xf32>
    %roll3A_3590 = arith.constant 16 : i32
    %roll3A_3591 = tpu.dynamic_rotate %select_n3A_3579 by %roll3A_3590 dim 0 : vector<256x128xf32>, i32 -> vector<256x128xf32>
    %select_n3A_3592 = arith.select %eq3A_3587, %roll3A_3589, %roll3A_3591 : vector<256x128xi1>, vector<256x128xf32>
    %iota3A_3593 = tpu.iota {dimensions = array<i32: 0>} : vector<256x128xi32>
    %and3A_3594 = arith.constant 16 : i32
    %and3A_3595 = vector.broadcast %and3A_3594 : i32 to vector<256x128xi32>
    %and3A_3596 = arith.andi %iota3A_3593, %and3A_3595 : vector<256x128xi32>
    %eq3A_3597 = arith.constant 0 : i32
    %eq3A_3598 = vector.broadcast %eq3A_3597 : i32 to vector<256x128xi32>
    %eq3A_3599 = arith.cmpi eq, %and3A_3596, %eq3A_3598 : vector<256x128xi32>
    %roll3A_3600 = arith.constant 240 : i32
    %roll3A_3601 = tpu.dynamic_rotate %select_n3A_3580 by %roll3A_3600 dim 0 : vector<256x128xi32>, i32 -> vector<256x128xi32>
    %roll3A_3602 = arith.constant 16 : i32
    %roll3A_3603 = tpu.dynamic_rotate %select_n3A_3580 by %roll3A_3602 dim 0 : vector<256x128xi32>, i32 -> vector<256x128xi32>
    %select_n3A_3604 = arith.select %eq3A_3599, %roll3A_3601, %roll3A_3603 : vector<256x128xi1>, vector<256x128xi32>
    %gt3A_3605 = arith.cmpf ogt, %select_n3A_3579, %select_n3A_3592 : vector<256x128xf32>
    %eq3A_3606 = arith.cmpf oeq, %select_n3A_3579, %select_n3A_3592 : vector<256x128xf32>
    %lt3A_3607 = arith.cmpi slt, %select_n3A_3580, %select_n3A_3604 : vector<256x128xi32>
    %and3A_3608 = arith.andi %eq3A_3606, %lt3A_3607 : vector<256x128xi1>
    %or3A_3609 = arith.ori %gt3A_3605, %and3A_3608 : vector<256x128xi1>
    %and3A_3610 = arith.constant 16 : i32
    %and3A_3611 = vector.broadcast %and3A_3610 : i32 to vector<256x128xi32>
    %and3A_3612 = arith.andi %add3A_10, %and3A_3611 : vector<256x128xi32>
    %eq3A_3613 = arith.constant 0 : i32
    %eq3A_3614 = vector.broadcast %eq3A_3613 : i32 to vector<256x128xi32>
    %eq3A_3615 = arith.cmpi eq, %and3A_3612, %eq3A_3614 : vector<256x128xi32>
    %and3A_3616 = arith.constant 4096 : i32
    %and3A_3617 = vector.broadcast %and3A_3616 : i32 to vector<256x128xi32>
    %and3A_3618 = arith.andi %add3A_10, %and3A_3617 : vector<256x128xi32>
    %eq3A_3619 = arith.constant 0 : i32
    %eq3A_3620 = vector.broadcast %eq3A_3619 : i32 to vector<256x128xi32>
    %eq3A_3621 = arith.cmpi eq, %and3A_3618, %eq3A_3620 : vector<256x128xi32>
    %eq3A_3622 = arith.xori %eq3A_3615, %eq3A_3621 : vector<256x128xi1>
    %eq3A_3623 = arith.constant dense<true> : vector<256x128xi1>
    %eq3A_3624 = arith.xori %eq3A_3622, %eq3A_3623 : vector<256x128xi1>
    %eq3A_3625 = arith.xori %or3A_3609, %eq3A_3624 : vector<256x128xi1>
    %eq3A_3626 = arith.constant dense<true> : vector<256x128xi1>
    %eq3A_3627 = arith.xori %eq3A_3625, %eq3A_3626 : vector<256x128xi1>
    %select_n3A_3628 = arith.select %eq3A_3627, %select_n3A_3579, %select_n3A_3592 : vector<256x128xi1>, vector<256x128xf32>
    %select_n3A_3629 = arith.select %eq3A_3627, %select_n3A_3580, %select_n3A_3604 : vector<256x128xi1>, vector<256x128xi32>
    %iota3A_3630 = tpu.iota {dimensions = array<i32: 0>} : vector<256x128xi32>
    %and3A_3631 = arith.constant 8 : i32
    %and3A_3632 = vector.broadcast %and3A_3631 : i32 to vector<256x128xi32>
    %and3A_3633 = arith.andi %iota3A_3630, %and3A_3632 : vector<256x128xi32>
    %eq3A_3634 = arith.constant 0 : i32
    %eq3A_3635 = vector.broadcast %eq3A_3634 : i32 to vector<256x128xi32>
    %eq3A_3636 = arith.cmpi eq, %and3A_3633, %eq3A_3635 : vector<256x128xi32>
    %roll3A_3637 = arith.constant 248 : i32
    %roll3A_3638 = tpu.dynamic_rotate %select_n3A_3628 by %roll3A_3637 dim 0 : vector<256x128xf32>, i32 -> vector<256x128xf32>
    %roll3A_3639 = arith.constant 8 : i32
    %roll3A_3640 = tpu.dynamic_rotate %select_n3A_3628 by %roll3A_3639 dim 0 : vector<256x128xf32>, i32 -> vector<256x128xf32>
    %select_n3A_3641 = arith.select %eq3A_3636, %roll3A_3638, %roll3A_3640 : vector<256x128xi1>, vector<256x128xf32>
    %iota3A_3642 = tpu.iota {dimensions = array<i32: 0>} : vector<256x128xi32>
    %and3A_3643 = arith.constant 8 : i32
    %and3A_3644 = vector.broadcast %and3A_3643 : i32 to vector<256x128xi32>
    %and3A_3645 = arith.andi %iota3A_3642, %and3A_3644 : vector<256x128xi32>
    %eq3A_3646 = arith.constant 0 : i32
    %eq3A_3647 = vector.broadcast %eq3A_3646 : i32 to vector<256x128xi32>
    %eq3A_3648 = arith.cmpi eq, %and3A_3645, %eq3A_3647 : vector<256x128xi32>
    %roll3A_3649 = arith.constant 248 : i32
    %roll3A_3650 = tpu.dynamic_rotate %select_n3A_3629 by %roll3A_3649 dim 0 : vector<256x128xi32>, i32 -> vector<256x128xi32>
    %roll3A_3651 = arith.constant 8 : i32
    %roll3A_3652 = tpu.dynamic_rotate %select_n3A_3629 by %roll3A_3651 dim 0 : vector<256x128xi32>, i32 -> vector<256x128xi32>
    %select_n3A_3653 = arith.select %eq3A_3648, %roll3A_3650, %roll3A_3652 : vector<256x128xi1>, vector<256x128xi32>
    %gt3A_3654 = arith.cmpf ogt, %select_n3A_3628, %select_n3A_3641 : vector<256x128xf32>
    %eq3A_3655 = arith.cmpf oeq, %select_n3A_3628, %select_n3A_3641 : vector<256x128xf32>
    %lt3A_3656 = arith.cmpi slt, %select_n3A_3629, %select_n3A_3653 : vector<256x128xi32>
    %and3A_3657 = arith.andi %eq3A_3655, %lt3A_3656 : vector<256x128xi1>
    %or3A_3658 = arith.ori %gt3A_3654, %and3A_3657 : vector<256x128xi1>
    %and3A_3659 = arith.constant 8 : i32
    %and3A_3660 = vector.broadcast %and3A_3659 : i32 to vector<256x128xi32>
    %and3A_3661 = arith.andi %add3A_10, %and3A_3660 : vector<256x128xi32>
    %eq3A_3662 = arith.constant 0 : i32
    %eq3A_3663 = vector.broadcast %eq3A_3662 : i32 to vector<256x128xi32>
    %eq3A_3664 = arith.cmpi eq, %and3A_3661, %eq3A_3663 : vector<256x128xi32>
    %and3A_3665 = arith.constant 4096 : i32
    %and3A_3666 = vector.broadcast %and3A_3665 : i32 to vector<256x128xi32>
    %and3A_3667 = arith.andi %add3A_10, %and3A_3666 : vector<256x128xi32>
    %eq3A_3668 = arith.constant 0 : i32
    %eq3A_3669 = vector.broadcast %eq3A_3668 : i32 to vector<256x128xi32>
    %eq3A_3670 = arith.cmpi eq, %and3A_3667, %eq3A_3669 : vector<256x128xi32>
    %eq3A_3671 = arith.xori %eq3A_3664, %eq3A_3670 : vector<256x128xi1>
    %eq3A_3672 = arith.constant dense<true> : vector<256x128xi1>
    %eq3A_3673 = arith.xori %eq3A_3671, %eq3A_3672 : vector<256x128xi1>
    %eq3A_3674 = arith.xori %or3A_3658, %eq3A_3673 : vector<256x128xi1>
    %eq3A_3675 = arith.constant dense<true> : vector<256x128xi1>
    %eq3A_3676 = arith.xori %eq3A_3674, %eq3A_3675 : vector<256x128xi1>
    %select_n3A_3677 = arith.select %eq3A_3676, %select_n3A_3628, %select_n3A_3641 : vector<256x128xi1>, vector<256x128xf32>
    %select_n3A_3678 = arith.select %eq3A_3676, %select_n3A_3629, %select_n3A_3653 : vector<256x128xi1>, vector<256x128xi32>
    %iota3A_3679 = tpu.iota {dimensions = array<i32: 0>} : vector<256x128xi32>
    %and3A_3680 = arith.constant 4 : i32
    %and3A_3681 = vector.broadcast %and3A_3680 : i32 to vector<256x128xi32>
    %and3A_3682 = arith.andi %iota3A_3679, %and3A_3681 : vector<256x128xi32>
    %eq3A_3683 = arith.constant 0 : i32
    %eq3A_3684 = vector.broadcast %eq3A_3683 : i32 to vector<256x128xi32>
    %eq3A_3685 = arith.cmpi eq, %and3A_3682, %eq3A_3684 : vector<256x128xi32>
    %roll3A_3686 = arith.constant 252 : i32
    %roll3A_3687 = tpu.dynamic_rotate %select_n3A_3677 by %roll3A_3686 dim 0 : vector<256x128xf32>, i32 -> vector<256x128xf32>
    %roll3A_3688 = arith.constant 4 : i32
    %roll3A_3689 = tpu.dynamic_rotate %select_n3A_3677 by %roll3A_3688 dim 0 : vector<256x128xf32>, i32 -> vector<256x128xf32>
    %select_n3A_3690 = arith.select %eq3A_3685, %roll3A_3687, %roll3A_3689 : vector<256x128xi1>, vector<256x128xf32>
    %iota3A_3691 = tpu.iota {dimensions = array<i32: 0>} : vector<256x128xi32>
    %and3A_3692 = arith.constant 4 : i32
    %and3A_3693 = vector.broadcast %and3A_3692 : i32 to vector<256x128xi32>
    %and3A_3694 = arith.andi %iota3A_3691, %and3A_3693 : vector<256x128xi32>
    %eq3A_3695 = arith.constant 0 : i32
    %eq3A_3696 = vector.broadcast %eq3A_3695 : i32 to vector<256x128xi32>
    %eq3A_3697 = arith.cmpi eq, %and3A_3694, %eq3A_3696 : vector<256x128xi32>
    %roll3A_3698 = arith.constant 252 : i32
    %roll3A_3699 = tpu.dynamic_rotate %select_n3A_3678 by %roll3A_3698 dim 0 : vector<256x128xi32>, i32 -> vector<256x128xi32>
    %roll3A_3700 = arith.constant 4 : i32
    %roll3A_3701 = tpu.dynamic_rotate %select_n3A_3678 by %roll3A_3700 dim 0 : vector<256x128xi32>, i32 -> vector<256x128xi32>
    %select_n3A_3702 = arith.select %eq3A_3697, %roll3A_3699, %roll3A_3701 : vector<256x128xi1>, vector<256x128xi32>
    %gt3A_3703 = arith.cmpf ogt, %select_n3A_3677, %select_n3A_3690 : vector<256x128xf32>
    %eq3A_3704 = arith.cmpf oeq, %select_n3A_3677, %select_n3A_3690 : vector<256x128xf32>
    %lt3A_3705 = arith.cmpi slt, %select_n3A_3678, %select_n3A_3702 : vector<256x128xi32>
    %and3A_3706 = arith.andi %eq3A_3704, %lt3A_3705 : vector<256x128xi1>
    %or3A_3707 = arith.ori %gt3A_3703, %and3A_3706 : vector<256x128xi1>
    %and3A_3708 = arith.constant 4 : i32
    %and3A_3709 = vector.broadcast %and3A_3708 : i32 to vector<256x128xi32>
    %and3A_3710 = arith.andi %add3A_10, %and3A_3709 : vector<256x128xi32>
    %eq3A_3711 = arith.constant 0 : i32
    %eq3A_3712 = vector.broadcast %eq3A_3711 : i32 to vector<256x128xi32>
    %eq3A_3713 = arith.cmpi eq, %and3A_3710, %eq3A_3712 : vector<256x128xi32>
    %and3A_3714 = arith.constant 4096 : i32
    %and3A_3715 = vector.broadcast %and3A_3714 : i32 to vector<256x128xi32>
    %and3A_3716 = arith.andi %add3A_10, %and3A_3715 : vector<256x128xi32>
    %eq3A_3717 = arith.constant 0 : i32
    %eq3A_3718 = vector.broadcast %eq3A_3717 : i32 to vector<256x128xi32>
    %eq3A_3719 = arith.cmpi eq, %and3A_3716, %eq3A_3718 : vector<256x128xi32>
    %eq3A_3720 = arith.xori %eq3A_3713, %eq3A_3719 : vector<256x128xi1>
    %eq3A_3721 = arith.constant dense<true> : vector<256x128xi1>
    %eq3A_3722 = arith.xori %eq3A_3720, %eq3A_3721 : vector<256x128xi1>
    %eq3A_3723 = arith.xori %or3A_3707, %eq3A_3722 : vector<256x128xi1>
    %eq3A_3724 = arith.constant dense<true> : vector<256x128xi1>
    %eq3A_3725 = arith.xori %eq3A_3723, %eq3A_3724 : vector<256x128xi1>
    %select_n3A_3726 = arith.select %eq3A_3725, %select_n3A_3677, %select_n3A_3690 : vector<256x128xi1>, vector<256x128xf32>
    %select_n3A_3727 = arith.select %eq3A_3725, %select_n3A_3678, %select_n3A_3702 : vector<256x128xi1>, vector<256x128xi32>
    %iota3A_3728 = tpu.iota {dimensions = array<i32: 0>} : vector<256x128xi32>
    %and3A_3729 = arith.constant 2 : i32
    %and3A_3730 = vector.broadcast %and3A_3729 : i32 to vector<256x128xi32>
    %and3A_3731 = arith.andi %iota3A_3728, %and3A_3730 : vector<256x128xi32>
    %eq3A_3732 = arith.constant 0 : i32
    %eq3A_3733 = vector.broadcast %eq3A_3732 : i32 to vector<256x128xi32>
    %eq3A_3734 = arith.cmpi eq, %and3A_3731, %eq3A_3733 : vector<256x128xi32>
    %roll3A_3735 = arith.constant 254 : i32
    %roll3A_3736 = tpu.dynamic_rotate %select_n3A_3726 by %roll3A_3735 dim 0 : vector<256x128xf32>, i32 -> vector<256x128xf32>
    %roll3A_3737 = arith.constant 2 : i32
    %roll3A_3738 = tpu.dynamic_rotate %select_n3A_3726 by %roll3A_3737 dim 0 : vector<256x128xf32>, i32 -> vector<256x128xf32>
    %select_n3A_3739 = arith.select %eq3A_3734, %roll3A_3736, %roll3A_3738 : vector<256x128xi1>, vector<256x128xf32>
    %iota3A_3740 = tpu.iota {dimensions = array<i32: 0>} : vector<256x128xi32>
    %and3A_3741 = arith.constant 2 : i32
    %and3A_3742 = vector.broadcast %and3A_3741 : i32 to vector<256x128xi32>
    %and3A_3743 = arith.andi %iota3A_3740, %and3A_3742 : vector<256x128xi32>
    %eq3A_3744 = arith.constant 0 : i32
    %eq3A_3745 = vector.broadcast %eq3A_3744 : i32 to vector<256x128xi32>
    %eq3A_3746 = arith.cmpi eq, %and3A_3743, %eq3A_3745 : vector<256x128xi32>
    %roll3A_3747 = arith.constant 254 : i32
    %roll3A_3748 = tpu.dynamic_rotate %select_n3A_3727 by %roll3A_3747 dim 0 : vector<256x128xi32>, i32 -> vector<256x128xi32>
    %roll3A_3749 = arith.constant 2 : i32
    %roll3A_3750 = tpu.dynamic_rotate %select_n3A_3727 by %roll3A_3749 dim 0 : vector<256x128xi32>, i32 -> vector<256x128xi32>
    %select_n3A_3751 = arith.select %eq3A_3746, %roll3A_3748, %roll3A_3750 : vector<256x128xi1>, vector<256x128xi32>
    %gt3A_3752 = arith.cmpf ogt, %select_n3A_3726, %select_n3A_3739 : vector<256x128xf32>
    %eq3A_3753 = arith.cmpf oeq, %select_n3A_3726, %select_n3A_3739 : vector<256x128xf32>
    %lt3A_3754 = arith.cmpi slt, %select_n3A_3727, %select_n3A_3751 : vector<256x128xi32>
    %and3A_3755 = arith.andi %eq3A_3753, %lt3A_3754 : vector<256x128xi1>
    %or3A_3756 = arith.ori %gt3A_3752, %and3A_3755 : vector<256x128xi1>
    %and3A_3757 = arith.constant 2 : i32
    %and3A_3758 = vector.broadcast %and3A_3757 : i32 to vector<256x128xi32>
    %and3A_3759 = arith.andi %add3A_10, %and3A_3758 : vector<256x128xi32>
    %eq3A_3760 = arith.constant 0 : i32
    %eq3A_3761 = vector.broadcast %eq3A_3760 : i32 to vector<256x128xi32>
    %eq3A_3762 = arith.cmpi eq, %and3A_3759, %eq3A_3761 : vector<256x128xi32>
    %and3A_3763 = arith.constant 4096 : i32
    %and3A_3764 = vector.broadcast %and3A_3763 : i32 to vector<256x128xi32>
    %and3A_3765 = arith.andi %add3A_10, %and3A_3764 : vector<256x128xi32>
    %eq3A_3766 = arith.constant 0 : i32
    %eq3A_3767 = vector.broadcast %eq3A_3766 : i32 to vector<256x128xi32>
    %eq3A_3768 = arith.cmpi eq, %and3A_3765, %eq3A_3767 : vector<256x128xi32>
    %eq3A_3769 = arith.xori %eq3A_3762, %eq3A_3768 : vector<256x128xi1>
    %eq3A_3770 = arith.constant dense<true> : vector<256x128xi1>
    %eq3A_3771 = arith.xori %eq3A_3769, %eq3A_3770 : vector<256x128xi1>
    %eq3A_3772 = arith.xori %or3A_3756, %eq3A_3771 : vector<256x128xi1>
    %eq3A_3773 = arith.constant dense<true> : vector<256x128xi1>
    %eq3A_3774 = arith.xori %eq3A_3772, %eq3A_3773 : vector<256x128xi1>
    %select_n3A_3775 = arith.select %eq3A_3774, %select_n3A_3726, %select_n3A_3739 : vector<256x128xi1>, vector<256x128xf32>
    %select_n3A_3776 = arith.select %eq3A_3774, %select_n3A_3727, %select_n3A_3751 : vector<256x128xi1>, vector<256x128xi32>
    %iota3A_3777 = tpu.iota {dimensions = array<i32: 0>} : vector<256x128xi32>
    %and3A_3778 = arith.constant 1 : i32
    %and3A_3779 = vector.broadcast %and3A_3778 : i32 to vector<256x128xi32>
    %and3A_3780 = arith.andi %iota3A_3777, %and3A_3779 : vector<256x128xi32>
    %eq3A_3781 = arith.constant 0 : i32
    %eq3A_3782 = vector.broadcast %eq3A_3781 : i32 to vector<256x128xi32>
    %eq3A_3783 = arith.cmpi eq, %and3A_3780, %eq3A_3782 : vector<256x128xi32>
    %roll3A_3784 = arith.constant 255 : i32
    %roll3A_3785 = tpu.dynamic_rotate %select_n3A_3775 by %roll3A_3784 dim 0 : vector<256x128xf32>, i32 -> vector<256x128xf32>
    %roll3A_3786 = arith.constant 1 : i32
    %roll3A_3787 = tpu.dynamic_rotate %select_n3A_3775 by %roll3A_3786 dim 0 : vector<256x128xf32>, i32 -> vector<256x128xf32>
    %select_n3A_3788 = arith.select %eq3A_3783, %roll3A_3785, %roll3A_3787 : vector<256x128xi1>, vector<256x128xf32>
    %iota3A_3789 = tpu.iota {dimensions = array<i32: 0>} : vector<256x128xi32>
    %and3A_3790 = arith.constant 1 : i32
    %and3A_3791 = vector.broadcast %and3A_3790 : i32 to vector<256x128xi32>
    %and3A_3792 = arith.andi %iota3A_3789, %and3A_3791 : vector<256x128xi32>
    %eq3A_3793 = arith.constant 0 : i32
    %eq3A_3794 = vector.broadcast %eq3A_3793 : i32 to vector<256x128xi32>
    %eq3A_3795 = arith.cmpi eq, %and3A_3792, %eq3A_3794 : vector<256x128xi32>
    %roll3A_3796 = arith.constant 255 : i32
    %roll3A_3797 = tpu.dynamic_rotate %select_n3A_3776 by %roll3A_3796 dim 0 : vector<256x128xi32>, i32 -> vector<256x128xi32>
    %roll3A_3798 = arith.constant 1 : i32
    %roll3A_3799 = tpu.dynamic_rotate %select_n3A_3776 by %roll3A_3798 dim 0 : vector<256x128xi32>, i32 -> vector<256x128xi32>
    %select_n3A_3800 = arith.select %eq3A_3795, %roll3A_3797, %roll3A_3799 : vector<256x128xi1>, vector<256x128xi32>
    %gt3A_3801 = arith.cmpf ogt, %select_n3A_3775, %select_n3A_3788 : vector<256x128xf32>
    %eq3A_3802 = arith.cmpf oeq, %select_n3A_3775, %select_n3A_3788 : vector<256x128xf32>
    %lt3A_3803 = arith.cmpi slt, %select_n3A_3776, %select_n3A_3800 : vector<256x128xi32>
    %and3A_3804 = arith.andi %eq3A_3802, %lt3A_3803 : vector<256x128xi1>
    %or3A_3805 = arith.ori %gt3A_3801, %and3A_3804 : vector<256x128xi1>
    %and3A_3806 = arith.constant 1 : i32
    %and3A_3807 = vector.broadcast %and3A_3806 : i32 to vector<256x128xi32>
    %and3A_3808 = arith.andi %add3A_10, %and3A_3807 : vector<256x128xi32>
    %eq3A_3809 = arith.constant 0 : i32
    %eq3A_3810 = vector.broadcast %eq3A_3809 : i32 to vector<256x128xi32>
    %eq3A_3811 = arith.cmpi eq, %and3A_3808, %eq3A_3810 : vector<256x128xi32>
    %and3A_3812 = arith.constant 4096 : i32
    %and3A_3813 = vector.broadcast %and3A_3812 : i32 to vector<256x128xi32>
    %and3A_3814 = arith.andi %add3A_10, %and3A_3813 : vector<256x128xi32>
    %eq3A_3815 = arith.constant 0 : i32
    %eq3A_3816 = vector.broadcast %eq3A_3815 : i32 to vector<256x128xi32>
    %eq3A_3817 = arith.cmpi eq, %and3A_3814, %eq3A_3816 : vector<256x128xi32>
    %eq3A_3818 = arith.xori %eq3A_3811, %eq3A_3817 : vector<256x128xi1>
    %eq3A_3819 = arith.constant dense<true> : vector<256x128xi1>
    %eq3A_3820 = arith.xori %eq3A_3818, %eq3A_3819 : vector<256x128xi1>
    %eq3A_3821 = arith.xori %or3A_3805, %eq3A_3820 : vector<256x128xi1>
    %eq3A_3822 = arith.constant dense<true> : vector<256x128xi1>
    %eq3A_3823 = arith.xori %eq3A_3821, %eq3A_3822 : vector<256x128xi1>
    %select_n3A_3824 = arith.select %eq3A_3823, %select_n3A_3775, %select_n3A_3788 : vector<256x128xi1>, vector<256x128xf32>
    %select_n3A_3825 = arith.select %eq3A_3823, %select_n3A_3776, %select_n3A_3800 : vector<256x128xi1>, vector<256x128xi32>
    %iota3A_3826 = tpu.iota {dimensions = array<i32: 1>} : vector<256x128xi32>
    %and3A_3827 = arith.constant 16 : i32
    %and3A_3828 = vector.broadcast %and3A_3827 : i32 to vector<256x128xi32>
    %and3A_3829 = arith.andi %iota3A_3826, %and3A_3828 : vector<256x128xi32>
    %eq3A_3830 = arith.constant 0 : i32
    %eq3A_3831 = vector.broadcast %eq3A_3830 : i32 to vector<256x128xi32>
    %eq3A_3832 = arith.cmpi eq, %and3A_3829, %eq3A_3831 : vector<256x128xi32>
    %roll3A_3833 = arith.constant 112 : i32
    %roll3A_3834 = tpu.dynamic_rotate %select_n3A_3824 by %roll3A_3833 dim 1 : vector<256x128xf32>, i32 -> vector<256x128xf32>
    %roll3A_3835 = arith.constant 16 : i32
    %roll3A_3836 = tpu.dynamic_rotate %select_n3A_3824 by %roll3A_3835 dim 1 : vector<256x128xf32>, i32 -> vector<256x128xf32>
    %select_n3A_3837 = arith.select %eq3A_3832, %roll3A_3834, %roll3A_3836 : vector<256x128xi1>, vector<256x128xf32>
    %iota3A_3838 = tpu.iota {dimensions = array<i32: 1>} : vector<256x128xi32>
    %and3A_3839 = arith.constant 16 : i32
    %and3A_3840 = vector.broadcast %and3A_3839 : i32 to vector<256x128xi32>
    %and3A_3841 = arith.andi %iota3A_3838, %and3A_3840 : vector<256x128xi32>
    %eq3A_3842 = arith.constant 0 : i32
    %eq3A_3843 = vector.broadcast %eq3A_3842 : i32 to vector<256x128xi32>
    %eq3A_3844 = arith.cmpi eq, %and3A_3841, %eq3A_3843 : vector<256x128xi32>
    %roll3A_3845 = arith.constant 112 : i32
    %roll3A_3846 = tpu.dynamic_rotate %select_n3A_3825 by %roll3A_3845 dim 1 : vector<256x128xi32>, i32 -> vector<256x128xi32>
    %roll3A_3847 = arith.constant 16 : i32
    %roll3A_3848 = tpu.dynamic_rotate %select_n3A_3825 by %roll3A_3847 dim 1 : vector<256x128xi32>, i32 -> vector<256x128xi32>
    %select_n3A_3849 = arith.select %eq3A_3844, %roll3A_3846, %roll3A_3848 : vector<256x128xi1>, vector<256x128xi32>
    %gt3A_3850 = arith.cmpf ogt, %select_n3A_3824, %select_n3A_3837 : vector<256x128xf32>
    %eq3A_3851 = arith.cmpf oeq, %select_n3A_3824, %select_n3A_3837 : vector<256x128xf32>
    %lt3A_3852 = arith.cmpi slt, %select_n3A_3825, %select_n3A_3849 : vector<256x128xi32>
    %and3A_3853 = arith.andi %eq3A_3851, %lt3A_3852 : vector<256x128xi1>
    %or3A_3854 = arith.ori %gt3A_3850, %and3A_3853 : vector<256x128xi1>
    %and3A_3855 = arith.constant 4096 : i32
    %and3A_3856 = vector.broadcast %and3A_3855 : i32 to vector<256x128xi32>
    %and3A_3857 = arith.andi %add3A_10, %and3A_3856 : vector<256x128xi32>
    %eq3A_3858 = arith.constant 0 : i32
    %eq3A_3859 = vector.broadcast %eq3A_3858 : i32 to vector<256x128xi32>
    %eq3A_3860 = arith.cmpi eq, %and3A_3857, %eq3A_3859 : vector<256x128xi32>
    %and3A_3861 = arith.constant 8192 : i32
    %and3A_3862 = vector.broadcast %and3A_3861 : i32 to vector<256x128xi32>
    %and3A_3863 = arith.andi %add3A_10, %and3A_3862 : vector<256x128xi32>
    %eq3A_3864 = arith.constant 0 : i32
    %eq3A_3865 = vector.broadcast %eq3A_3864 : i32 to vector<256x128xi32>
    %eq3A_3866 = arith.cmpi eq, %and3A_3863, %eq3A_3865 : vector<256x128xi32>
    %eq3A_3867 = arith.xori %eq3A_3860, %eq3A_3866 : vector<256x128xi1>
    %eq3A_3868 = arith.constant dense<true> : vector<256x128xi1>
    %eq3A_3869 = arith.xori %eq3A_3867, %eq3A_3868 : vector<256x128xi1>
    %eq3A_3870 = arith.xori %or3A_3854, %eq3A_3869 : vector<256x128xi1>
    %eq3A_3871 = arith.constant dense<true> : vector<256x128xi1>
    %eq3A_3872 = arith.xori %eq3A_3870, %eq3A_3871 : vector<256x128xi1>
    %select_n3A_3873 = arith.select %eq3A_3872, %select_n3A_3824, %select_n3A_3837 : vector<256x128xi1>, vector<256x128xf32>
    %select_n3A_3874 = arith.select %eq3A_3872, %select_n3A_3825, %select_n3A_3849 : vector<256x128xi1>, vector<256x128xi32>
    %iota3A_3875 = tpu.iota {dimensions = array<i32: 1>} : vector<256x128xi32>
    %and3A_3876 = arith.constant 8 : i32
    %and3A_3877 = vector.broadcast %and3A_3876 : i32 to vector<256x128xi32>
    %and3A_3878 = arith.andi %iota3A_3875, %and3A_3877 : vector<256x128xi32>
    %eq3A_3879 = arith.constant 0 : i32
    %eq3A_3880 = vector.broadcast %eq3A_3879 : i32 to vector<256x128xi32>
    %eq3A_3881 = arith.cmpi eq, %and3A_3878, %eq3A_3880 : vector<256x128xi32>
    %roll3A_3882 = arith.constant 120 : i32
    %roll3A_3883 = tpu.dynamic_rotate %select_n3A_3873 by %roll3A_3882 dim 1 : vector<256x128xf32>, i32 -> vector<256x128xf32>
    %roll3A_3884 = arith.constant 8 : i32
    %roll3A_3885 = tpu.dynamic_rotate %select_n3A_3873 by %roll3A_3884 dim 1 : vector<256x128xf32>, i32 -> vector<256x128xf32>
    %select_n3A_3886 = arith.select %eq3A_3881, %roll3A_3883, %roll3A_3885 : vector<256x128xi1>, vector<256x128xf32>
    %iota3A_3887 = tpu.iota {dimensions = array<i32: 1>} : vector<256x128xi32>
    %and3A_3888 = arith.constant 8 : i32
    %and3A_3889 = vector.broadcast %and3A_3888 : i32 to vector<256x128xi32>
    %and3A_3890 = arith.andi %iota3A_3887, %and3A_3889 : vector<256x128xi32>
    %eq3A_3891 = arith.constant 0 : i32
    %eq3A_3892 = vector.broadcast %eq3A_3891 : i32 to vector<256x128xi32>
    %eq3A_3893 = arith.cmpi eq, %and3A_3890, %eq3A_3892 : vector<256x128xi32>
    %roll3A_3894 = arith.constant 120 : i32
    %roll3A_3895 = tpu.dynamic_rotate %select_n3A_3874 by %roll3A_3894 dim 1 : vector<256x128xi32>, i32 -> vector<256x128xi32>
    %roll3A_3896 = arith.constant 8 : i32
    %roll3A_3897 = tpu.dynamic_rotate %select_n3A_3874 by %roll3A_3896 dim 1 : vector<256x128xi32>, i32 -> vector<256x128xi32>
    %select_n3A_3898 = arith.select %eq3A_3893, %roll3A_3895, %roll3A_3897 : vector<256x128xi1>, vector<256x128xi32>
    %gt3A_3899 = arith.cmpf ogt, %select_n3A_3873, %select_n3A_3886 : vector<256x128xf32>
    %eq3A_3900 = arith.cmpf oeq, %select_n3A_3873, %select_n3A_3886 : vector<256x128xf32>
    %lt3A_3901 = arith.cmpi slt, %select_n3A_3874, %select_n3A_3898 : vector<256x128xi32>
    %and3A_3902 = arith.andi %eq3A_3900, %lt3A_3901 : vector<256x128xi1>
    %or3A_3903 = arith.ori %gt3A_3899, %and3A_3902 : vector<256x128xi1>
    %and3A_3904 = arith.constant 2048 : i32
    %and3A_3905 = vector.broadcast %and3A_3904 : i32 to vector<256x128xi32>
    %and3A_3906 = arith.andi %add3A_10, %and3A_3905 : vector<256x128xi32>
    %eq3A_3907 = arith.constant 0 : i32
    %eq3A_3908 = vector.broadcast %eq3A_3907 : i32 to vector<256x128xi32>
    %eq3A_3909 = arith.cmpi eq, %and3A_3906, %eq3A_3908 : vector<256x128xi32>
    %and3A_3910 = arith.constant 8192 : i32
    %and3A_3911 = vector.broadcast %and3A_3910 : i32 to vector<256x128xi32>
    %and3A_3912 = arith.andi %add3A_10, %and3A_3911 : vector<256x128xi32>
    %eq3A_3913 = arith.constant 0 : i32
    %eq3A_3914 = vector.broadcast %eq3A_3913 : i32 to vector<256x128xi32>
    %eq3A_3915 = arith.cmpi eq, %and3A_3912, %eq3A_3914 : vector<256x128xi32>
    %eq3A_3916 = arith.xori %eq3A_3909, %eq3A_3915 : vector<256x128xi1>
    %eq3A_3917 = arith.constant dense<true> : vector<256x128xi1>
    %eq3A_3918 = arith.xori %eq3A_3916, %eq3A_3917 : vector<256x128xi1>
    %eq3A_3919 = arith.xori %or3A_3903, %eq3A_3918 : vector<256x128xi1>
    %eq3A_3920 = arith.constant dense<true> : vector<256x128xi1>
    %eq3A_3921 = arith.xori %eq3A_3919, %eq3A_3920 : vector<256x128xi1>
    %select_n3A_3922 = arith.select %eq3A_3921, %select_n3A_3873, %select_n3A_3886 : vector<256x128xi1>, vector<256x128xf32>
    %select_n3A_3923 = arith.select %eq3A_3921, %select_n3A_3874, %select_n3A_3898 : vector<256x128xi1>, vector<256x128xi32>
    %iota3A_3924 = tpu.iota {dimensions = array<i32: 1>} : vector<256x128xi32>
    %and3A_3925 = arith.constant 4 : i32
    %and3A_3926 = vector.broadcast %and3A_3925 : i32 to vector<256x128xi32>
    %and3A_3927 = arith.andi %iota3A_3924, %and3A_3926 : vector<256x128xi32>
    %eq3A_3928 = arith.constant 0 : i32
    %eq3A_3929 = vector.broadcast %eq3A_3928 : i32 to vector<256x128xi32>
    %eq3A_3930 = arith.cmpi eq, %and3A_3927, %eq3A_3929 : vector<256x128xi32>
    %roll3A_3931 = arith.constant 124 : i32
    %roll3A_3932 = tpu.dynamic_rotate %select_n3A_3922 by %roll3A_3931 dim 1 : vector<256x128xf32>, i32 -> vector<256x128xf32>
    %roll3A_3933 = arith.constant 4 : i32
    %roll3A_3934 = tpu.dynamic_rotate %select_n3A_3922 by %roll3A_3933 dim 1 : vector<256x128xf32>, i32 -> vector<256x128xf32>
    %select_n3A_3935 = arith.select %eq3A_3930, %roll3A_3932, %roll3A_3934 : vector<256x128xi1>, vector<256x128xf32>
    %iota3A_3936 = tpu.iota {dimensions = array<i32: 1>} : vector<256x128xi32>
    %and3A_3937 = arith.constant 4 : i32
    %and3A_3938 = vector.broadcast %and3A_3937 : i32 to vector<256x128xi32>
    %and3A_3939 = arith.andi %iota3A_3936, %and3A_3938 : vector<256x128xi32>
    %eq3A_3940 = arith.constant 0 : i32
    %eq3A_3941 = vector.broadcast %eq3A_3940 : i32 to vector<256x128xi32>
    %eq3A_3942 = arith.cmpi eq, %and3A_3939, %eq3A_3941 : vector<256x128xi32>
    %roll3A_3943 = arith.constant 124 : i32
    %roll3A_3944 = tpu.dynamic_rotate %select_n3A_3923 by %roll3A_3943 dim 1 : vector<256x128xi32>, i32 -> vector<256x128xi32>
    %roll3A_3945 = arith.constant 4 : i32
    %roll3A_3946 = tpu.dynamic_rotate %select_n3A_3923 by %roll3A_3945 dim 1 : vector<256x128xi32>, i32 -> vector<256x128xi32>
    %select_n3A_3947 = arith.select %eq3A_3942, %roll3A_3944, %roll3A_3946 : vector<256x128xi1>, vector<256x128xi32>
    %gt3A_3948 = arith.cmpf ogt, %select_n3A_3922, %select_n3A_3935 : vector<256x128xf32>
    %eq3A_3949 = arith.cmpf oeq, %select_n3A_3922, %select_n3A_3935 : vector<256x128xf32>
    %lt3A_3950 = arith.cmpi slt, %select_n3A_3923, %select_n3A_3947 : vector<256x128xi32>
    %and3A_3951 = arith.andi %eq3A_3949, %lt3A_3950 : vector<256x128xi1>
    %or3A_3952 = arith.ori %gt3A_3948, %and3A_3951 : vector<256x128xi1>
    %and3A_3953 = arith.constant 1024 : i32
    %and3A_3954 = vector.broadcast %and3A_3953 : i32 to vector<256x128xi32>
    %and3A_3955 = arith.andi %add3A_10, %and3A_3954 : vector<256x128xi32>
    %eq3A_3956 = arith.constant 0 : i32
    %eq3A_3957 = vector.broadcast %eq3A_3956 : i32 to vector<256x128xi32>
    %eq3A_3958 = arith.cmpi eq, %and3A_3955, %eq3A_3957 : vector<256x128xi32>
    %and3A_3959 = arith.constant 8192 : i32
    %and3A_3960 = vector.broadcast %and3A_3959 : i32 to vector<256x128xi32>
    %and3A_3961 = arith.andi %add3A_10, %and3A_3960 : vector<256x128xi32>
    %eq3A_3962 = arith.constant 0 : i32
    %eq3A_3963 = vector.broadcast %eq3A_3962 : i32 to vector<256x128xi32>
    %eq3A_3964 = arith.cmpi eq, %and3A_3961, %eq3A_3963 : vector<256x128xi32>
    %eq3A_3965 = arith.xori %eq3A_3958, %eq3A_3964 : vector<256x128xi1>
    %eq3A_3966 = arith.constant dense<true> : vector<256x128xi1>
    %eq3A_3967 = arith.xori %eq3A_3965, %eq3A_3966 : vector<256x128xi1>
    %eq3A_3968 = arith.xori %or3A_3952, %eq3A_3967 : vector<256x128xi1>
    %eq3A_3969 = arith.constant dense<true> : vector<256x128xi1>
    %eq3A_3970 = arith.xori %eq3A_3968, %eq3A_3969 : vector<256x128xi1>
    %select_n3A_3971 = arith.select %eq3A_3970, %select_n3A_3922, %select_n3A_3935 : vector<256x128xi1>, vector<256x128xf32>
    %select_n3A_3972 = arith.select %eq3A_3970, %select_n3A_3923, %select_n3A_3947 : vector<256x128xi1>, vector<256x128xi32>
    %iota3A_3973 = tpu.iota {dimensions = array<i32: 1>} : vector<256x128xi32>
    %and3A_3974 = arith.constant 2 : i32
    %and3A_3975 = vector.broadcast %and3A_3974 : i32 to vector<256x128xi32>
    %and3A_3976 = arith.andi %iota3A_3973, %and3A_3975 : vector<256x128xi32>
    %eq3A_3977 = arith.constant 0 : i32
    %eq3A_3978 = vector.broadcast %eq3A_3977 : i32 to vector<256x128xi32>
    %eq3A_3979 = arith.cmpi eq, %and3A_3976, %eq3A_3978 : vector<256x128xi32>
    %roll3A_3980 = arith.constant 126 : i32
    %roll3A_3981 = tpu.dynamic_rotate %select_n3A_3971 by %roll3A_3980 dim 1 : vector<256x128xf32>, i32 -> vector<256x128xf32>
    %roll3A_3982 = arith.constant 2 : i32
    %roll3A_3983 = tpu.dynamic_rotate %select_n3A_3971 by %roll3A_3982 dim 1 : vector<256x128xf32>, i32 -> vector<256x128xf32>
    %select_n3A_3984 = arith.select %eq3A_3979, %roll3A_3981, %roll3A_3983 : vector<256x128xi1>, vector<256x128xf32>
    %iota3A_3985 = tpu.iota {dimensions = array<i32: 1>} : vector<256x128xi32>
    %and3A_3986 = arith.constant 2 : i32
    %and3A_3987 = vector.broadcast %and3A_3986 : i32 to vector<256x128xi32>
    %and3A_3988 = arith.andi %iota3A_3985, %and3A_3987 : vector<256x128xi32>
    %eq3A_3989 = arith.constant 0 : i32
    %eq3A_3990 = vector.broadcast %eq3A_3989 : i32 to vector<256x128xi32>
    %eq3A_3991 = arith.cmpi eq, %and3A_3988, %eq3A_3990 : vector<256x128xi32>
    %roll3A_3992 = arith.constant 126 : i32
    %roll3A_3993 = tpu.dynamic_rotate %select_n3A_3972 by %roll3A_3992 dim 1 : vector<256x128xi32>, i32 -> vector<256x128xi32>
    %roll3A_3994 = arith.constant 2 : i32
    %roll3A_3995 = tpu.dynamic_rotate %select_n3A_3972 by %roll3A_3994 dim 1 : vector<256x128xi32>, i32 -> vector<256x128xi32>
    %select_n3A_3996 = arith.select %eq3A_3991, %roll3A_3993, %roll3A_3995 : vector<256x128xi1>, vector<256x128xi32>
    %gt3A_3997 = arith.cmpf ogt, %select_n3A_3971, %select_n3A_3984 : vector<256x128xf32>
    %eq3A_3998 = arith.cmpf oeq, %select_n3A_3971, %select_n3A_3984 : vector<256x128xf32>
    %lt3A_3999 = arith.cmpi slt, %select_n3A_3972, %select_n3A_3996 : vector<256x128xi32>
    %and3A_4000 = arith.andi %eq3A_3998, %lt3A_3999 : vector<256x128xi1>
    %or3A_4001 = arith.ori %gt3A_3997, %and3A_4000 : vector<256x128xi1>
    %and3A_4002 = arith.constant 512 : i32
    %and3A_4003 = vector.broadcast %and3A_4002 : i32 to vector<256x128xi32>
    %and3A_4004 = arith.andi %add3A_10, %and3A_4003 : vector<256x128xi32>
    %eq3A_4005 = arith.constant 0 : i32
    %eq3A_4006 = vector.broadcast %eq3A_4005 : i32 to vector<256x128xi32>
    %eq3A_4007 = arith.cmpi eq, %and3A_4004, %eq3A_4006 : vector<256x128xi32>
    %and3A_4008 = arith.constant 8192 : i32
    %and3A_4009 = vector.broadcast %and3A_4008 : i32 to vector<256x128xi32>
    %and3A_4010 = arith.andi %add3A_10, %and3A_4009 : vector<256x128xi32>
    %eq3A_4011 = arith.constant 0 : i32
    %eq3A_4012 = vector.broadcast %eq3A_4011 : i32 to vector<256x128xi32>
    %eq3A_4013 = arith.cmpi eq, %and3A_4010, %eq3A_4012 : vector<256x128xi32>
    %eq3A_4014 = arith.xori %eq3A_4007, %eq3A_4013 : vector<256x128xi1>
    %eq3A_4015 = arith.constant dense<true> : vector<256x128xi1>
    %eq3A_4016 = arith.xori %eq3A_4014, %eq3A_4015 : vector<256x128xi1>
    %eq3A_4017 = arith.xori %or3A_4001, %eq3A_4016 : vector<256x128xi1>
    %eq3A_4018 = arith.constant dense<true> : vector<256x128xi1>
    %eq3A_4019 = arith.xori %eq3A_4017, %eq3A_4018 : vector<256x128xi1>
    %select_n3A_4020 = arith.select %eq3A_4019, %select_n3A_3971, %select_n3A_3984 : vector<256x128xi1>, vector<256x128xf32>
    %select_n3A_4021 = arith.select %eq3A_4019, %select_n3A_3972, %select_n3A_3996 : vector<256x128xi1>, vector<256x128xi32>
    %iota3A_4022 = tpu.iota {dimensions = array<i32: 1>} : vector<256x128xi32>
    %and3A_4023 = arith.constant 1 : i32
    %and3A_4024 = vector.broadcast %and3A_4023 : i32 to vector<256x128xi32>
    %and3A_4025 = arith.andi %iota3A_4022, %and3A_4024 : vector<256x128xi32>
    %eq3A_4026 = arith.constant 0 : i32
    %eq3A_4027 = vector.broadcast %eq3A_4026 : i32 to vector<256x128xi32>
    %eq3A_4028 = arith.cmpi eq, %and3A_4025, %eq3A_4027 : vector<256x128xi32>
    %roll3A_4029 = arith.constant 127 : i32
    %roll3A_4030 = tpu.dynamic_rotate %select_n3A_4020 by %roll3A_4029 dim 1 : vector<256x128xf32>, i32 -> vector<256x128xf32>
    %roll3A_4031 = arith.constant 1 : i32
    %roll3A_4032 = tpu.dynamic_rotate %select_n3A_4020 by %roll3A_4031 dim 1 : vector<256x128xf32>, i32 -> vector<256x128xf32>
    %select_n3A_4033 = arith.select %eq3A_4028, %roll3A_4030, %roll3A_4032 : vector<256x128xi1>, vector<256x128xf32>
    %iota3A_4034 = tpu.iota {dimensions = array<i32: 1>} : vector<256x128xi32>
    %and3A_4035 = arith.constant 1 : i32
    %and3A_4036 = vector.broadcast %and3A_4035 : i32 to vector<256x128xi32>
    %and3A_4037 = arith.andi %iota3A_4034, %and3A_4036 : vector<256x128xi32>
    %eq3A_4038 = arith.constant 0 : i32
    %eq3A_4039 = vector.broadcast %eq3A_4038 : i32 to vector<256x128xi32>
    %eq3A_4040 = arith.cmpi eq, %and3A_4037, %eq3A_4039 : vector<256x128xi32>
    %roll3A_4041 = arith.constant 127 : i32
    %roll3A_4042 = tpu.dynamic_rotate %select_n3A_4021 by %roll3A_4041 dim 1 : vector<256x128xi32>, i32 -> vector<256x128xi32>
    %roll3A_4043 = arith.constant 1 : i32
    %roll3A_4044 = tpu.dynamic_rotate %select_n3A_4021 by %roll3A_4043 dim 1 : vector<256x128xi32>, i32 -> vector<256x128xi32>
    %select_n3A_4045 = arith.select %eq3A_4040, %roll3A_4042, %roll3A_4044 : vector<256x128xi1>, vector<256x128xi32>
    %gt3A_4046 = arith.cmpf ogt, %select_n3A_4020, %select_n3A_4033 : vector<256x128xf32>
    %eq3A_4047 = arith.cmpf oeq, %select_n3A_4020, %select_n3A_4033 : vector<256x128xf32>
    %lt3A_4048 = arith.cmpi slt, %select_n3A_4021, %select_n3A_4045 : vector<256x128xi32>
    %and3A_4049 = arith.andi %eq3A_4047, %lt3A_4048 : vector<256x128xi1>
    %or3A_4050 = arith.ori %gt3A_4046, %and3A_4049 : vector<256x128xi1>
    %and3A_4051 = arith.constant 256 : i32
    %and3A_4052 = vector.broadcast %and3A_4051 : i32 to vector<256x128xi32>
    %and3A_4053 = arith.andi %add3A_10, %and3A_4052 : vector<256x128xi32>
    %eq3A_4054 = arith.constant 0 : i32
    %eq3A_4055 = vector.broadcast %eq3A_4054 : i32 to vector<256x128xi32>
    %eq3A_4056 = arith.cmpi eq, %and3A_4053, %eq3A_4055 : vector<256x128xi32>
    %and3A_4057 = arith.constant 8192 : i32
    %and3A_4058 = vector.broadcast %and3A_4057 : i32 to vector<256x128xi32>
    %and3A_4059 = arith.andi %add3A_10, %and3A_4058 : vector<256x128xi32>
    %eq3A_4060 = arith.constant 0 : i32
    %eq3A_4061 = vector.broadcast %eq3A_4060 : i32 to vector<256x128xi32>
    %eq3A_4062 = arith.cmpi eq, %and3A_4059, %eq3A_4061 : vector<256x128xi32>
    %eq3A_4063 = arith.xori %eq3A_4056, %eq3A_4062 : vector<256x128xi1>
    %eq3A_4064 = arith.constant dense<true> : vector<256x128xi1>
    %eq3A_4065 = arith.xori %eq3A_4063, %eq3A_4064 : vector<256x128xi1>
    %eq3A_4066 = arith.xori %or3A_4050, %eq3A_4065 : vector<256x128xi1>
    %eq3A_4067 = arith.constant dense<true> : vector<256x128xi1>
    %eq3A_4068 = arith.xori %eq3A_4066, %eq3A_4067 : vector<256x128xi1>
    %select_n3A_4069 = arith.select %eq3A_4068, %select_n3A_4020, %select_n3A_4033 : vector<256x128xi1>, vector<256x128xf32>
    %select_n3A_4070 = arith.select %eq3A_4068, %select_n3A_4021, %select_n3A_4045 : vector<256x128xi1>, vector<256x128xi32>
    %iota3A_4071 = tpu.iota {dimensions = array<i32: 0>} : vector<256x128xi32>
    %and3A_4072 = arith.constant 128 : i32
    %and3A_4073 = vector.broadcast %and3A_4072 : i32 to vector<256x128xi32>
    %and3A_4074 = arith.andi %iota3A_4071, %and3A_4073 : vector<256x128xi32>
    %eq3A_4075 = arith.constant 0 : i32
    %eq3A_4076 = vector.broadcast %eq3A_4075 : i32 to vector<256x128xi32>
    %eq3A_4077 = arith.cmpi eq, %and3A_4074, %eq3A_4076 : vector<256x128xi32>
    %roll3A_4078 = arith.constant 128 : i32
    %roll3A_4079 = tpu.dynamic_rotate %select_n3A_4069 by %roll3A_4078 dim 0 : vector<256x128xf32>, i32 -> vector<256x128xf32>
    %roll3A_4080 = arith.constant 128 : i32
    %roll3A_4081 = tpu.dynamic_rotate %select_n3A_4069 by %roll3A_4080 dim 0 : vector<256x128xf32>, i32 -> vector<256x128xf32>
    %select_n3A_4082 = arith.select %eq3A_4077, %roll3A_4079, %roll3A_4081 : vector<256x128xi1>, vector<256x128xf32>
    %iota3A_4083 = tpu.iota {dimensions = array<i32: 0>} : vector<256x128xi32>
    %and3A_4084 = arith.constant 128 : i32
    %and3A_4085 = vector.broadcast %and3A_4084 : i32 to vector<256x128xi32>
    %and3A_4086 = arith.andi %iota3A_4083, %and3A_4085 : vector<256x128xi32>
    %eq3A_4087 = arith.constant 0 : i32
    %eq3A_4088 = vector.broadcast %eq3A_4087 : i32 to vector<256x128xi32>
    %eq3A_4089 = arith.cmpi eq, %and3A_4086, %eq3A_4088 : vector<256x128xi32>
    %roll3A_4090 = arith.constant 128 : i32
    %roll3A_4091 = tpu.dynamic_rotate %select_n3A_4070 by %roll3A_4090 dim 0 : vector<256x128xi32>, i32 -> vector<256x128xi32>
    %roll3A_4092 = arith.constant 128 : i32
    %roll3A_4093 = tpu.dynamic_rotate %select_n3A_4070 by %roll3A_4092 dim 0 : vector<256x128xi32>, i32 -> vector<256x128xi32>
    %select_n3A_4094 = arith.select %eq3A_4089, %roll3A_4091, %roll3A_4093 : vector<256x128xi1>, vector<256x128xi32>
    %gt3A_4095 = arith.cmpf ogt, %select_n3A_4069, %select_n3A_4082 : vector<256x128xf32>
    %eq3A_4096 = arith.cmpf oeq, %select_n3A_4069, %select_n3A_4082 : vector<256x128xf32>
    %lt3A_4097 = arith.cmpi slt, %select_n3A_4070, %select_n3A_4094 : vector<256x128xi32>
    %and3A_4098 = arith.andi %eq3A_4096, %lt3A_4097 : vector<256x128xi1>
    %or3A_4099 = arith.ori %gt3A_4095, %and3A_4098 : vector<256x128xi1>
    %and3A_4100 = arith.constant 128 : i32
    %and3A_4101 = vector.broadcast %and3A_4100 : i32 to vector<256x128xi32>
    %and3A_4102 = arith.andi %add3A_10, %and3A_4101 : vector<256x128xi32>
    %eq3A_4103 = arith.constant 0 : i32
    %eq3A_4104 = vector.broadcast %eq3A_4103 : i32 to vector<256x128xi32>
    %eq3A_4105 = arith.cmpi eq, %and3A_4102, %eq3A_4104 : vector<256x128xi32>
    %and3A_4106 = arith.constant 8192 : i32
    %and3A_4107 = vector.broadcast %and3A_4106 : i32 to vector<256x128xi32>
    %and3A_4108 = arith.andi %add3A_10, %and3A_4107 : vector<256x128xi32>
    %eq3A_4109 = arith.constant 0 : i32
    %eq3A_4110 = vector.broadcast %eq3A_4109 : i32 to vector<256x128xi32>
    %eq3A_4111 = arith.cmpi eq, %and3A_4108, %eq3A_4110 : vector<256x128xi32>
    %eq3A_4112 = arith.xori %eq3A_4105, %eq3A_4111 : vector<256x128xi1>
    %eq3A_4113 = arith.constant dense<true> : vector<256x128xi1>
    %eq3A_4114 = arith.xori %eq3A_4112, %eq3A_4113 : vector<256x128xi1>
    %eq3A_4115 = arith.xori %or3A_4099, %eq3A_4114 : vector<256x128xi1>
    %eq3A_4116 = arith.constant dense<true> : vector<256x128xi1>
    %eq3A_4117 = arith.xori %eq3A_4115, %eq3A_4116 : vector<256x128xi1>
    %select_n3A_4118 = arith.select %eq3A_4117, %select_n3A_4069, %select_n3A_4082 : vector<256x128xi1>, vector<256x128xf32>
    %select_n3A_4119 = arith.select %eq3A_4117, %select_n3A_4070, %select_n3A_4094 : vector<256x128xi1>, vector<256x128xi32>
    %iota3A_4120 = tpu.iota {dimensions = array<i32: 0>} : vector<256x128xi32>
    %and3A_4121 = arith.constant 64 : i32
    %and3A_4122 = vector.broadcast %and3A_4121 : i32 to vector<256x128xi32>
    %and3A_4123 = arith.andi %iota3A_4120, %and3A_4122 : vector<256x128xi32>
    %eq3A_4124 = arith.constant 0 : i32
    %eq3A_4125 = vector.broadcast %eq3A_4124 : i32 to vector<256x128xi32>
    %eq3A_4126 = arith.cmpi eq, %and3A_4123, %eq3A_4125 : vector<256x128xi32>
    %roll3A_4127 = arith.constant 192 : i32
    %roll3A_4128 = tpu.dynamic_rotate %select_n3A_4118 by %roll3A_4127 dim 0 : vector<256x128xf32>, i32 -> vector<256x128xf32>
    %roll3A_4129 = arith.constant 64 : i32
    %roll3A_4130 = tpu.dynamic_rotate %select_n3A_4118 by %roll3A_4129 dim 0 : vector<256x128xf32>, i32 -> vector<256x128xf32>
    %select_n3A_4131 = arith.select %eq3A_4126, %roll3A_4128, %roll3A_4130 : vector<256x128xi1>, vector<256x128xf32>
    %iota3A_4132 = tpu.iota {dimensions = array<i32: 0>} : vector<256x128xi32>
    %and3A_4133 = arith.constant 64 : i32
    %and3A_4134 = vector.broadcast %and3A_4133 : i32 to vector<256x128xi32>
    %and3A_4135 = arith.andi %iota3A_4132, %and3A_4134 : vector<256x128xi32>
    %eq3A_4136 = arith.constant 0 : i32
    %eq3A_4137 = vector.broadcast %eq3A_4136 : i32 to vector<256x128xi32>
    %eq3A_4138 = arith.cmpi eq, %and3A_4135, %eq3A_4137 : vector<256x128xi32>
    %roll3A_4139 = arith.constant 192 : i32
    %roll3A_4140 = tpu.dynamic_rotate %select_n3A_4119 by %roll3A_4139 dim 0 : vector<256x128xi32>, i32 -> vector<256x128xi32>
    %roll3A_4141 = arith.constant 64 : i32
    %roll3A_4142 = tpu.dynamic_rotate %select_n3A_4119 by %roll3A_4141 dim 0 : vector<256x128xi32>, i32 -> vector<256x128xi32>
    %select_n3A_4143 = arith.select %eq3A_4138, %roll3A_4140, %roll3A_4142 : vector<256x128xi1>, vector<256x128xi32>
    %gt3A_4144 = arith.cmpf ogt, %select_n3A_4118, %select_n3A_4131 : vector<256x128xf32>
    %eq3A_4145 = arith.cmpf oeq, %select_n3A_4118, %select_n3A_4131 : vector<256x128xf32>
    %lt3A_4146 = arith.cmpi slt, %select_n3A_4119, %select_n3A_4143 : vector<256x128xi32>
    %and3A_4147 = arith.andi %eq3A_4145, %lt3A_4146 : vector<256x128xi1>
    %or3A_4148 = arith.ori %gt3A_4144, %and3A_4147 : vector<256x128xi1>
    %and3A_4149 = arith.constant 64 : i32
    %and3A_4150 = vector.broadcast %and3A_4149 : i32 to vector<256x128xi32>
    %and3A_4151 = arith.andi %add3A_10, %and3A_4150 : vector<256x128xi32>
    %eq3A_4152 = arith.constant 0 : i32
    %eq3A_4153 = vector.broadcast %eq3A_4152 : i32 to vector<256x128xi32>
    %eq3A_4154 = arith.cmpi eq, %and3A_4151, %eq3A_4153 : vector<256x128xi32>
    %and3A_4155 = arith.constant 8192 : i32
    %and3A_4156 = vector.broadcast %and3A_4155 : i32 to vector<256x128xi32>
    %and3A_4157 = arith.andi %add3A_10, %and3A_4156 : vector<256x128xi32>
    %eq3A_4158 = arith.constant 0 : i32
    %eq3A_4159 = vector.broadcast %eq3A_4158 : i32 to vector<256x128xi32>
    %eq3A_4160 = arith.cmpi eq, %and3A_4157, %eq3A_4159 : vector<256x128xi32>
    %eq3A_4161 = arith.xori %eq3A_4154, %eq3A_4160 : vector<256x128xi1>
    %eq3A_4162 = arith.constant dense<true> : vector<256x128xi1>
    %eq3A_4163 = arith.xori %eq3A_4161, %eq3A_4162 : vector<256x128xi1>
    %eq3A_4164 = arith.xori %or3A_4148, %eq3A_4163 : vector<256x128xi1>
    %eq3A_4165 = arith.constant dense<true> : vector<256x128xi1>
    %eq3A_4166 = arith.xori %eq3A_4164, %eq3A_4165 : vector<256x128xi1>
    %select_n3A_4167 = arith.select %eq3A_4166, %select_n3A_4118, %select_n3A_4131 : vector<256x128xi1>, vector<256x128xf32>
    %select_n3A_4168 = arith.select %eq3A_4166, %select_n3A_4119, %select_n3A_4143 : vector<256x128xi1>, vector<256x128xi32>
    %iota3A_4169 = tpu.iota {dimensions = array<i32: 0>} : vector<256x128xi32>
    %and3A_4170 = arith.constant 32 : i32
    %and3A_4171 = vector.broadcast %and3A_4170 : i32 to vector<256x128xi32>
    %and3A_4172 = arith.andi %iota3A_4169, %and3A_4171 : vector<256x128xi32>
    %eq3A_4173 = arith.constant 0 : i32
    %eq3A_4174 = vector.broadcast %eq3A_4173 : i32 to vector<256x128xi32>
    %eq3A_4175 = arith.cmpi eq, %and3A_4172, %eq3A_4174 : vector<256x128xi32>
    %roll3A_4176 = arith.constant 224 : i32
    %roll3A_4177 = tpu.dynamic_rotate %select_n3A_4167 by %roll3A_4176 dim 0 : vector<256x128xf32>, i32 -> vector<256x128xf32>
    %roll3A_4178 = arith.constant 32 : i32
    %roll3A_4179 = tpu.dynamic_rotate %select_n3A_4167 by %roll3A_4178 dim 0 : vector<256x128xf32>, i32 -> vector<256x128xf32>
    %select_n3A_4180 = arith.select %eq3A_4175, %roll3A_4177, %roll3A_4179 : vector<256x128xi1>, vector<256x128xf32>
    %iota3A_4181 = tpu.iota {dimensions = array<i32: 0>} : vector<256x128xi32>
    %and3A_4182 = arith.constant 32 : i32
    %and3A_4183 = vector.broadcast %and3A_4182 : i32 to vector<256x128xi32>
    %and3A_4184 = arith.andi %iota3A_4181, %and3A_4183 : vector<256x128xi32>
    %eq3A_4185 = arith.constant 0 : i32
    %eq3A_4186 = vector.broadcast %eq3A_4185 : i32 to vector<256x128xi32>
    %eq3A_4187 = arith.cmpi eq, %and3A_4184, %eq3A_4186 : vector<256x128xi32>
    %roll3A_4188 = arith.constant 224 : i32
    %roll3A_4189 = tpu.dynamic_rotate %select_n3A_4168 by %roll3A_4188 dim 0 : vector<256x128xi32>, i32 -> vector<256x128xi32>
    %roll3A_4190 = arith.constant 32 : i32
    %roll3A_4191 = tpu.dynamic_rotate %select_n3A_4168 by %roll3A_4190 dim 0 : vector<256x128xi32>, i32 -> vector<256x128xi32>
    %select_n3A_4192 = arith.select %eq3A_4187, %roll3A_4189, %roll3A_4191 : vector<256x128xi1>, vector<256x128xi32>
    %gt3A_4193 = arith.cmpf ogt, %select_n3A_4167, %select_n3A_4180 : vector<256x128xf32>
    %eq3A_4194 = arith.cmpf oeq, %select_n3A_4167, %select_n3A_4180 : vector<256x128xf32>
    %lt3A_4195 = arith.cmpi slt, %select_n3A_4168, %select_n3A_4192 : vector<256x128xi32>
    %and3A_4196 = arith.andi %eq3A_4194, %lt3A_4195 : vector<256x128xi1>
    %or3A_4197 = arith.ori %gt3A_4193, %and3A_4196 : vector<256x128xi1>
    %and3A_4198 = arith.constant 32 : i32
    %and3A_4199 = vector.broadcast %and3A_4198 : i32 to vector<256x128xi32>
    %and3A_4200 = arith.andi %add3A_10, %and3A_4199 : vector<256x128xi32>
    %eq3A_4201 = arith.constant 0 : i32
    %eq3A_4202 = vector.broadcast %eq3A_4201 : i32 to vector<256x128xi32>
    %eq3A_4203 = arith.cmpi eq, %and3A_4200, %eq3A_4202 : vector<256x128xi32>
    %and3A_4204 = arith.constant 8192 : i32
    %and3A_4205 = vector.broadcast %and3A_4204 : i32 to vector<256x128xi32>
    %and3A_4206 = arith.andi %add3A_10, %and3A_4205 : vector<256x128xi32>
    %eq3A_4207 = arith.constant 0 : i32
    %eq3A_4208 = vector.broadcast %eq3A_4207 : i32 to vector<256x128xi32>
    %eq3A_4209 = arith.cmpi eq, %and3A_4206, %eq3A_4208 : vector<256x128xi32>
    %eq3A_4210 = arith.xori %eq3A_4203, %eq3A_4209 : vector<256x128xi1>
    %eq3A_4211 = arith.constant dense<true> : vector<256x128xi1>
    %eq3A_4212 = arith.xori %eq3A_4210, %eq3A_4211 : vector<256x128xi1>
    %eq3A_4213 = arith.xori %or3A_4197, %eq3A_4212 : vector<256x128xi1>
    %eq3A_4214 = arith.constant dense<true> : vector<256x128xi1>
    %eq3A_4215 = arith.xori %eq3A_4213, %eq3A_4214 : vector<256x128xi1>
    %select_n3A_4216 = arith.select %eq3A_4215, %select_n3A_4167, %select_n3A_4180 : vector<256x128xi1>, vector<256x128xf32>
    %select_n3A_4217 = arith.select %eq3A_4215, %select_n3A_4168, %select_n3A_4192 : vector<256x128xi1>, vector<256x128xi32>
    %iota3A_4218 = tpu.iota {dimensions = array<i32: 0>} : vector<256x128xi32>
    %and3A_4219 = arith.constant 16 : i32
    %and3A_4220 = vector.broadcast %and3A_4219 : i32 to vector<256x128xi32>
    %and3A_4221 = arith.andi %iota3A_4218, %and3A_4220 : vector<256x128xi32>
    %eq3A_4222 = arith.constant 0 : i32
    %eq3A_4223 = vector.broadcast %eq3A_4222 : i32 to vector<256x128xi32>
    %eq3A_4224 = arith.cmpi eq, %and3A_4221, %eq3A_4223 : vector<256x128xi32>
    %roll3A_4225 = arith.constant 240 : i32
    %roll3A_4226 = tpu.dynamic_rotate %select_n3A_4216 by %roll3A_4225 dim 0 : vector<256x128xf32>, i32 -> vector<256x128xf32>
    %roll3A_4227 = arith.constant 16 : i32
    %roll3A_4228 = tpu.dynamic_rotate %select_n3A_4216 by %roll3A_4227 dim 0 : vector<256x128xf32>, i32 -> vector<256x128xf32>
    %select_n3A_4229 = arith.select %eq3A_4224, %roll3A_4226, %roll3A_4228 : vector<256x128xi1>, vector<256x128xf32>
    %iota3A_4230 = tpu.iota {dimensions = array<i32: 0>} : vector<256x128xi32>
    %and3A_4231 = arith.constant 16 : i32
    %and3A_4232 = vector.broadcast %and3A_4231 : i32 to vector<256x128xi32>
    %and3A_4233 = arith.andi %iota3A_4230, %and3A_4232 : vector<256x128xi32>
    %eq3A_4234 = arith.constant 0 : i32
    %eq3A_4235 = vector.broadcast %eq3A_4234 : i32 to vector<256x128xi32>
    %eq3A_4236 = arith.cmpi eq, %and3A_4233, %eq3A_4235 : vector<256x128xi32>
    %roll3A_4237 = arith.constant 240 : i32
    %roll3A_4238 = tpu.dynamic_rotate %select_n3A_4217 by %roll3A_4237 dim 0 : vector<256x128xi32>, i32 -> vector<256x128xi32>
    %roll3A_4239 = arith.constant 16 : i32
    %roll3A_4240 = tpu.dynamic_rotate %select_n3A_4217 by %roll3A_4239 dim 0 : vector<256x128xi32>, i32 -> vector<256x128xi32>
    %select_n3A_4241 = arith.select %eq3A_4236, %roll3A_4238, %roll3A_4240 : vector<256x128xi1>, vector<256x128xi32>
    %gt3A_4242 = arith.cmpf ogt, %select_n3A_4216, %select_n3A_4229 : vector<256x128xf32>
    %eq3A_4243 = arith.cmpf oeq, %select_n3A_4216, %select_n3A_4229 : vector<256x128xf32>
    %lt3A_4244 = arith.cmpi slt, %select_n3A_4217, %select_n3A_4241 : vector<256x128xi32>
    %and3A_4245 = arith.andi %eq3A_4243, %lt3A_4244 : vector<256x128xi1>
    %or3A_4246 = arith.ori %gt3A_4242, %and3A_4245 : vector<256x128xi1>
    %and3A_4247 = arith.constant 16 : i32
    %and3A_4248 = vector.broadcast %and3A_4247 : i32 to vector<256x128xi32>
    %and3A_4249 = arith.andi %add3A_10, %and3A_4248 : vector<256x128xi32>
    %eq3A_4250 = arith.constant 0 : i32
    %eq3A_4251 = vector.broadcast %eq3A_4250 : i32 to vector<256x128xi32>
    %eq3A_4252 = arith.cmpi eq, %and3A_4249, %eq3A_4251 : vector<256x128xi32>
    %and3A_4253 = arith.constant 8192 : i32
    %and3A_4254 = vector.broadcast %and3A_4253 : i32 to vector<256x128xi32>
    %and3A_4255 = arith.andi %add3A_10, %and3A_4254 : vector<256x128xi32>
    %eq3A_4256 = arith.constant 0 : i32
    %eq3A_4257 = vector.broadcast %eq3A_4256 : i32 to vector<256x128xi32>
    %eq3A_4258 = arith.cmpi eq, %and3A_4255, %eq3A_4257 : vector<256x128xi32>
    %eq3A_4259 = arith.xori %eq3A_4252, %eq3A_4258 : vector<256x128xi1>
    %eq3A_4260 = arith.constant dense<true> : vector<256x128xi1>
    %eq3A_4261 = arith.xori %eq3A_4259, %eq3A_4260 : vector<256x128xi1>
    %eq3A_4262 = arith.xori %or3A_4246, %eq3A_4261 : vector<256x128xi1>
    %eq3A_4263 = arith.constant dense<true> : vector<256x128xi1>
    %eq3A_4264 = arith.xori %eq3A_4262, %eq3A_4263 : vector<256x128xi1>
    %select_n3A_4265 = arith.select %eq3A_4264, %select_n3A_4216, %select_n3A_4229 : vector<256x128xi1>, vector<256x128xf32>
    %select_n3A_4266 = arith.select %eq3A_4264, %select_n3A_4217, %select_n3A_4241 : vector<256x128xi1>, vector<256x128xi32>
    %iota3A_4267 = tpu.iota {dimensions = array<i32: 0>} : vector<256x128xi32>
    %and3A_4268 = arith.constant 8 : i32
    %and3A_4269 = vector.broadcast %and3A_4268 : i32 to vector<256x128xi32>
    %and3A_4270 = arith.andi %iota3A_4267, %and3A_4269 : vector<256x128xi32>
    %eq3A_4271 = arith.constant 0 : i32
    %eq3A_4272 = vector.broadcast %eq3A_4271 : i32 to vector<256x128xi32>
    %eq3A_4273 = arith.cmpi eq, %and3A_4270, %eq3A_4272 : vector<256x128xi32>
    %roll3A_4274 = arith.constant 248 : i32
    %roll3A_4275 = tpu.dynamic_rotate %select_n3A_4265 by %roll3A_4274 dim 0 : vector<256x128xf32>, i32 -> vector<256x128xf32>
    %roll3A_4276 = arith.constant 8 : i32
    %roll3A_4277 = tpu.dynamic_rotate %select_n3A_4265 by %roll3A_4276 dim 0 : vector<256x128xf32>, i32 -> vector<256x128xf32>
    %select_n3A_4278 = arith.select %eq3A_4273, %roll3A_4275, %roll3A_4277 : vector<256x128xi1>, vector<256x128xf32>
    %iota3A_4279 = tpu.iota {dimensions = array<i32: 0>} : vector<256x128xi32>
    %and3A_4280 = arith.constant 8 : i32
    %and3A_4281 = vector.broadcast %and3A_4280 : i32 to vector<256x128xi32>
    %and3A_4282 = arith.andi %iota3A_4279, %and3A_4281 : vector<256x128xi32>
    %eq3A_4283 = arith.constant 0 : i32
    %eq3A_4284 = vector.broadcast %eq3A_4283 : i32 to vector<256x128xi32>
    %eq3A_4285 = arith.cmpi eq, %and3A_4282, %eq3A_4284 : vector<256x128xi32>
    %roll3A_4286 = arith.constant 248 : i32
    %roll3A_4287 = tpu.dynamic_rotate %select_n3A_4266 by %roll3A_4286 dim 0 : vector<256x128xi32>, i32 -> vector<256x128xi32>
    %roll3A_4288 = arith.constant 8 : i32
    %roll3A_4289 = tpu.dynamic_rotate %select_n3A_4266 by %roll3A_4288 dim 0 : vector<256x128xi32>, i32 -> vector<256x128xi32>
    %select_n3A_4290 = arith.select %eq3A_4285, %roll3A_4287, %roll3A_4289 : vector<256x128xi1>, vector<256x128xi32>
    %gt3A_4291 = arith.cmpf ogt, %select_n3A_4265, %select_n3A_4278 : vector<256x128xf32>
    %eq3A_4292 = arith.cmpf oeq, %select_n3A_4265, %select_n3A_4278 : vector<256x128xf32>
    %lt3A_4293 = arith.cmpi slt, %select_n3A_4266, %select_n3A_4290 : vector<256x128xi32>
    %and3A_4294 = arith.andi %eq3A_4292, %lt3A_4293 : vector<256x128xi1>
    %or3A_4295 = arith.ori %gt3A_4291, %and3A_4294 : vector<256x128xi1>
    %and3A_4296 = arith.constant 8 : i32
    %and3A_4297 = vector.broadcast %and3A_4296 : i32 to vector<256x128xi32>
    %and3A_4298 = arith.andi %add3A_10, %and3A_4297 : vector<256x128xi32>
    %eq3A_4299 = arith.constant 0 : i32
    %eq3A_4300 = vector.broadcast %eq3A_4299 : i32 to vector<256x128xi32>
    %eq3A_4301 = arith.cmpi eq, %and3A_4298, %eq3A_4300 : vector<256x128xi32>
    %and3A_4302 = arith.constant 8192 : i32
    %and3A_4303 = vector.broadcast %and3A_4302 : i32 to vector<256x128xi32>
    %and3A_4304 = arith.andi %add3A_10, %and3A_4303 : vector<256x128xi32>
    %eq3A_4305 = arith.constant 0 : i32
    %eq3A_4306 = vector.broadcast %eq3A_4305 : i32 to vector<256x128xi32>
    %eq3A_4307 = arith.cmpi eq, %and3A_4304, %eq3A_4306 : vector<256x128xi32>
    %eq3A_4308 = arith.xori %eq3A_4301, %eq3A_4307 : vector<256x128xi1>
    %eq3A_4309 = arith.constant dense<true> : vector<256x128xi1>
    %eq3A_4310 = arith.xori %eq3A_4308, %eq3A_4309 : vector<256x128xi1>
    %eq3A_4311 = arith.xori %or3A_4295, %eq3A_4310 : vector<256x128xi1>
    %eq3A_4312 = arith.constant dense<true> : vector<256x128xi1>
    %eq3A_4313 = arith.xori %eq3A_4311, %eq3A_4312 : vector<256x128xi1>
    %select_n3A_4314 = arith.select %eq3A_4313, %select_n3A_4265, %select_n3A_4278 : vector<256x128xi1>, vector<256x128xf32>
    %select_n3A_4315 = arith.select %eq3A_4313, %select_n3A_4266, %select_n3A_4290 : vector<256x128xi1>, vector<256x128xi32>
    %iota3A_4316 = tpu.iota {dimensions = array<i32: 0>} : vector<256x128xi32>
    %and3A_4317 = arith.constant 4 : i32
    %and3A_4318 = vector.broadcast %and3A_4317 : i32 to vector<256x128xi32>
    %and3A_4319 = arith.andi %iota3A_4316, %and3A_4318 : vector<256x128xi32>
    %eq3A_4320 = arith.constant 0 : i32
    %eq3A_4321 = vector.broadcast %eq3A_4320 : i32 to vector<256x128xi32>
    %eq3A_4322 = arith.cmpi eq, %and3A_4319, %eq3A_4321 : vector<256x128xi32>
    %roll3A_4323 = arith.constant 252 : i32
    %roll3A_4324 = tpu.dynamic_rotate %select_n3A_4314 by %roll3A_4323 dim 0 : vector<256x128xf32>, i32 -> vector<256x128xf32>
    %roll3A_4325 = arith.constant 4 : i32
    %roll3A_4326 = tpu.dynamic_rotate %select_n3A_4314 by %roll3A_4325 dim 0 : vector<256x128xf32>, i32 -> vector<256x128xf32>
    %select_n3A_4327 = arith.select %eq3A_4322, %roll3A_4324, %roll3A_4326 : vector<256x128xi1>, vector<256x128xf32>
    %iota3A_4328 = tpu.iota {dimensions = array<i32: 0>} : vector<256x128xi32>
    %and3A_4329 = arith.constant 4 : i32
    %and3A_4330 = vector.broadcast %and3A_4329 : i32 to vector<256x128xi32>
    %and3A_4331 = arith.andi %iota3A_4328, %and3A_4330 : vector<256x128xi32>
    %eq3A_4332 = arith.constant 0 : i32
    %eq3A_4333 = vector.broadcast %eq3A_4332 : i32 to vector<256x128xi32>
    %eq3A_4334 = arith.cmpi eq, %and3A_4331, %eq3A_4333 : vector<256x128xi32>
    %roll3A_4335 = arith.constant 252 : i32
    %roll3A_4336 = tpu.dynamic_rotate %select_n3A_4315 by %roll3A_4335 dim 0 : vector<256x128xi32>, i32 -> vector<256x128xi32>
    %roll3A_4337 = arith.constant 4 : i32
    %roll3A_4338 = tpu.dynamic_rotate %select_n3A_4315 by %roll3A_4337 dim 0 : vector<256x128xi32>, i32 -> vector<256x128xi32>
    %select_n3A_4339 = arith.select %eq3A_4334, %roll3A_4336, %roll3A_4338 : vector<256x128xi1>, vector<256x128xi32>
    %gt3A_4340 = arith.cmpf ogt, %select_n3A_4314, %select_n3A_4327 : vector<256x128xf32>
    %eq3A_4341 = arith.cmpf oeq, %select_n3A_4314, %select_n3A_4327 : vector<256x128xf32>
    %lt3A_4342 = arith.cmpi slt, %select_n3A_4315, %select_n3A_4339 : vector<256x128xi32>
    %and3A_4343 = arith.andi %eq3A_4341, %lt3A_4342 : vector<256x128xi1>
    %or3A_4344 = arith.ori %gt3A_4340, %and3A_4343 : vector<256x128xi1>
    %and3A_4345 = arith.constant 4 : i32
    %and3A_4346 = vector.broadcast %and3A_4345 : i32 to vector<256x128xi32>
    %and3A_4347 = arith.andi %add3A_10, %and3A_4346 : vector<256x128xi32>
    %eq3A_4348 = arith.constant 0 : i32
    %eq3A_4349 = vector.broadcast %eq3A_4348 : i32 to vector<256x128xi32>
    %eq3A_4350 = arith.cmpi eq, %and3A_4347, %eq3A_4349 : vector<256x128xi32>
    %and3A_4351 = arith.constant 8192 : i32
    %and3A_4352 = vector.broadcast %and3A_4351 : i32 to vector<256x128xi32>
    %and3A_4353 = arith.andi %add3A_10, %and3A_4352 : vector<256x128xi32>
    %eq3A_4354 = arith.constant 0 : i32
    %eq3A_4355 = vector.broadcast %eq3A_4354 : i32 to vector<256x128xi32>
    %eq3A_4356 = arith.cmpi eq, %and3A_4353, %eq3A_4355 : vector<256x128xi32>
    %eq3A_4357 = arith.xori %eq3A_4350, %eq3A_4356 : vector<256x128xi1>
    %eq3A_4358 = arith.constant dense<true> : vector<256x128xi1>
    %eq3A_4359 = arith.xori %eq3A_4357, %eq3A_4358 : vector<256x128xi1>
    %eq3A_4360 = arith.xori %or3A_4344, %eq3A_4359 : vector<256x128xi1>
    %eq3A_4361 = arith.constant dense<true> : vector<256x128xi1>
    %eq3A_4362 = arith.xori %eq3A_4360, %eq3A_4361 : vector<256x128xi1>
    %select_n3A_4363 = arith.select %eq3A_4362, %select_n3A_4314, %select_n3A_4327 : vector<256x128xi1>, vector<256x128xf32>
    %select_n3A_4364 = arith.select %eq3A_4362, %select_n3A_4315, %select_n3A_4339 : vector<256x128xi1>, vector<256x128xi32>
    %iota3A_4365 = tpu.iota {dimensions = array<i32: 0>} : vector<256x128xi32>
    %and3A_4366 = arith.constant 2 : i32
    %and3A_4367 = vector.broadcast %and3A_4366 : i32 to vector<256x128xi32>
    %and3A_4368 = arith.andi %iota3A_4365, %and3A_4367 : vector<256x128xi32>
    %eq3A_4369 = arith.constant 0 : i32
    %eq3A_4370 = vector.broadcast %eq3A_4369 : i32 to vector<256x128xi32>
    %eq3A_4371 = arith.cmpi eq, %and3A_4368, %eq3A_4370 : vector<256x128xi32>
    %roll3A_4372 = arith.constant 254 : i32
    %roll3A_4373 = tpu.dynamic_rotate %select_n3A_4363 by %roll3A_4372 dim 0 : vector<256x128xf32>, i32 -> vector<256x128xf32>
    %roll3A_4374 = arith.constant 2 : i32
    %roll3A_4375 = tpu.dynamic_rotate %select_n3A_4363 by %roll3A_4374 dim 0 : vector<256x128xf32>, i32 -> vector<256x128xf32>
    %select_n3A_4376 = arith.select %eq3A_4371, %roll3A_4373, %roll3A_4375 : vector<256x128xi1>, vector<256x128xf32>
    %iota3A_4377 = tpu.iota {dimensions = array<i32: 0>} : vector<256x128xi32>
    %and3A_4378 = arith.constant 2 : i32
    %and3A_4379 = vector.broadcast %and3A_4378 : i32 to vector<256x128xi32>
    %and3A_4380 = arith.andi %iota3A_4377, %and3A_4379 : vector<256x128xi32>
    %eq3A_4381 = arith.constant 0 : i32
    %eq3A_4382 = vector.broadcast %eq3A_4381 : i32 to vector<256x128xi32>
    %eq3A_4383 = arith.cmpi eq, %and3A_4380, %eq3A_4382 : vector<256x128xi32>
    %roll3A_4384 = arith.constant 254 : i32
    %roll3A_4385 = tpu.dynamic_rotate %select_n3A_4364 by %roll3A_4384 dim 0 : vector<256x128xi32>, i32 -> vector<256x128xi32>
    %roll3A_4386 = arith.constant 2 : i32
    %roll3A_4387 = tpu.dynamic_rotate %select_n3A_4364 by %roll3A_4386 dim 0 : vector<256x128xi32>, i32 -> vector<256x128xi32>
    %select_n3A_4388 = arith.select %eq3A_4383, %roll3A_4385, %roll3A_4387 : vector<256x128xi1>, vector<256x128xi32>
    %gt3A_4389 = arith.cmpf ogt, %select_n3A_4363, %select_n3A_4376 : vector<256x128xf32>
    %eq3A_4390 = arith.cmpf oeq, %select_n3A_4363, %select_n3A_4376 : vector<256x128xf32>
    %lt3A_4391 = arith.cmpi slt, %select_n3A_4364, %select_n3A_4388 : vector<256x128xi32>
    %and3A_4392 = arith.andi %eq3A_4390, %lt3A_4391 : vector<256x128xi1>
    %or3A_4393 = arith.ori %gt3A_4389, %and3A_4392 : vector<256x128xi1>
    %and3A_4394 = arith.constant 2 : i32
    %and3A_4395 = vector.broadcast %and3A_4394 : i32 to vector<256x128xi32>
    %and3A_4396 = arith.andi %add3A_10, %and3A_4395 : vector<256x128xi32>
    %eq3A_4397 = arith.constant 0 : i32
    %eq3A_4398 = vector.broadcast %eq3A_4397 : i32 to vector<256x128xi32>
    %eq3A_4399 = arith.cmpi eq, %and3A_4396, %eq3A_4398 : vector<256x128xi32>
    %and3A_4400 = arith.constant 8192 : i32
    %and3A_4401 = vector.broadcast %and3A_4400 : i32 to vector<256x128xi32>
    %and3A_4402 = arith.andi %add3A_10, %and3A_4401 : vector<256x128xi32>
    %eq3A_4403 = arith.constant 0 : i32
    %eq3A_4404 = vector.broadcast %eq3A_4403 : i32 to vector<256x128xi32>
    %eq3A_4405 = arith.cmpi eq, %and3A_4402, %eq3A_4404 : vector<256x128xi32>
    %eq3A_4406 = arith.xori %eq3A_4399, %eq3A_4405 : vector<256x128xi1>
    %eq3A_4407 = arith.constant dense<true> : vector<256x128xi1>
    %eq3A_4408 = arith.xori %eq3A_4406, %eq3A_4407 : vector<256x128xi1>
    %eq3A_4409 = arith.xori %or3A_4393, %eq3A_4408 : vector<256x128xi1>
    %eq3A_4410 = arith.constant dense<true> : vector<256x128xi1>
    %eq3A_4411 = arith.xori %eq3A_4409, %eq3A_4410 : vector<256x128xi1>
    %select_n3A_4412 = arith.select %eq3A_4411, %select_n3A_4363, %select_n3A_4376 : vector<256x128xi1>, vector<256x128xf32>
    %select_n3A_4413 = arith.select %eq3A_4411, %select_n3A_4364, %select_n3A_4388 : vector<256x128xi1>, vector<256x128xi32>
    %iota3A_4414 = tpu.iota {dimensions = array<i32: 0>} : vector<256x128xi32>
    %and3A_4415 = arith.constant 1 : i32
    %and3A_4416 = vector.broadcast %and3A_4415 : i32 to vector<256x128xi32>
    %and3A_4417 = arith.andi %iota3A_4414, %and3A_4416 : vector<256x128xi32>
    %eq3A_4418 = arith.constant 0 : i32
    %eq3A_4419 = vector.broadcast %eq3A_4418 : i32 to vector<256x128xi32>
    %eq3A_4420 = arith.cmpi eq, %and3A_4417, %eq3A_4419 : vector<256x128xi32>
    %roll3A_4421 = arith.constant 255 : i32
    %roll3A_4422 = tpu.dynamic_rotate %select_n3A_4412 by %roll3A_4421 dim 0 : vector<256x128xf32>, i32 -> vector<256x128xf32>
    %roll3A_4423 = arith.constant 1 : i32
    %roll3A_4424 = tpu.dynamic_rotate %select_n3A_4412 by %roll3A_4423 dim 0 : vector<256x128xf32>, i32 -> vector<256x128xf32>
    %select_n3A_4425 = arith.select %eq3A_4420, %roll3A_4422, %roll3A_4424 : vector<256x128xi1>, vector<256x128xf32>
    %iota3A_4426 = tpu.iota {dimensions = array<i32: 0>} : vector<256x128xi32>
    %and3A_4427 = arith.constant 1 : i32
    %and3A_4428 = vector.broadcast %and3A_4427 : i32 to vector<256x128xi32>
    %and3A_4429 = arith.andi %iota3A_4426, %and3A_4428 : vector<256x128xi32>
    %eq3A_4430 = arith.constant 0 : i32
    %eq3A_4431 = vector.broadcast %eq3A_4430 : i32 to vector<256x128xi32>
    %eq3A_4432 = arith.cmpi eq, %and3A_4429, %eq3A_4431 : vector<256x128xi32>
    %roll3A_4433 = arith.constant 255 : i32
    %roll3A_4434 = tpu.dynamic_rotate %select_n3A_4413 by %roll3A_4433 dim 0 : vector<256x128xi32>, i32 -> vector<256x128xi32>
    %roll3A_4435 = arith.constant 1 : i32
    %roll3A_4436 = tpu.dynamic_rotate %select_n3A_4413 by %roll3A_4435 dim 0 : vector<256x128xi32>, i32 -> vector<256x128xi32>
    %select_n3A_4437 = arith.select %eq3A_4432, %roll3A_4434, %roll3A_4436 : vector<256x128xi1>, vector<256x128xi32>
    %gt3A_4438 = arith.cmpf ogt, %select_n3A_4412, %select_n3A_4425 : vector<256x128xf32>
    %eq3A_4439 = arith.cmpf oeq, %select_n3A_4412, %select_n3A_4425 : vector<256x128xf32>
    %lt3A_4440 = arith.cmpi slt, %select_n3A_4413, %select_n3A_4437 : vector<256x128xi32>
    %and3A_4441 = arith.andi %eq3A_4439, %lt3A_4440 : vector<256x128xi1>
    %or3A_4442 = arith.ori %gt3A_4438, %and3A_4441 : vector<256x128xi1>
    %and3A_4443 = arith.constant 1 : i32
    %and3A_4444 = vector.broadcast %and3A_4443 : i32 to vector<256x128xi32>
    %and3A_4445 = arith.andi %add3A_10, %and3A_4444 : vector<256x128xi32>
    %eq3A_4446 = arith.constant 0 : i32
    %eq3A_4447 = vector.broadcast %eq3A_4446 : i32 to vector<256x128xi32>
    %eq3A_4448 = arith.cmpi eq, %and3A_4445, %eq3A_4447 : vector<256x128xi32>
    %and3A_4449 = arith.constant 8192 : i32
    %and3A_4450 = vector.broadcast %and3A_4449 : i32 to vector<256x128xi32>
    %and3A_4451 = arith.andi %add3A_10, %and3A_4450 : vector<256x128xi32>
    %eq3A_4452 = arith.constant 0 : i32
    %eq3A_4453 = vector.broadcast %eq3A_4452 : i32 to vector<256x128xi32>
    %eq3A_4454 = arith.cmpi eq, %and3A_4451, %eq3A_4453 : vector<256x128xi32>
    %eq3A_4455 = arith.xori %eq3A_4448, %eq3A_4454 : vector<256x128xi1>
    %eq3A_4456 = arith.constant dense<true> : vector<256x128xi1>
    %eq3A_4457 = arith.xori %eq3A_4455, %eq3A_4456 : vector<256x128xi1>
    %eq3A_4458 = arith.xori %or3A_4442, %eq3A_4457 : vector<256x128xi1>
    %eq3A_4459 = arith.constant dense<true> : vector<256x128xi1>
    %eq3A_4460 = arith.xori %eq3A_4458, %eq3A_4459 : vector<256x128xi1>
    %select_n3A_4461 = arith.select %eq3A_4460, %select_n3A_4412, %select_n3A_4425 : vector<256x128xi1>, vector<256x128xf32>
    %select_n3A_4462 = arith.select %eq3A_4460, %select_n3A_4413, %select_n3A_4437 : vector<256x128xi1>, vector<256x128xi32>
    %iota3A_4463 = tpu.iota {dimensions = array<i32: 1>} : vector<256x128xi32>
    %and3A_4464 = arith.constant 32 : i32
    %and3A_4465 = vector.broadcast %and3A_4464 : i32 to vector<256x128xi32>
    %and3A_4466 = arith.andi %iota3A_4463, %and3A_4465 : vector<256x128xi32>
    %eq3A_4467 = arith.constant 0 : i32
    %eq3A_4468 = vector.broadcast %eq3A_4467 : i32 to vector<256x128xi32>
    %eq3A_4469 = arith.cmpi eq, %and3A_4466, %eq3A_4468 : vector<256x128xi32>
    %roll3A_4470 = arith.constant 96 : i32
    %roll3A_4471 = tpu.dynamic_rotate %select_n3A_4461 by %roll3A_4470 dim 1 : vector<256x128xf32>, i32 -> vector<256x128xf32>
    %roll3A_4472 = arith.constant 32 : i32
    %roll3A_4473 = tpu.dynamic_rotate %select_n3A_4461 by %roll3A_4472 dim 1 : vector<256x128xf32>, i32 -> vector<256x128xf32>
    %select_n3A_4474 = arith.select %eq3A_4469, %roll3A_4471, %roll3A_4473 : vector<256x128xi1>, vector<256x128xf32>
    %iota3A_4475 = tpu.iota {dimensions = array<i32: 1>} : vector<256x128xi32>
    %and3A_4476 = arith.constant 32 : i32
    %and3A_4477 = vector.broadcast %and3A_4476 : i32 to vector<256x128xi32>
    %and3A_4478 = arith.andi %iota3A_4475, %and3A_4477 : vector<256x128xi32>
    %eq3A_4479 = arith.constant 0 : i32
    %eq3A_4480 = vector.broadcast %eq3A_4479 : i32 to vector<256x128xi32>
    %eq3A_4481 = arith.cmpi eq, %and3A_4478, %eq3A_4480 : vector<256x128xi32>
    %roll3A_4482 = arith.constant 96 : i32
    %roll3A_4483 = tpu.dynamic_rotate %select_n3A_4462 by %roll3A_4482 dim 1 : vector<256x128xi32>, i32 -> vector<256x128xi32>
    %roll3A_4484 = arith.constant 32 : i32
    %roll3A_4485 = tpu.dynamic_rotate %select_n3A_4462 by %roll3A_4484 dim 1 : vector<256x128xi32>, i32 -> vector<256x128xi32>
    %select_n3A_4486 = arith.select %eq3A_4481, %roll3A_4483, %roll3A_4485 : vector<256x128xi1>, vector<256x128xi32>
    %gt3A_4487 = arith.cmpf ogt, %select_n3A_4461, %select_n3A_4474 : vector<256x128xf32>
    %eq3A_4488 = arith.cmpf oeq, %select_n3A_4461, %select_n3A_4474 : vector<256x128xf32>
    %lt3A_4489 = arith.cmpi slt, %select_n3A_4462, %select_n3A_4486 : vector<256x128xi32>
    %and3A_4490 = arith.andi %eq3A_4488, %lt3A_4489 : vector<256x128xi1>
    %or3A_4491 = arith.ori %gt3A_4487, %and3A_4490 : vector<256x128xi1>
    %and3A_4492 = arith.constant 8192 : i32
    %and3A_4493 = vector.broadcast %and3A_4492 : i32 to vector<256x128xi32>
    %and3A_4494 = arith.andi %add3A_10, %and3A_4493 : vector<256x128xi32>
    %eq3A_4495 = arith.constant 0 : i32
    %eq3A_4496 = vector.broadcast %eq3A_4495 : i32 to vector<256x128xi32>
    %eq3A_4497 = arith.cmpi eq, %and3A_4494, %eq3A_4496 : vector<256x128xi32>
    %and3A_4498 = arith.constant 16384 : i32
    %and3A_4499 = vector.broadcast %and3A_4498 : i32 to vector<256x128xi32>
    %and3A_4500 = arith.andi %add3A_10, %and3A_4499 : vector<256x128xi32>
    %eq3A_4501 = arith.constant 0 : i32
    %eq3A_4502 = vector.broadcast %eq3A_4501 : i32 to vector<256x128xi32>
    %eq3A_4503 = arith.cmpi eq, %and3A_4500, %eq3A_4502 : vector<256x128xi32>
    %eq3A_4504 = arith.xori %eq3A_4497, %eq3A_4503 : vector<256x128xi1>
    %eq3A_4505 = arith.constant dense<true> : vector<256x128xi1>
    %eq3A_4506 = arith.xori %eq3A_4504, %eq3A_4505 : vector<256x128xi1>
    %eq3A_4507 = arith.xori %or3A_4491, %eq3A_4506 : vector<256x128xi1>
    %eq3A_4508 = arith.constant dense<true> : vector<256x128xi1>
    %eq3A_4509 = arith.xori %eq3A_4507, %eq3A_4508 : vector<256x128xi1>
    %select_n3A_4510 = arith.select %eq3A_4509, %select_n3A_4461, %select_n3A_4474 : vector<256x128xi1>, vector<256x128xf32>
    %select_n3A_4511 = arith.select %eq3A_4509, %select_n3A_4462, %select_n3A_4486 : vector<256x128xi1>, vector<256x128xi32>
    %iota3A_4512 = tpu.iota {dimensions = array<i32: 1>} : vector<256x128xi32>
    %and3A_4513 = arith.constant 16 : i32
    %and3A_4514 = vector.broadcast %and3A_4513 : i32 to vector<256x128xi32>
    %and3A_4515 = arith.andi %iota3A_4512, %and3A_4514 : vector<256x128xi32>
    %eq3A_4516 = arith.constant 0 : i32
    %eq3A_4517 = vector.broadcast %eq3A_4516 : i32 to vector<256x128xi32>
    %eq3A_4518 = arith.cmpi eq, %and3A_4515, %eq3A_4517 : vector<256x128xi32>
    %roll3A_4519 = arith.constant 112 : i32
    %roll3A_4520 = tpu.dynamic_rotate %select_n3A_4510 by %roll3A_4519 dim 1 : vector<256x128xf32>, i32 -> vector<256x128xf32>
    %roll3A_4521 = arith.constant 16 : i32
    %roll3A_4522 = tpu.dynamic_rotate %select_n3A_4510 by %roll3A_4521 dim 1 : vector<256x128xf32>, i32 -> vector<256x128xf32>
    %select_n3A_4523 = arith.select %eq3A_4518, %roll3A_4520, %roll3A_4522 : vector<256x128xi1>, vector<256x128xf32>
    %iota3A_4524 = tpu.iota {dimensions = array<i32: 1>} : vector<256x128xi32>
    %and3A_4525 = arith.constant 16 : i32
    %and3A_4526 = vector.broadcast %and3A_4525 : i32 to vector<256x128xi32>
    %and3A_4527 = arith.andi %iota3A_4524, %and3A_4526 : vector<256x128xi32>
    %eq3A_4528 = arith.constant 0 : i32
    %eq3A_4529 = vector.broadcast %eq3A_4528 : i32 to vector<256x128xi32>
    %eq3A_4530 = arith.cmpi eq, %and3A_4527, %eq3A_4529 : vector<256x128xi32>
    %roll3A_4531 = arith.constant 112 : i32
    %roll3A_4532 = tpu.dynamic_rotate %select_n3A_4511 by %roll3A_4531 dim 1 : vector<256x128xi32>, i32 -> vector<256x128xi32>
    %roll3A_4533 = arith.constant 16 : i32
    %roll3A_4534 = tpu.dynamic_rotate %select_n3A_4511 by %roll3A_4533 dim 1 : vector<256x128xi32>, i32 -> vector<256x128xi32>
    %select_n3A_4535 = arith.select %eq3A_4530, %roll3A_4532, %roll3A_4534 : vector<256x128xi1>, vector<256x128xi32>
    %gt3A_4536 = arith.cmpf ogt, %select_n3A_4510, %select_n3A_4523 : vector<256x128xf32>
    %eq3A_4537 = arith.cmpf oeq, %select_n3A_4510, %select_n3A_4523 : vector<256x128xf32>
    %lt3A_4538 = arith.cmpi slt, %select_n3A_4511, %select_n3A_4535 : vector<256x128xi32>
    %and3A_4539 = arith.andi %eq3A_4537, %lt3A_4538 : vector<256x128xi1>
    %or3A_4540 = arith.ori %gt3A_4536, %and3A_4539 : vector<256x128xi1>
    %and3A_4541 = arith.constant 4096 : i32
    %and3A_4542 = vector.broadcast %and3A_4541 : i32 to vector<256x128xi32>
    %and3A_4543 = arith.andi %add3A_10, %and3A_4542 : vector<256x128xi32>
    %eq3A_4544 = arith.constant 0 : i32
    %eq3A_4545 = vector.broadcast %eq3A_4544 : i32 to vector<256x128xi32>
    %eq3A_4546 = arith.cmpi eq, %and3A_4543, %eq3A_4545 : vector<256x128xi32>
    %and3A_4547 = arith.constant 16384 : i32
    %and3A_4548 = vector.broadcast %and3A_4547 : i32 to vector<256x128xi32>
    %and3A_4549 = arith.andi %add3A_10, %and3A_4548 : vector<256x128xi32>
    %eq3A_4550 = arith.constant 0 : i32
    %eq3A_4551 = vector.broadcast %eq3A_4550 : i32 to vector<256x128xi32>
    %eq3A_4552 = arith.cmpi eq, %and3A_4549, %eq3A_4551 : vector<256x128xi32>
    %eq3A_4553 = arith.xori %eq3A_4546, %eq3A_4552 : vector<256x128xi1>
    %eq3A_4554 = arith.constant dense<true> : vector<256x128xi1>
    %eq3A_4555 = arith.xori %eq3A_4553, %eq3A_4554 : vector<256x128xi1>
    %eq3A_4556 = arith.xori %or3A_4540, %eq3A_4555 : vector<256x128xi1>
    %eq3A_4557 = arith.constant dense<true> : vector<256x128xi1>
    %eq3A_4558 = arith.xori %eq3A_4556, %eq3A_4557 : vector<256x128xi1>
    %select_n3A_4559 = arith.select %eq3A_4558, %select_n3A_4510, %select_n3A_4523 : vector<256x128xi1>, vector<256x128xf32>
    %select_n3A_4560 = arith.select %eq3A_4558, %select_n3A_4511, %select_n3A_4535 : vector<256x128xi1>, vector<256x128xi32>
    %iota3A_4561 = tpu.iota {dimensions = array<i32: 1>} : vector<256x128xi32>
    %and3A_4562 = arith.constant 8 : i32
    %and3A_4563 = vector.broadcast %and3A_4562 : i32 to vector<256x128xi32>
    %and3A_4564 = arith.andi %iota3A_4561, %and3A_4563 : vector<256x128xi32>
    %eq3A_4565 = arith.constant 0 : i32
    %eq3A_4566 = vector.broadcast %eq3A_4565 : i32 to vector<256x128xi32>
    %eq3A_4567 = arith.cmpi eq, %and3A_4564, %eq3A_4566 : vector<256x128xi32>
    %roll3A_4568 = arith.constant 120 : i32
    %roll3A_4569 = tpu.dynamic_rotate %select_n3A_4559 by %roll3A_4568 dim 1 : vector<256x128xf32>, i32 -> vector<256x128xf32>
    %roll3A_4570 = arith.constant 8 : i32
    %roll3A_4571 = tpu.dynamic_rotate %select_n3A_4559 by %roll3A_4570 dim 1 : vector<256x128xf32>, i32 -> vector<256x128xf32>
    %select_n3A_4572 = arith.select %eq3A_4567, %roll3A_4569, %roll3A_4571 : vector<256x128xi1>, vector<256x128xf32>
    %iota3A_4573 = tpu.iota {dimensions = array<i32: 1>} : vector<256x128xi32>
    %and3A_4574 = arith.constant 8 : i32
    %and3A_4575 = vector.broadcast %and3A_4574 : i32 to vector<256x128xi32>
    %and3A_4576 = arith.andi %iota3A_4573, %and3A_4575 : vector<256x128xi32>
    %eq3A_4577 = arith.constant 0 : i32
    %eq3A_4578 = vector.broadcast %eq3A_4577 : i32 to vector<256x128xi32>
    %eq3A_4579 = arith.cmpi eq, %and3A_4576, %eq3A_4578 : vector<256x128xi32>
    %roll3A_4580 = arith.constant 120 : i32
    %roll3A_4581 = tpu.dynamic_rotate %select_n3A_4560 by %roll3A_4580 dim 1 : vector<256x128xi32>, i32 -> vector<256x128xi32>
    %roll3A_4582 = arith.constant 8 : i32
    %roll3A_4583 = tpu.dynamic_rotate %select_n3A_4560 by %roll3A_4582 dim 1 : vector<256x128xi32>, i32 -> vector<256x128xi32>
    %select_n3A_4584 = arith.select %eq3A_4579, %roll3A_4581, %roll3A_4583 : vector<256x128xi1>, vector<256x128xi32>
    %gt3A_4585 = arith.cmpf ogt, %select_n3A_4559, %select_n3A_4572 : vector<256x128xf32>
    %eq3A_4586 = arith.cmpf oeq, %select_n3A_4559, %select_n3A_4572 : vector<256x128xf32>
    %lt3A_4587 = arith.cmpi slt, %select_n3A_4560, %select_n3A_4584 : vector<256x128xi32>
    %and3A_4588 = arith.andi %eq3A_4586, %lt3A_4587 : vector<256x128xi1>
    %or3A_4589 = arith.ori %gt3A_4585, %and3A_4588 : vector<256x128xi1>
    %and3A_4590 = arith.constant 2048 : i32
    %and3A_4591 = vector.broadcast %and3A_4590 : i32 to vector<256x128xi32>
    %and3A_4592 = arith.andi %add3A_10, %and3A_4591 : vector<256x128xi32>
    %eq3A_4593 = arith.constant 0 : i32
    %eq3A_4594 = vector.broadcast %eq3A_4593 : i32 to vector<256x128xi32>
    %eq3A_4595 = arith.cmpi eq, %and3A_4592, %eq3A_4594 : vector<256x128xi32>
    %and3A_4596 = arith.constant 16384 : i32
    %and3A_4597 = vector.broadcast %and3A_4596 : i32 to vector<256x128xi32>
    %and3A_4598 = arith.andi %add3A_10, %and3A_4597 : vector<256x128xi32>
    %eq3A_4599 = arith.constant 0 : i32
    %eq3A_4600 = vector.broadcast %eq3A_4599 : i32 to vector<256x128xi32>
    %eq3A_4601 = arith.cmpi eq, %and3A_4598, %eq3A_4600 : vector<256x128xi32>
    %eq3A_4602 = arith.xori %eq3A_4595, %eq3A_4601 : vector<256x128xi1>
    %eq3A_4603 = arith.constant dense<true> : vector<256x128xi1>
    %eq3A_4604 = arith.xori %eq3A_4602, %eq3A_4603 : vector<256x128xi1>
    %eq3A_4605 = arith.xori %or3A_4589, %eq3A_4604 : vector<256x128xi1>
    %eq3A_4606 = arith.constant dense<true> : vector<256x128xi1>
    %eq3A_4607 = arith.xori %eq3A_4605, %eq3A_4606 : vector<256x128xi1>
    %select_n3A_4608 = arith.select %eq3A_4607, %select_n3A_4559, %select_n3A_4572 : vector<256x128xi1>, vector<256x128xf32>
    %select_n3A_4609 = arith.select %eq3A_4607, %select_n3A_4560, %select_n3A_4584 : vector<256x128xi1>, vector<256x128xi32>
    %iota3A_4610 = tpu.iota {dimensions = array<i32: 1>} : vector<256x128xi32>
    %and3A_4611 = arith.constant 4 : i32
    %and3A_4612 = vector.broadcast %and3A_4611 : i32 to vector<256x128xi32>
    %and3A_4613 = arith.andi %iota3A_4610, %and3A_4612 : vector<256x128xi32>
    %eq3A_4614 = arith.constant 0 : i32
    %eq3A_4615 = vector.broadcast %eq3A_4614 : i32 to vector<256x128xi32>
    %eq3A_4616 = arith.cmpi eq, %and3A_4613, %eq3A_4615 : vector<256x128xi32>
    %roll3A_4617 = arith.constant 124 : i32
    %roll3A_4618 = tpu.dynamic_rotate %select_n3A_4608 by %roll3A_4617 dim 1 : vector<256x128xf32>, i32 -> vector<256x128xf32>
    %roll3A_4619 = arith.constant 4 : i32
    %roll3A_4620 = tpu.dynamic_rotate %select_n3A_4608 by %roll3A_4619 dim 1 : vector<256x128xf32>, i32 -> vector<256x128xf32>
    %select_n3A_4621 = arith.select %eq3A_4616, %roll3A_4618, %roll3A_4620 : vector<256x128xi1>, vector<256x128xf32>
    %iota3A_4622 = tpu.iota {dimensions = array<i32: 1>} : vector<256x128xi32>
    %and3A_4623 = arith.constant 4 : i32
    %and3A_4624 = vector.broadcast %and3A_4623 : i32 to vector<256x128xi32>
    %and3A_4625 = arith.andi %iota3A_4622, %and3A_4624 : vector<256x128xi32>
    %eq3A_4626 = arith.constant 0 : i32
    %eq3A_4627 = vector.broadcast %eq3A_4626 : i32 to vector<256x128xi32>
    %eq3A_4628 = arith.cmpi eq, %and3A_4625, %eq3A_4627 : vector<256x128xi32>
    %roll3A_4629 = arith.constant 124 : i32
    %roll3A_4630 = tpu.dynamic_rotate %select_n3A_4609 by %roll3A_4629 dim 1 : vector<256x128xi32>, i32 -> vector<256x128xi32>
    %roll3A_4631 = arith.constant 4 : i32
    %roll3A_4632 = tpu.dynamic_rotate %select_n3A_4609 by %roll3A_4631 dim 1 : vector<256x128xi32>, i32 -> vector<256x128xi32>
    %select_n3A_4633 = arith.select %eq3A_4628, %roll3A_4630, %roll3A_4632 : vector<256x128xi1>, vector<256x128xi32>
    %gt3A_4634 = arith.cmpf ogt, %select_n3A_4608, %select_n3A_4621 : vector<256x128xf32>
    %eq3A_4635 = arith.cmpf oeq, %select_n3A_4608, %select_n3A_4621 : vector<256x128xf32>
    %lt3A_4636 = arith.cmpi slt, %select_n3A_4609, %select_n3A_4633 : vector<256x128xi32>
    %and3A_4637 = arith.andi %eq3A_4635, %lt3A_4636 : vector<256x128xi1>
    %or3A_4638 = arith.ori %gt3A_4634, %and3A_4637 : vector<256x128xi1>
    %and3A_4639 = arith.constant 1024 : i32
    %and3A_4640 = vector.broadcast %and3A_4639 : i32 to vector<256x128xi32>
    %and3A_4641 = arith.andi %add3A_10, %and3A_4640 : vector<256x128xi32>
    %eq3A_4642 = arith.constant 0 : i32
    %eq3A_4643 = vector.broadcast %eq3A_4642 : i32 to vector<256x128xi32>
    %eq3A_4644 = arith.cmpi eq, %and3A_4641, %eq3A_4643 : vector<256x128xi32>
    %and3A_4645 = arith.constant 16384 : i32
    %and3A_4646 = vector.broadcast %and3A_4645 : i32 to vector<256x128xi32>
    %and3A_4647 = arith.andi %add3A_10, %and3A_4646 : vector<256x128xi32>
    %eq3A_4648 = arith.constant 0 : i32
    %eq3A_4649 = vector.broadcast %eq3A_4648 : i32 to vector<256x128xi32>
    %eq3A_4650 = arith.cmpi eq, %and3A_4647, %eq3A_4649 : vector<256x128xi32>
    %eq3A_4651 = arith.xori %eq3A_4644, %eq3A_4650 : vector<256x128xi1>
    %eq3A_4652 = arith.constant dense<true> : vector<256x128xi1>
    %eq3A_4653 = arith.xori %eq3A_4651, %eq3A_4652 : vector<256x128xi1>
    %eq3A_4654 = arith.xori %or3A_4638, %eq3A_4653 : vector<256x128xi1>
    %eq3A_4655 = arith.constant dense<true> : vector<256x128xi1>
    %eq3A_4656 = arith.xori %eq3A_4654, %eq3A_4655 : vector<256x128xi1>
    %select_n3A_4657 = arith.select %eq3A_4656, %select_n3A_4608, %select_n3A_4621 : vector<256x128xi1>, vector<256x128xf32>
    %select_n3A_4658 = arith.select %eq3A_4656, %select_n3A_4609, %select_n3A_4633 : vector<256x128xi1>, vector<256x128xi32>
    %iota3A_4659 = tpu.iota {dimensions = array<i32: 1>} : vector<256x128xi32>
    %and3A_4660 = arith.constant 2 : i32
    %and3A_4661 = vector.broadcast %and3A_4660 : i32 to vector<256x128xi32>
    %and3A_4662 = arith.andi %iota3A_4659, %and3A_4661 : vector<256x128xi32>
    %eq3A_4663 = arith.constant 0 : i32
    %eq3A_4664 = vector.broadcast %eq3A_4663 : i32 to vector<256x128xi32>
    %eq3A_4665 = arith.cmpi eq, %and3A_4662, %eq3A_4664 : vector<256x128xi32>
    %roll3A_4666 = arith.constant 126 : i32
    %roll3A_4667 = tpu.dynamic_rotate %select_n3A_4657 by %roll3A_4666 dim 1 : vector<256x128xf32>, i32 -> vector<256x128xf32>
    %roll3A_4668 = arith.constant 2 : i32
    %roll3A_4669 = tpu.dynamic_rotate %select_n3A_4657 by %roll3A_4668 dim 1 : vector<256x128xf32>, i32 -> vector<256x128xf32>
    %select_n3A_4670 = arith.select %eq3A_4665, %roll3A_4667, %roll3A_4669 : vector<256x128xi1>, vector<256x128xf32>
    %iota3A_4671 = tpu.iota {dimensions = array<i32: 1>} : vector<256x128xi32>
    %and3A_4672 = arith.constant 2 : i32
    %and3A_4673 = vector.broadcast %and3A_4672 : i32 to vector<256x128xi32>
    %and3A_4674 = arith.andi %iota3A_4671, %and3A_4673 : vector<256x128xi32>
    %eq3A_4675 = arith.constant 0 : i32
    %eq3A_4676 = vector.broadcast %eq3A_4675 : i32 to vector<256x128xi32>
    %eq3A_4677 = arith.cmpi eq, %and3A_4674, %eq3A_4676 : vector<256x128xi32>
    %roll3A_4678 = arith.constant 126 : i32
    %roll3A_4679 = tpu.dynamic_rotate %select_n3A_4658 by %roll3A_4678 dim 1 : vector<256x128xi32>, i32 -> vector<256x128xi32>
    %roll3A_4680 = arith.constant 2 : i32
    %roll3A_4681 = tpu.dynamic_rotate %select_n3A_4658 by %roll3A_4680 dim 1 : vector<256x128xi32>, i32 -> vector<256x128xi32>
    %select_n3A_4682 = arith.select %eq3A_4677, %roll3A_4679, %roll3A_4681 : vector<256x128xi1>, vector<256x128xi32>
    %gt3A_4683 = arith.cmpf ogt, %select_n3A_4657, %select_n3A_4670 : vector<256x128xf32>
    %eq3A_4684 = arith.cmpf oeq, %select_n3A_4657, %select_n3A_4670 : vector<256x128xf32>
    %lt3A_4685 = arith.cmpi slt, %select_n3A_4658, %select_n3A_4682 : vector<256x128xi32>
    %and3A_4686 = arith.andi %eq3A_4684, %lt3A_4685 : vector<256x128xi1>
    %or3A_4687 = arith.ori %gt3A_4683, %and3A_4686 : vector<256x128xi1>
    %and3A_4688 = arith.constant 512 : i32
    %and3A_4689 = vector.broadcast %and3A_4688 : i32 to vector<256x128xi32>
    %and3A_4690 = arith.andi %add3A_10, %and3A_4689 : vector<256x128xi32>
    %eq3A_4691 = arith.constant 0 : i32
    %eq3A_4692 = vector.broadcast %eq3A_4691 : i32 to vector<256x128xi32>
    %eq3A_4693 = arith.cmpi eq, %and3A_4690, %eq3A_4692 : vector<256x128xi32>
    %and3A_4694 = arith.constant 16384 : i32
    %and3A_4695 = vector.broadcast %and3A_4694 : i32 to vector<256x128xi32>
    %and3A_4696 = arith.andi %add3A_10, %and3A_4695 : vector<256x128xi32>
    %eq3A_4697 = arith.constant 0 : i32
    %eq3A_4698 = vector.broadcast %eq3A_4697 : i32 to vector<256x128xi32>
    %eq3A_4699 = arith.cmpi eq, %and3A_4696, %eq3A_4698 : vector<256x128xi32>
    %eq3A_4700 = arith.xori %eq3A_4693, %eq3A_4699 : vector<256x128xi1>
    %eq3A_4701 = arith.constant dense<true> : vector<256x128xi1>
    %eq3A_4702 = arith.xori %eq3A_4700, %eq3A_4701 : vector<256x128xi1>
    %eq3A_4703 = arith.xori %or3A_4687, %eq3A_4702 : vector<256x128xi1>
    %eq3A_4704 = arith.constant dense<true> : vector<256x128xi1>
    %eq3A_4705 = arith.xori %eq3A_4703, %eq3A_4704 : vector<256x128xi1>
    %select_n3A_4706 = arith.select %eq3A_4705, %select_n3A_4657, %select_n3A_4670 : vector<256x128xi1>, vector<256x128xf32>
    %select_n3A_4707 = arith.select %eq3A_4705, %select_n3A_4658, %select_n3A_4682 : vector<256x128xi1>, vector<256x128xi32>
    %iota3A_4708 = tpu.iota {dimensions = array<i32: 1>} : vector<256x128xi32>
    %and3A_4709 = arith.constant 1 : i32
    %and3A_4710 = vector.broadcast %and3A_4709 : i32 to vector<256x128xi32>
    %and3A_4711 = arith.andi %iota3A_4708, %and3A_4710 : vector<256x128xi32>
    %eq3A_4712 = arith.constant 0 : i32
    %eq3A_4713 = vector.broadcast %eq3A_4712 : i32 to vector<256x128xi32>
    %eq3A_4714 = arith.cmpi eq, %and3A_4711, %eq3A_4713 : vector<256x128xi32>
    %roll3A_4715 = arith.constant 127 : i32
    %roll3A_4716 = tpu.dynamic_rotate %select_n3A_4706 by %roll3A_4715 dim 1 : vector<256x128xf32>, i32 -> vector<256x128xf32>
    %roll3A_4717 = arith.constant 1 : i32
    %roll3A_4718 = tpu.dynamic_rotate %select_n3A_4706 by %roll3A_4717 dim 1 : vector<256x128xf32>, i32 -> vector<256x128xf32>
    %select_n3A_4719 = arith.select %eq3A_4714, %roll3A_4716, %roll3A_4718 : vector<256x128xi1>, vector<256x128xf32>
    %iota3A_4720 = tpu.iota {dimensions = array<i32: 1>} : vector<256x128xi32>
    %and3A_4721 = arith.constant 1 : i32
    %and3A_4722 = vector.broadcast %and3A_4721 : i32 to vector<256x128xi32>
    %and3A_4723 = arith.andi %iota3A_4720, %and3A_4722 : vector<256x128xi32>
    %eq3A_4724 = arith.constant 0 : i32
    %eq3A_4725 = vector.broadcast %eq3A_4724 : i32 to vector<256x128xi32>
    %eq3A_4726 = arith.cmpi eq, %and3A_4723, %eq3A_4725 : vector<256x128xi32>
    %roll3A_4727 = arith.constant 127 : i32
    %roll3A_4728 = tpu.dynamic_rotate %select_n3A_4707 by %roll3A_4727 dim 1 : vector<256x128xi32>, i32 -> vector<256x128xi32>
    %roll3A_4729 = arith.constant 1 : i32
    %roll3A_4730 = tpu.dynamic_rotate %select_n3A_4707 by %roll3A_4729 dim 1 : vector<256x128xi32>, i32 -> vector<256x128xi32>
    %select_n3A_4731 = arith.select %eq3A_4726, %roll3A_4728, %roll3A_4730 : vector<256x128xi1>, vector<256x128xi32>
    %gt3A_4732 = arith.cmpf ogt, %select_n3A_4706, %select_n3A_4719 : vector<256x128xf32>
    %eq3A_4733 = arith.cmpf oeq, %select_n3A_4706, %select_n3A_4719 : vector<256x128xf32>
    %lt3A_4734 = arith.cmpi slt, %select_n3A_4707, %select_n3A_4731 : vector<256x128xi32>
    %and3A_4735 = arith.andi %eq3A_4733, %lt3A_4734 : vector<256x128xi1>
    %or3A_4736 = arith.ori %gt3A_4732, %and3A_4735 : vector<256x128xi1>
    %and3A_4737 = arith.constant 256 : i32
    %and3A_4738 = vector.broadcast %and3A_4737 : i32 to vector<256x128xi32>
    %and3A_4739 = arith.andi %add3A_10, %and3A_4738 : vector<256x128xi32>
    %eq3A_4740 = arith.constant 0 : i32
    %eq3A_4741 = vector.broadcast %eq3A_4740 : i32 to vector<256x128xi32>
    %eq3A_4742 = arith.cmpi eq, %and3A_4739, %eq3A_4741 : vector<256x128xi32>
    %and3A_4743 = arith.constant 16384 : i32
    %and3A_4744 = vector.broadcast %and3A_4743 : i32 to vector<256x128xi32>
    %and3A_4745 = arith.andi %add3A_10, %and3A_4744 : vector<256x128xi32>
    %eq3A_4746 = arith.constant 0 : i32
    %eq3A_4747 = vector.broadcast %eq3A_4746 : i32 to vector<256x128xi32>
    %eq3A_4748 = arith.cmpi eq, %and3A_4745, %eq3A_4747 : vector<256x128xi32>
    %eq3A_4749 = arith.xori %eq3A_4742, %eq3A_4748 : vector<256x128xi1>
    %eq3A_4750 = arith.constant dense<true> : vector<256x128xi1>
    %eq3A_4751 = arith.xori %eq3A_4749, %eq3A_4750 : vector<256x128xi1>
    %eq3A_4752 = arith.xori %or3A_4736, %eq3A_4751 : vector<256x128xi1>
    %eq3A_4753 = arith.constant dense<true> : vector<256x128xi1>
    %eq3A_4754 = arith.xori %eq3A_4752, %eq3A_4753 : vector<256x128xi1>
    %select_n3A_4755 = arith.select %eq3A_4754, %select_n3A_4706, %select_n3A_4719 : vector<256x128xi1>, vector<256x128xf32>
    %select_n3A_4756 = arith.select %eq3A_4754, %select_n3A_4707, %select_n3A_4731 : vector<256x128xi1>, vector<256x128xi32>
    %iota3A_4757 = tpu.iota {dimensions = array<i32: 0>} : vector<256x128xi32>
    %and3A_4758 = arith.constant 128 : i32
    %and3A_4759 = vector.broadcast %and3A_4758 : i32 to vector<256x128xi32>
    %and3A_4760 = arith.andi %iota3A_4757, %and3A_4759 : vector<256x128xi32>
    %eq3A_4761 = arith.constant 0 : i32
    %eq3A_4762 = vector.broadcast %eq3A_4761 : i32 to vector<256x128xi32>
    %eq3A_4763 = arith.cmpi eq, %and3A_4760, %eq3A_4762 : vector<256x128xi32>
    %roll3A_4764 = arith.constant 128 : i32
    %roll3A_4765 = tpu.dynamic_rotate %select_n3A_4755 by %roll3A_4764 dim 0 : vector<256x128xf32>, i32 -> vector<256x128xf32>
    %roll3A_4766 = arith.constant 128 : i32
    %roll3A_4767 = tpu.dynamic_rotate %select_n3A_4755 by %roll3A_4766 dim 0 : vector<256x128xf32>, i32 -> vector<256x128xf32>
    %select_n3A_4768 = arith.select %eq3A_4763, %roll3A_4765, %roll3A_4767 : vector<256x128xi1>, vector<256x128xf32>
    %iota3A_4769 = tpu.iota {dimensions = array<i32: 0>} : vector<256x128xi32>
    %and3A_4770 = arith.constant 128 : i32
    %and3A_4771 = vector.broadcast %and3A_4770 : i32 to vector<256x128xi32>
    %and3A_4772 = arith.andi %iota3A_4769, %and3A_4771 : vector<256x128xi32>
    %eq3A_4773 = arith.constant 0 : i32
    %eq3A_4774 = vector.broadcast %eq3A_4773 : i32 to vector<256x128xi32>
    %eq3A_4775 = arith.cmpi eq, %and3A_4772, %eq3A_4774 : vector<256x128xi32>
    %roll3A_4776 = arith.constant 128 : i32
    %roll3A_4777 = tpu.dynamic_rotate %select_n3A_4756 by %roll3A_4776 dim 0 : vector<256x128xi32>, i32 -> vector<256x128xi32>
    %roll3A_4778 = arith.constant 128 : i32
    %roll3A_4779 = tpu.dynamic_rotate %select_n3A_4756 by %roll3A_4778 dim 0 : vector<256x128xi32>, i32 -> vector<256x128xi32>
    %select_n3A_4780 = arith.select %eq3A_4775, %roll3A_4777, %roll3A_4779 : vector<256x128xi1>, vector<256x128xi32>
    %gt3A_4781 = arith.cmpf ogt, %select_n3A_4755, %select_n3A_4768 : vector<256x128xf32>
    %eq3A_4782 = arith.cmpf oeq, %select_n3A_4755, %select_n3A_4768 : vector<256x128xf32>
    %lt3A_4783 = arith.cmpi slt, %select_n3A_4756, %select_n3A_4780 : vector<256x128xi32>
    %and3A_4784 = arith.andi %eq3A_4782, %lt3A_4783 : vector<256x128xi1>
    %or3A_4785 = arith.ori %gt3A_4781, %and3A_4784 : vector<256x128xi1>
    %and3A_4786 = arith.constant 128 : i32
    %and3A_4787 = vector.broadcast %and3A_4786 : i32 to vector<256x128xi32>
    %and3A_4788 = arith.andi %add3A_10, %and3A_4787 : vector<256x128xi32>
    %eq3A_4789 = arith.constant 0 : i32
    %eq3A_4790 = vector.broadcast %eq3A_4789 : i32 to vector<256x128xi32>
    %eq3A_4791 = arith.cmpi eq, %and3A_4788, %eq3A_4790 : vector<256x128xi32>
    %and3A_4792 = arith.constant 16384 : i32
    %and3A_4793 = vector.broadcast %and3A_4792 : i32 to vector<256x128xi32>
    %and3A_4794 = arith.andi %add3A_10, %and3A_4793 : vector<256x128xi32>
    %eq3A_4795 = arith.constant 0 : i32
    %eq3A_4796 = vector.broadcast %eq3A_4795 : i32 to vector<256x128xi32>
    %eq3A_4797 = arith.cmpi eq, %and3A_4794, %eq3A_4796 : vector<256x128xi32>
    %eq3A_4798 = arith.xori %eq3A_4791, %eq3A_4797 : vector<256x128xi1>
    %eq3A_4799 = arith.constant dense<true> : vector<256x128xi1>
    %eq3A_4800 = arith.xori %eq3A_4798, %eq3A_4799 : vector<256x128xi1>
    %eq3A_4801 = arith.xori %or3A_4785, %eq3A_4800 : vector<256x128xi1>
    %eq3A_4802 = arith.constant dense<true> : vector<256x128xi1>
    %eq3A_4803 = arith.xori %eq3A_4801, %eq3A_4802 : vector<256x128xi1>
    %select_n3A_4804 = arith.select %eq3A_4803, %select_n3A_4755, %select_n3A_4768 : vector<256x128xi1>, vector<256x128xf32>
    %select_n3A_4805 = arith.select %eq3A_4803, %select_n3A_4756, %select_n3A_4780 : vector<256x128xi1>, vector<256x128xi32>
    %iota3A_4806 = tpu.iota {dimensions = array<i32: 0>} : vector<256x128xi32>
    %and3A_4807 = arith.constant 64 : i32
    %and3A_4808 = vector.broadcast %and3A_4807 : i32 to vector<256x128xi32>
    %and3A_4809 = arith.andi %iota3A_4806, %and3A_4808 : vector<256x128xi32>
    %eq3A_4810 = arith.constant 0 : i32
    %eq3A_4811 = vector.broadcast %eq3A_4810 : i32 to vector<256x128xi32>
    %eq3A_4812 = arith.cmpi eq, %and3A_4809, %eq3A_4811 : vector<256x128xi32>
    %roll3A_4813 = arith.constant 192 : i32
    %roll3A_4814 = tpu.dynamic_rotate %select_n3A_4804 by %roll3A_4813 dim 0 : vector<256x128xf32>, i32 -> vector<256x128xf32>
    %roll3A_4815 = arith.constant 64 : i32
    %roll3A_4816 = tpu.dynamic_rotate %select_n3A_4804 by %roll3A_4815 dim 0 : vector<256x128xf32>, i32 -> vector<256x128xf32>
    %select_n3A_4817 = arith.select %eq3A_4812, %roll3A_4814, %roll3A_4816 : vector<256x128xi1>, vector<256x128xf32>
    %iota3A_4818 = tpu.iota {dimensions = array<i32: 0>} : vector<256x128xi32>
    %and3A_4819 = arith.constant 64 : i32
    %and3A_4820 = vector.broadcast %and3A_4819 : i32 to vector<256x128xi32>
    %and3A_4821 = arith.andi %iota3A_4818, %and3A_4820 : vector<256x128xi32>
    %eq3A_4822 = arith.constant 0 : i32
    %eq3A_4823 = vector.broadcast %eq3A_4822 : i32 to vector<256x128xi32>
    %eq3A_4824 = arith.cmpi eq, %and3A_4821, %eq3A_4823 : vector<256x128xi32>
    %roll3A_4825 = arith.constant 192 : i32
    %roll3A_4826 = tpu.dynamic_rotate %select_n3A_4805 by %roll3A_4825 dim 0 : vector<256x128xi32>, i32 -> vector<256x128xi32>
    %roll3A_4827 = arith.constant 64 : i32
    %roll3A_4828 = tpu.dynamic_rotate %select_n3A_4805 by %roll3A_4827 dim 0 : vector<256x128xi32>, i32 -> vector<256x128xi32>
    %select_n3A_4829 = arith.select %eq3A_4824, %roll3A_4826, %roll3A_4828 : vector<256x128xi1>, vector<256x128xi32>
    %gt3A_4830 = arith.cmpf ogt, %select_n3A_4804, %select_n3A_4817 : vector<256x128xf32>
    %eq3A_4831 = arith.cmpf oeq, %select_n3A_4804, %select_n3A_4817 : vector<256x128xf32>
    %lt3A_4832 = arith.cmpi slt, %select_n3A_4805, %select_n3A_4829 : vector<256x128xi32>
    %and3A_4833 = arith.andi %eq3A_4831, %lt3A_4832 : vector<256x128xi1>
    %or3A_4834 = arith.ori %gt3A_4830, %and3A_4833 : vector<256x128xi1>
    %and3A_4835 = arith.constant 64 : i32
    %and3A_4836 = vector.broadcast %and3A_4835 : i32 to vector<256x128xi32>
    %and3A_4837 = arith.andi %add3A_10, %and3A_4836 : vector<256x128xi32>
    %eq3A_4838 = arith.constant 0 : i32
    %eq3A_4839 = vector.broadcast %eq3A_4838 : i32 to vector<256x128xi32>
    %eq3A_4840 = arith.cmpi eq, %and3A_4837, %eq3A_4839 : vector<256x128xi32>
    %and3A_4841 = arith.constant 16384 : i32
    %and3A_4842 = vector.broadcast %and3A_4841 : i32 to vector<256x128xi32>
    %and3A_4843 = arith.andi %add3A_10, %and3A_4842 : vector<256x128xi32>
    %eq3A_4844 = arith.constant 0 : i32
    %eq3A_4845 = vector.broadcast %eq3A_4844 : i32 to vector<256x128xi32>
    %eq3A_4846 = arith.cmpi eq, %and3A_4843, %eq3A_4845 : vector<256x128xi32>
    %eq3A_4847 = arith.xori %eq3A_4840, %eq3A_4846 : vector<256x128xi1>
    %eq3A_4848 = arith.constant dense<true> : vector<256x128xi1>
    %eq3A_4849 = arith.xori %eq3A_4847, %eq3A_4848 : vector<256x128xi1>
    %eq3A_4850 = arith.xori %or3A_4834, %eq3A_4849 : vector<256x128xi1>
    %eq3A_4851 = arith.constant dense<true> : vector<256x128xi1>
    %eq3A_4852 = arith.xori %eq3A_4850, %eq3A_4851 : vector<256x128xi1>
    %select_n3A_4853 = arith.select %eq3A_4852, %select_n3A_4804, %select_n3A_4817 : vector<256x128xi1>, vector<256x128xf32>
    %select_n3A_4854 = arith.select %eq3A_4852, %select_n3A_4805, %select_n3A_4829 : vector<256x128xi1>, vector<256x128xi32>
    %iota3A_4855 = tpu.iota {dimensions = array<i32: 0>} : vector<256x128xi32>
    %and3A_4856 = arith.constant 32 : i32
    %and3A_4857 = vector.broadcast %and3A_4856 : i32 to vector<256x128xi32>
    %and3A_4858 = arith.andi %iota3A_4855, %and3A_4857 : vector<256x128xi32>
    %eq3A_4859 = arith.constant 0 : i32
    %eq3A_4860 = vector.broadcast %eq3A_4859 : i32 to vector<256x128xi32>
    %eq3A_4861 = arith.cmpi eq, %and3A_4858, %eq3A_4860 : vector<256x128xi32>
    %roll3A_4862 = arith.constant 224 : i32
    %roll3A_4863 = tpu.dynamic_rotate %select_n3A_4853 by %roll3A_4862 dim 0 : vector<256x128xf32>, i32 -> vector<256x128xf32>
    %roll3A_4864 = arith.constant 32 : i32
    %roll3A_4865 = tpu.dynamic_rotate %select_n3A_4853 by %roll3A_4864 dim 0 : vector<256x128xf32>, i32 -> vector<256x128xf32>
    %select_n3A_4866 = arith.select %eq3A_4861, %roll3A_4863, %roll3A_4865 : vector<256x128xi1>, vector<256x128xf32>
    %iota3A_4867 = tpu.iota {dimensions = array<i32: 0>} : vector<256x128xi32>
    %and3A_4868 = arith.constant 32 : i32
    %and3A_4869 = vector.broadcast %and3A_4868 : i32 to vector<256x128xi32>
    %and3A_4870 = arith.andi %iota3A_4867, %and3A_4869 : vector<256x128xi32>
    %eq3A_4871 = arith.constant 0 : i32
    %eq3A_4872 = vector.broadcast %eq3A_4871 : i32 to vector<256x128xi32>
    %eq3A_4873 = arith.cmpi eq, %and3A_4870, %eq3A_4872 : vector<256x128xi32>
    %roll3A_4874 = arith.constant 224 : i32
    %roll3A_4875 = tpu.dynamic_rotate %select_n3A_4854 by %roll3A_4874 dim 0 : vector<256x128xi32>, i32 -> vector<256x128xi32>
    %roll3A_4876 = arith.constant 32 : i32
    %roll3A_4877 = tpu.dynamic_rotate %select_n3A_4854 by %roll3A_4876 dim 0 : vector<256x128xi32>, i32 -> vector<256x128xi32>
    %select_n3A_4878 = arith.select %eq3A_4873, %roll3A_4875, %roll3A_4877 : vector<256x128xi1>, vector<256x128xi32>
    %gt3A_4879 = arith.cmpf ogt, %select_n3A_4853, %select_n3A_4866 : vector<256x128xf32>
    %eq3A_4880 = arith.cmpf oeq, %select_n3A_4853, %select_n3A_4866 : vector<256x128xf32>
    %lt3A_4881 = arith.cmpi slt, %select_n3A_4854, %select_n3A_4878 : vector<256x128xi32>
    %and3A_4882 = arith.andi %eq3A_4880, %lt3A_4881 : vector<256x128xi1>
    %or3A_4883 = arith.ori %gt3A_4879, %and3A_4882 : vector<256x128xi1>
    %and3A_4884 = arith.constant 32 : i32
    %and3A_4885 = vector.broadcast %and3A_4884 : i32 to vector<256x128xi32>
    %and3A_4886 = arith.andi %add3A_10, %and3A_4885 : vector<256x128xi32>
    %eq3A_4887 = arith.constant 0 : i32
    %eq3A_4888 = vector.broadcast %eq3A_4887 : i32 to vector<256x128xi32>
    %eq3A_4889 = arith.cmpi eq, %and3A_4886, %eq3A_4888 : vector<256x128xi32>
    %and3A_4890 = arith.constant 16384 : i32
    %and3A_4891 = vector.broadcast %and3A_4890 : i32 to vector<256x128xi32>
    %and3A_4892 = arith.andi %add3A_10, %and3A_4891 : vector<256x128xi32>
    %eq3A_4893 = arith.constant 0 : i32
    %eq3A_4894 = vector.broadcast %eq3A_4893 : i32 to vector<256x128xi32>
    %eq3A_4895 = arith.cmpi eq, %and3A_4892, %eq3A_4894 : vector<256x128xi32>
    %eq3A_4896 = arith.xori %eq3A_4889, %eq3A_4895 : vector<256x128xi1>
    %eq3A_4897 = arith.constant dense<true> : vector<256x128xi1>
    %eq3A_4898 = arith.xori %eq3A_4896, %eq3A_4897 : vector<256x128xi1>
    %eq3A_4899 = arith.xori %or3A_4883, %eq3A_4898 : vector<256x128xi1>
    %eq3A_4900 = arith.constant dense<true> : vector<256x128xi1>
    %eq3A_4901 = arith.xori %eq3A_4899, %eq3A_4900 : vector<256x128xi1>
    %select_n3A_4902 = arith.select %eq3A_4901, %select_n3A_4853, %select_n3A_4866 : vector<256x128xi1>, vector<256x128xf32>
    %select_n3A_4903 = arith.select %eq3A_4901, %select_n3A_4854, %select_n3A_4878 : vector<256x128xi1>, vector<256x128xi32>
    %iota3A_4904 = tpu.iota {dimensions = array<i32: 0>} : vector<256x128xi32>
    %and3A_4905 = arith.constant 16 : i32
    %and3A_4906 = vector.broadcast %and3A_4905 : i32 to vector<256x128xi32>
    %and3A_4907 = arith.andi %iota3A_4904, %and3A_4906 : vector<256x128xi32>
    %eq3A_4908 = arith.constant 0 : i32
    %eq3A_4909 = vector.broadcast %eq3A_4908 : i32 to vector<256x128xi32>
    %eq3A_4910 = arith.cmpi eq, %and3A_4907, %eq3A_4909 : vector<256x128xi32>
    %roll3A_4911 = arith.constant 240 : i32
    %roll3A_4912 = tpu.dynamic_rotate %select_n3A_4902 by %roll3A_4911 dim 0 : vector<256x128xf32>, i32 -> vector<256x128xf32>
    %roll3A_4913 = arith.constant 16 : i32
    %roll3A_4914 = tpu.dynamic_rotate %select_n3A_4902 by %roll3A_4913 dim 0 : vector<256x128xf32>, i32 -> vector<256x128xf32>
    %select_n3A_4915 = arith.select %eq3A_4910, %roll3A_4912, %roll3A_4914 : vector<256x128xi1>, vector<256x128xf32>
    %iota3A_4916 = tpu.iota {dimensions = array<i32: 0>} : vector<256x128xi32>
    %and3A_4917 = arith.constant 16 : i32
    %and3A_4918 = vector.broadcast %and3A_4917 : i32 to vector<256x128xi32>
    %and3A_4919 = arith.andi %iota3A_4916, %and3A_4918 : vector<256x128xi32>
    %eq3A_4920 = arith.constant 0 : i32
    %eq3A_4921 = vector.broadcast %eq3A_4920 : i32 to vector<256x128xi32>
    %eq3A_4922 = arith.cmpi eq, %and3A_4919, %eq3A_4921 : vector<256x128xi32>
    %roll3A_4923 = arith.constant 240 : i32
    %roll3A_4924 = tpu.dynamic_rotate %select_n3A_4903 by %roll3A_4923 dim 0 : vector<256x128xi32>, i32 -> vector<256x128xi32>
    %roll3A_4925 = arith.constant 16 : i32
    %roll3A_4926 = tpu.dynamic_rotate %select_n3A_4903 by %roll3A_4925 dim 0 : vector<256x128xi32>, i32 -> vector<256x128xi32>
    %select_n3A_4927 = arith.select %eq3A_4922, %roll3A_4924, %roll3A_4926 : vector<256x128xi1>, vector<256x128xi32>
    %gt3A_4928 = arith.cmpf ogt, %select_n3A_4902, %select_n3A_4915 : vector<256x128xf32>
    %eq3A_4929 = arith.cmpf oeq, %select_n3A_4902, %select_n3A_4915 : vector<256x128xf32>
    %lt3A_4930 = arith.cmpi slt, %select_n3A_4903, %select_n3A_4927 : vector<256x128xi32>
    %and3A_4931 = arith.andi %eq3A_4929, %lt3A_4930 : vector<256x128xi1>
    %or3A_4932 = arith.ori %gt3A_4928, %and3A_4931 : vector<256x128xi1>
    %and3A_4933 = arith.constant 16 : i32
    %and3A_4934 = vector.broadcast %and3A_4933 : i32 to vector<256x128xi32>
    %and3A_4935 = arith.andi %add3A_10, %and3A_4934 : vector<256x128xi32>
    %eq3A_4936 = arith.constant 0 : i32
    %eq3A_4937 = vector.broadcast %eq3A_4936 : i32 to vector<256x128xi32>
    %eq3A_4938 = arith.cmpi eq, %and3A_4935, %eq3A_4937 : vector<256x128xi32>
    %and3A_4939 = arith.constant 16384 : i32
    %and3A_4940 = vector.broadcast %and3A_4939 : i32 to vector<256x128xi32>
    %and3A_4941 = arith.andi %add3A_10, %and3A_4940 : vector<256x128xi32>
    %eq3A_4942 = arith.constant 0 : i32
    %eq3A_4943 = vector.broadcast %eq3A_4942 : i32 to vector<256x128xi32>
    %eq3A_4944 = arith.cmpi eq, %and3A_4941, %eq3A_4943 : vector<256x128xi32>
    %eq3A_4945 = arith.xori %eq3A_4938, %eq3A_4944 : vector<256x128xi1>
    %eq3A_4946 = arith.constant dense<true> : vector<256x128xi1>
    %eq3A_4947 = arith.xori %eq3A_4945, %eq3A_4946 : vector<256x128xi1>
    %eq3A_4948 = arith.xori %or3A_4932, %eq3A_4947 : vector<256x128xi1>
    %eq3A_4949 = arith.constant dense<true> : vector<256x128xi1>
    %eq3A_4950 = arith.xori %eq3A_4948, %eq3A_4949 : vector<256x128xi1>
    %select_n3A_4951 = arith.select %eq3A_4950, %select_n3A_4902, %select_n3A_4915 : vector<256x128xi1>, vector<256x128xf32>
    %select_n3A_4952 = arith.select %eq3A_4950, %select_n3A_4903, %select_n3A_4927 : vector<256x128xi1>, vector<256x128xi32>
    %iota3A_4953 = tpu.iota {dimensions = array<i32: 0>} : vector<256x128xi32>
    %and3A_4954 = arith.constant 8 : i32
    %and3A_4955 = vector.broadcast %and3A_4954 : i32 to vector<256x128xi32>
    %and3A_4956 = arith.andi %iota3A_4953, %and3A_4955 : vector<256x128xi32>
    %eq3A_4957 = arith.constant 0 : i32
    %eq3A_4958 = vector.broadcast %eq3A_4957 : i32 to vector<256x128xi32>
    %eq3A_4959 = arith.cmpi eq, %and3A_4956, %eq3A_4958 : vector<256x128xi32>
    %roll3A_4960 = arith.constant 248 : i32
    %roll3A_4961 = tpu.dynamic_rotate %select_n3A_4951 by %roll3A_4960 dim 0 : vector<256x128xf32>, i32 -> vector<256x128xf32>
    %roll3A_4962 = arith.constant 8 : i32
    %roll3A_4963 = tpu.dynamic_rotate %select_n3A_4951 by %roll3A_4962 dim 0 : vector<256x128xf32>, i32 -> vector<256x128xf32>
    %select_n3A_4964 = arith.select %eq3A_4959, %roll3A_4961, %roll3A_4963 : vector<256x128xi1>, vector<256x128xf32>
    %iota3A_4965 = tpu.iota {dimensions = array<i32: 0>} : vector<256x128xi32>
    %and3A_4966 = arith.constant 8 : i32
    %and3A_4967 = vector.broadcast %and3A_4966 : i32 to vector<256x128xi32>
    %and3A_4968 = arith.andi %iota3A_4965, %and3A_4967 : vector<256x128xi32>
    %eq3A_4969 = arith.constant 0 : i32
    %eq3A_4970 = vector.broadcast %eq3A_4969 : i32 to vector<256x128xi32>
    %eq3A_4971 = arith.cmpi eq, %and3A_4968, %eq3A_4970 : vector<256x128xi32>
    %roll3A_4972 = arith.constant 248 : i32
    %roll3A_4973 = tpu.dynamic_rotate %select_n3A_4952 by %roll3A_4972 dim 0 : vector<256x128xi32>, i32 -> vector<256x128xi32>
    %roll3A_4974 = arith.constant 8 : i32
    %roll3A_4975 = tpu.dynamic_rotate %select_n3A_4952 by %roll3A_4974 dim 0 : vector<256x128xi32>, i32 -> vector<256x128xi32>
    %select_n3A_4976 = arith.select %eq3A_4971, %roll3A_4973, %roll3A_4975 : vector<256x128xi1>, vector<256x128xi32>
    %gt3A_4977 = arith.cmpf ogt, %select_n3A_4951, %select_n3A_4964 : vector<256x128xf32>
    %eq3A_4978 = arith.cmpf oeq, %select_n3A_4951, %select_n3A_4964 : vector<256x128xf32>
    %lt3A_4979 = arith.cmpi slt, %select_n3A_4952, %select_n3A_4976 : vector<256x128xi32>
    %and3A_4980 = arith.andi %eq3A_4978, %lt3A_4979 : vector<256x128xi1>
    %or3A_4981 = arith.ori %gt3A_4977, %and3A_4980 : vector<256x128xi1>
    %and3A_4982 = arith.constant 8 : i32
    %and3A_4983 = vector.broadcast %and3A_4982 : i32 to vector<256x128xi32>
    %and3A_4984 = arith.andi %add3A_10, %and3A_4983 : vector<256x128xi32>
    %eq3A_4985 = arith.constant 0 : i32
    %eq3A_4986 = vector.broadcast %eq3A_4985 : i32 to vector<256x128xi32>
    %eq3A_4987 = arith.cmpi eq, %and3A_4984, %eq3A_4986 : vector<256x128xi32>
    %and3A_4988 = arith.constant 16384 : i32
    %and3A_4989 = vector.broadcast %and3A_4988 : i32 to vector<256x128xi32>
    %and3A_4990 = arith.andi %add3A_10, %and3A_4989 : vector<256x128xi32>
    %eq3A_4991 = arith.constant 0 : i32
    %eq3A_4992 = vector.broadcast %eq3A_4991 : i32 to vector<256x128xi32>
    %eq3A_4993 = arith.cmpi eq, %and3A_4990, %eq3A_4992 : vector<256x128xi32>
    %eq3A_4994 = arith.xori %eq3A_4987, %eq3A_4993 : vector<256x128xi1>
    %eq3A_4995 = arith.constant dense<true> : vector<256x128xi1>
    %eq3A_4996 = arith.xori %eq3A_4994, %eq3A_4995 : vector<256x128xi1>
    %eq3A_4997 = arith.xori %or3A_4981, %eq3A_4996 : vector<256x128xi1>
    %eq3A_4998 = arith.constant dense<true> : vector<256x128xi1>
    %eq3A_4999 = arith.xori %eq3A_4997, %eq3A_4998 : vector<256x128xi1>
    %select_n3A_5000 = arith.select %eq3A_4999, %select_n3A_4951, %select_n3A_4964 : vector<256x128xi1>, vector<256x128xf32>
    %select_n3A_5001 = arith.select %eq3A_4999, %select_n3A_4952, %select_n3A_4976 : vector<256x128xi1>, vector<256x128xi32>
    %iota3A_5002 = tpu.iota {dimensions = array<i32: 0>} : vector<256x128xi32>
    %and3A_5003 = arith.constant 4 : i32
    %and3A_5004 = vector.broadcast %and3A_5003 : i32 to vector<256x128xi32>
    %and3A_5005 = arith.andi %iota3A_5002, %and3A_5004 : vector<256x128xi32>
    %eq3A_5006 = arith.constant 0 : i32
    %eq3A_5007 = vector.broadcast %eq3A_5006 : i32 to vector<256x128xi32>
    %eq3A_5008 = arith.cmpi eq, %and3A_5005, %eq3A_5007 : vector<256x128xi32>
    %roll3A_5009 = arith.constant 252 : i32
    %roll3A_5010 = tpu.dynamic_rotate %select_n3A_5000 by %roll3A_5009 dim 0 : vector<256x128xf32>, i32 -> vector<256x128xf32>
    %roll3A_5011 = arith.constant 4 : i32
    %roll3A_5012 = tpu.dynamic_rotate %select_n3A_5000 by %roll3A_5011 dim 0 : vector<256x128xf32>, i32 -> vector<256x128xf32>
    %select_n3A_5013 = arith.select %eq3A_5008, %roll3A_5010, %roll3A_5012 : vector<256x128xi1>, vector<256x128xf32>
    %iota3A_5014 = tpu.iota {dimensions = array<i32: 0>} : vector<256x128xi32>
    %and3A_5015 = arith.constant 4 : i32
    %and3A_5016 = vector.broadcast %and3A_5015 : i32 to vector<256x128xi32>
    %and3A_5017 = arith.andi %iota3A_5014, %and3A_5016 : vector<256x128xi32>
    %eq3A_5018 = arith.constant 0 : i32
    %eq3A_5019 = vector.broadcast %eq3A_5018 : i32 to vector<256x128xi32>
    %eq3A_5020 = arith.cmpi eq, %and3A_5017, %eq3A_5019 : vector<256x128xi32>
    %roll3A_5021 = arith.constant 252 : i32
    %roll3A_5022 = tpu.dynamic_rotate %select_n3A_5001 by %roll3A_5021 dim 0 : vector<256x128xi32>, i32 -> vector<256x128xi32>
    %roll3A_5023 = arith.constant 4 : i32
    %roll3A_5024 = tpu.dynamic_rotate %select_n3A_5001 by %roll3A_5023 dim 0 : vector<256x128xi32>, i32 -> vector<256x128xi32>
    %select_n3A_5025 = arith.select %eq3A_5020, %roll3A_5022, %roll3A_5024 : vector<256x128xi1>, vector<256x128xi32>
    %gt3A_5026 = arith.cmpf ogt, %select_n3A_5000, %select_n3A_5013 : vector<256x128xf32>
    %eq3A_5027 = arith.cmpf oeq, %select_n3A_5000, %select_n3A_5013 : vector<256x128xf32>
    %lt3A_5028 = arith.cmpi slt, %select_n3A_5001, %select_n3A_5025 : vector<256x128xi32>
    %and3A_5029 = arith.andi %eq3A_5027, %lt3A_5028 : vector<256x128xi1>
    %or3A_5030 = arith.ori %gt3A_5026, %and3A_5029 : vector<256x128xi1>
    %and3A_5031 = arith.constant 4 : i32
    %and3A_5032 = vector.broadcast %and3A_5031 : i32 to vector<256x128xi32>
    %and3A_5033 = arith.andi %add3A_10, %and3A_5032 : vector<256x128xi32>
    %eq3A_5034 = arith.constant 0 : i32
    %eq3A_5035 = vector.broadcast %eq3A_5034 : i32 to vector<256x128xi32>
    %eq3A_5036 = arith.cmpi eq, %and3A_5033, %eq3A_5035 : vector<256x128xi32>
    %and3A_5037 = arith.constant 16384 : i32
    %and3A_5038 = vector.broadcast %and3A_5037 : i32 to vector<256x128xi32>
    %and3A_5039 = arith.andi %add3A_10, %and3A_5038 : vector<256x128xi32>
    %eq3A_5040 = arith.constant 0 : i32
    %eq3A_5041 = vector.broadcast %eq3A_5040 : i32 to vector<256x128xi32>
    %eq3A_5042 = arith.cmpi eq, %and3A_5039, %eq3A_5041 : vector<256x128xi32>
    %eq3A_5043 = arith.xori %eq3A_5036, %eq3A_5042 : vector<256x128xi1>
    %eq3A_5044 = arith.constant dense<true> : vector<256x128xi1>
    %eq3A_5045 = arith.xori %eq3A_5043, %eq3A_5044 : vector<256x128xi1>
    %eq3A_5046 = arith.xori %or3A_5030, %eq3A_5045 : vector<256x128xi1>
    %eq3A_5047 = arith.constant dense<true> : vector<256x128xi1>
    %eq3A_5048 = arith.xori %eq3A_5046, %eq3A_5047 : vector<256x128xi1>
    %select_n3A_5049 = arith.select %eq3A_5048, %select_n3A_5000, %select_n3A_5013 : vector<256x128xi1>, vector<256x128xf32>
    %select_n3A_5050 = arith.select %eq3A_5048, %select_n3A_5001, %select_n3A_5025 : vector<256x128xi1>, vector<256x128xi32>
    %iota3A_5051 = tpu.iota {dimensions = array<i32: 0>} : vector<256x128xi32>
    %and3A_5052 = arith.constant 2 : i32
    %and3A_5053 = vector.broadcast %and3A_5052 : i32 to vector<256x128xi32>
    %and3A_5054 = arith.andi %iota3A_5051, %and3A_5053 : vector<256x128xi32>
    %eq3A_5055 = arith.constant 0 : i32
    %eq3A_5056 = vector.broadcast %eq3A_5055 : i32 to vector<256x128xi32>
    %eq3A_5057 = arith.cmpi eq, %and3A_5054, %eq3A_5056 : vector<256x128xi32>
    %roll3A_5058 = arith.constant 254 : i32
    %roll3A_5059 = tpu.dynamic_rotate %select_n3A_5049 by %roll3A_5058 dim 0 : vector<256x128xf32>, i32 -> vector<256x128xf32>
    %roll3A_5060 = arith.constant 2 : i32
    %roll3A_5061 = tpu.dynamic_rotate %select_n3A_5049 by %roll3A_5060 dim 0 : vector<256x128xf32>, i32 -> vector<256x128xf32>
    %select_n3A_5062 = arith.select %eq3A_5057, %roll3A_5059, %roll3A_5061 : vector<256x128xi1>, vector<256x128xf32>
    %iota3A_5063 = tpu.iota {dimensions = array<i32: 0>} : vector<256x128xi32>
    %and3A_5064 = arith.constant 2 : i32
    %and3A_5065 = vector.broadcast %and3A_5064 : i32 to vector<256x128xi32>
    %and3A_5066 = arith.andi %iota3A_5063, %and3A_5065 : vector<256x128xi32>
    %eq3A_5067 = arith.constant 0 : i32
    %eq3A_5068 = vector.broadcast %eq3A_5067 : i32 to vector<256x128xi32>
    %eq3A_5069 = arith.cmpi eq, %and3A_5066, %eq3A_5068 : vector<256x128xi32>
    %roll3A_5070 = arith.constant 254 : i32
    %roll3A_5071 = tpu.dynamic_rotate %select_n3A_5050 by %roll3A_5070 dim 0 : vector<256x128xi32>, i32 -> vector<256x128xi32>
    %roll3A_5072 = arith.constant 2 : i32
    %roll3A_5073 = tpu.dynamic_rotate %select_n3A_5050 by %roll3A_5072 dim 0 : vector<256x128xi32>, i32 -> vector<256x128xi32>
    %select_n3A_5074 = arith.select %eq3A_5069, %roll3A_5071, %roll3A_5073 : vector<256x128xi1>, vector<256x128xi32>
    %gt3A_5075 = arith.cmpf ogt, %select_n3A_5049, %select_n3A_5062 : vector<256x128xf32>
    %eq3A_5076 = arith.cmpf oeq, %select_n3A_5049, %select_n3A_5062 : vector<256x128xf32>
    %lt3A_5077 = arith.cmpi slt, %select_n3A_5050, %select_n3A_5074 : vector<256x128xi32>
    %and3A_5078 = arith.andi %eq3A_5076, %lt3A_5077 : vector<256x128xi1>
    %or3A_5079 = arith.ori %gt3A_5075, %and3A_5078 : vector<256x128xi1>
    %and3A_5080 = arith.constant 2 : i32
    %and3A_5081 = vector.broadcast %and3A_5080 : i32 to vector<256x128xi32>
    %and3A_5082 = arith.andi %add3A_10, %and3A_5081 : vector<256x128xi32>
    %eq3A_5083 = arith.constant 0 : i32
    %eq3A_5084 = vector.broadcast %eq3A_5083 : i32 to vector<256x128xi32>
    %eq3A_5085 = arith.cmpi eq, %and3A_5082, %eq3A_5084 : vector<256x128xi32>
    %and3A_5086 = arith.constant 16384 : i32
    %and3A_5087 = vector.broadcast %and3A_5086 : i32 to vector<256x128xi32>
    %and3A_5088 = arith.andi %add3A_10, %and3A_5087 : vector<256x128xi32>
    %eq3A_5089 = arith.constant 0 : i32
    %eq3A_5090 = vector.broadcast %eq3A_5089 : i32 to vector<256x128xi32>
    %eq3A_5091 = arith.cmpi eq, %and3A_5088, %eq3A_5090 : vector<256x128xi32>
    %eq3A_5092 = arith.xori %eq3A_5085, %eq3A_5091 : vector<256x128xi1>
    %eq3A_5093 = arith.constant dense<true> : vector<256x128xi1>
    %eq3A_5094 = arith.xori %eq3A_5092, %eq3A_5093 : vector<256x128xi1>
    %eq3A_5095 = arith.xori %or3A_5079, %eq3A_5094 : vector<256x128xi1>
    %eq3A_5096 = arith.constant dense<true> : vector<256x128xi1>
    %eq3A_5097 = arith.xori %eq3A_5095, %eq3A_5096 : vector<256x128xi1>
    %select_n3A_5098 = arith.select %eq3A_5097, %select_n3A_5049, %select_n3A_5062 : vector<256x128xi1>, vector<256x128xf32>
    %select_n3A_5099 = arith.select %eq3A_5097, %select_n3A_5050, %select_n3A_5074 : vector<256x128xi1>, vector<256x128xi32>
    %iota3A_5100 = tpu.iota {dimensions = array<i32: 0>} : vector<256x128xi32>
    %and3A_5101 = arith.constant 1 : i32
    %and3A_5102 = vector.broadcast %and3A_5101 : i32 to vector<256x128xi32>
    %and3A_5103 = arith.andi %iota3A_5100, %and3A_5102 : vector<256x128xi32>
    %eq3A_5104 = arith.constant 0 : i32
    %eq3A_5105 = vector.broadcast %eq3A_5104 : i32 to vector<256x128xi32>
    %eq3A_5106 = arith.cmpi eq, %and3A_5103, %eq3A_5105 : vector<256x128xi32>
    %roll3A_5107 = arith.constant 255 : i32
    %roll3A_5108 = tpu.dynamic_rotate %select_n3A_5098 by %roll3A_5107 dim 0 : vector<256x128xf32>, i32 -> vector<256x128xf32>
    %roll3A_5109 = arith.constant 1 : i32
    %roll3A_5110 = tpu.dynamic_rotate %select_n3A_5098 by %roll3A_5109 dim 0 : vector<256x128xf32>, i32 -> vector<256x128xf32>
    %select_n3A_5111 = arith.select %eq3A_5106, %roll3A_5108, %roll3A_5110 : vector<256x128xi1>, vector<256x128xf32>
    %iota3A_5112 = tpu.iota {dimensions = array<i32: 0>} : vector<256x128xi32>
    %and3A_5113 = arith.constant 1 : i32
    %and3A_5114 = vector.broadcast %and3A_5113 : i32 to vector<256x128xi32>
    %and3A_5115 = arith.andi %iota3A_5112, %and3A_5114 : vector<256x128xi32>
    %eq3A_5116 = arith.constant 0 : i32
    %eq3A_5117 = vector.broadcast %eq3A_5116 : i32 to vector<256x128xi32>
    %eq3A_5118 = arith.cmpi eq, %and3A_5115, %eq3A_5117 : vector<256x128xi32>
    %roll3A_5119 = arith.constant 255 : i32
    %roll3A_5120 = tpu.dynamic_rotate %select_n3A_5099 by %roll3A_5119 dim 0 : vector<256x128xi32>, i32 -> vector<256x128xi32>
    %roll3A_5121 = arith.constant 1 : i32
    %roll3A_5122 = tpu.dynamic_rotate %select_n3A_5099 by %roll3A_5121 dim 0 : vector<256x128xi32>, i32 -> vector<256x128xi32>
    %select_n3A_5123 = arith.select %eq3A_5118, %roll3A_5120, %roll3A_5122 : vector<256x128xi1>, vector<256x128xi32>
    %gt3A_5124 = arith.cmpf ogt, %select_n3A_5098, %select_n3A_5111 : vector<256x128xf32>
    %eq3A_5125 = arith.cmpf oeq, %select_n3A_5098, %select_n3A_5111 : vector<256x128xf32>
    %lt3A_5126 = arith.cmpi slt, %select_n3A_5099, %select_n3A_5123 : vector<256x128xi32>
    %and3A_5127 = arith.andi %eq3A_5125, %lt3A_5126 : vector<256x128xi1>
    %or3A_5128 = arith.ori %gt3A_5124, %and3A_5127 : vector<256x128xi1>
    %and3A_5129 = arith.constant 1 : i32
    %and3A_5130 = vector.broadcast %and3A_5129 : i32 to vector<256x128xi32>
    %and3A_5131 = arith.andi %add3A_10, %and3A_5130 : vector<256x128xi32>
    %eq3A_5132 = arith.constant 0 : i32
    %eq3A_5133 = vector.broadcast %eq3A_5132 : i32 to vector<256x128xi32>
    %eq3A_5134 = arith.cmpi eq, %and3A_5131, %eq3A_5133 : vector<256x128xi32>
    %and3A_5135 = arith.constant 16384 : i32
    %and3A_5136 = vector.broadcast %and3A_5135 : i32 to vector<256x128xi32>
    %and3A_5137 = arith.andi %add3A_10, %and3A_5136 : vector<256x128xi32>
    %eq3A_5138 = arith.constant 0 : i32
    %eq3A_5139 = vector.broadcast %eq3A_5138 : i32 to vector<256x128xi32>
    %eq3A_5140 = arith.cmpi eq, %and3A_5137, %eq3A_5139 : vector<256x128xi32>
    %eq3A_5141 = arith.xori %eq3A_5134, %eq3A_5140 : vector<256x128xi1>
    %eq3A_5142 = arith.constant dense<true> : vector<256x128xi1>
    %eq3A_5143 = arith.xori %eq3A_5141, %eq3A_5142 : vector<256x128xi1>
    %eq3A_5144 = arith.xori %or3A_5128, %eq3A_5143 : vector<256x128xi1>
    %eq3A_5145 = arith.constant dense<true> : vector<256x128xi1>
    %eq3A_5146 = arith.xori %eq3A_5144, %eq3A_5145 : vector<256x128xi1>
    %select_n3A_5147 = arith.select %eq3A_5146, %select_n3A_5098, %select_n3A_5111 : vector<256x128xi1>, vector<256x128xf32>
    %select_n3A_5148 = arith.select %eq3A_5146, %select_n3A_5099, %select_n3A_5123 : vector<256x128xi1>, vector<256x128xi32>
    %iota3A_5149 = tpu.iota {dimensions = array<i32: 1>} : vector<256x128xi32>
    %and3A_5150 = arith.constant 64 : i32
    %and3A_5151 = vector.broadcast %and3A_5150 : i32 to vector<256x128xi32>
    %and3A_5152 = arith.andi %iota3A_5149, %and3A_5151 : vector<256x128xi32>
    %eq3A_5153 = arith.constant 0 : i32
    %eq3A_5154 = vector.broadcast %eq3A_5153 : i32 to vector<256x128xi32>
    %eq3A_5155 = arith.cmpi eq, %and3A_5152, %eq3A_5154 : vector<256x128xi32>
    %roll3A_5156 = arith.constant 64 : i32
    %roll3A_5157 = tpu.dynamic_rotate %select_n3A_5147 by %roll3A_5156 dim 1 : vector<256x128xf32>, i32 -> vector<256x128xf32>
    %roll3A_5158 = arith.constant 64 : i32
    %roll3A_5159 = tpu.dynamic_rotate %select_n3A_5147 by %roll3A_5158 dim 1 : vector<256x128xf32>, i32 -> vector<256x128xf32>
    %select_n3A_5160 = arith.select %eq3A_5155, %roll3A_5157, %roll3A_5159 : vector<256x128xi1>, vector<256x128xf32>
    %iota3A_5161 = tpu.iota {dimensions = array<i32: 1>} : vector<256x128xi32>
    %and3A_5162 = arith.constant 64 : i32
    %and3A_5163 = vector.broadcast %and3A_5162 : i32 to vector<256x128xi32>
    %and3A_5164 = arith.andi %iota3A_5161, %and3A_5163 : vector<256x128xi32>
    %eq3A_5165 = arith.constant 0 : i32
    %eq3A_5166 = vector.broadcast %eq3A_5165 : i32 to vector<256x128xi32>
    %eq3A_5167 = arith.cmpi eq, %and3A_5164, %eq3A_5166 : vector<256x128xi32>
    %roll3A_5168 = arith.constant 64 : i32
    %roll3A_5169 = tpu.dynamic_rotate %select_n3A_5148 by %roll3A_5168 dim 1 : vector<256x128xi32>, i32 -> vector<256x128xi32>
    %roll3A_5170 = arith.constant 64 : i32
    %roll3A_5171 = tpu.dynamic_rotate %select_n3A_5148 by %roll3A_5170 dim 1 : vector<256x128xi32>, i32 -> vector<256x128xi32>
    %select_n3A_5172 = arith.select %eq3A_5167, %roll3A_5169, %roll3A_5171 : vector<256x128xi1>, vector<256x128xi32>
    %gt3A_5173 = arith.cmpf ogt, %select_n3A_5147, %select_n3A_5160 : vector<256x128xf32>
    %eq3A_5174 = arith.cmpf oeq, %select_n3A_5147, %select_n3A_5160 : vector<256x128xf32>
    %lt3A_5175 = arith.cmpi slt, %select_n3A_5148, %select_n3A_5172 : vector<256x128xi32>
    %and3A_5176 = arith.andi %eq3A_5174, %lt3A_5175 : vector<256x128xi1>
    %or3A_5177 = arith.ori %gt3A_5173, %and3A_5176 : vector<256x128xi1>
    %and3A_5178 = arith.constant 16384 : i32
    %and3A_5179 = vector.broadcast %and3A_5178 : i32 to vector<256x128xi32>
    %and3A_5180 = arith.andi %add3A_10, %and3A_5179 : vector<256x128xi32>
    %eq3A_5181 = arith.constant 0 : i32
    %eq3A_5182 = vector.broadcast %eq3A_5181 : i32 to vector<256x128xi32>
    %eq3A_5183 = arith.cmpi eq, %and3A_5180, %eq3A_5182 : vector<256x128xi32>
    %and3A_5184 = arith.constant 32768 : i32
    %and3A_5185 = vector.broadcast %and3A_5184 : i32 to vector<256x128xi32>
    %and3A_5186 = arith.andi %add3A_10, %and3A_5185 : vector<256x128xi32>
    %eq3A_5187 = arith.constant 0 : i32
    %eq3A_5188 = vector.broadcast %eq3A_5187 : i32 to vector<256x128xi32>
    %eq3A_5189 = arith.cmpi eq, %and3A_5186, %eq3A_5188 : vector<256x128xi32>
    %eq3A_5190 = arith.xori %eq3A_5183, %eq3A_5189 : vector<256x128xi1>
    %eq3A_5191 = arith.constant dense<true> : vector<256x128xi1>
    %eq3A_5192 = arith.xori %eq3A_5190, %eq3A_5191 : vector<256x128xi1>
    %eq3A_5193 = arith.xori %or3A_5177, %eq3A_5192 : vector<256x128xi1>
    %eq3A_5194 = arith.constant dense<true> : vector<256x128xi1>
    %eq3A_5195 = arith.xori %eq3A_5193, %eq3A_5194 : vector<256x128xi1>
    %select_n3A_5196 = arith.select %eq3A_5195, %select_n3A_5147, %select_n3A_5160 : vector<256x128xi1>, vector<256x128xf32>
    %select_n3A_5197 = arith.select %eq3A_5195, %select_n3A_5148, %select_n3A_5172 : vector<256x128xi1>, vector<256x128xi32>
    %iota3A_5198 = tpu.iota {dimensions = array<i32: 1>} : vector<256x128xi32>
    %and3A_5199 = arith.constant 32 : i32
    %and3A_5200 = vector.broadcast %and3A_5199 : i32 to vector<256x128xi32>
    %and3A_5201 = arith.andi %iota3A_5198, %and3A_5200 : vector<256x128xi32>
    %eq3A_5202 = arith.constant 0 : i32
    %eq3A_5203 = vector.broadcast %eq3A_5202 : i32 to vector<256x128xi32>
    %eq3A_5204 = arith.cmpi eq, %and3A_5201, %eq3A_5203 : vector<256x128xi32>
    %roll3A_5205 = arith.constant 96 : i32
    %roll3A_5206 = tpu.dynamic_rotate %select_n3A_5196 by %roll3A_5205 dim 1 : vector<256x128xf32>, i32 -> vector<256x128xf32>
    %roll3A_5207 = arith.constant 32 : i32
    %roll3A_5208 = tpu.dynamic_rotate %select_n3A_5196 by %roll3A_5207 dim 1 : vector<256x128xf32>, i32 -> vector<256x128xf32>
    %select_n3A_5209 = arith.select %eq3A_5204, %roll3A_5206, %roll3A_5208 : vector<256x128xi1>, vector<256x128xf32>
    %iota3A_5210 = tpu.iota {dimensions = array<i32: 1>} : vector<256x128xi32>
    %and3A_5211 = arith.constant 32 : i32
    %and3A_5212 = vector.broadcast %and3A_5211 : i32 to vector<256x128xi32>
    %and3A_5213 = arith.andi %iota3A_5210, %and3A_5212 : vector<256x128xi32>
    %eq3A_5214 = arith.constant 0 : i32
    %eq3A_5215 = vector.broadcast %eq3A_5214 : i32 to vector<256x128xi32>
    %eq3A_5216 = arith.cmpi eq, %and3A_5213, %eq3A_5215 : vector<256x128xi32>
    %roll3A_5217 = arith.constant 96 : i32
    %roll3A_5218 = tpu.dynamic_rotate %select_n3A_5197 by %roll3A_5217 dim 1 : vector<256x128xi32>, i32 -> vector<256x128xi32>
    %roll3A_5219 = arith.constant 32 : i32
    %roll3A_5220 = tpu.dynamic_rotate %select_n3A_5197 by %roll3A_5219 dim 1 : vector<256x128xi32>, i32 -> vector<256x128xi32>
    %select_n3A_5221 = arith.select %eq3A_5216, %roll3A_5218, %roll3A_5220 : vector<256x128xi1>, vector<256x128xi32>
    %gt3A_5222 = arith.cmpf ogt, %select_n3A_5196, %select_n3A_5209 : vector<256x128xf32>
    %eq3A_5223 = arith.cmpf oeq, %select_n3A_5196, %select_n3A_5209 : vector<256x128xf32>
    %lt3A_5224 = arith.cmpi slt, %select_n3A_5197, %select_n3A_5221 : vector<256x128xi32>
    %and3A_5225 = arith.andi %eq3A_5223, %lt3A_5224 : vector<256x128xi1>
    %or3A_5226 = arith.ori %gt3A_5222, %and3A_5225 : vector<256x128xi1>
    %and3A_5227 = arith.constant 8192 : i32
    %and3A_5228 = vector.broadcast %and3A_5227 : i32 to vector<256x128xi32>
    %and3A_5229 = arith.andi %add3A_10, %and3A_5228 : vector<256x128xi32>
    %eq3A_5230 = arith.constant 0 : i32
    %eq3A_5231 = vector.broadcast %eq3A_5230 : i32 to vector<256x128xi32>
    %eq3A_5232 = arith.cmpi eq, %and3A_5229, %eq3A_5231 : vector<256x128xi32>
    %and3A_5233 = arith.constant 32768 : i32
    %and3A_5234 = vector.broadcast %and3A_5233 : i32 to vector<256x128xi32>
    %and3A_5235 = arith.andi %add3A_10, %and3A_5234 : vector<256x128xi32>
    %eq3A_5236 = arith.constant 0 : i32
    %eq3A_5237 = vector.broadcast %eq3A_5236 : i32 to vector<256x128xi32>
    %eq3A_5238 = arith.cmpi eq, %and3A_5235, %eq3A_5237 : vector<256x128xi32>
    %eq3A_5239 = arith.xori %eq3A_5232, %eq3A_5238 : vector<256x128xi1>
    %eq3A_5240 = arith.constant dense<true> : vector<256x128xi1>
    %eq3A_5241 = arith.xori %eq3A_5239, %eq3A_5240 : vector<256x128xi1>
    %eq3A_5242 = arith.xori %or3A_5226, %eq3A_5241 : vector<256x128xi1>
    %eq3A_5243 = arith.constant dense<true> : vector<256x128xi1>
    %eq3A_5244 = arith.xori %eq3A_5242, %eq3A_5243 : vector<256x128xi1>
    %select_n3A_5245 = arith.select %eq3A_5244, %select_n3A_5196, %select_n3A_5209 : vector<256x128xi1>, vector<256x128xf32>
    %select_n3A_5246 = arith.select %eq3A_5244, %select_n3A_5197, %select_n3A_5221 : vector<256x128xi1>, vector<256x128xi32>
    %iota3A_5247 = tpu.iota {dimensions = array<i32: 1>} : vector<256x128xi32>
    %and3A_5248 = arith.constant 16 : i32
    %and3A_5249 = vector.broadcast %and3A_5248 : i32 to vector<256x128xi32>
    %and3A_5250 = arith.andi %iota3A_5247, %and3A_5249 : vector<256x128xi32>
    %eq3A_5251 = arith.constant 0 : i32
    %eq3A_5252 = vector.broadcast %eq3A_5251 : i32 to vector<256x128xi32>
    %eq3A_5253 = arith.cmpi eq, %and3A_5250, %eq3A_5252 : vector<256x128xi32>
    %roll3A_5254 = arith.constant 112 : i32
    %roll3A_5255 = tpu.dynamic_rotate %select_n3A_5245 by %roll3A_5254 dim 1 : vector<256x128xf32>, i32 -> vector<256x128xf32>
    %roll3A_5256 = arith.constant 16 : i32
    %roll3A_5257 = tpu.dynamic_rotate %select_n3A_5245 by %roll3A_5256 dim 1 : vector<256x128xf32>, i32 -> vector<256x128xf32>
    %select_n3A_5258 = arith.select %eq3A_5253, %roll3A_5255, %roll3A_5257 : vector<256x128xi1>, vector<256x128xf32>
    %iota3A_5259 = tpu.iota {dimensions = array<i32: 1>} : vector<256x128xi32>
    %and3A_5260 = arith.constant 16 : i32
    %and3A_5261 = vector.broadcast %and3A_5260 : i32 to vector<256x128xi32>
    %and3A_5262 = arith.andi %iota3A_5259, %and3A_5261 : vector<256x128xi32>
    %eq3A_5263 = arith.constant 0 : i32
    %eq3A_5264 = vector.broadcast %eq3A_5263 : i32 to vector<256x128xi32>
    %eq3A_5265 = arith.cmpi eq, %and3A_5262, %eq3A_5264 : vector<256x128xi32>
    %roll3A_5266 = arith.constant 112 : i32
    %roll3A_5267 = tpu.dynamic_rotate %select_n3A_5246 by %roll3A_5266 dim 1 : vector<256x128xi32>, i32 -> vector<256x128xi32>
    %roll3A_5268 = arith.constant 16 : i32
    %roll3A_5269 = tpu.dynamic_rotate %select_n3A_5246 by %roll3A_5268 dim 1 : vector<256x128xi32>, i32 -> vector<256x128xi32>
    %select_n3A_5270 = arith.select %eq3A_5265, %roll3A_5267, %roll3A_5269 : vector<256x128xi1>, vector<256x128xi32>
    %gt3A_5271 = arith.cmpf ogt, %select_n3A_5245, %select_n3A_5258 : vector<256x128xf32>
    %eq3A_5272 = arith.cmpf oeq, %select_n3A_5245, %select_n3A_5258 : vector<256x128xf32>
    %lt3A_5273 = arith.cmpi slt, %select_n3A_5246, %select_n3A_5270 : vector<256x128xi32>
    %and3A_5274 = arith.andi %eq3A_5272, %lt3A_5273 : vector<256x128xi1>
    %or3A_5275 = arith.ori %gt3A_5271, %and3A_5274 : vector<256x128xi1>
    %and3A_5276 = arith.constant 4096 : i32
    %and3A_5277 = vector.broadcast %and3A_5276 : i32 to vector<256x128xi32>
    %and3A_5278 = arith.andi %add3A_10, %and3A_5277 : vector<256x128xi32>
    %eq3A_5279 = arith.constant 0 : i32
    %eq3A_5280 = vector.broadcast %eq3A_5279 : i32 to vector<256x128xi32>
    %eq3A_5281 = arith.cmpi eq, %and3A_5278, %eq3A_5280 : vector<256x128xi32>
    %and3A_5282 = arith.constant 32768 : i32
    %and3A_5283 = vector.broadcast %and3A_5282 : i32 to vector<256x128xi32>
    %and3A_5284 = arith.andi %add3A_10, %and3A_5283 : vector<256x128xi32>
    %eq3A_5285 = arith.constant 0 : i32
    %eq3A_5286 = vector.broadcast %eq3A_5285 : i32 to vector<256x128xi32>
    %eq3A_5287 = arith.cmpi eq, %and3A_5284, %eq3A_5286 : vector<256x128xi32>
    %eq3A_5288 = arith.xori %eq3A_5281, %eq3A_5287 : vector<256x128xi1>
    %eq3A_5289 = arith.constant dense<true> : vector<256x128xi1>
    %eq3A_5290 = arith.xori %eq3A_5288, %eq3A_5289 : vector<256x128xi1>
    %eq3A_5291 = arith.xori %or3A_5275, %eq3A_5290 : vector<256x128xi1>
    %eq3A_5292 = arith.constant dense<true> : vector<256x128xi1>
    %eq3A_5293 = arith.xori %eq3A_5291, %eq3A_5292 : vector<256x128xi1>
    %select_n3A_5294 = arith.select %eq3A_5293, %select_n3A_5245, %select_n3A_5258 : vector<256x128xi1>, vector<256x128xf32>
    %select_n3A_5295 = arith.select %eq3A_5293, %select_n3A_5246, %select_n3A_5270 : vector<256x128xi1>, vector<256x128xi32>
    %iota3A_5296 = tpu.iota {dimensions = array<i32: 1>} : vector<256x128xi32>
    %and3A_5297 = arith.constant 8 : i32
    %and3A_5298 = vector.broadcast %and3A_5297 : i32 to vector<256x128xi32>
    %and3A_5299 = arith.andi %iota3A_5296, %and3A_5298 : vector<256x128xi32>
    %eq3A_5300 = arith.constant 0 : i32
    %eq3A_5301 = vector.broadcast %eq3A_5300 : i32 to vector<256x128xi32>
    %eq3A_5302 = arith.cmpi eq, %and3A_5299, %eq3A_5301 : vector<256x128xi32>
    %roll3A_5303 = arith.constant 120 : i32
    %roll3A_5304 = tpu.dynamic_rotate %select_n3A_5294 by %roll3A_5303 dim 1 : vector<256x128xf32>, i32 -> vector<256x128xf32>
    %roll3A_5305 = arith.constant 8 : i32
    %roll3A_5306 = tpu.dynamic_rotate %select_n3A_5294 by %roll3A_5305 dim 1 : vector<256x128xf32>, i32 -> vector<256x128xf32>
    %select_n3A_5307 = arith.select %eq3A_5302, %roll3A_5304, %roll3A_5306 : vector<256x128xi1>, vector<256x128xf32>
    %iota3A_5308 = tpu.iota {dimensions = array<i32: 1>} : vector<256x128xi32>
    %and3A_5309 = arith.constant 8 : i32
    %and3A_5310 = vector.broadcast %and3A_5309 : i32 to vector<256x128xi32>
    %and3A_5311 = arith.andi %iota3A_5308, %and3A_5310 : vector<256x128xi32>
    %eq3A_5312 = arith.constant 0 : i32
    %eq3A_5313 = vector.broadcast %eq3A_5312 : i32 to vector<256x128xi32>
    %eq3A_5314 = arith.cmpi eq, %and3A_5311, %eq3A_5313 : vector<256x128xi32>
    %roll3A_5315 = arith.constant 120 : i32
    %roll3A_5316 = tpu.dynamic_rotate %select_n3A_5295 by %roll3A_5315 dim 1 : vector<256x128xi32>, i32 -> vector<256x128xi32>
    %roll3A_5317 = arith.constant 8 : i32
    %roll3A_5318 = tpu.dynamic_rotate %select_n3A_5295 by %roll3A_5317 dim 1 : vector<256x128xi32>, i32 -> vector<256x128xi32>
    %select_n3A_5319 = arith.select %eq3A_5314, %roll3A_5316, %roll3A_5318 : vector<256x128xi1>, vector<256x128xi32>
    %gt3A_5320 = arith.cmpf ogt, %select_n3A_5294, %select_n3A_5307 : vector<256x128xf32>
    %eq3A_5321 = arith.cmpf oeq, %select_n3A_5294, %select_n3A_5307 : vector<256x128xf32>
    %lt3A_5322 = arith.cmpi slt, %select_n3A_5295, %select_n3A_5319 : vector<256x128xi32>
    %and3A_5323 = arith.andi %eq3A_5321, %lt3A_5322 : vector<256x128xi1>
    %or3A_5324 = arith.ori %gt3A_5320, %and3A_5323 : vector<256x128xi1>
    %and3A_5325 = arith.constant 2048 : i32
    %and3A_5326 = vector.broadcast %and3A_5325 : i32 to vector<256x128xi32>
    %and3A_5327 = arith.andi %add3A_10, %and3A_5326 : vector<256x128xi32>
    %eq3A_5328 = arith.constant 0 : i32
    %eq3A_5329 = vector.broadcast %eq3A_5328 : i32 to vector<256x128xi32>
    %eq3A_5330 = arith.cmpi eq, %and3A_5327, %eq3A_5329 : vector<256x128xi32>
    %and3A_5331 = arith.constant 32768 : i32
    %and3A_5332 = vector.broadcast %and3A_5331 : i32 to vector<256x128xi32>
    %and3A_5333 = arith.andi %add3A_10, %and3A_5332 : vector<256x128xi32>
    %eq3A_5334 = arith.constant 0 : i32
    %eq3A_5335 = vector.broadcast %eq3A_5334 : i32 to vector<256x128xi32>
    %eq3A_5336 = arith.cmpi eq, %and3A_5333, %eq3A_5335 : vector<256x128xi32>
    %eq3A_5337 = arith.xori %eq3A_5330, %eq3A_5336 : vector<256x128xi1>
    %eq3A_5338 = arith.constant dense<true> : vector<256x128xi1>
    %eq3A_5339 = arith.xori %eq3A_5337, %eq3A_5338 : vector<256x128xi1>
    %eq3A_5340 = arith.xori %or3A_5324, %eq3A_5339 : vector<256x128xi1>
    %eq3A_5341 = arith.constant dense<true> : vector<256x128xi1>
    %eq3A_5342 = arith.xori %eq3A_5340, %eq3A_5341 : vector<256x128xi1>
    %select_n3A_5343 = arith.select %eq3A_5342, %select_n3A_5294, %select_n3A_5307 : vector<256x128xi1>, vector<256x128xf32>
    %select_n3A_5344 = arith.select %eq3A_5342, %select_n3A_5295, %select_n3A_5319 : vector<256x128xi1>, vector<256x128xi32>
    %iota3A_5345 = tpu.iota {dimensions = array<i32: 1>} : vector<256x128xi32>
    %and3A_5346 = arith.constant 4 : i32
    %and3A_5347 = vector.broadcast %and3A_5346 : i32 to vector<256x128xi32>
    %and3A_5348 = arith.andi %iota3A_5345, %and3A_5347 : vector<256x128xi32>
    %eq3A_5349 = arith.constant 0 : i32
    %eq3A_5350 = vector.broadcast %eq3A_5349 : i32 to vector<256x128xi32>
    %eq3A_5351 = arith.cmpi eq, %and3A_5348, %eq3A_5350 : vector<256x128xi32>
    %roll3A_5352 = arith.constant 124 : i32
    %roll3A_5353 = tpu.dynamic_rotate %select_n3A_5343 by %roll3A_5352 dim 1 : vector<256x128xf32>, i32 -> vector<256x128xf32>
    %roll3A_5354 = arith.constant 4 : i32
    %roll3A_5355 = tpu.dynamic_rotate %select_n3A_5343 by %roll3A_5354 dim 1 : vector<256x128xf32>, i32 -> vector<256x128xf32>
    %select_n3A_5356 = arith.select %eq3A_5351, %roll3A_5353, %roll3A_5355 : vector<256x128xi1>, vector<256x128xf32>
    %iota3A_5357 = tpu.iota {dimensions = array<i32: 1>} : vector<256x128xi32>
    %and3A_5358 = arith.constant 4 : i32
    %and3A_5359 = vector.broadcast %and3A_5358 : i32 to vector<256x128xi32>
    %and3A_5360 = arith.andi %iota3A_5357, %and3A_5359 : vector<256x128xi32>
    %eq3A_5361 = arith.constant 0 : i32
    %eq3A_5362 = vector.broadcast %eq3A_5361 : i32 to vector<256x128xi32>
    %eq3A_5363 = arith.cmpi eq, %and3A_5360, %eq3A_5362 : vector<256x128xi32>
    %roll3A_5364 = arith.constant 124 : i32
    %roll3A_5365 = tpu.dynamic_rotate %select_n3A_5344 by %roll3A_5364 dim 1 : vector<256x128xi32>, i32 -> vector<256x128xi32>
    %roll3A_5366 = arith.constant 4 : i32
    %roll3A_5367 = tpu.dynamic_rotate %select_n3A_5344 by %roll3A_5366 dim 1 : vector<256x128xi32>, i32 -> vector<256x128xi32>
    %select_n3A_5368 = arith.select %eq3A_5363, %roll3A_5365, %roll3A_5367 : vector<256x128xi1>, vector<256x128xi32>
    %gt3A_5369 = arith.cmpf ogt, %select_n3A_5343, %select_n3A_5356 : vector<256x128xf32>
    %eq3A_5370 = arith.cmpf oeq, %select_n3A_5343, %select_n3A_5356 : vector<256x128xf32>
    %lt3A_5371 = arith.cmpi slt, %select_n3A_5344, %select_n3A_5368 : vector<256x128xi32>
    %and3A_5372 = arith.andi %eq3A_5370, %lt3A_5371 : vector<256x128xi1>
    %or3A_5373 = arith.ori %gt3A_5369, %and3A_5372 : vector<256x128xi1>
    %and3A_5374 = arith.constant 1024 : i32
    %and3A_5375 = vector.broadcast %and3A_5374 : i32 to vector<256x128xi32>
    %and3A_5376 = arith.andi %add3A_10, %and3A_5375 : vector<256x128xi32>
    %eq3A_5377 = arith.constant 0 : i32
    %eq3A_5378 = vector.broadcast %eq3A_5377 : i32 to vector<256x128xi32>
    %eq3A_5379 = arith.cmpi eq, %and3A_5376, %eq3A_5378 : vector<256x128xi32>
    %and3A_5380 = arith.constant 32768 : i32
    %and3A_5381 = vector.broadcast %and3A_5380 : i32 to vector<256x128xi32>
    %and3A_5382 = arith.andi %add3A_10, %and3A_5381 : vector<256x128xi32>
    %eq3A_5383 = arith.constant 0 : i32
    %eq3A_5384 = vector.broadcast %eq3A_5383 : i32 to vector<256x128xi32>
    %eq3A_5385 = arith.cmpi eq, %and3A_5382, %eq3A_5384 : vector<256x128xi32>
    %eq3A_5386 = arith.xori %eq3A_5379, %eq3A_5385 : vector<256x128xi1>
    %eq3A_5387 = arith.constant dense<true> : vector<256x128xi1>
    %eq3A_5388 = arith.xori %eq3A_5386, %eq3A_5387 : vector<256x128xi1>
    %eq3A_5389 = arith.xori %or3A_5373, %eq3A_5388 : vector<256x128xi1>
    %eq3A_5390 = arith.constant dense<true> : vector<256x128xi1>
    %eq3A_5391 = arith.xori %eq3A_5389, %eq3A_5390 : vector<256x128xi1>
    %select_n3A_5392 = arith.select %eq3A_5391, %select_n3A_5343, %select_n3A_5356 : vector<256x128xi1>, vector<256x128xf32>
    %select_n3A_5393 = arith.select %eq3A_5391, %select_n3A_5344, %select_n3A_5368 : vector<256x128xi1>, vector<256x128xi32>
    %iota3A_5394 = tpu.iota {dimensions = array<i32: 1>} : vector<256x128xi32>
    %and3A_5395 = arith.constant 2 : i32
    %and3A_5396 = vector.broadcast %and3A_5395 : i32 to vector<256x128xi32>
    %and3A_5397 = arith.andi %iota3A_5394, %and3A_5396 : vector<256x128xi32>
    %eq3A_5398 = arith.constant 0 : i32
    %eq3A_5399 = vector.broadcast %eq3A_5398 : i32 to vector<256x128xi32>
    %eq3A_5400 = arith.cmpi eq, %and3A_5397, %eq3A_5399 : vector<256x128xi32>
    %roll3A_5401 = arith.constant 126 : i32
    %roll3A_5402 = tpu.dynamic_rotate %select_n3A_5392 by %roll3A_5401 dim 1 : vector<256x128xf32>, i32 -> vector<256x128xf32>
    %roll3A_5403 = arith.constant 2 : i32
    %roll3A_5404 = tpu.dynamic_rotate %select_n3A_5392 by %roll3A_5403 dim 1 : vector<256x128xf32>, i32 -> vector<256x128xf32>
    %select_n3A_5405 = arith.select %eq3A_5400, %roll3A_5402, %roll3A_5404 : vector<256x128xi1>, vector<256x128xf32>
    %iota3A_5406 = tpu.iota {dimensions = array<i32: 1>} : vector<256x128xi32>
    %and3A_5407 = arith.constant 2 : i32
    %and3A_5408 = vector.broadcast %and3A_5407 : i32 to vector<256x128xi32>
    %and3A_5409 = arith.andi %iota3A_5406, %and3A_5408 : vector<256x128xi32>
    %eq3A_5410 = arith.constant 0 : i32
    %eq3A_5411 = vector.broadcast %eq3A_5410 : i32 to vector<256x128xi32>
    %eq3A_5412 = arith.cmpi eq, %and3A_5409, %eq3A_5411 : vector<256x128xi32>
    %roll3A_5413 = arith.constant 126 : i32
    %roll3A_5414 = tpu.dynamic_rotate %select_n3A_5393 by %roll3A_5413 dim 1 : vector<256x128xi32>, i32 -> vector<256x128xi32>
    %roll3A_5415 = arith.constant 2 : i32
    %roll3A_5416 = tpu.dynamic_rotate %select_n3A_5393 by %roll3A_5415 dim 1 : vector<256x128xi32>, i32 -> vector<256x128xi32>
    %select_n3A_5417 = arith.select %eq3A_5412, %roll3A_5414, %roll3A_5416 : vector<256x128xi1>, vector<256x128xi32>
    %gt3A_5418 = arith.cmpf ogt, %select_n3A_5392, %select_n3A_5405 : vector<256x128xf32>
    %eq3A_5419 = arith.cmpf oeq, %select_n3A_5392, %select_n3A_5405 : vector<256x128xf32>
    %lt3A_5420 = arith.cmpi slt, %select_n3A_5393, %select_n3A_5417 : vector<256x128xi32>
    %and3A_5421 = arith.andi %eq3A_5419, %lt3A_5420 : vector<256x128xi1>
    %or3A_5422 = arith.ori %gt3A_5418, %and3A_5421 : vector<256x128xi1>
    %and3A_5423 = arith.constant 512 : i32
    %and3A_5424 = vector.broadcast %and3A_5423 : i32 to vector<256x128xi32>
    %and3A_5425 = arith.andi %add3A_10, %and3A_5424 : vector<256x128xi32>
    %eq3A_5426 = arith.constant 0 : i32
    %eq3A_5427 = vector.broadcast %eq3A_5426 : i32 to vector<256x128xi32>
    %eq3A_5428 = arith.cmpi eq, %and3A_5425, %eq3A_5427 : vector<256x128xi32>
    %and3A_5429 = arith.constant 32768 : i32
    %and3A_5430 = vector.broadcast %and3A_5429 : i32 to vector<256x128xi32>
    %and3A_5431 = arith.andi %add3A_10, %and3A_5430 : vector<256x128xi32>
    %eq3A_5432 = arith.constant 0 : i32
    %eq3A_5433 = vector.broadcast %eq3A_5432 : i32 to vector<256x128xi32>
    %eq3A_5434 = arith.cmpi eq, %and3A_5431, %eq3A_5433 : vector<256x128xi32>
    %eq3A_5435 = arith.xori %eq3A_5428, %eq3A_5434 : vector<256x128xi1>
    %eq3A_5436 = arith.constant dense<true> : vector<256x128xi1>
    %eq3A_5437 = arith.xori %eq3A_5435, %eq3A_5436 : vector<256x128xi1>
    %eq3A_5438 = arith.xori %or3A_5422, %eq3A_5437 : vector<256x128xi1>
    %eq3A_5439 = arith.constant dense<true> : vector<256x128xi1>
    %eq3A_5440 = arith.xori %eq3A_5438, %eq3A_5439 : vector<256x128xi1>
    %select_n3A_5441 = arith.select %eq3A_5440, %select_n3A_5392, %select_n3A_5405 : vector<256x128xi1>, vector<256x128xf32>
    %select_n3A_5442 = arith.select %eq3A_5440, %select_n3A_5393, %select_n3A_5417 : vector<256x128xi1>, vector<256x128xi32>
    %iota3A_5443 = tpu.iota {dimensions = array<i32: 1>} : vector<256x128xi32>
    %and3A_5444 = arith.constant 1 : i32
    %and3A_5445 = vector.broadcast %and3A_5444 : i32 to vector<256x128xi32>
    %and3A_5446 = arith.andi %iota3A_5443, %and3A_5445 : vector<256x128xi32>
    %eq3A_5447 = arith.constant 0 : i32
    %eq3A_5448 = vector.broadcast %eq3A_5447 : i32 to vector<256x128xi32>
    %eq3A_5449 = arith.cmpi eq, %and3A_5446, %eq3A_5448 : vector<256x128xi32>
    %roll3A_5450 = arith.constant 127 : i32
    %roll3A_5451 = tpu.dynamic_rotate %select_n3A_5441 by %roll3A_5450 dim 1 : vector<256x128xf32>, i32 -> vector<256x128xf32>
    %roll3A_5452 = arith.constant 1 : i32
    %roll3A_5453 = tpu.dynamic_rotate %select_n3A_5441 by %roll3A_5452 dim 1 : vector<256x128xf32>, i32 -> vector<256x128xf32>
    %select_n3A_5454 = arith.select %eq3A_5449, %roll3A_5451, %roll3A_5453 : vector<256x128xi1>, vector<256x128xf32>
    %iota3A_5455 = tpu.iota {dimensions = array<i32: 1>} : vector<256x128xi32>
    %and3A_5456 = arith.constant 1 : i32
    %and3A_5457 = vector.broadcast %and3A_5456 : i32 to vector<256x128xi32>
    %and3A_5458 = arith.andi %iota3A_5455, %and3A_5457 : vector<256x128xi32>
    %eq3A_5459 = arith.constant 0 : i32
    %eq3A_5460 = vector.broadcast %eq3A_5459 : i32 to vector<256x128xi32>
    %eq3A_5461 = arith.cmpi eq, %and3A_5458, %eq3A_5460 : vector<256x128xi32>
    %roll3A_5462 = arith.constant 127 : i32
    %roll3A_5463 = tpu.dynamic_rotate %select_n3A_5442 by %roll3A_5462 dim 1 : vector<256x128xi32>, i32 -> vector<256x128xi32>
    %roll3A_5464 = arith.constant 1 : i32
    %roll3A_5465 = tpu.dynamic_rotate %select_n3A_5442 by %roll3A_5464 dim 1 : vector<256x128xi32>, i32 -> vector<256x128xi32>
    %select_n3A_5466 = arith.select %eq3A_5461, %roll3A_5463, %roll3A_5465 : vector<256x128xi1>, vector<256x128xi32>
    %gt3A_5467 = arith.cmpf ogt, %select_n3A_5441, %select_n3A_5454 : vector<256x128xf32>
    %eq3A_5468 = arith.cmpf oeq, %select_n3A_5441, %select_n3A_5454 : vector<256x128xf32>
    %lt3A_5469 = arith.cmpi slt, %select_n3A_5442, %select_n3A_5466 : vector<256x128xi32>
    %and3A_5470 = arith.andi %eq3A_5468, %lt3A_5469 : vector<256x128xi1>
    %or3A_5471 = arith.ori %gt3A_5467, %and3A_5470 : vector<256x128xi1>
    %and3A_5472 = arith.constant 256 : i32
    %and3A_5473 = vector.broadcast %and3A_5472 : i32 to vector<256x128xi32>
    %and3A_5474 = arith.andi %add3A_10, %and3A_5473 : vector<256x128xi32>
    %eq3A_5475 = arith.constant 0 : i32
    %eq3A_5476 = vector.broadcast %eq3A_5475 : i32 to vector<256x128xi32>
    %eq3A_5477 = arith.cmpi eq, %and3A_5474, %eq3A_5476 : vector<256x128xi32>
    %and3A_5478 = arith.constant 32768 : i32
    %and3A_5479 = vector.broadcast %and3A_5478 : i32 to vector<256x128xi32>
    %and3A_5480 = arith.andi %add3A_10, %and3A_5479 : vector<256x128xi32>
    %eq3A_5481 = arith.constant 0 : i32
    %eq3A_5482 = vector.broadcast %eq3A_5481 : i32 to vector<256x128xi32>
    %eq3A_5483 = arith.cmpi eq, %and3A_5480, %eq3A_5482 : vector<256x128xi32>
    %eq3A_5484 = arith.xori %eq3A_5477, %eq3A_5483 : vector<256x128xi1>
    %eq3A_5485 = arith.constant dense<true> : vector<256x128xi1>
    %eq3A_5486 = arith.xori %eq3A_5484, %eq3A_5485 : vector<256x128xi1>
    %eq3A_5487 = arith.xori %or3A_5471, %eq3A_5486 : vector<256x128xi1>
    %eq3A_5488 = arith.constant dense<true> : vector<256x128xi1>
    %eq3A_5489 = arith.xori %eq3A_5487, %eq3A_5488 : vector<256x128xi1>
    %select_n3A_5490 = arith.select %eq3A_5489, %select_n3A_5441, %select_n3A_5454 : vector<256x128xi1>, vector<256x128xf32>
    %select_n3A_5491 = arith.select %eq3A_5489, %select_n3A_5442, %select_n3A_5466 : vector<256x128xi1>, vector<256x128xi32>
    %iota3A_5492 = tpu.iota {dimensions = array<i32: 0>} : vector<256x128xi32>
    %and3A_5493 = arith.constant 128 : i32
    %and3A_5494 = vector.broadcast %and3A_5493 : i32 to vector<256x128xi32>
    %and3A_5495 = arith.andi %iota3A_5492, %and3A_5494 : vector<256x128xi32>
    %eq3A_5496 = arith.constant 0 : i32
    %eq3A_5497 = vector.broadcast %eq3A_5496 : i32 to vector<256x128xi32>
    %eq3A_5498 = arith.cmpi eq, %and3A_5495, %eq3A_5497 : vector<256x128xi32>
    %roll3A_5499 = arith.constant 128 : i32
    %roll3A_5500 = tpu.dynamic_rotate %select_n3A_5490 by %roll3A_5499 dim 0 : vector<256x128xf32>, i32 -> vector<256x128xf32>
    %roll3A_5501 = arith.constant 128 : i32
    %roll3A_5502 = tpu.dynamic_rotate %select_n3A_5490 by %roll3A_5501 dim 0 : vector<256x128xf32>, i32 -> vector<256x128xf32>
    %select_n3A_5503 = arith.select %eq3A_5498, %roll3A_5500, %roll3A_5502 : vector<256x128xi1>, vector<256x128xf32>
    %iota3A_5504 = tpu.iota {dimensions = array<i32: 0>} : vector<256x128xi32>
    %and3A_5505 = arith.constant 128 : i32
    %and3A_5506 = vector.broadcast %and3A_5505 : i32 to vector<256x128xi32>
    %and3A_5507 = arith.andi %iota3A_5504, %and3A_5506 : vector<256x128xi32>
    %eq3A_5508 = arith.constant 0 : i32
    %eq3A_5509 = vector.broadcast %eq3A_5508 : i32 to vector<256x128xi32>
    %eq3A_5510 = arith.cmpi eq, %and3A_5507, %eq3A_5509 : vector<256x128xi32>
    %roll3A_5511 = arith.constant 128 : i32
    %roll3A_5512 = tpu.dynamic_rotate %select_n3A_5491 by %roll3A_5511 dim 0 : vector<256x128xi32>, i32 -> vector<256x128xi32>
    %roll3A_5513 = arith.constant 128 : i32
    %roll3A_5514 = tpu.dynamic_rotate %select_n3A_5491 by %roll3A_5513 dim 0 : vector<256x128xi32>, i32 -> vector<256x128xi32>
    %select_n3A_5515 = arith.select %eq3A_5510, %roll3A_5512, %roll3A_5514 : vector<256x128xi1>, vector<256x128xi32>
    %gt3A_5516 = arith.cmpf ogt, %select_n3A_5490, %select_n3A_5503 : vector<256x128xf32>
    %eq3A_5517 = arith.cmpf oeq, %select_n3A_5490, %select_n3A_5503 : vector<256x128xf32>
    %lt3A_5518 = arith.cmpi slt, %select_n3A_5491, %select_n3A_5515 : vector<256x128xi32>
    %and3A_5519 = arith.andi %eq3A_5517, %lt3A_5518 : vector<256x128xi1>
    %or3A_5520 = arith.ori %gt3A_5516, %and3A_5519 : vector<256x128xi1>
    %and3A_5521 = arith.constant 128 : i32
    %and3A_5522 = vector.broadcast %and3A_5521 : i32 to vector<256x128xi32>
    %and3A_5523 = arith.andi %add3A_10, %and3A_5522 : vector<256x128xi32>
    %eq3A_5524 = arith.constant 0 : i32
    %eq3A_5525 = vector.broadcast %eq3A_5524 : i32 to vector<256x128xi32>
    %eq3A_5526 = arith.cmpi eq, %and3A_5523, %eq3A_5525 : vector<256x128xi32>
    %and3A_5527 = arith.constant 32768 : i32
    %and3A_5528 = vector.broadcast %and3A_5527 : i32 to vector<256x128xi32>
    %and3A_5529 = arith.andi %add3A_10, %and3A_5528 : vector<256x128xi32>
    %eq3A_5530 = arith.constant 0 : i32
    %eq3A_5531 = vector.broadcast %eq3A_5530 : i32 to vector<256x128xi32>
    %eq3A_5532 = arith.cmpi eq, %and3A_5529, %eq3A_5531 : vector<256x128xi32>
    %eq3A_5533 = arith.xori %eq3A_5526, %eq3A_5532 : vector<256x128xi1>
    %eq3A_5534 = arith.constant dense<true> : vector<256x128xi1>
    %eq3A_5535 = arith.xori %eq3A_5533, %eq3A_5534 : vector<256x128xi1>
    %eq3A_5536 = arith.xori %or3A_5520, %eq3A_5535 : vector<256x128xi1>
    %eq3A_5537 = arith.constant dense<true> : vector<256x128xi1>
    %eq3A_5538 = arith.xori %eq3A_5536, %eq3A_5537 : vector<256x128xi1>
    %select_n3A_5539 = arith.select %eq3A_5538, %select_n3A_5490, %select_n3A_5503 : vector<256x128xi1>, vector<256x128xf32>
    %select_n3A_5540 = arith.select %eq3A_5538, %select_n3A_5491, %select_n3A_5515 : vector<256x128xi1>, vector<256x128xi32>
    %iota3A_5541 = tpu.iota {dimensions = array<i32: 0>} : vector<256x128xi32>
    %and3A_5542 = arith.constant 64 : i32
    %and3A_5543 = vector.broadcast %and3A_5542 : i32 to vector<256x128xi32>
    %and3A_5544 = arith.andi %iota3A_5541, %and3A_5543 : vector<256x128xi32>
    %eq3A_5545 = arith.constant 0 : i32
    %eq3A_5546 = vector.broadcast %eq3A_5545 : i32 to vector<256x128xi32>
    %eq3A_5547 = arith.cmpi eq, %and3A_5544, %eq3A_5546 : vector<256x128xi32>
    %roll3A_5548 = arith.constant 192 : i32
    %roll3A_5549 = tpu.dynamic_rotate %select_n3A_5539 by %roll3A_5548 dim 0 : vector<256x128xf32>, i32 -> vector<256x128xf32>
    %roll3A_5550 = arith.constant 64 : i32
    %roll3A_5551 = tpu.dynamic_rotate %select_n3A_5539 by %roll3A_5550 dim 0 : vector<256x128xf32>, i32 -> vector<256x128xf32>
    %select_n3A_5552 = arith.select %eq3A_5547, %roll3A_5549, %roll3A_5551 : vector<256x128xi1>, vector<256x128xf32>
    %iota3A_5553 = tpu.iota {dimensions = array<i32: 0>} : vector<256x128xi32>
    %and3A_5554 = arith.constant 64 : i32
    %and3A_5555 = vector.broadcast %and3A_5554 : i32 to vector<256x128xi32>
    %and3A_5556 = arith.andi %iota3A_5553, %and3A_5555 : vector<256x128xi32>
    %eq3A_5557 = arith.constant 0 : i32
    %eq3A_5558 = vector.broadcast %eq3A_5557 : i32 to vector<256x128xi32>
    %eq3A_5559 = arith.cmpi eq, %and3A_5556, %eq3A_5558 : vector<256x128xi32>
    %roll3A_5560 = arith.constant 192 : i32
    %roll3A_5561 = tpu.dynamic_rotate %select_n3A_5540 by %roll3A_5560 dim 0 : vector<256x128xi32>, i32 -> vector<256x128xi32>
    %roll3A_5562 = arith.constant 64 : i32
    %roll3A_5563 = tpu.dynamic_rotate %select_n3A_5540 by %roll3A_5562 dim 0 : vector<256x128xi32>, i32 -> vector<256x128xi32>
    %select_n3A_5564 = arith.select %eq3A_5559, %roll3A_5561, %roll3A_5563 : vector<256x128xi1>, vector<256x128xi32>
    %gt3A_5565 = arith.cmpf ogt, %select_n3A_5539, %select_n3A_5552 : vector<256x128xf32>
    %eq3A_5566 = arith.cmpf oeq, %select_n3A_5539, %select_n3A_5552 : vector<256x128xf32>
    %lt3A_5567 = arith.cmpi slt, %select_n3A_5540, %select_n3A_5564 : vector<256x128xi32>
    %and3A_5568 = arith.andi %eq3A_5566, %lt3A_5567 : vector<256x128xi1>
    %or3A_5569 = arith.ori %gt3A_5565, %and3A_5568 : vector<256x128xi1>
    %and3A_5570 = arith.constant 64 : i32
    %and3A_5571 = vector.broadcast %and3A_5570 : i32 to vector<256x128xi32>
    %and3A_5572 = arith.andi %add3A_10, %and3A_5571 : vector<256x128xi32>
    %eq3A_5573 = arith.constant 0 : i32
    %eq3A_5574 = vector.broadcast %eq3A_5573 : i32 to vector<256x128xi32>
    %eq3A_5575 = arith.cmpi eq, %and3A_5572, %eq3A_5574 : vector<256x128xi32>
    %and3A_5576 = arith.constant 32768 : i32
    %and3A_5577 = vector.broadcast %and3A_5576 : i32 to vector<256x128xi32>
    %and3A_5578 = arith.andi %add3A_10, %and3A_5577 : vector<256x128xi32>
    %eq3A_5579 = arith.constant 0 : i32
    %eq3A_5580 = vector.broadcast %eq3A_5579 : i32 to vector<256x128xi32>
    %eq3A_5581 = arith.cmpi eq, %and3A_5578, %eq3A_5580 : vector<256x128xi32>
    %eq3A_5582 = arith.xori %eq3A_5575, %eq3A_5581 : vector<256x128xi1>
    %eq3A_5583 = arith.constant dense<true> : vector<256x128xi1>
    %eq3A_5584 = arith.xori %eq3A_5582, %eq3A_5583 : vector<256x128xi1>
    %eq3A_5585 = arith.xori %or3A_5569, %eq3A_5584 : vector<256x128xi1>
    %eq3A_5586 = arith.constant dense<true> : vector<256x128xi1>
    %eq3A_5587 = arith.xori %eq3A_5585, %eq3A_5586 : vector<256x128xi1>
    %select_n3A_5588 = arith.select %eq3A_5587, %select_n3A_5539, %select_n3A_5552 : vector<256x128xi1>, vector<256x128xf32>
    %select_n3A_5589 = arith.select %eq3A_5587, %select_n3A_5540, %select_n3A_5564 : vector<256x128xi1>, vector<256x128xi32>
    %iota3A_5590 = tpu.iota {dimensions = array<i32: 0>} : vector<256x128xi32>
    %and3A_5591 = arith.constant 32 : i32
    %and3A_5592 = vector.broadcast %and3A_5591 : i32 to vector<256x128xi32>
    %and3A_5593 = arith.andi %iota3A_5590, %and3A_5592 : vector<256x128xi32>
    %eq3A_5594 = arith.constant 0 : i32
    %eq3A_5595 = vector.broadcast %eq3A_5594 : i32 to vector<256x128xi32>
    %eq3A_5596 = arith.cmpi eq, %and3A_5593, %eq3A_5595 : vector<256x128xi32>
    %roll3A_5597 = arith.constant 224 : i32
    %roll3A_5598 = tpu.dynamic_rotate %select_n3A_5588 by %roll3A_5597 dim 0 : vector<256x128xf32>, i32 -> vector<256x128xf32>
    %roll3A_5599 = arith.constant 32 : i32
    %roll3A_5600 = tpu.dynamic_rotate %select_n3A_5588 by %roll3A_5599 dim 0 : vector<256x128xf32>, i32 -> vector<256x128xf32>
    %select_n3A_5601 = arith.select %eq3A_5596, %roll3A_5598, %roll3A_5600 : vector<256x128xi1>, vector<256x128xf32>
    %iota3A_5602 = tpu.iota {dimensions = array<i32: 0>} : vector<256x128xi32>
    %and3A_5603 = arith.constant 32 : i32
    %and3A_5604 = vector.broadcast %and3A_5603 : i32 to vector<256x128xi32>
    %and3A_5605 = arith.andi %iota3A_5602, %and3A_5604 : vector<256x128xi32>
    %eq3A_5606 = arith.constant 0 : i32
    %eq3A_5607 = vector.broadcast %eq3A_5606 : i32 to vector<256x128xi32>
    %eq3A_5608 = arith.cmpi eq, %and3A_5605, %eq3A_5607 : vector<256x128xi32>
    %roll3A_5609 = arith.constant 224 : i32
    %roll3A_5610 = tpu.dynamic_rotate %select_n3A_5589 by %roll3A_5609 dim 0 : vector<256x128xi32>, i32 -> vector<256x128xi32>
    %roll3A_5611 = arith.constant 32 : i32
    %roll3A_5612 = tpu.dynamic_rotate %select_n3A_5589 by %roll3A_5611 dim 0 : vector<256x128xi32>, i32 -> vector<256x128xi32>
    %select_n3A_5613 = arith.select %eq3A_5608, %roll3A_5610, %roll3A_5612 : vector<256x128xi1>, vector<256x128xi32>
    %gt3A_5614 = arith.cmpf ogt, %select_n3A_5588, %select_n3A_5601 : vector<256x128xf32>
    %eq3A_5615 = arith.cmpf oeq, %select_n3A_5588, %select_n3A_5601 : vector<256x128xf32>
    %lt3A_5616 = arith.cmpi slt, %select_n3A_5589, %select_n3A_5613 : vector<256x128xi32>
    %and3A_5617 = arith.andi %eq3A_5615, %lt3A_5616 : vector<256x128xi1>
    %or3A_5618 = arith.ori %gt3A_5614, %and3A_5617 : vector<256x128xi1>
    %and3A_5619 = arith.constant 32 : i32
    %and3A_5620 = vector.broadcast %and3A_5619 : i32 to vector<256x128xi32>
    %and3A_5621 = arith.andi %add3A_10, %and3A_5620 : vector<256x128xi32>
    %eq3A_5622 = arith.constant 0 : i32
    %eq3A_5623 = vector.broadcast %eq3A_5622 : i32 to vector<256x128xi32>
    %eq3A_5624 = arith.cmpi eq, %and3A_5621, %eq3A_5623 : vector<256x128xi32>
    %and3A_5625 = arith.constant 32768 : i32
    %and3A_5626 = vector.broadcast %and3A_5625 : i32 to vector<256x128xi32>
    %and3A_5627 = arith.andi %add3A_10, %and3A_5626 : vector<256x128xi32>
    %eq3A_5628 = arith.constant 0 : i32
    %eq3A_5629 = vector.broadcast %eq3A_5628 : i32 to vector<256x128xi32>
    %eq3A_5630 = arith.cmpi eq, %and3A_5627, %eq3A_5629 : vector<256x128xi32>
    %eq3A_5631 = arith.xori %eq3A_5624, %eq3A_5630 : vector<256x128xi1>
    %eq3A_5632 = arith.constant dense<true> : vector<256x128xi1>
    %eq3A_5633 = arith.xori %eq3A_5631, %eq3A_5632 : vector<256x128xi1>
    %eq3A_5634 = arith.xori %or3A_5618, %eq3A_5633 : vector<256x128xi1>
    %eq3A_5635 = arith.constant dense<true> : vector<256x128xi1>
    %eq3A_5636 = arith.xori %eq3A_5634, %eq3A_5635 : vector<256x128xi1>
    %select_n3A_5637 = arith.select %eq3A_5636, %select_n3A_5588, %select_n3A_5601 : vector<256x128xi1>, vector<256x128xf32>
    %select_n3A_5638 = arith.select %eq3A_5636, %select_n3A_5589, %select_n3A_5613 : vector<256x128xi1>, vector<256x128xi32>
    %iota3A_5639 = tpu.iota {dimensions = array<i32: 0>} : vector<256x128xi32>
    %and3A_5640 = arith.constant 16 : i32
    %and3A_5641 = vector.broadcast %and3A_5640 : i32 to vector<256x128xi32>
    %and3A_5642 = arith.andi %iota3A_5639, %and3A_5641 : vector<256x128xi32>
    %eq3A_5643 = arith.constant 0 : i32
    %eq3A_5644 = vector.broadcast %eq3A_5643 : i32 to vector<256x128xi32>
    %eq3A_5645 = arith.cmpi eq, %and3A_5642, %eq3A_5644 : vector<256x128xi32>
    %roll3A_5646 = arith.constant 240 : i32
    %roll3A_5647 = tpu.dynamic_rotate %select_n3A_5637 by %roll3A_5646 dim 0 : vector<256x128xf32>, i32 -> vector<256x128xf32>
    %roll3A_5648 = arith.constant 16 : i32
    %roll3A_5649 = tpu.dynamic_rotate %select_n3A_5637 by %roll3A_5648 dim 0 : vector<256x128xf32>, i32 -> vector<256x128xf32>
    %select_n3A_5650 = arith.select %eq3A_5645, %roll3A_5647, %roll3A_5649 : vector<256x128xi1>, vector<256x128xf32>
    %iota3A_5651 = tpu.iota {dimensions = array<i32: 0>} : vector<256x128xi32>
    %and3A_5652 = arith.constant 16 : i32
    %and3A_5653 = vector.broadcast %and3A_5652 : i32 to vector<256x128xi32>
    %and3A_5654 = arith.andi %iota3A_5651, %and3A_5653 : vector<256x128xi32>
    %eq3A_5655 = arith.constant 0 : i32
    %eq3A_5656 = vector.broadcast %eq3A_5655 : i32 to vector<256x128xi32>
    %eq3A_5657 = arith.cmpi eq, %and3A_5654, %eq3A_5656 : vector<256x128xi32>
    %roll3A_5658 = arith.constant 240 : i32
    %roll3A_5659 = tpu.dynamic_rotate %select_n3A_5638 by %roll3A_5658 dim 0 : vector<256x128xi32>, i32 -> vector<256x128xi32>
    %roll3A_5660 = arith.constant 16 : i32
    %roll3A_5661 = tpu.dynamic_rotate %select_n3A_5638 by %roll3A_5660 dim 0 : vector<256x128xi32>, i32 -> vector<256x128xi32>
    %select_n3A_5662 = arith.select %eq3A_5657, %roll3A_5659, %roll3A_5661 : vector<256x128xi1>, vector<256x128xi32>
    %gt3A_5663 = arith.cmpf ogt, %select_n3A_5637, %select_n3A_5650 : vector<256x128xf32>
    %eq3A_5664 = arith.cmpf oeq, %select_n3A_5637, %select_n3A_5650 : vector<256x128xf32>
    %lt3A_5665 = arith.cmpi slt, %select_n3A_5638, %select_n3A_5662 : vector<256x128xi32>
    %and3A_5666 = arith.andi %eq3A_5664, %lt3A_5665 : vector<256x128xi1>
    %or3A_5667 = arith.ori %gt3A_5663, %and3A_5666 : vector<256x128xi1>
    %and3A_5668 = arith.constant 16 : i32
    %and3A_5669 = vector.broadcast %and3A_5668 : i32 to vector<256x128xi32>
    %and3A_5670 = arith.andi %add3A_10, %and3A_5669 : vector<256x128xi32>
    %eq3A_5671 = arith.constant 0 : i32
    %eq3A_5672 = vector.broadcast %eq3A_5671 : i32 to vector<256x128xi32>
    %eq3A_5673 = arith.cmpi eq, %and3A_5670, %eq3A_5672 : vector<256x128xi32>
    %and3A_5674 = arith.constant 32768 : i32
    %and3A_5675 = vector.broadcast %and3A_5674 : i32 to vector<256x128xi32>
    %and3A_5676 = arith.andi %add3A_10, %and3A_5675 : vector<256x128xi32>
    %eq3A_5677 = arith.constant 0 : i32
    %eq3A_5678 = vector.broadcast %eq3A_5677 : i32 to vector<256x128xi32>
    %eq3A_5679 = arith.cmpi eq, %and3A_5676, %eq3A_5678 : vector<256x128xi32>
    %eq3A_5680 = arith.xori %eq3A_5673, %eq3A_5679 : vector<256x128xi1>
    %eq3A_5681 = arith.constant dense<true> : vector<256x128xi1>
    %eq3A_5682 = arith.xori %eq3A_5680, %eq3A_5681 : vector<256x128xi1>
    %eq3A_5683 = arith.xori %or3A_5667, %eq3A_5682 : vector<256x128xi1>
    %eq3A_5684 = arith.constant dense<true> : vector<256x128xi1>
    %eq3A_5685 = arith.xori %eq3A_5683, %eq3A_5684 : vector<256x128xi1>
    %select_n3A_5686 = arith.select %eq3A_5685, %select_n3A_5637, %select_n3A_5650 : vector<256x128xi1>, vector<256x128xf32>
    %select_n3A_5687 = arith.select %eq3A_5685, %select_n3A_5638, %select_n3A_5662 : vector<256x128xi1>, vector<256x128xi32>
    %iota3A_5688 = tpu.iota {dimensions = array<i32: 0>} : vector<256x128xi32>
    %and3A_5689 = arith.constant 8 : i32
    %and3A_5690 = vector.broadcast %and3A_5689 : i32 to vector<256x128xi32>
    %and3A_5691 = arith.andi %iota3A_5688, %and3A_5690 : vector<256x128xi32>
    %eq3A_5692 = arith.constant 0 : i32
    %eq3A_5693 = vector.broadcast %eq3A_5692 : i32 to vector<256x128xi32>
    %eq3A_5694 = arith.cmpi eq, %and3A_5691, %eq3A_5693 : vector<256x128xi32>
    %roll3A_5695 = arith.constant 248 : i32
    %roll3A_5696 = tpu.dynamic_rotate %select_n3A_5686 by %roll3A_5695 dim 0 : vector<256x128xf32>, i32 -> vector<256x128xf32>
    %roll3A_5697 = arith.constant 8 : i32
    %roll3A_5698 = tpu.dynamic_rotate %select_n3A_5686 by %roll3A_5697 dim 0 : vector<256x128xf32>, i32 -> vector<256x128xf32>
    %select_n3A_5699 = arith.select %eq3A_5694, %roll3A_5696, %roll3A_5698 : vector<256x128xi1>, vector<256x128xf32>
    %iota3A_5700 = tpu.iota {dimensions = array<i32: 0>} : vector<256x128xi32>
    %and3A_5701 = arith.constant 8 : i32
    %and3A_5702 = vector.broadcast %and3A_5701 : i32 to vector<256x128xi32>
    %and3A_5703 = arith.andi %iota3A_5700, %and3A_5702 : vector<256x128xi32>
    %eq3A_5704 = arith.constant 0 : i32
    %eq3A_5705 = vector.broadcast %eq3A_5704 : i32 to vector<256x128xi32>
    %eq3A_5706 = arith.cmpi eq, %and3A_5703, %eq3A_5705 : vector<256x128xi32>
    %roll3A_5707 = arith.constant 248 : i32
    %roll3A_5708 = tpu.dynamic_rotate %select_n3A_5687 by %roll3A_5707 dim 0 : vector<256x128xi32>, i32 -> vector<256x128xi32>
    %roll3A_5709 = arith.constant 8 : i32
    %roll3A_5710 = tpu.dynamic_rotate %select_n3A_5687 by %roll3A_5709 dim 0 : vector<256x128xi32>, i32 -> vector<256x128xi32>
    %select_n3A_5711 = arith.select %eq3A_5706, %roll3A_5708, %roll3A_5710 : vector<256x128xi1>, vector<256x128xi32>
    %gt3A_5712 = arith.cmpf ogt, %select_n3A_5686, %select_n3A_5699 : vector<256x128xf32>
    %eq3A_5713 = arith.cmpf oeq, %select_n3A_5686, %select_n3A_5699 : vector<256x128xf32>
    %lt3A_5714 = arith.cmpi slt, %select_n3A_5687, %select_n3A_5711 : vector<256x128xi32>
    %and3A_5715 = arith.andi %eq3A_5713, %lt3A_5714 : vector<256x128xi1>
    %or3A_5716 = arith.ori %gt3A_5712, %and3A_5715 : vector<256x128xi1>
    %and3A_5717 = arith.constant 8 : i32
    %and3A_5718 = vector.broadcast %and3A_5717 : i32 to vector<256x128xi32>
    %and3A_5719 = arith.andi %add3A_10, %and3A_5718 : vector<256x128xi32>
    %eq3A_5720 = arith.constant 0 : i32
    %eq3A_5721 = vector.broadcast %eq3A_5720 : i32 to vector<256x128xi32>
    %eq3A_5722 = arith.cmpi eq, %and3A_5719, %eq3A_5721 : vector<256x128xi32>
    %and3A_5723 = arith.constant 32768 : i32
    %and3A_5724 = vector.broadcast %and3A_5723 : i32 to vector<256x128xi32>
    %and3A_5725 = arith.andi %add3A_10, %and3A_5724 : vector<256x128xi32>
    %eq3A_5726 = arith.constant 0 : i32
    %eq3A_5727 = vector.broadcast %eq3A_5726 : i32 to vector<256x128xi32>
    %eq3A_5728 = arith.cmpi eq, %and3A_5725, %eq3A_5727 : vector<256x128xi32>
    %eq3A_5729 = arith.xori %eq3A_5722, %eq3A_5728 : vector<256x128xi1>
    %eq3A_5730 = arith.constant dense<true> : vector<256x128xi1>
    %eq3A_5731 = arith.xori %eq3A_5729, %eq3A_5730 : vector<256x128xi1>
    %eq3A_5732 = arith.xori %or3A_5716, %eq3A_5731 : vector<256x128xi1>
    %eq3A_5733 = arith.constant dense<true> : vector<256x128xi1>
    %eq3A_5734 = arith.xori %eq3A_5732, %eq3A_5733 : vector<256x128xi1>
    %select_n3A_5735 = arith.select %eq3A_5734, %select_n3A_5686, %select_n3A_5699 : vector<256x128xi1>, vector<256x128xf32>
    %select_n3A_5736 = arith.select %eq3A_5734, %select_n3A_5687, %select_n3A_5711 : vector<256x128xi1>, vector<256x128xi32>
    %iota3A_5737 = tpu.iota {dimensions = array<i32: 0>} : vector<256x128xi32>
    %and3A_5738 = arith.constant 4 : i32
    %and3A_5739 = vector.broadcast %and3A_5738 : i32 to vector<256x128xi32>
    %and3A_5740 = arith.andi %iota3A_5737, %and3A_5739 : vector<256x128xi32>
    %eq3A_5741 = arith.constant 0 : i32
    %eq3A_5742 = vector.broadcast %eq3A_5741 : i32 to vector<256x128xi32>
    %eq3A_5743 = arith.cmpi eq, %and3A_5740, %eq3A_5742 : vector<256x128xi32>
    %roll3A_5744 = arith.constant 252 : i32
    %roll3A_5745 = tpu.dynamic_rotate %select_n3A_5735 by %roll3A_5744 dim 0 : vector<256x128xf32>, i32 -> vector<256x128xf32>
    %roll3A_5746 = arith.constant 4 : i32
    %roll3A_5747 = tpu.dynamic_rotate %select_n3A_5735 by %roll3A_5746 dim 0 : vector<256x128xf32>, i32 -> vector<256x128xf32>
    %select_n3A_5748 = arith.select %eq3A_5743, %roll3A_5745, %roll3A_5747 : vector<256x128xi1>, vector<256x128xf32>
    %iota3A_5749 = tpu.iota {dimensions = array<i32: 0>} : vector<256x128xi32>
    %and3A_5750 = arith.constant 4 : i32
    %and3A_5751 = vector.broadcast %and3A_5750 : i32 to vector<256x128xi32>
    %and3A_5752 = arith.andi %iota3A_5749, %and3A_5751 : vector<256x128xi32>
    %eq3A_5753 = arith.constant 0 : i32
    %eq3A_5754 = vector.broadcast %eq3A_5753 : i32 to vector<256x128xi32>
    %eq3A_5755 = arith.cmpi eq, %and3A_5752, %eq3A_5754 : vector<256x128xi32>
    %roll3A_5756 = arith.constant 252 : i32
    %roll3A_5757 = tpu.dynamic_rotate %select_n3A_5736 by %roll3A_5756 dim 0 : vector<256x128xi32>, i32 -> vector<256x128xi32>
    %roll3A_5758 = arith.constant 4 : i32
    %roll3A_5759 = tpu.dynamic_rotate %select_n3A_5736 by %roll3A_5758 dim 0 : vector<256x128xi32>, i32 -> vector<256x128xi32>
    %select_n3A_5760 = arith.select %eq3A_5755, %roll3A_5757, %roll3A_5759 : vector<256x128xi1>, vector<256x128xi32>
    %gt3A_5761 = arith.cmpf ogt, %select_n3A_5735, %select_n3A_5748 : vector<256x128xf32>
    %eq3A_5762 = arith.cmpf oeq, %select_n3A_5735, %select_n3A_5748 : vector<256x128xf32>
    %lt3A_5763 = arith.cmpi slt, %select_n3A_5736, %select_n3A_5760 : vector<256x128xi32>
    %and3A_5764 = arith.andi %eq3A_5762, %lt3A_5763 : vector<256x128xi1>
    %or3A_5765 = arith.ori %gt3A_5761, %and3A_5764 : vector<256x128xi1>
    %and3A_5766 = arith.constant 4 : i32
    %and3A_5767 = vector.broadcast %and3A_5766 : i32 to vector<256x128xi32>
    %and3A_5768 = arith.andi %add3A_10, %and3A_5767 : vector<256x128xi32>
    %eq3A_5769 = arith.constant 0 : i32
    %eq3A_5770 = vector.broadcast %eq3A_5769 : i32 to vector<256x128xi32>
    %eq3A_5771 = arith.cmpi eq, %and3A_5768, %eq3A_5770 : vector<256x128xi32>
    %and3A_5772 = arith.constant 32768 : i32
    %and3A_5773 = vector.broadcast %and3A_5772 : i32 to vector<256x128xi32>
    %and3A_5774 = arith.andi %add3A_10, %and3A_5773 : vector<256x128xi32>
    %eq3A_5775 = arith.constant 0 : i32
    %eq3A_5776 = vector.broadcast %eq3A_5775 : i32 to vector<256x128xi32>
    %eq3A_5777 = arith.cmpi eq, %and3A_5774, %eq3A_5776 : vector<256x128xi32>
    %eq3A_5778 = arith.xori %eq3A_5771, %eq3A_5777 : vector<256x128xi1>
    %eq3A_5779 = arith.constant dense<true> : vector<256x128xi1>
    %eq3A_5780 = arith.xori %eq3A_5778, %eq3A_5779 : vector<256x128xi1>
    %eq3A_5781 = arith.xori %or3A_5765, %eq3A_5780 : vector<256x128xi1>
    %eq3A_5782 = arith.constant dense<true> : vector<256x128xi1>
    %eq3A_5783 = arith.xori %eq3A_5781, %eq3A_5782 : vector<256x128xi1>
    %select_n3A_5784 = arith.select %eq3A_5783, %select_n3A_5735, %select_n3A_5748 : vector<256x128xi1>, vector<256x128xf32>
    %select_n3A_5785 = arith.select %eq3A_5783, %select_n3A_5736, %select_n3A_5760 : vector<256x128xi1>, vector<256x128xi32>
    %iota3A_5786 = tpu.iota {dimensions = array<i32: 0>} : vector<256x128xi32>
    %and3A_5787 = arith.constant 2 : i32
    %and3A_5788 = vector.broadcast %and3A_5787 : i32 to vector<256x128xi32>
    %and3A_5789 = arith.andi %iota3A_5786, %and3A_5788 : vector<256x128xi32>
    %eq3A_5790 = arith.constant 0 : i32
    %eq3A_5791 = vector.broadcast %eq3A_5790 : i32 to vector<256x128xi32>
    %eq3A_5792 = arith.cmpi eq, %and3A_5789, %eq3A_5791 : vector<256x128xi32>
    %roll3A_5793 = arith.constant 254 : i32
    %roll3A_5794 = tpu.dynamic_rotate %select_n3A_5784 by %roll3A_5793 dim 0 : vector<256x128xf32>, i32 -> vector<256x128xf32>
    %roll3A_5795 = arith.constant 2 : i32
    %roll3A_5796 = tpu.dynamic_rotate %select_n3A_5784 by %roll3A_5795 dim 0 : vector<256x128xf32>, i32 -> vector<256x128xf32>
    %select_n3A_5797 = arith.select %eq3A_5792, %roll3A_5794, %roll3A_5796 : vector<256x128xi1>, vector<256x128xf32>
    %iota3A_5798 = tpu.iota {dimensions = array<i32: 0>} : vector<256x128xi32>
    %and3A_5799 = arith.constant 2 : i32
    %and3A_5800 = vector.broadcast %and3A_5799 : i32 to vector<256x128xi32>
    %and3A_5801 = arith.andi %iota3A_5798, %and3A_5800 : vector<256x128xi32>
    %eq3A_5802 = arith.constant 0 : i32
    %eq3A_5803 = vector.broadcast %eq3A_5802 : i32 to vector<256x128xi32>
    %eq3A_5804 = arith.cmpi eq, %and3A_5801, %eq3A_5803 : vector<256x128xi32>
    %roll3A_5805 = arith.constant 254 : i32
    %roll3A_5806 = tpu.dynamic_rotate %select_n3A_5785 by %roll3A_5805 dim 0 : vector<256x128xi32>, i32 -> vector<256x128xi32>
    %roll3A_5807 = arith.constant 2 : i32
    %roll3A_5808 = tpu.dynamic_rotate %select_n3A_5785 by %roll3A_5807 dim 0 : vector<256x128xi32>, i32 -> vector<256x128xi32>
    %select_n3A_5809 = arith.select %eq3A_5804, %roll3A_5806, %roll3A_5808 : vector<256x128xi1>, vector<256x128xi32>
    %gt3A_5810 = arith.cmpf ogt, %select_n3A_5784, %select_n3A_5797 : vector<256x128xf32>
    %eq3A_5811 = arith.cmpf oeq, %select_n3A_5784, %select_n3A_5797 : vector<256x128xf32>
    %lt3A_5812 = arith.cmpi slt, %select_n3A_5785, %select_n3A_5809 : vector<256x128xi32>
    %and3A_5813 = arith.andi %eq3A_5811, %lt3A_5812 : vector<256x128xi1>
    %or3A_5814 = arith.ori %gt3A_5810, %and3A_5813 : vector<256x128xi1>
    %and3A_5815 = arith.constant 2 : i32
    %and3A_5816 = vector.broadcast %and3A_5815 : i32 to vector<256x128xi32>
    %and3A_5817 = arith.andi %add3A_10, %and3A_5816 : vector<256x128xi32>
    %eq3A_5818 = arith.constant 0 : i32
    %eq3A_5819 = vector.broadcast %eq3A_5818 : i32 to vector<256x128xi32>
    %eq3A_5820 = arith.cmpi eq, %and3A_5817, %eq3A_5819 : vector<256x128xi32>
    %and3A_5821 = arith.constant 32768 : i32
    %and3A_5822 = vector.broadcast %and3A_5821 : i32 to vector<256x128xi32>
    %and3A_5823 = arith.andi %add3A_10, %and3A_5822 : vector<256x128xi32>
    %eq3A_5824 = arith.constant 0 : i32
    %eq3A_5825 = vector.broadcast %eq3A_5824 : i32 to vector<256x128xi32>
    %eq3A_5826 = arith.cmpi eq, %and3A_5823, %eq3A_5825 : vector<256x128xi32>
    %eq3A_5827 = arith.xori %eq3A_5820, %eq3A_5826 : vector<256x128xi1>
    %eq3A_5828 = arith.constant dense<true> : vector<256x128xi1>
    %eq3A_5829 = arith.xori %eq3A_5827, %eq3A_5828 : vector<256x128xi1>
    %eq3A_5830 = arith.xori %or3A_5814, %eq3A_5829 : vector<256x128xi1>
    %eq3A_5831 = arith.constant dense<true> : vector<256x128xi1>
    %eq3A_5832 = arith.xori %eq3A_5830, %eq3A_5831 : vector<256x128xi1>
    %select_n3A_5833 = arith.select %eq3A_5832, %select_n3A_5784, %select_n3A_5797 : vector<256x128xi1>, vector<256x128xf32>
    %select_n3A_5834 = arith.select %eq3A_5832, %select_n3A_5785, %select_n3A_5809 : vector<256x128xi1>, vector<256x128xi32>
    %iota3A_5835 = tpu.iota {dimensions = array<i32: 0>} : vector<256x128xi32>
    %and3A_5836 = arith.constant 1 : i32
    %and3A_5837 = vector.broadcast %and3A_5836 : i32 to vector<256x128xi32>
    %and3A_5838 = arith.andi %iota3A_5835, %and3A_5837 : vector<256x128xi32>
    %eq3A_5839 = arith.constant 0 : i32
    %eq3A_5840 = vector.broadcast %eq3A_5839 : i32 to vector<256x128xi32>
    %eq3A_5841 = arith.cmpi eq, %and3A_5838, %eq3A_5840 : vector<256x128xi32>
    %roll3A_5842 = arith.constant 255 : i32
    %roll3A_5843 = tpu.dynamic_rotate %select_n3A_5833 by %roll3A_5842 dim 0 : vector<256x128xf32>, i32 -> vector<256x128xf32>
    %roll3A_5844 = arith.constant 1 : i32
    %roll3A_5845 = tpu.dynamic_rotate %select_n3A_5833 by %roll3A_5844 dim 0 : vector<256x128xf32>, i32 -> vector<256x128xf32>
    %select_n3A_5846 = arith.select %eq3A_5841, %roll3A_5843, %roll3A_5845 : vector<256x128xi1>, vector<256x128xf32>
    %iota3A_5847 = tpu.iota {dimensions = array<i32: 0>} : vector<256x128xi32>
    %and3A_5848 = arith.constant 1 : i32
    %and3A_5849 = vector.broadcast %and3A_5848 : i32 to vector<256x128xi32>
    %and3A_5850 = arith.andi %iota3A_5847, %and3A_5849 : vector<256x128xi32>
    %eq3A_5851 = arith.constant 0 : i32
    %eq3A_5852 = vector.broadcast %eq3A_5851 : i32 to vector<256x128xi32>
    %eq3A_5853 = arith.cmpi eq, %and3A_5850, %eq3A_5852 : vector<256x128xi32>
    %roll3A_5854 = arith.constant 255 : i32
    %roll3A_5855 = tpu.dynamic_rotate %select_n3A_5834 by %roll3A_5854 dim 0 : vector<256x128xi32>, i32 -> vector<256x128xi32>
    %roll3A_5856 = arith.constant 1 : i32
    %roll3A_5857 = tpu.dynamic_rotate %select_n3A_5834 by %roll3A_5856 dim 0 : vector<256x128xi32>, i32 -> vector<256x128xi32>
    %select_n3A_5858 = arith.select %eq3A_5853, %roll3A_5855, %roll3A_5857 : vector<256x128xi1>, vector<256x128xi32>
    %gt3A_5859 = arith.cmpf ogt, %select_n3A_5833, %select_n3A_5846 : vector<256x128xf32>
    %eq3A_5860 = arith.cmpf oeq, %select_n3A_5833, %select_n3A_5846 : vector<256x128xf32>
    %lt3A_5861 = arith.cmpi slt, %select_n3A_5834, %select_n3A_5858 : vector<256x128xi32>
    %and3A_5862 = arith.andi %eq3A_5860, %lt3A_5861 : vector<256x128xi1>
    %or3A_5863 = arith.ori %gt3A_5859, %and3A_5862 : vector<256x128xi1>
    %and3A_5864 = arith.constant 1 : i32
    %and3A_5865 = vector.broadcast %and3A_5864 : i32 to vector<256x128xi32>
    %and3A_5866 = arith.andi %add3A_10, %and3A_5865 : vector<256x128xi32>
    %eq3A_5867 = arith.constant 0 : i32
    %eq3A_5868 = vector.broadcast %eq3A_5867 : i32 to vector<256x128xi32>
    %eq3A_5869 = arith.cmpi eq, %and3A_5866, %eq3A_5868 : vector<256x128xi32>
    %and3A_5870 = arith.constant 32768 : i32
    %and3A_5871 = vector.broadcast %and3A_5870 : i32 to vector<256x128xi32>
    %and3A_5872 = arith.andi %add3A_10, %and3A_5871 : vector<256x128xi32>
    %eq3A_5873 = arith.constant 0 : i32
    %eq3A_5874 = vector.broadcast %eq3A_5873 : i32 to vector<256x128xi32>
    %eq3A_5875 = arith.cmpi eq, %and3A_5872, %eq3A_5874 : vector<256x128xi32>
    %eq3A_5876 = arith.xori %eq3A_5869, %eq3A_5875 : vector<256x128xi1>
    %eq3A_5877 = arith.constant dense<true> : vector<256x128xi1>
    %eq3A_5878 = arith.xori %eq3A_5876, %eq3A_5877 : vector<256x128xi1>
    %eq3A_5879 = arith.xori %or3A_5863, %eq3A_5878 : vector<256x128xi1>
    %eq3A_5880 = arith.constant dense<true> : vector<256x128xi1>
    %eq3A_5881 = arith.xori %eq3A_5879, %eq3A_5880 : vector<256x128xi1>
    %select_n3A_5882 = arith.select %eq3A_5881, %select_n3A_5833, %select_n3A_5846 : vector<256x128xi1>, vector<256x128xf32>
    %select_n3A_5883 = arith.select %eq3A_5881, %select_n3A_5834, %select_n3A_5858 : vector<256x128xi1>, vector<256x128xi32>
    %swap3A = arith.constant 0 : index
    %swap3A_5884 = arith.constant 0 : index
    %swap3A_5885 = arith.constant 0 : index
    %swap3A_5886 = vector.load %arg2[%swap3A, %swap3A_5884, %swap3A_5885] : memref<1x256x128xf32, #tpu.memory_space<vmem>>, vector<1x256x128xf32>
    %swap3A_5887 = vector.shape_cast %swap3A_5886 : vector<1x256x128xf32> to vector<256x128xf32>
    %swap3A_5888 = vector.shape_cast %select_n3A_5882 : vector<256x128xf32> to vector<1x256x128xf32>
    tpu.vector_store %arg2[%swap3A, %swap3A_5884, %swap3A_5885], %swap3A_5888 {strides = array<i32>} : memref<1x256x128xf32, #tpu.memory_space<vmem>>, vector<1x256x128xf32>,
    %swap3A_5889 = arith.constant 0 : index
    %swap3A_5890 = arith.constant 0 : index
    %swap3A_5891 = arith.constant 0 : index
    %swap3A_5892 = vector.load %arg3[%swap3A_5889, %swap3A_5890, %swap3A_5891] : memref<1x256x128xi32, #tpu.memory_space<vmem>>, vector<1x256x128xi32>
    %swap3A_5893 = vector.shape_cast %swap3A_5892 : vector<1x256x128xi32> to vector<256x128xi32>
    %swap3A_5894 = vector.shape_cast %select_n3A_5883 : vector<256x128xi32> to vector<1x256x128xi32>
    tpu.vector_store %arg3[%swap3A_5889, %swap3A_5890, %swap3A_5891], %swap3A_5894 {strides = array<i32>} : memref<1x256x128xi32, #tpu.memory_space<vmem>>, vector<1x256x128xi32>,
    return
  }
  func.func @transform_0(%arg0: i32) -> (i32, i32, i32) {
    %c0_i32 = arith.constant 0 : i32
    %c0_i32_0 = arith.constant 0 : i32
    %c0_i32_1 = arith.constant 0 : i32
    return %arg0, %c0_i32, %c0_i32_0 : i32, i32, i32
  }
  func.func @transform_1(%arg0: i32) -> (i32, i32, i32) {
    %c0_i32 = arith.constant 0 : i32
    %c0_i32_0 = arith.constant 0 : i32
    %c0_i32_1 = arith.constant 0 : i32
    return %arg0, %c0_i32, %c0_i32_0 : i32, i32, i32
  }
  func.func @transform_2(%arg0: i32) -> (i32, i32, i32) {
    %c0_i32 = arith.constant 0 : i32
    %c0_i32_0 = arith.constant 0 : i32
    %c0_i32_1 = arith.constant 0 : i32
    return %arg0, %c0_i32, %c0_i32_0 : i32, i32, i32
  }
}

module attributes {stable_mosaic.version = 14 : i64} {
  func.func @_scale_body(%arg0: i32, %arg1: memref<1x8192x1xf32, #tpu.memory_space<vmem>>, %arg2: memref<1x8192x128xf32, #tpu.memory_space<vmem>>, %arg3: memref<1x8192x64xf32, #tpu.memory_space<vmem>>) attributes {dimension_semantics = [#tpu.dimension_semantics<arbitrary>], iteration_bounds = array<i64: 8>, scalar_prefetch = 0 : i64, scratch_operands = 0 : i64, tpu.core_type = #tpu.core_type<tc>, window_params = [{transform_indices = @transform_0, window_bounds = array<i64: 1, 8192, 1>}, {transform_indices = @transform_1, window_bounds = array<i64: 1, 8192, 128>}, {transform_indices = @transform_2, window_bounds = array<i64: 1, 8192, 64>}]} {
    %get3A = arith.constant 0 : index
    %get3A_0 = arith.constant 0 : index
    %get3A_1 = arith.constant 0 : index
    %get3A_2 = vector.load %arg1[%get3A, %get3A_0, %get3A_1] : memref<1x8192x1xf32, #tpu.memory_space<vmem>>, vector<1x8192x1xf32>
    %get3A_3 = vector.shape_cast %get3A_2 : vector<1x8192x1xf32> to vector<8192x1xf32>
    %neg3A = arith.constant 0.000000e+00 : f32
    %neg3A_4 = vector.broadcast %neg3A : f32 to vector<8192x1xf32>
    %neg3A_5 = arith.subf %neg3A_4, %get3A_3 : vector<8192x1xf32>
    %exp3A = math.exp %neg3A_5 : vector<8192x1xf32>
    %add3A = arith.constant 1.000000e+00 : f32
    %add3A_6 = vector.broadcast %add3A : f32 to vector<8192x1xf32>
    %add3A_7 = arith.addf %add3A_6, %exp3A : vector<8192x1xf32>
    %div3A = arith.constant 1.000000e+00 : f32
    %div3A_8 = vector.broadcast %div3A : f32 to vector<8192x1xf32>
    %div3A_9 = arith.divf %div3A_8, %add3A_7 : vector<8192x1xf32>
    %get3A_10 = arith.constant 0 : index
    %get3A_11 = arith.constant 0 : index
    %get3A_12 = arith.constant 0 : index
    %get3A_13 = vector.load %arg2[%get3A_10, %get3A_11, %get3A_12] : memref<1x8192x128xf32, #tpu.memory_space<vmem>>, vector<1x8192x128xf32>
    %get3A_14 = vector.shape_cast %get3A_13 : vector<1x8192x128xf32> to vector<8192x128xf32>
    %slice3A = vector.extract_strided_slice %get3A_14 {offsets = [0, 0], sizes = [8192, 64], strides = [1, 1]} : vector<8192x128xf32> to vector<8192x64xf32>
    %mul3A = vector.broadcast %div3A_9 : vector<8192x1xf32> to vector<8192x64xf32>
    %mul3A_15 = arith.mulf %slice3A, %mul3A : vector<8192x64xf32>
    %swap3A = arith.constant 0 : index
    %swap3A_16 = arith.constant 0 : index
    %swap3A_17 = arith.constant 0 : index
    %swap3A_18 = vector.load %arg3[%swap3A, %swap3A_16, %swap3A_17] : memref<1x8192x64xf32, #tpu.memory_space<vmem>>, vector<1x8192x64xf32>
    %swap3A_19 = vector.shape_cast %swap3A_18 : vector<1x8192x64xf32> to vector<8192x64xf32>
    %swap3A_20 = vector.shape_cast %mul3A_15 : vector<8192x64xf32> to vector<1x8192x64xf32>
    tpu.vector_store %arg3[%swap3A, %swap3A_16, %swap3A_17], %swap3A_20 {strides = array<i32>} : memref<1x8192x64xf32, #tpu.memory_space<vmem>>, vector<1x8192x64xf32>,
    return
  }
  func.func @transform_0(%arg0: i32) -> (i32, i32, i32) {
    %c0_i32 = arith.constant 0 : i32
    %c0_i32_0 = arith.constant 0 : i32
    %c0_i32_1 = arith.constant 0 : i32
    return %arg0, %c0_i32, %c0_i32_0 : i32, i32, i32
  }
  func.func @transform_1(%arg0: i32) -> (i32, i32, i32) {
    %c0_i32 = arith.constant 0 : i32
    %c0_i32_0 = arith.constant 0 : i32
    %c0_i32_1 = arith.constant 0 : i32
    return %arg0, %c0_i32, %c0_i32_0 : i32, i32, i32
  }
  func.func @transform_2(%arg0: i32) -> (i32, i32, i32) {
    %c0_i32 = arith.constant 0 : i32
    %c0_i32_0 = arith.constant 0 : i32
    %c0_i32_1 = arith.constant 0 : i32
    return %arg0, %c0_i32, %c0_i32_0 : i32, i32, i32
  }
}

</mosaic_0001>

<sc_bundles>
// kernel: kernel.6.cloned.1.call-start
scs
__scs_entry_jumppad:
0x0: {  	(pc) =	sbr.rel $0x88, $3  }
0x1: {  	(tag) =	ssettag $0x0;
	lr =	simm.s32 $0x1  }
0x2: {  	[smem:$0x3F9D] =	sst lr;
	_ =	strace $0xD0000000  }
0x3: {  	_ = 	snop  }
0x4: {  	_ = 	snop  }
0x5: {  	_ = 	snop  }
0x6: {  	_ = 	snop  }
0x7: {  	_ = 	snop  }
__scs_overlays_trampoline_lowered:
0x8: {  	[smem:$0x3FAC] =	sst s0  }
0x9: {  	[smem:$0x3FAD] =	sst s1  }
0xa: {  	[smem:$0x3FAE] =	sst s2  }
0xb: {  	[smem:$0x3FAF] =	sst s3  }
0xc: {  	[smem:$0x3FB0] =	sst s4  }
0xd: {  	[smem:$0x3FB1] =	sst s5  }
0xe: {  	[smem:$0x3FB2] =	sst s6  }
0xf: {  	[smem:$0x3FB3] =	sst s7  }
0x10: {  	[smem:$0x3FB4] =	sst s8  }
0x11: {  	[smem:$0x3FB5] =	sst s9;
	s0 =	simm.s32 @!p0 $0x0  }
0x12: {  	s1 =	sld [smem:$0x3F9B];
	s0 =	simm.s32 @p0 $0x1  }
0x13: {  	[smem:$0x3FB6] =	sst s0;
	s0 =	simm.s32 @!p1 $0x0  }
0x14: {  	s2 =	sld [smem:$0x3F9A];
	s0 =	simm.s32 @p1 $0x1  }
0x15: {  	[smem:$0x3FB7] =	sst s0;
	s0 =	simm.s32 @!p2 $0x0  }
0x16: {  	s3 =	sld [smem:$0x3FDB];
	s0 =	simm.s32 @p2 $0x1  }
0x17: {  	s4 =	simm.s32 $0x1BF5;
	[smem:$0x3FB9] =	sst s0  }
0x18: {  	s0 =	sld [smem:$0x3F9C];
	_ =	swait.ge [sflag:s4], $0x0  }
0x19: {  	s7 =	sld [smem:$0x3F9D]  }
0x1a: {  	s8 =	sadd.s32 $0xFFFFE003, lr  }
0x1b: {  	s9 =	sadd.s32 $0xFFFFFEF7, lr;
	s5 =	simm.s32 $0xFFFFFFFF;
	p2 =	slt.u32 s8, $0xFFFFF086  }
0x1c: {  	p1 =	slt.u32 s9, $0xF7A;
	s5 =	simm.s32 @!p2 $0x0  }
0x1d: {  	s5 =	simm.s32 @p1 $0x1;
	p0 =	seq.s32 s7, s2  }
0x1e: {  	s7 =	smul.u32 @!p0 $0xF7A, s2;
	p2 =	seq.s32 @!p0 s5, $0x0  }
0x1f: {  	s9 =	smul.u32 $0xF7A, s1;
	s8 =	simm.s32 @!p0 $0x1BF5;
	p2 =	por !p2, p0  }
0x20: {  	[sflag:s8] =	ssyncset.s32 @!p0 $0xFFFFF086;
	s6 =	sadd.s32 @!p0 s3, s7;
	s7 =	simm.s32 @!p0 $0x108  }
0x21: {  	s3 =	sadd.s32 s3, s9;
	s6 =	sadd.s32 @!p0 $0x88, s6;
	s7 =	simm.s32 @p2 $0x1082  }
0x22: {  	[simem:s7], [sflag:s8] =	dma.local @!p0 [hbm:s6], $0xF7A  }
0x23: {  	s9 =	sor.u32 $0xD0000000, s2;
	s6 =	simm.s32 $0x108;
	_ =	swait.ge @!p0 [sflag:s8], $0x0  }
0x24: {  	s3 =	sadd.s32 $0x88, s3;
	s6 =	simm.s32 @!p1 $0x1082;
	[sflag:s4] =	ssyncset.s32 $0xFFFFF086  }
0x25: {  	[simem:s6], [sflag:s4] =	dma.local [hbm:s3], $0xF7A  }
0x26: {  	[smem:$0x3F9D] =	sst s1;
	(tag) =	ssettag s2;
	_ =	strace s9  }
0x27: {  	s1 =	sld [smem:$0x3FAD]  }
0x28: {  	s2 =	sld [smem:$0x3FAE]  }
0x29: {  	s4 =	sld [smem:$0x3FB0]  }
0x2a: {  	p0 =	seq.s32 s5, $0x0;
	s5 =	sld [smem:$0x3FB1]  }
0x2b: {  	s6 =	sld [smem:$0x3FB2]  }
0x2c: {  	s7 =	sld [smem:$0x3FB3]  }
0x2d: {  	s3 =	simm.s32 $0x108;
	s8 =	sld [smem:$0x3FB4]  }
0x2e: {  	s3 =	simm.s32 @!p0 $0x1082;
	s9 =	sld [smem:$0x3FB5]  }
0x2f: {  	lr =	sadd.s32 s0, s3;
	s0 =	sld [smem:$0x3FAC]  }
0x30: {  	s3 =	sld [smem:$0x3FAF]  }
0x31: {  	[smem:$0x3FB8] =	sst s10  }
0x32: {  	s10 =	sld [smem:$0x3FB6];
	_ =	sdelay $0x3  }
0x33: {  	p0 =	seq.s32 s10, $0x1;
	s10 =	sld [smem:$0x3FB8];
	_ =	sdelay $0x3  }
0x34: {  	[smem:$0x3FB8] =	sst s10  }
0x35: {  	s10 =	sld [smem:$0x3FB7];
	_ =	sdelay $0x3  }
0x36: {  	p1 =	seq.s32 s10, $0x1;
	s10 =	sld [smem:$0x3FB8];
	_ =	sdelay $0x3  }
0x37: {  	[smem:$0x3FB8] =	sst s10  }
0x38: {  	s10 =	sld [smem:$0x3FB9]  }
0x39: {  	_ = 	snop;
	(pc) =	sbr.ind lr, $3  }
0x3a: {  	_ = 	snop  }
0x3b: {  	_ = 	snop  }
0x3c: {  	p2 =	seq.s32 s10, $0x1;
	s10 =	sld [smem:$0x3FB8]  }
0x3d: {  	_ =	shalt  }
0x3e: {  	_ =	shalt  }
0x3f: {  	_ =	shalt  }
0x40: {  	_ =	shalt  }
0x41: {  	_ =	shalt  }
0x42: {  	_ =	shalt  }
0x43: {  	_ =	shalt  }
0x44: {  	_ =	shalt  }
0x45: {  	_ =	shalt  }
0x46: {  	_ =	shalt  }
0x47: {  	_ =	shalt  }
0x48: {  	_ =	shalt  }
0x49: {  	_ =	shalt  }
0x4a: {  	_ =	shalt  }
0x4b: {  	_ =	shalt  }
0x4c: {  	_ =	shalt  }
0x4d: {  	_ =	shalt  }
0x4e: {  	_ =	shalt  }
0x4f: {  	_ =	shalt  }
0x50: {  	_ =	shalt  }
0x51: {  	_ =	shalt  }
0x52: {  	_ =	shalt  }
0x53: {  	_ =	shalt  }
0x54: {  	_ =	shalt  }
0x55: {  	_ =	shalt  }
0x56: {  	_ =	shalt  }
0x57: {  	_ =	shalt  }
0x58: {  	_ =	shalt  }
0x59: {  	_ =	shalt  }
0x5a: {  	_ =	shalt  }
0x5b: {  	_ =	shalt  }
0x5c: {  	_ =	shalt  }
0x5d: {  	_ =	shalt  }
0x5e: {  	_ =	shalt  }
0x5f: {  	_ =	shalt  }
0x60: {  	_ =	shalt  }
0x61: {  	_ =	shalt  }
0x62: {  	_ =	shalt  }
0x63: {  	_ =	shalt  }
0x64: {  	_ =	shalt  }
0x65: {  	_ =	shalt  }
0x66: {  	_ =	shalt  }
0x67: {  	_ =	shalt  }
0x68: {  	_ =	shalt  }
0x69: {  	_ =	shalt  }
0x6a: {  	_ =	shalt  }
0x6b: {  	_ =	shalt  }
0x6c: {  	_ =	shalt  }
0x6d: {  	_ =	shalt  }
0x6e: {  	_ =	shalt  }
0x6f: {  	_ =	shalt  }
0x70: {  	_ =	shalt  }
0x71: {  	_ =	shalt  }
0x72: {  	_ =	shalt  }
0x73: {  	_ =	shalt  }
0x74: {  	_ =	shalt  }
0x75: {  	_ =	shalt  }
0x76: {  	_ =	shalt  }
0x77: {  	_ =	shalt  }
0x78: {  	_ =	shalt  }
0x79: {  	_ =	shalt  }
0x7a: {  	_ =	shalt  }
0x7b: {  	_ =	shalt  }
0x7c: {  	_ =	shalt  }
0x7d: {  	_ =	shalt  }
0x7e: {  	_ =	shalt  }
0x7f: {  	_ =	shalt  }
0x80: {  	_ =	shalt  }
0x81: {  	_ =	shalt  }
0x82: {  	_ =	shalt  }
0x83: {  	_ =	shalt  }
0x84: {  	_ =	shalt  }
0x85: {  	_ =	shalt  }
0x86: {  	_ =	shalt  }
0x87: {  	_ =	shalt  }
.Lfunc_end0:
.L_simem_size_0:
called_computation_lowered:
.L_overlay_start_0:
0x88: {  	s2 =	sld [smem:$0x3FD9]  }
0x89: {  	s3 =	sld [smem:$0x3FFE];
	_ =	sdelay $0x1  }
0x8a: {  	s1 =	srdreg.scid  }
0x8b: {  	s0 =	sand.u32 $0x1, s1  }
0x8c: {  	s14 =	sshll.u32 s0, $0xA;
	s2 =	sadd.s32 s3, s2  }
0x8d: {  	s2 =	sadd.s32 s2, s14  }
0x8e: {  	[smem:$0x3FC4] =	sst s2  }
0x8f: {  	_ = 	snop  }
0x90: {  	s2 =	sld [smem:$0x3FD0];
	_ =	sdelay $0x2  }
0x91: {  	s15 =	simm.s32 $0xA;
	s4 =	simm.s32 $0x10  }
0x92: {  	[smem:s4], [sflag:s15] =	dma.local [hbm:s2], $0x1  }
0x93: {  	_ =	swait.eq [sflag:s15], $0x1  }
0x94: {  	[sflag:s15] =	ssyncset.done $0x0  }
0x95: {  	s16 =	sld [smem:$0x11];
	[sflag:s15] =	ssyncadd.s32 $0xFFFFFFFF  }
0x96: {  	s17 =	sld [smem:$0x12];
	(tm) =	ssettm $0x1  }
0x97: {  	s18 =	sld [smem:$0x3FFB];
	_ =	sdelay $0x3  }
0x98: {  	_ =	strace s18  }
0x99: {  	s4 =	sld [smem:$0x3FFC];
	_ =	sdelay $0x3  }
0x9a: {  	_ =	strace s4  }
0x9b: {  	s4 =	sld [smem:$0x3FFD];
	_ =	sdelay $0x3  }
0x9c: {  	_ =	strace s4  }
0x9d: {  	_ =	strace $0x8FFFFFFF  }
0x9e: {  	s19 =	sld [smem:$0x3FDB];
	_ =	sdelay $0x1  }
0x9f: {  	s5 =	simm.s32 $_scs_section_size  }
0xa0: {  	s6 =	simm.s32 $_size__tile_overlayer_lowered;
	s7 =	simm.s32 $_tile_overlayer_lowered  }
0xa1: {  	s22 =	simm.s32 $0x1BFF;
	s21 =	sshll.u32 s7, $0x1;
	s4 =	sadd.s32 s5, s19  }
0xa2: {  	s8 =	simm.s32 $0x0;
	s20 =	sshll.u32 s6, $0x1;
	s6 =	sadd.s32 s21, s4  }
0xa3: {  	[timem:s8], [sflag:s22] =	dma.local [hbm:s6], s20  }
0xa4: {  	_ =	swait.ge [sflag:s22], s20  }
0xa5: {  	s5 =	ssub.s32 $0x0, s20;
	[sflag:s22] =	ssyncset.done $0x0  }
0xa6: {  	[sflag:s22] =	ssyncadd.s32 s5;
	_ =	sdelay $0x1  }
0xa7: {  	s23 =	simm.s32 $0x1B8B  }
0xa8: {  	_ =	swait.ge [sflag:s23], $0x1  }
0xa9: {  	[sflag:s23] =	ssyncset.done $0x0  }
0xaa: {  	s25 =	simm.s32 $0x1B8E;
	s24 =	sld [smem:$0x3FFE];
	[sflag:s23] =	ssyncadd.s32 $0xFFFFFFFF  }
0xab: {  	s26 =	simm.s32 $execute0_lowered;
	[smem:$0x3FD2] =	sst s25  }
0xac: {  	s6 =	sshll.u32 s26, $0x1;
	_ =	strace $0x80000046;
	[dreg:$0x1] =	wrdreg $0xFFFFFFFF  }
0xad: {  	s28 =	simm.s32 $_size_execute0_lowered;
	s4 =	sadd.s32 s4, s6;
	[dreg:$0x0] =	wrdreg $0x0  }
0xae: {  	s6 =	sshll.u32 s28, $0x1;
	[dreg:$0x2] =	wrdreg s4  }
0xaf: {  	[dreg:$0x3] =	wrdreg s6  }
0xb0: {  	[dreg:$0x4] =	wrdreg $0xC0  }
0xb1: {  	_ =	task [dreg:s8], $0x5FFFF  }
0xb2: {  	[dreg:$0x1] =	wrdreg $0xFFFFFFFF  }
0xb3: {  	[dreg:$0x0] =	wrdreg $0x60  }
0xb4: {  	[dreg:$0x2] =	wrdreg s24  }
0xb5: {  	[dreg:$0x3] =	wrdreg s16  }
0xb6: {  	[dreg:$0x4] =	wrdreg s17  }
0xb7: {  	[dreg:$0x5] =	wrdreg $0x9  }
0xb8: {  	_ =	task.clear_ibuf [dreg:s8], $0x6FFFF;
	_ =	strace $0x90000046  }
0xb9: {  	s29 =	simm.s32 $0x9;
	_ =	strace $0x80000048  }
0xba: {  	_ =	swait.ge [sflag:s29], $0x1  }
0xbb: {  	[sflag:s29] =	ssyncadd.s32 $0xFFFFFFFF  }
0xbc: {  	_ =	strace $0x90000048  }
0xbd: {  	_ =	sfence  }
0xbe: {  	s30 =	sld [smem:$0x0];
	_ =	sdelay $0x2  }
0xbf: {  	s31 =	sshll.u32 s1, $0xD;
	s1 =	sshrl.u32 s1, $0x2  }
0xc0: {  	s3 =	sand.u32 $0x4000, s31;
	s1 =	sadd.s32 s1, s30  }
0xc1: {  	s0 =	sor.u32 s3, s0;
	s1 =	sshll.u32 s1, $0x11  }
0xc2: {  	s0 =	sor.u32 s1, s0  }
0xc3: {  	s0 =	sadd.s32 $0x8F2B, s0  }
0xc4: {  	[sflag:s0] =	ssyncadd.remote.s32 $0x1  }
0xc5: {  	_ =	sfence.sel $0xFFFF  }
0xc6: {  	[dreg:$0x0] =	wrdreg $0xFFFFFFFF;
	(pc) =	sbr.abs _section_cstart, $3  }
0xc7: {  	[dreg:$0x1] =	wrdreg $0xFFFFFFFF  }
0xc8: {  	_ =	task.clear_ibuf [dreg:s8], $0x2FFFF;
	_ =	strace $0x9FFFFFFF  }
0xc9: {  	(tm) =	ssettm $0x7FFFFFFF  }
tec
execute0_lowered:
.L_overlay_start_1:
0x0: {  	(tag) =	ssettag $0x1  }
0x1: {  	s5 =	rddreg [dreg:$0x0]  }
0x2: {  	s6 =	rddreg [dreg:$0x1]  }
0x3: {  	s2 =	rddreg [dreg:$0x2]  }
0x4: {  	s3 =	simm.s32 $0x0;
	s4 =	srdreg.scid;
	s0 =	stileid.u32  }
0x5: {  	s17 =	simm.s32 $0x900;
	s18 =	simm.s32 $0xA100;
	s19 =	simm.s32 $0x80  }
0x6: {  	s20 =	simm.s32 $0x6000;
	s21 =	simm.s32 $0x1;
	s22 =	simm.s32 $0x2  }
0x7: {  	s23 =	simm.s32 $0x0;
	[smem:$0x7FF] =	sst s3;
	s7 =	sand.u32 $0x1, s4  }
0x8: {  	s26 =	sshll.u32 s0, $0x1;
	s12 =	sadd.s32 $0x3600, s5;
	s28 =	sshll.u32 s0, $0x10  }
0x9: {  	_ =	strace $0x80000047;
	s4 =	sor.u32 s7, s26;
	s10 =	ssub.s32 $0x2, s7  }
0xa: {  	s14 =	sshll.u32 s7, $0xF;
	s30 =	sadd.s32 s28, s12;
	s8 =	sshll.u32 s4, $0x8  }
0xb: {  	s9 =	smul.u32 $0x300, s4;
	s4 =	sadd.s32 $0x801800, s5;
	s11 =	sshrl.u32 s10, $0x1  }
0xc: {  	s29 =	sor.u32 s14, s28;
	s8 =	sadd.s32 s8, s5;
	s10 =	ssub.s32 s10, s11  }
0xd: {  	s31 =	sadd.s32 s29, s12;
	s11 =	simm.s32 $0x3;
	s12 =	simm.s32 $0x800  }
0xe: {  	s13 =	sadd.s32 s9, s5;
	s5 =	sadd.s32 $0x1600, s8;
	s6 =	sadd.s32 s6, s9  }
0xf: {  	s8 =	smax.u32 s10, $0x1;
	s9 =	sadd.s32 s14, s30;
	s10 =	sadd.s32 $0x800, s31  }
0x10: {  	s14 =	simm.s32 $0xA000;
	s7 =	sadd.s32 $0x103600, s13;
	s13 =	simm.s32 $0x2000  }
.LBB2_1:
0x11: {  	[tilespmem:s3], [sflag:$0x3] =	stream.linear.gather [hbm4b:s5+s3], $0x800, $0x38;
	[tilespmem:$0xB800] =	vst v63  }
0x12: {  	_ =	swait.ge [sflag:s11], $0x800  }
0x13: {  	[sflag:s11] =	ssyncset.done $0x0  }
0x14: {  	[sflag:s11] =	ssyncadd.s32 $0xFFFFF800  }
0x15: {  	[tilespmem:s12], [sflag:$0x3] =	stream.linear.gather [hbm4b:s6+s3], $0x1800, $0x38;
	[tilespmem:$0xB800] =	vst v63  }
0x16: {  	_ =	swait.ge [sflag:s11], $0x1800  }
0x17: {  	[sflag:s11] =	ssyncset.done $0x0  }
0x18: {  	[sflag:s11] =	ssyncadd.s32 $0xFFFFE800  }
0x19: {  	[tilespmem:s13], [sflag:$0x1] =	stream.indirect.gather [hbm4b:s4+s19], $0x80, s3, s19, $0xb8;
	[tilespmem:$0xB800] =	vst v63  }
0x1a: {  	_ = 	snop  }
0x1b: {  	[tilespmem:s14], [sflag:$0x2] =	stream.indirect.gather [hbm4b:s2+s19], $0x1, s12, s19, $0xb8;
	[tilespmem:$0xB800] =	vst v63  }
0x1c: {  	s0 =	simm.s32 $0x880;
	s1 =	simm.s32 $0xA080  }
0x1d: {  	[tilespmem:s1], [sflag:$0x2] =	stream.indirect.gather [hbm4b:s2+s19], $0x1, s0, s19, $0xb8;
	[tilespmem:$0xB800] =	vst v63  }
0x1e: {  	_ = 	snop  }
0x1f: {  	[tilespmem:s18], [sflag:$0x2] =	stream.indirect.gather [hbm4b:s2+s19], $0x1, s17, s19, $0xb8;
	[tilespmem:$0xB800] =	vst v63  }
0x20: {  	_ = 	snop  }
0x21: {  	[tilespmem:s20], [sflag:$0x1] =	stream.indirect.gather [hbm4b:s4+s19], $0x80, s19, s19, $0xb8;
	[tilespmem:$0xB800] =	vst v63  }
0x22: {  	s24 =	simm.s32 $0xA180;
	s25 =	simm.s32 $0x980  }
0x23: {  	[tilespmem:s24], [sflag:$0x2] =	stream.indirect.gather [hbm4b:s2+s19], $0x1, s25, s19, $0xb8;
	[tilespmem:$0xB800] =	vst v63  }
0x24: {  	s26 =	simm.s32 $0xA200;
	s29 =	simm.s32 $0xA00  }
0x25: {  	[tilespmem:s26], [sflag:$0x2] =	stream.indirect.gather [hbm4b:s2+s19], $0x1, s29, s19, $0xb8;
	[tilespmem:$0xB800] =	vst v63  }
0x26: {  	s30 =	simm.s32 $0xA280;
	s31 =	simm.s32 $0xA80  }
0x27: {  	[tilespmem:s30], [sflag:$0x2] =	stream.indirect.gather [hbm4b:s2+s19], $0x1, s31, s19, $0xb8;
	[tilespmem:$0xB800] =	vst v63  }
0x28: {  	_ =	swait.ge [sflag:s21], $0x4000  }
0x29: {  	[sflag:s21] =	ssyncset.done $0x0  }
0x2a: {  	[sflag:s21] =	ssyncadd.s32 $0xFFFFC000  }
0x2b: {  	_ =	swait.ge [sflag:s22], $0x80  }
0x2c: {  	[sflag:s22] =	ssyncset.done $0x0  }
0x2d: {  	[sflag:s22] =	ssyncadd.s32 $0xFFFFFF80  }
0x2e: {  	_ =	swait.ge [sflag:s22], $0x80  }
0x2f: {  	[sflag:s22] =	ssyncset.done $0x0  }
0x30: {  	[sflag:s22] =	ssyncadd.s32 $0xFFFFFF80  }
0x31: {  	_ =	swait.ge [sflag:s22], $0x80  }
0x32: {  	[sflag:s22] =	ssyncset.done $0x0  }
0x33: {  	[sflag:s22] =	ssyncadd.s32 $0xFFFFFF80  }
0x34: {  	[hbm4b:s9+s3] =	stream.linear.scatter [tilespmem:s13], [sflag:$0x3], $0x4000, $0x38;
	[tilespmem:$0xB800] =	vst v63  }
0x35: {  	p0 =	por $0x0, $0x0;
	_ =	swait.ge [sflag:s11], $0x4000  }
0x36: {  	s24 =	simm.s32 @!p0 $0x100;
	[sflag:s11] =	ssyncset.done $0x0  }
0x37: {  	s25 =	simm.s32 @!p0 $0x80;
	s26 =	simm.s32 @!p0 $0x2000;
	[sflag:s11] =	ssyncadd.s32 $0xFFFFC000  }
0x38: {  	[tilespmem:s26], [sflag:$0x1] =	stream.indirect.gather @!p0 [hbm4b:s4+s25], $0x80, s24, s25, $0xb8;
	[tilespmem:$0xB800] =	vst v63  }
0x39: {  	s24 =	simm.s32 @!p0 $0xA300;
	s26 =	simm.s32 @!p0 $0xB00  }
0x3a: {  	[tilespmem:s24], [sflag:$0x2] =	stream.indirect.gather @!p0 [hbm4b:s2+s25], $0x1, s26, s25, $0xb8;
	[tilespmem:$0xB800] =	vst v63  }
0x3b: {  	s24 =	simm.s32 @!p0 $0xA380;
	s26 =	simm.s32 @!p0 $0xB80  }
0x3c: {  	[tilespmem:s24], [sflag:$0x2] =	stream.indirect.gather @!p0 [hbm4b:s2+s25], $0x1, s26, s25, $0xb8;
	[tilespmem:$0xB800] =	vst v63  }
0x3d: {  	s24 =	simm.s32 @!p0 $0xA400;
	s26 =	simm.s32 @!p0 $0xC00  }
0x3e: {  	[tilespmem:s24], [sflag:$0x2] =	stream.indirect.gather @!p0 [hbm4b:s2+s25], $0x1, s26, s25, $0xb8;
	[tilespmem:$0xB800] =	vst v63  }
0x3f: {  	_ =	swait.ge [sflag:s21], $0x4000  }
0x40: {  	[sflag:s21] =	ssyncset.done $0x0  }
0x41: {  	[sflag:s21] =	ssyncadd.s32 $0xFFFFC000  }
0x42: {  	_ =	swait.ge [sflag:s22], $0x80  }
0x43: {  	[sflag:s22] =	ssyncset.done $0x0  }
0x44: {  	[sflag:s22] =	ssyncadd.s32 $0xFFFFFF80  }
0x45: {  	_ =	swait.ge [sflag:s22], $0x80  }
0x46: {  	[sflag:s22] =	ssyncset.done $0x0  }
0x47: {  	[sflag:s22] =	ssyncadd.s32 $0xFFFFFF80  }
0x48: {  	_ =	swait.ge [sflag:s22], $0x80  }
0x49: {  	s28 =	sadd.s32 $0x1000, s10;
	s24 =	simm.s32 $0xC00;
	[sflag:s22] =	ssyncset.done $0x0  }
0x4a: {  	s25 =	simm.s32 $0x180;
	s26 =	sadd.s32 $0x1000, s9;
	[sflag:s22] =	ssyncadd.s32 $0xFFFFFF80  }
0x4b: {  	[hbm4b:s10+s3] =	stream.linear.scatter [tilespmem:s20], [sflag:$0x3], $0x4000, $0x38;
	[tilespmem:$0xB800] =	vst v63  }
.LBB2_2:
0x4c: {  	s30 =	sshra.s32 s24, $0x2;
	_ =	swait.ge [sflag:s11], $0x4000  }
0x4d: {  	s31 =	smov.u32 s24;
	s24 =	sadd.s32 $0xC00, s24;
	s29 =	smov.u32 s28  }
0x4e: {  	p0 =	sne.s32 s24, $0x6000;
	[sflag:s11] =	ssyncset.done $0x0  }
0x4f: {  	[sflag:s11] =	ssyncadd.s32 $0xFFFFC000  }
0x50: {  	[tilespmem:s20], [sflag:$0x1] =	stream.indirect.gather [hbm4b:s4+s19], $0x80, s25, s19, $0xb8;
	[tilespmem:$0xB800] =	vst v63  }
0x51: {  	s0 =	sadd.s32 $0xA180, s30;
	s1 =	sadd.s32 $0x980, s30  }
0x52: {  	[tilespmem:s0], [sflag:$0x2] =	stream.indirect.gather [hbm4b:s2+s19], $0x1, s1, s19, $0xb8;
	[tilespmem:$0xB800] =	vst v63  }
0x53: {  	s0 =	sadd.s32 $0xA200, s30;
	s1 =	sadd.s32 $0xA00, s30  }
0x54: {  	[tilespmem:s0], [sflag:$0x2] =	stream.indirect.gather [hbm4b:s2+s19], $0x1, s1, s19, $0xb8;
	[tilespmem:$0xB800] =	vst v63  }
0x55: {  	s0 =	sadd.s32 $0xA280, s30;
	s1 =	sadd.s32 $0xA80, s30  }
0x56: {  	[tilespmem:s0], [sflag:$0x2] =	stream.indirect.gather [hbm4b:s2+s19], $0x1, s1, s19, $0xb8;
	[tilespmem:$0xB800] =	vst v63  }
0x57: {  	_ =	swait.ge [sflag:s21], $0x4000  }
0x58: {  	[sflag:s21] =	ssyncset.done $0x0  }
0x59: {  	[sflag:s21] =	ssyncadd.s32 $0xFFFFC000  }
0x5a: {  	_ =	swait.ge [sflag:s22], $0x80  }
0x5b: {  	[sflag:s22] =	ssyncset.done $0x0  }
0x5c: {  	[sflag:s22] =	ssyncadd.s32 $0xFFFFFF80  }
0x5d: {  	_ =	swait.ge [sflag:s22], $0x80  }
0x5e: {  	[sflag:s22] =	ssyncset.done $0x0  }
0x5f: {  	[sflag:s22] =	ssyncadd.s32 $0xFFFFFF80  }
0x60: {  	_ =	swait.ge [sflag:s22], $0x80  }
0x61: {  	[sflag:s22] =	ssyncset.done $0x0  }
0x62: {  	p1 =	seq.s32 s31, $0x5400;
	[sflag:s22] =	ssyncadd.s32 $0xFFFFFF80  }
0x63: {  	[hbm4b:s26+s3] =	stream.linear.scatter [tilespmem:s13], [sflag:$0x3], $0x4000, $0x38;
	[tilespmem:$0xB800] =	vst v63  }
0x64: {  	s0 =	sadd.s32 @!p1 $0x80, s25;
	s1 =	simm.s32 @!p1 $0x80;
	_ =	swait.ge [sflag:s11], $0x4000  }
0x65: {  	s31 =	sshra.s32 @!p1 s31, $0x2;
	s30 =	simm.s32 @!p1 $0x2000;
	[sflag:s11] =	ssyncset.done $0x0  }
0x66: {  	s15 =	sadd.s32 @!p1 $0xA300, s31;
	s16 =	sadd.s32 @!p1 $0xB00, s31;
	[sflag:s11] =	ssyncadd.s32 $0xFFFFC000  }
0x67: {  	[tilespmem:s30], [sflag:$0x1] =	stream.indirect.gather @!p1 [hbm4b:s4+s1], $0x80, s0, s1, $0xb8;
	[tilespmem:$0xB800] =	vst v63  }
0x68: {  	s0 =	sadd.s32 @!p1 $0xA380, s31;
	s30 =	sadd.s32 @!p1 $0xB80, s31  }
0x69: {  	[tilespmem:s15], [sflag:$0x2] =	stream.indirect.gather @!p1 [hbm4b:s2+s1], $0x1, s16, s1, $0xb8;
	[tilespmem:$0xB800] =	vst v63  }
0x6a: {  	s15 =	sadd.s32 @!p1 $0xA400, s31;
	s16 =	sadd.s32 @!p1 $0xC00, s31  }
0x6b: {  	[tilespmem:s0], [sflag:$0x2] =	stream.indirect.gather @!p1 [hbm4b:s2+s1], $0x1, s30, s1, $0xb8;
	[tilespmem:$0xB800] =	vst v63  }
0x6c: {  	_ = 	snop  }
0x6d: {  	[tilespmem:s15], [sflag:$0x2] =	stream.indirect.gather @!p1 [hbm4b:s2+s1], $0x1, s16, s1, $0xb8;
	[tilespmem:$0xB800] =	vst v63  }
0x6e: {  	_ =	swait.ge [sflag:s21], $0x4000  }
0x6f: {  	[sflag:s21] =	ssyncset.done $0x0  }
0x70: {  	[sflag:s21] =	ssyncadd.s32 $0xFFFFC000  }
0x71: {  	_ =	swait.ge [sflag:s22], $0x80  }
0x72: {  	[sflag:s22] =	ssyncset.done $0x0  }
0x73: {  	[sflag:s22] =	ssyncadd.s32 $0xFFFFFF80  }
0x74: {  	_ =	swait.ge [sflag:s22], $0x80  }
0x75: {  	[sflag:s22] =	ssyncset.done $0x0  }
.Ltmp0:
0x76: {  	[sflag:s22] =	ssyncadd.s32 $0xFFFFFF80;
	(pc) =	sbr.rel @p0 .LBB2_2-.Ltmp0, $4  }
0x77: {  	_ =	swait.ge [sflag:s22], $0x80  }
0x78: {  	s25 =	sadd.s32 $0x100, s25;
	[sflag:s22] =	ssyncset.done $0x0  }
0x79: {  	s28 =	sadd.s32 $0x1000, s28;
	s26 =	sadd.s32 $0x1000, s26;
	[sflag:s22] =	ssyncadd.s32 $0xFFFFFF80  }
0x7a: {  	[hbm4b:s29+s3] =	stream.linear.scatter [tilespmem:s20], [sflag:$0x3], $0x4000, $0x38;
	[tilespmem:$0xB800] =	vst v63  }
0x7b: {  	_ =	swait.ge [sflag:s11], $0x4000;
	s23 =	sadd.s32 $0x1, s23  }
0x7c: {  	[sflag:s11] =	ssyncset.done $0x0;
	p0 =	sne.s32 s23, s8  }
.Ltmp1:
0x7d: {  	[sflag:s11] =	ssyncadd.s32 $0xFFFFC000;
	(pc) =	sbr.rel @p0 .LBB2_1-.Ltmp1, $4  }
0x7e: {  	[hbm4b:s7+s3] =	stream.linear.scatter [tilespmem:s14], [sflag:$0x3], $0x1800, $0x38;
	[tilespmem:$0xB800] =	vst v63  }
0x7f: {  	_ =	swait.ge [sflag:s11], $0x1800  }
0x80: {  	[sflag:s11] =	ssyncset.done $0x0  }
0x81: {  	[sflag:s11] =	ssyncadd.s32 $0xFFFFE800  }
0x82: {  	_ =	sfence.sel $0x180000  }
0x83: {  	[bflag:$0x0] =	sbarrier.arrive $0xFFFF  }
0x84: {  	_ =	strace $0x90000047  }
0x85: {  	s0 =	stileid.u32;
	[bflag:$0x2] =	sbarrier.arrive $0xFFFF  }
0x86: {  	p0 =	sne.s32 s0, $0x0;
	s0 =	rddreg [dreg:$0x3]  }
0x87: {  	s0 =	sadd.s32 @!p0 $0x100000, s0  }
0x88: {  	[sflag:s0] =	ssyncadd.tile.s32 @!p0 $0x1;
	_ =	shalt  }
.Lfunc_end2:
_tile_overlayer_lowered:
.L_overlay_start_2:
0x89: {  	(tag) =	ssettag $0x2  }
0x8a: {  	s0 =	rddreg [dreg:$0x0];
	s2 =	stileid.u32  }
0x8b: {  	s1 =	rddreg [dreg:$0x1];
	p0 =	sne.s32 s2, $0x0  }
0x8c: {  	s3 =	rddreg [dreg:$0x2];
	[bflag:$0x3] =	sbarrier.arrive $0xFFFF;
	s2 =	simm.s32 @!p0 $0x1C03  }
0x8d: {  	[timem:s3], [sflag:s2] =	dma.local @!p0 [hbm:s0], s1  }
0x8e: {  	s0 =	simm.s32 @!p0 $0x3  }
0x8f: {  	_ =	swait.ge @!p0 [sflag:s0], s1  }
0x90: {  	s1 =	ssub.s32 @!p0 $0x0, s1;
	[sflag:s0] =	ssyncset.done @!p0 $0x0  }
0x91: {  	[sflag:s0] =	ssyncadd.s32 @!p0 s1  }
0x92: {  	[bflag:$0x3] =	sbarrier.arrive $0xFFFF  }
0x93: {  	_ =	shalt  }

</sc_bundles>
